<compile_context>
chip_gen: v7x
topology: tpu7x:2x2x1
jax: 0.10.2.dev20260603
libtpu: 0.0.44.dev20260713+nightly
codegen_flags: <defaults>
</compile_context>

<pallas_src>
import functools

import numpy as np

import jax
import jax.numpy as jnp
from jax import lax
from jax.experimental import pallas as pl
from jax.experimental.pallas import tpu as pltpu
from jax.experimental.pallas import tpu_sc as plsc

WIDTH = 64000
DEPTH = 3
IDK_ID = 0
MARGIN = 0.1
ALPHA = 1.0
BETA = 0.5

MULT_U = 31337
MULT_V = 35769

NSUB = 16
LANES = 16


def _vmod_w(x):
    w32 = jnp.int32(WIDTH)
    q = (x.astype(jnp.float32) * (1.0 / WIDTH)).astype(jnp.int32)
    r = x - q * w32
    r = r + jnp.where(r < 0, w32, jnp.int32(0))
    return r - jnp.where(r >= w32, w32, jnp.int32(0))


def _cms_counts(u, v, salts_b, zeros_src, ones_src):
    N = u.shape[0]
    chunk = N // NSUB
    rows = chunk // 128
    zchunk = (DEPTH * WIDTH) // NSUB

    mesh = plsc.VectorSubcoreMesh(core_axis_name="c", subcore_axis_name="s")

    @functools.partial(
        pl.kernel,
        out_type=jax.ShapeDtypeStruct((N,), jnp.float32),
        mesh=mesh,
        scratch_types=[
            pltpu.VMEM((DEPTH, LANES), jnp.int32),
            pltpu.VMEM((chunk,), jnp.int32),
            pltpu.VMEM((chunk,), jnp.int32),
            pltpu.VMEM((DEPTH, rows, 128), jnp.int32),
            pltpu.VMEM((128,), jnp.float32),
            pltpu.VMEM((DEPTH, rows, 128), jnp.float32),
            pltpu.VMEM((chunk,), jnp.float32),
            pltpu.VMEM((zchunk,), jnp.float32),
            pltpu.VMEM_SHARED((DEPTH * WIDTH,), jnp.float32),
        ],
    )
    def cms(u_hbm, v_hbm, salts_hbm, zeros_hbm, ones_hbm, out_hbm,
            salts_v, u_v, v_v, idx_v, ones_v, vals_v, outc_v, zeros_v, table):
        core = lax.axis_index("c")
        s = lax.axis_index("s")

        @pl.when(core == 0)
        def _():
            base = s * chunk

            pltpu.sync_copy(salts_hbm, salts_v)
            pltpu.sync_copy(u_hbm.at[pl.ds(base, chunk)], u_v)
            pltpu.sync_copy(v_hbm.at[pl.ds(base, chunk)], v_v)
            pltpu.sync_copy(ones_hbm, ones_v)

            sv_mod = [_vmod_w(salts_v[d, :]) for d in range(DEPTH)]
            for j in range(chunk // LANES):
                uu = u_v[pl.ds(j * LANES, LANES)]
                vv = v_v[pl.ds(j * LANES, LANES)]
                hu = _vmod_w(uu * MULT_U)
                hv = _vmod_w(vv * MULT_V)
                w32 = jnp.int32(WIDTH)
                for d in range(DEPTH):
                    h = hu + hv + sv_mod[d]
                    h = h - jnp.where(h >= w32, w32, jnp.int32(0))
                    h = h - jnp.where(h >= w32, w32, jnp.int32(0))
                    h = h + jnp.int32(d * WIDTH)
                    r, c = (j * LANES) // 128, (j * LANES) % 128
                    idx_v[d, r, pl.ds(c, LANES)] = h

            pltpu.sync_copy(zeros_hbm.at[pl.ds(s * zchunk, zchunk)], zeros_v)
            pltpu.sync_copy(zeros_v, table.at[pl.ds(s * zchunk, zchunk)])
            plsc.subcore_barrier()

            for d in range(DEPTH):
                for r in range(rows):
                    pltpu.sync_copy(
                        ones_v,
                        table.at[idx_v.at[np.int32(d), np.int32(r)]],
                        add=True)
            plsc.subcore_barrier()

            for d in range(DEPTH):
                for r in range(rows):
                    pltpu.sync_copy(
                        table.at[idx_v.at[np.int32(d), np.int32(r)]],
                        vals_v.at[np.int32(d), np.int32(r)])
            for j in range(chunk // LANES):
                r, c = (j * LANES) // 128, (j * LANES) % 128
                m = jnp.minimum(
                    jnp.minimum(vals_v[0, r, pl.ds(c, LANES)],
                                vals_v[1, r, pl.ds(c, LANES)]),
                    vals_v[2, r, pl.ds(c, LANES)])
                outc_v[pl.ds(j * LANES, LANES)] = m
            pltpu.sync_copy(outc_v, out_hbm.at[pl.ds(base, chunk)])

    return cms(u, v, salts_b, zeros_src, ones_src)


def _dense_stats(lg, t_col, row_block):
    N, V = lg.shape
    grid = N // row_block

    def body(lg_ref, t_ref, s_ref, pt_ref, p0_ref):
        x = lg_ref[...]
        p = x
        t = t_ref[...]
        col = lax.broadcasted_iota(jnp.int32, (row_block, V), 1)
        s_ref[...] = jnp.sum(p, axis=1, keepdims=True)
        pm = jnp.where(col == t, p, 0.0)
        ones = jnp.ones((V, 1), jnp.float32)
        pt_ref[...] = jax.lax.dot_general(
            pm, ones, (((1,), (0,)), ((), ())),
            preferred_element_type=jnp.float32)
        p0_ref[...] = p[:, 0:1]

    rb_spec = pl.BlockSpec((row_block, 1), lambda i: (i, jnp.int32(0)))
    return pl.pallas_call(
        body,
        grid=(grid,),
        in_specs=[
            pl.BlockSpec((row_block, V), lambda i: (i, jnp.int32(0))),
            rb_spec,
        ],
        out_specs=[rb_spec, rb_spec, rb_spec],
        out_shape=[jax.ShapeDtypeStruct((N, 1), jnp.float32)] * 3,
    )(lg, t_col)


def _epilogue_loss(s2, pt2, p02, t2, c2):
    R, C = s2.shape
    inv_n = 1.0 / (R * C)

    def body(s_ref, pt_ref, p0_ref, t_ref, c_ref, out_ref):
        s = s_ref[...]
        pt = pt_ref[...]
        p0 = p0_ref[...]
        t = t_ref[...]
        scale = jnp.minimum(1.0 / (s + 1e-6), 1.0)
        rem = jnp.maximum(1.0 - s * scale, 0.0)
        full_t = pt * scale + jnp.where(t == IDK_ID, rem, 0.0)
        full_0 = p0 * scale + rem
        picked = jnp.log(jnp.maximum(full_t, 1e-10))
        rank = jnp.maximum(full_0 - full_t + MARGIN, 0.0)
        strength = jnp.tanh(c_ref[...] * 0.1)
        out_ref[...] = jnp.full(
            (1, 1),
            (BETA * jnp.sum(rank * strength) - ALPHA * jnp.sum(picked))
            * inv_n,
            jnp.float32)

    blk = pl.BlockSpec((R, C), lambda: (jnp.int32(0), jnp.int32(0)))
    return pl.pallas_call(
        body,
        in_specs=[blk] * 5,
        out_specs=pl.BlockSpec((1, 1), lambda: (jnp.int32(0), jnp.int32(0))),
        out_shape=jax.ShapeDtypeStruct((1, 1), jnp.float32),
    )(s2, pt2, p02, t2, c2)


def kernel(logits, targets, inputs, salts):
    B, T, V = logits.shape
    N = B * T
    lg = logits.reshape(N, V)
    t32 = targets.reshape(N).astype(jnp.int32)
    u32 = inputs.reshape(N).astype(jnp.int32)
    salts_b = jnp.broadcast_to(
        salts.astype(jnp.int32).reshape(DEPTH, 1), (DEPTH, LANES))
    counts = _cms_counts(u32, t32, salts_b,
                         jnp.zeros((DEPTH * WIDTH,), jnp.float32),
                         jnp.ones((128,), jnp.float32))
    s, pt, p0 = _dense_stats(lg, t32.reshape(N, 1), row_block=128)
    R, C = 32, N // 32
    out = _epilogue_loss(s.reshape(R, C), pt.reshape(R, C), p0.reshape(R, C),
                         t32.reshape(R, C), counts.reshape(R, C))
    return out[0, 0]

# --- scband reference (transcript-rebuilt; emitter-appended) ---
"""Pipeline reference for scband-epistemic-loss-4209067950357 (READ-ONLY COPY).

The authoritative reference and input builder live on the scoring server;
editing this copy changes nothing except your own understanding.
"""

import jax, jax.numpy as jnp
import numpy as np

jax.config.update("jax_enable_x64", True)

WIDTH = 64000  # config.vocab_size * 2
DEPTH = 3
IDK_ID = 0
MARGIN = 0.1
ALPHA = 1.0
BETA = 0.5


def setup_inputs(seed: int = 0) -> dict:
    key = jax.random.key(seed)
    k1, k2, k3, k4 = jax.random.split(key, 4)
    B, T, V = 2, 2048, 32000
    logits = jax.random.normal(k1, (B, T, V), dtype=jnp.float32)
    targets = jax.random.randint(k2, (B, T), 0, V, dtype=jnp.int64)
    inputs = jax.random.randint(k3, (B, T), 0, V, dtype=jnp.int64)
    # CountMinSketch salts buffer (registered buffer in torch)
    salts = jax.random.randint(k4, (DEPTH, 1), 0, 1000000, dtype=jnp.int64)
    return {"logits": logits, "targets": targets, "inputs": inputs, "salts": salts}


def _hash(u, v, salts):
    combined = u * jnp.int64(31337) + v * jnp.int64(2654435769)
    return (combined[None, :] + salts) % WIDTH


def reference(logits, targets, inputs, salts):
    B, T, V = logits.shape
    flat_inputs = inputs.reshape(-1)
    flat_targets = targets.reshape(-1)

    # CountMinSketch.update (training=True): table starts at zeros, add bincounts
    hashes = _hash(flat_inputs, flat_targets, salts)  # [DEPTH, N]
    table = jnp.stack([
        jnp.bincount(hashes[i], length=WIDTH).astype(jnp.float32)
        for i in range(DEPTH)
    ])  # [DEPTH, WIDTH]

    # lazy_softmax
    p = jax.nn.softplus(logits)
    S = p.sum(axis=-1, keepdims=True)
    scale = jnp.minimum(1.0 / (S + 1e-06), 1.0)
    p_norm = p * scale
    remainder = jnp.maximum(1.0 - p_norm.sum(axis=-1, keepdims=True), 0.0)

    full_probs = p_norm.at[..., IDK_ID].add(remainder.squeeze(-1))
    log_probs = jnp.log(jnp.maximum(full_probs, 1e-10))

    # F.nll_loss with ignore_index=-1 (mean over valid targets)
    flat_lp = log_probs.reshape(-1, V)
    valid = (flat_targets != -1)
    safe_t = jnp.where(valid, flat_targets, 0)
    picked = jnp.take_along_axis(flat_lp, safe_t[:, None], axis=1).squeeze(-1)
    nll_loss = -(picked * valid.astype(picked.dtype)).sum() / jnp.maximum(valid.sum(), 1).astype(picked.dtype)

    # CountMinSketch.query
    vals = jnp.take_along_axis(table, hashes, axis=1)  # [DEPTH, N]
    basis_counts = vals.min(axis=0)
    basis_strength = jnp.tanh(basis_counts / 10.0)

    p_target = jnp.take_along_axis(full_probs, targets[..., None], axis=2).squeeze(-1)
    p_i_dont_know = full_probs[..., IDK_ID]
    diff = p_i_dont_know - p_target + MARGIN
    ranking_error = jnp.maximum(diff, 0.0)
    basis_loss = (ranking_error * basis_strength.reshape(B, T)).mean()

    total_loss = ALPHA * nll_loss + BETA * basis_loss
    return total_loss

if __name__ == "__main__":
    import jax
    _d = setup_inputs()
    print(jax.jit(kernel)(*tuple(_d.values())))

</pallas_src>

<mosaic_0001>
#map = affine_map<(d0, d1) -> (0)>
#map1 = affine_map<(d0, d1) -> (0, 0)>
module attributes {stable_mosaic.version = 14 : i64} {
  func.func @cms(%arg0: i32, %arg1: i32, %arg2: memref<4096xi32, #tpu.memory_space<hbm>>, %arg3: memref<4096xi32, #tpu.memory_space<hbm>>, %arg4: memref<3x16xi32, #tpu.memory_space<hbm>>, %arg5: memref<192000xf32, #tpu.memory_space<hbm>>, %arg6: memref<128xf32, #tpu.memory_space<hbm>>, %arg7: memref<4096xf32, #tpu.memory_space<hbm>>, %arg8: memref<3x16xi32, #tpu.memory_space<vmem>>, %arg9: memref<256xi32, #tpu.memory_space<vmem>>, %arg10: memref<256xi32, #tpu.memory_space<vmem>>, %arg11: memref<3x2x128xi32, #tpu.memory_space<vmem>>, %arg12: memref<128xf32, #tpu.memory_space<vmem>>, %arg13: memref<3x2x128xf32, #tpu.memory_space<vmem>>, %arg14: memref<256xf32, #tpu.memory_space<vmem>>, %arg15: memref<12000xf32, #tpu.memory_space<vmem>>, %arg16: memref<192000xf32, #tpu.memory_space<vmem_shared>>) attributes {dimension_semantics = [#tpu.dimension_semantics<core_parallel>, #tpu.dimension_semantics<subcore_parallel>], iteration_bounds = array<i64: 2, 16>, scalar_prefetch = 0 : i64, scratch_operands = 9 : i64, tpu.core_type = #tpu.core_type<sc_vector_subcore>, window_params = [{transform_indices = #map}, {transform_indices = #map}, {transform_indices = #map1}, {transform_indices = #map}, {transform_indices = #map}, {transform_indices = #map}]} {
    %eq3A = arith.constant 0 : i32
    %eq3A_0 = arith.cmpi eq, %arg0, %eq3A : i32
    %convert_element_type3A = arith.extui %eq3A_0 : i1 to i32
    %cond3A = arith.constant 0 : i32
    %cond3A_1 = arith.cmpi ne, %convert_element_type3A, %cond3A : i32
    scf.if %cond3A_1 {
      %mul3A = arith.constant 256 : i32
      %mul3A_2 = arith.muli %arg1, %mul3A : i32
      "tpu.region"() ({
        %run_scoped3A_3105 = tpu.sem_alloc : memref<!tpu.dma_semaphore, #tpu.memory_space<semaphore_mem>>
        tpu.enqueue_dma source(%arg4 : memref<3x16xi32, #tpu.memory_space<hbm>>) target(%arg8 : memref<3x16xi32, #tpu.memory_space<vmem>>) target_semaphore(%run_scoped3A_3105 : memref<!tpu.dma_semaphore, #tpu.memory_space<semaphore_mem>>)
        tpu.wait_dma2 semaphore(%run_scoped3A_3105 : memref<!tpu.dma_semaphore, #tpu.memory_space<semaphore_mem>>) src(%arg4 : memref<3x16xi32, #tpu.memory_space<hbm>>) dst(%arg8 : memref<3x16xi32, #tpu.memory_space<vmem>>)
        tpu.yield
      }) : () -> ()
      "tpu.region"() ({
        %run_scoped3A_3105 = tpu.sem_alloc : memref<!tpu.dma_semaphore, #tpu.memory_space<semaphore_mem>>
        %dma_start3A = tpu.memref_slice %arg2[%mul3A_2] : memref<4096xi32, #tpu.memory_space<hbm>> -> memref<256xi32, #tpu.memory_space<hbm>>
        %dma_start3A_3106 = tpu.memref_slice %arg2[%mul3A_2] : memref<4096xi32, #tpu.memory_space<hbm>> -> memref<256xi32, #tpu.memory_space<hbm>>
        tpu.enqueue_dma source(%dma_start3A_3106 : memref<256xi32, #tpu.memory_space<hbm>>) target(%arg9 : memref<256xi32, #tpu.memory_space<vmem>>) target_semaphore(%run_scoped3A_3105 : memref<!tpu.dma_semaphore, #tpu.memory_space<semaphore_mem>>)
        %dma_wait3A = tpu.memref_slice %arg2[%mul3A_2] : memref<4096xi32, #tpu.memory_space<hbm>> -> memref<256xi32, #tpu.memory_space<hbm>>
        %dma_wait3A_3107 = tpu.memref_slice %arg2[%mul3A_2] : memref<4096xi32, #tpu.memory_space<hbm>> -> memref<256xi32, #tpu.memory_space<hbm>>
        tpu.wait_dma2 semaphore(%run_scoped3A_3105 : memref<!tpu.dma_semaphore, #tpu.memory_space<semaphore_mem>>) src(%dma_wait3A_3107 : memref<256xi32, #tpu.memory_space<hbm>>) dst(%arg9 : memref<256xi32, #tpu.memory_space<vmem>>)
        tpu.yield
      }) : () -> ()
      "tpu.region"() ({
        %run_scoped3A_3105 = tpu.sem_alloc : memref<!tpu.dma_semaphore, #tpu.memory_space<semaphore_mem>>
        %dma_start3A = tpu.memref_slice %arg3[%mul3A_2] : memref<4096xi32, #tpu.memory_space<hbm>> -> memref<256xi32, #tpu.memory_space<hbm>>
        %dma_start3A_3106 = tpu.memref_slice %arg3[%mul3A_2] : memref<4096xi32, #tpu.memory_space<hbm>> -> memref<256xi32, #tpu.memory_space<hbm>>
        tpu.enqueue_dma source(%dma_start3A_3106 : memref<256xi32, #tpu.memory_space<hbm>>) target(%arg10 : memref<256xi32, #tpu.memory_space<vmem>>) target_semaphore(%run_scoped3A_3105 : memref<!tpu.dma_semaphore, #tpu.memory_space<semaphore_mem>>)
        %dma_wait3A = tpu.memref_slice %arg3[%mul3A_2] : memref<4096xi32, #tpu.memory_space<hbm>> -> memref<256xi32, #tpu.memory_space<hbm>>
        %dma_wait3A_3107 = tpu.memref_slice %arg3[%mul3A_2] : memref<4096xi32, #tpu.memory_space<hbm>> -> memref<256xi32, #tpu.memory_space<hbm>>
        tpu.wait_dma2 semaphore(%run_scoped3A_3105 : memref<!tpu.dma_semaphore, #tpu.memory_space<semaphore_mem>>) src(%dma_wait3A_3107 : memref<256xi32, #tpu.memory_space<hbm>>) dst(%arg10 : memref<256xi32, #tpu.memory_space<vmem>>)
        tpu.yield
      }) : () -> ()
      "tpu.region"() ({
        %run_scoped3A_3105 = tpu.sem_alloc : memref<!tpu.dma_semaphore, #tpu.memory_space<semaphore_mem>>
        tpu.enqueue_dma source(%arg6 : memref<128xf32, #tpu.memory_space<hbm>>) target(%arg12 : memref<128xf32, #tpu.memory_space<vmem>>) target_semaphore(%run_scoped3A_3105 : memref<!tpu.dma_semaphore, #tpu.memory_space<semaphore_mem>>)
        tpu.wait_dma2 semaphore(%run_scoped3A_3105 : memref<!tpu.dma_semaphore, #tpu.memory_space<semaphore_mem>>) src(%arg6 : memref<128xf32, #tpu.memory_space<hbm>>) dst(%arg12 : memref<128xf32, #tpu.memory_space<vmem>>)
        tpu.yield
      }) : () -> ()
      %get3A = arith.constant 0 : i64
      %get3A_3 = arith.index_cast %get3A : i64 to index
      %get3A_4 = arith.constant 0 : index
      %get3A_5 = tpu.vector_load %arg8[%get3A_3, %get3A_4] {strides = array<i32>} : memref<3x16xi32, #tpu.memory_space<vmem>>, vector<1x16xi32>,
      %get3A_6 = vector.shape_cast %get3A_5 : vector<1x16xi32> to vector<16xi32>
      %convert_element_type3A_7 = arith.sitofp %get3A_6 : vector<16xi32> to vector<16xf32>
      %mul3A_8 = arith.constant 1.562500e-05 : f32
      %mul3A_9 = vector.broadcast %mul3A_8 : f32 to vector<16xf32>
      %mul3A_10 = arith.mulf %convert_element_type3A_7, %mul3A_9 : vector<16xf32>
      %convert_element_type3A_11 = arith.fptosi %mul3A_10 : vector<16xf32> to vector<16xi32>
      %mul3A_12 = arith.constant 64000 : i32
      %mul3A_13 = vector.broadcast %mul3A_12 : i32 to vector<16xi32>
      %mul3A_14 = arith.muli %convert_element_type3A_11, %mul3A_13 : vector<16xi32>
      %sub3A = arith.subi %get3A_6, %mul3A_14 : vector<16xi32>
      %lt3A = arith.constant 0 : i32
      %lt3A_15 = vector.broadcast %lt3A : i32 to vector<16xi32>
      %lt3A_16 = arith.cmpi slt, %sub3A, %lt3A_15 : vector<16xi32>
      %jit3A = arith.constant 64000 : i32
      %jit3A_17 = arith.constant 0 : i32
      %broadcast_in_dim3A = vector.broadcast %jit3A : i32 to vector<16xi32>
      %broadcast_in_dim3A_18 = vector.broadcast %jit3A_17 : i32 to vector<16xi32>
      %select_n3A = arith.select %lt3A_16, %broadcast_in_dim3A, %broadcast_in_dim3A_18 : vector<16xi1>, vector<16xi32>
      %add3A = arith.addi %sub3A, %select_n3A : vector<16xi32>
      %ge3A = arith.constant 64000 : i32
      %ge3A_19 = vector.broadcast %ge3A : i32 to vector<16xi32>
      %ge3A_20 = arith.cmpi sge, %add3A, %ge3A_19 : vector<16xi32>
      %jit3A_21 = arith.constant 64000 : i32
      %jit3A_22 = arith.constant 0 : i32
      %broadcast_in_dim3A_23 = vector.broadcast %jit3A_21 : i32 to vector<16xi32>
      %broadcast_in_dim3A_24 = vector.broadcast %jit3A_22 : i32 to vector<16xi32>
      %select_n3A_25 = arith.select %ge3A_20, %broadcast_in_dim3A_23, %broadcast_in_dim3A_24 : vector<16xi1>, vector<16xi32>
      %sub3A_26 = arith.subi %add3A, %select_n3A_25 : vector<16xi32>
      %get3A_27 = arith.constant 1 : i64
      %get3A_28 = arith.index_cast %get3A_27 : i64 to index
      %get3A_29 = arith.constant 0 : index
      %get3A_30 = tpu.vector_load %arg8[%get3A_28, %get3A_29] {strides = array<i32>} : memref<3x16xi32, #tpu.memory_space<vmem>>, vector<1x16xi32>,
      %get3A_31 = vector.shape_cast %get3A_30 : vector<1x16xi32> to vector<16xi32>
      %convert_element_type3A_32 = arith.sitofp %get3A_31 : vector<16xi32> to vector<16xf32>
      %mul3A_33 = arith.constant 1.562500e-05 : f32
      %mul3A_34 = vector.broadcast %mul3A_33 : f32 to vector<16xf32>
      %mul3A_35 = arith.mulf %convert_element_type3A_32, %mul3A_34 : vector<16xf32>
      %convert_element_type3A_36 = arith.fptosi %mul3A_35 : vector<16xf32> to vector<16xi32>
      %mul3A_37 = arith.constant 64000 : i32
      %mul3A_38 = vector.broadcast %mul3A_37 : i32 to vector<16xi32>
      %mul3A_39 = arith.muli %convert_element_type3A_36, %mul3A_38 : vector<16xi32>
      %sub3A_40 = arith.subi %get3A_31, %mul3A_39 : vector<16xi32>
      %lt3A_41 = arith.constant 0 : i32
      %lt3A_42 = vector.broadcast %lt3A_41 : i32 to vector<16xi32>
      %lt3A_43 = arith.cmpi slt, %sub3A_40, %lt3A_42 : vector<16xi32>
      %jit3A_44 = arith.constant 64000 : i32
      %jit3A_45 = arith.constant 0 : i32
      %broadcast_in_dim3A_46 = vector.broadcast %jit3A_44 : i32 to vector<16xi32>
      %broadcast_in_dim3A_47 = vector.broadcast %jit3A_45 : i32 to vector<16xi32>
      %select_n3A_48 = arith.select %lt3A_43, %broadcast_in_dim3A_46, %broadcast_in_dim3A_47 : vector<16xi1>, vector<16xi32>
      %add3A_49 = arith.addi %sub3A_40, %select_n3A_48 : vector<16xi32>
      %ge3A_50 = arith.constant 64000 : i32
      %ge3A_51 = vector.broadcast %ge3A_50 : i32 to vector<16xi32>
      %ge3A_52 = arith.cmpi sge, %add3A_49, %ge3A_51 : vector<16xi32>
      %jit3A_53 = arith.constant 64000 : i32
      %jit3A_54 = arith.constant 0 : i32
      %broadcast_in_dim3A_55 = vector.broadcast %jit3A_53 : i32 to vector<16xi32>
      %broadcast_in_dim3A_56 = vector.broadcast %jit3A_54 : i32 to vector<16xi32>
      %select_n3A_57 = arith.select %ge3A_52, %broadcast_in_dim3A_55, %broadcast_in_dim3A_56 : vector<16xi1>, vector<16xi32>
      %sub3A_58 = arith.subi %add3A_49, %select_n3A_57 : vector<16xi32>
      %get3A_59 = arith.constant 2 : i64
      %get3A_60 = arith.index_cast %get3A_59 : i64 to index
      %get3A_61 = arith.constant 0 : index
      %get3A_62 = tpu.vector_load %arg8[%get3A_60, %get3A_61] {strides = array<i32>} : memref<3x16xi32, #tpu.memory_space<vmem>>, vector<1x16xi32>,
      %get3A_63 = vector.shape_cast %get3A_62 : vector<1x16xi32> to vector<16xi32>
      %convert_element_type3A_64 = arith.sitofp %get3A_63 : vector<16xi32> to vector<16xf32>
      %mul3A_65 = arith.constant 1.562500e-05 : f32
      %mul3A_66 = vector.broadcast %mul3A_65 : f32 to vector<16xf32>
      %mul3A_67 = arith.mulf %convert_element_type3A_64, %mul3A_66 : vector<16xf32>
      %convert_element_type3A_68 = arith.fptosi %mul3A_67 : vector<16xf32> to vector<16xi32>
      %mul3A_69 = arith.constant 64000 : i32
      %mul3A_70 = vector.broadcast %mul3A_69 : i32 to vector<16xi32>
      %mul3A_71 = arith.muli %convert_element_type3A_68, %mul3A_70 : vector<16xi32>
      %sub3A_72 = arith.subi %get3A_63, %mul3A_71 : vector<16xi32>
      %lt3A_73 = arith.constant 0 : i32
      %lt3A_74 = vector.broadcast %lt3A_73 : i32 to vector<16xi32>
      %lt3A_75 = arith.cmpi slt, %sub3A_72, %lt3A_74 : vector<16xi32>
      %jit3A_76 = arith.constant 64000 : i32
      %jit3A_77 = arith.constant 0 : i32
      %broadcast_in_dim3A_78 = vector.broadcast %jit3A_76 : i32 to vector<16xi32>
      %broadcast_in_dim3A_79 = vector.broadcast %jit3A_77 : i32 to vector<16xi32>
      %select_n3A_80 = arith.select %lt3A_75, %broadcast_in_dim3A_78, %broadcast_in_dim3A_79 : vector<16xi1>, vector<16xi32>
      %add3A_81 = arith.addi %sub3A_72, %select_n3A_80 : vector<16xi32>
      %ge3A_82 = arith.constant 64000 : i32
      %ge3A_83 = vector.broadcast %ge3A_82 : i32 to vector<16xi32>
      %ge3A_84 = arith.cmpi sge, %add3A_81, %ge3A_83 : vector<16xi32>
      %jit3A_85 = arith.constant 64000 : i32
      %jit3A_86 = arith.constant 0 : i32
      %broadcast_in_dim3A_87 = vector.broadcast %jit3A_85 : i32 to vector<16xi32>
      %broadcast_in_dim3A_88 = vector.broadcast %jit3A_86 : i32 to vector<16xi32>
      %select_n3A_89 = arith.select %ge3A_84, %broadcast_in_dim3A_87, %broadcast_in_dim3A_88 : vector<16xi1>, vector<16xi32>
      %sub3A_90 = arith.subi %add3A_81, %select_n3A_89 : vector<16xi32>
      %get3A_91 = arith.constant 0 : index
      %get3A_92 = tpu.vector_load %arg9[%get3A_91] {strides = array<i32>} : memref<256xi32, #tpu.memory_space<vmem>>, vector<16xi32>,
      %get3A_93 = vector.shape_cast %get3A_92 : vector<16xi32> to vector<16xi32>
      %get3A_94 = arith.constant 0 : index
      %get3A_95 = tpu.vector_load %arg10[%get3A_94] {strides = array<i32>} : memref<256xi32, #tpu.memory_space<vmem>>, vector<16xi32>,
      %get3A_96 = vector.shape_cast %get3A_95 : vector<16xi32> to vector<16xi32>
      %mul3A_97 = arith.constant 31337 : i32
      %mul3A_98 = vector.broadcast %mul3A_97 : i32 to vector<16xi32>
      %mul3A_99 = arith.muli %get3A_93, %mul3A_98 : vector<16xi32>
      %convert_element_type3A_100 = arith.sitofp %mul3A_99 : vector<16xi32> to vector<16xf32>
      %mul3A_101 = arith.constant 1.562500e-05 : f32
      %mul3A_102 = vector.broadcast %mul3A_101 : f32 to vector<16xf32>
      %mul3A_103 = arith.mulf %convert_element_type3A_100, %mul3A_102 : vector<16xf32>
      %convert_element_type3A_104 = arith.fptosi %mul3A_103 : vector<16xf32> to vector<16xi32>
      %mul3A_105 = arith.constant 64000 : i32
      %mul3A_106 = vector.broadcast %mul3A_105 : i32 to vector<16xi32>
      %mul3A_107 = arith.muli %convert_element_type3A_104, %mul3A_106 : vector<16xi32>
      %sub3A_108 = arith.subi %mul3A_99, %mul3A_107 : vector<16xi32>
      %lt3A_109 = arith.constant 0 : i32
      %lt3A_110 = vector.broadcast %lt3A_109 : i32 to vector<16xi32>
      %lt3A_111 = arith.cmpi slt, %sub3A_108, %lt3A_110 : vector<16xi32>
      %jit3A_112 = arith.constant 64000 : i32
      %jit3A_113 = arith.constant 0 : i32
      %broadcast_in_dim3A_114 = vector.broadcast %jit3A_112 : i32 to vector<16xi32>
      %broadcast_in_dim3A_115 = vector.broadcast %jit3A_113 : i32 to vector<16xi32>
      %select_n3A_116 = arith.select %lt3A_111, %broadcast_in_dim3A_114, %broadcast_in_dim3A_115 : vector<16xi1>, vector<16xi32>
      %add3A_117 = arith.addi %sub3A_108, %select_n3A_116 : vector<16xi32>
      %ge3A_118 = arith.constant 64000 : i32
      %ge3A_119 = vector.broadcast %ge3A_118 : i32 to vector<16xi32>
      %ge3A_120 = arith.cmpi sge, %add3A_117, %ge3A_119 : vector<16xi32>
      %jit3A_121 = arith.constant 64000 : i32
      %jit3A_122 = arith.constant 0 : i32
      %broadcast_in_dim3A_123 = vector.broadcast %jit3A_121 : i32 to vector<16xi32>
      %broadcast_in_dim3A_124 = vector.broadcast %jit3A_122 : i32 to vector<16xi32>
      %select_n3A_125 = arith.select %ge3A_120, %broadcast_in_dim3A_123, %broadcast_in_dim3A_124 : vector<16xi1>, vector<16xi32>
      %sub3A_126 = arith.subi %add3A_117, %select_n3A_125 : vector<16xi32>
      %mul3A_127 = arith.constant 35769 : i32
      %mul3A_128 = vector.broadcast %mul3A_127 : i32 to vector<16xi32>
      %mul3A_129 = arith.muli %get3A_96, %mul3A_128 : vector<16xi32>
      %convert_element_type3A_130 = arith.sitofp %mul3A_129 : vector<16xi32> to vector<16xf32>
      %mul3A_131 = arith.constant 1.562500e-05 : f32
      %mul3A_132 = vector.broadcast %mul3A_131 : f32 to vector<16xf32>
      %mul3A_133 = arith.mulf %convert_element_type3A_130, %mul3A_132 : vector<16xf32>
      %convert_element_type3A_134 = arith.fptosi %mul3A_133 : vector<16xf32> to vector<16xi32>
      %mul3A_135 = arith.constant 64000 : i32
      %mul3A_136 = vector.broadcast %mul3A_135 : i32 to vector<16xi32>
      %mul3A_137 = arith.muli %convert_element_type3A_134, %mul3A_136 : vector<16xi32>
      %sub3A_138 = arith.subi %mul3A_129, %mul3A_137 : vector<16xi32>
      %lt3A_139 = arith.constant 0 : i32
      %lt3A_140 = vector.broadcast %lt3A_139 : i32 to vector<16xi32>
      %lt3A_141 = arith.cmpi slt, %sub3A_138, %lt3A_140 : vector<16xi32>
      %jit3A_142 = arith.constant 64000 : i32
      %jit3A_143 = arith.constant 0 : i32
      %broadcast_in_dim3A_144 = vector.broadcast %jit3A_142 : i32 to vector<16xi32>
      %broadcast_in_dim3A_145 = vector.broadcast %jit3A_143 : i32 to vector<16xi32>
      %select_n3A_146 = arith.select %lt3A_141, %broadcast_in_dim3A_144, %broadcast_in_dim3A_145 : vector<16xi1>, vector<16xi32>
      %add3A_147 = arith.addi %sub3A_138, %select_n3A_146 : vector<16xi32>
      %ge3A_148 = arith.constant 64000 : i32
      %ge3A_149 = vector.broadcast %ge3A_148 : i32 to vector<16xi32>
      %ge3A_150 = arith.cmpi sge, %add3A_147, %ge3A_149 : vector<16xi32>
      %jit3A_151 = arith.constant 64000 : i32
      %jit3A_152 = arith.constant 0 : i32
      %broadcast_in_dim3A_153 = vector.broadcast %jit3A_151 : i32 to vector<16xi32>
      %broadcast_in_dim3A_154 = vector.broadcast %jit3A_152 : i32 to vector<16xi32>
      %select_n3A_155 = arith.select %ge3A_150, %broadcast_in_dim3A_153, %broadcast_in_dim3A_154 : vector<16xi1>, vector<16xi32>
      %sub3A_156 = arith.subi %add3A_147, %select_n3A_155 : vector<16xi32>
      %add3A_157 = arith.addi %sub3A_126, %sub3A_156 : vector<16xi32>
      %add3A_158 = arith.addi %add3A_157, %sub3A_26 : vector<16xi32>
      %ge3A_159 = arith.constant 64000 : i32
      %ge3A_160 = vector.broadcast %ge3A_159 : i32 to vector<16xi32>
      %ge3A_161 = arith.cmpi sge, %add3A_158, %ge3A_160 : vector<16xi32>
      %jit3A_162 = arith.constant 64000 : i32
      %jit3A_163 = arith.constant 0 : i32
      %broadcast_in_dim3A_164 = vector.broadcast %jit3A_162 : i32 to vector<16xi32>
      %broadcast_in_dim3A_165 = vector.broadcast %jit3A_163 : i32 to vector<16xi32>
      %select_n3A_166 = arith.select %ge3A_161, %broadcast_in_dim3A_164, %broadcast_in_dim3A_165 : vector<16xi1>, vector<16xi32>
      %sub3A_167 = arith.subi %add3A_158, %select_n3A_166 : vector<16xi32>
      %ge3A_168 = arith.constant 64000 : i32
      %ge3A_169 = vector.broadcast %ge3A_168 : i32 to vector<16xi32>
      %ge3A_170 = arith.cmpi sge, %sub3A_167, %ge3A_169 : vector<16xi32>
      %jit3A_171 = arith.constant 64000 : i32
      %jit3A_172 = arith.constant 0 : i32
      %broadcast_in_dim3A_173 = vector.broadcast %jit3A_171 : i32 to vector<16xi32>
      %broadcast_in_dim3A_174 = vector.broadcast %jit3A_172 : i32 to vector<16xi32>
      %select_n3A_175 = arith.select %ge3A_170, %broadcast_in_dim3A_173, %broadcast_in_dim3A_174 : vector<16xi1>, vector<16xi32>
      %sub3A_176 = arith.subi %sub3A_167, %select_n3A_175 : vector<16xi32>
      %add3A_177 = arith.constant 0 : i32
      %add3A_178 = vector.broadcast %add3A_177 : i32 to vector<16xi32>
      %add3A_179 = arith.addi %sub3A_176, %add3A_178 : vector<16xi32>
      %swap3A = arith.constant 0 : i64
      %swap3A_180 = arith.constant 0 : i64
      %swap3A_181 = arith.index_cast %swap3A : i64 to index
      %swap3A_182 = arith.index_cast %swap3A_180 : i64 to index
      %swap3A_183 = arith.constant 0 : index
      %swap3A_184 = tpu.vector_load %arg11[%swap3A_181, %swap3A_182, %swap3A_183] {strides = array<i32>} : memref<3x2x128xi32, #tpu.memory_space<vmem>>, vector<1x1x16xi32>,
      %swap3A_185 = vector.shape_cast %swap3A_184 : vector<1x1x16xi32> to vector<16xi32>
      %swap3A_186 = vector.shape_cast %add3A_179 : vector<16xi32> to vector<1x1x16xi32>
      tpu.vector_store %arg11[%swap3A_181, %swap3A_182, %swap3A_183], %swap3A_186 {strides = array<i32>} : memref<3x2x128xi32, #tpu.memory_space<vmem>>, vector<1x1x16xi32>,
      %add3A_187 = arith.addi %sub3A_126, %sub3A_156 : vector<16xi32>
      %add3A_188 = arith.addi %add3A_187, %sub3A_58 : vector<16xi32>
      %ge3A_189 = arith.constant 64000 : i32
      %ge3A_190 = vector.broadcast %ge3A_189 : i32 to vector<16xi32>
      %ge3A_191 = arith.cmpi sge, %add3A_188, %ge3A_190 : vector<16xi32>
      %jit3A_192 = arith.constant 64000 : i32
      %jit3A_193 = arith.constant 0 : i32
      %broadcast_in_dim3A_194 = vector.broadcast %jit3A_192 : i32 to vector<16xi32>
      %broadcast_in_dim3A_195 = vector.broadcast %jit3A_193 : i32 to vector<16xi32>
      %select_n3A_196 = arith.select %ge3A_191, %broadcast_in_dim3A_194, %broadcast_in_dim3A_195 : vector<16xi1>, vector<16xi32>
      %sub3A_197 = arith.subi %add3A_188, %select_n3A_196 : vector<16xi32>
      %ge3A_198 = arith.constant 64000 : i32
      %ge3A_199 = vector.broadcast %ge3A_198 : i32 to vector<16xi32>
      %ge3A_200 = arith.cmpi sge, %sub3A_197, %ge3A_199 : vector<16xi32>
      %jit3A_201 = arith.constant 64000 : i32
      %jit3A_202 = arith.constant 0 : i32
      %broadcast_in_dim3A_203 = vector.broadcast %jit3A_201 : i32 to vector<16xi32>
      %broadcast_in_dim3A_204 = vector.broadcast %jit3A_202 : i32 to vector<16xi32>
      %select_n3A_205 = arith.select %ge3A_200, %broadcast_in_dim3A_203, %broadcast_in_dim3A_204 : vector<16xi1>, vector<16xi32>
      %sub3A_206 = arith.subi %sub3A_197, %select_n3A_205 : vector<16xi32>
      %add3A_207 = arith.constant 64000 : i32
      %add3A_208 = vector.broadcast %add3A_207 : i32 to vector<16xi32>
      %add3A_209 = arith.addi %sub3A_206, %add3A_208 : vector<16xi32>
      %swap3A_210 = arith.constant 1 : i64
      %swap3A_211 = arith.constant 0 : i64
      %swap3A_212 = arith.index_cast %swap3A_210 : i64 to index
      %swap3A_213 = arith.index_cast %swap3A_211 : i64 to index
      %swap3A_214 = arith.constant 0 : index
      %swap3A_215 = tpu.vector_load %arg11[%swap3A_212, %swap3A_213, %swap3A_214] {strides = array<i32>} : memref<3x2x128xi32, #tpu.memory_space<vmem>>, vector<1x1x16xi32>,
      %swap3A_216 = vector.shape_cast %swap3A_215 : vector<1x1x16xi32> to vector<16xi32>
      %swap3A_217 = vector.shape_cast %add3A_209 : vector<16xi32> to vector<1x1x16xi32>
      tpu.vector_store %arg11[%swap3A_212, %swap3A_213, %swap3A_214], %swap3A_217 {strides = array<i32>} : memref<3x2x128xi32, #tpu.memory_space<vmem>>, vector<1x1x16xi32>,
      %add3A_218 = arith.addi %sub3A_126, %sub3A_156 : vector<16xi32>
      %add3A_219 = arith.addi %add3A_218, %sub3A_90 : vector<16xi32>
      %ge3A_220 = arith.constant 64000 : i32
      %ge3A_221 = vector.broadcast %ge3A_220 : i32 to vector<16xi32>
      %ge3A_222 = arith.cmpi sge, %add3A_219, %ge3A_221 : vector<16xi32>
      %jit3A_223 = arith.constant 64000 : i32
      %jit3A_224 = arith.constant 0 : i32
      %broadcast_in_dim3A_225 = vector.broadcast %jit3A_223 : i32 to vector<16xi32>
      %broadcast_in_dim3A_226 = vector.broadcast %jit3A_224 : i32 to vector<16xi32>
      %select_n3A_227 = arith.select %ge3A_222, %broadcast_in_dim3A_225, %broadcast_in_dim3A_226 : vector<16xi1>, vector<16xi32>
      %sub3A_228 = arith.subi %add3A_219, %select_n3A_227 : vector<16xi32>
      %ge3A_229 = arith.constant 64000 : i32
      %ge3A_230 = vector.broadcast %ge3A_229 : i32 to vector<16xi32>
      %ge3A_231 = arith.cmpi sge, %sub3A_228, %ge3A_230 : vector<16xi32>
      %jit3A_232 = arith.constant 64000 : i32
      %jit3A_233 = arith.constant 0 : i32
      %broadcast_in_dim3A_234 = vector.broadcast %jit3A_232 : i32 to vector<16xi32>
      %broadcast_in_dim3A_235 = vector.broadcast %jit3A_233 : i32 to vector<16xi32>
      %select_n3A_236 = arith.select %ge3A_231, %broadcast_in_dim3A_234, %broadcast_in_dim3A_235 : vector<16xi1>, vector<16xi32>
      %sub3A_237 = arith.subi %sub3A_228, %select_n3A_236 : vector<16xi32>
      %add3A_238 = arith.constant 128000 : i32
      %add3A_239 = vector.broadcast %add3A_238 : i32 to vector<16xi32>
      %add3A_240 = arith.addi %sub3A_237, %add3A_239 : vector<16xi32>
      %swap3A_241 = arith.constant 2 : i64
      %swap3A_242 = arith.constant 0 : i64
      %swap3A_243 = arith.index_cast %swap3A_241 : i64 to index
      %swap3A_244 = arith.index_cast %swap3A_242 : i64 to index
      %swap3A_245 = arith.constant 0 : index
      %swap3A_246 = tpu.vector_load %arg11[%swap3A_243, %swap3A_244, %swap3A_245] {strides = array<i32>} : memref<3x2x128xi32, #tpu.memory_space<vmem>>, vector<1x1x16xi32>,
      %swap3A_247 = vector.shape_cast %swap3A_246 : vector<1x1x16xi32> to vector<16xi32>
      %swap3A_248 = vector.shape_cast %add3A_240 : vector<16xi32> to vector<1x1x16xi32>
      tpu.vector_store %arg11[%swap3A_243, %swap3A_244, %swap3A_245], %swap3A_248 {strides = array<i32>} : memref<3x2x128xi32, #tpu.memory_space<vmem>>, vector<1x1x16xi32>,
      %get3A_249 = arith.constant 16 : index
      %get3A_250 = tpu.vector_load %arg9[%get3A_249] {strides = array<i32>} : memref<256xi32, #tpu.memory_space<vmem>>, vector<16xi32>,
      %get3A_251 = vector.shape_cast %get3A_250 : vector<16xi32> to vector<16xi32>
      %get3A_252 = arith.constant 16 : index
      %get3A_253 = tpu.vector_load %arg10[%get3A_252] {strides = array<i32>} : memref<256xi32, #tpu.memory_space<vmem>>, vector<16xi32>,
      %get3A_254 = vector.shape_cast %get3A_253 : vector<16xi32> to vector<16xi32>
      %mul3A_255 = arith.constant 31337 : i32
      %mul3A_256 = vector.broadcast %mul3A_255 : i32 to vector<16xi32>
      %mul3A_257 = arith.muli %get3A_251, %mul3A_256 : vector<16xi32>
      %convert_element_type3A_258 = arith.sitofp %mul3A_257 : vector<16xi32> to vector<16xf32>
      %mul3A_259 = arith.constant 1.562500e-05 : f32
      %mul3A_260 = vector.broadcast %mul3A_259 : f32 to vector<16xf32>
      %mul3A_261 = arith.mulf %convert_element_type3A_258, %mul3A_260 : vector<16xf32>
      %convert_element_type3A_262 = arith.fptosi %mul3A_261 : vector<16xf32> to vector<16xi32>
      %mul3A_263 = arith.constant 64000 : i32
      %mul3A_264 = vector.broadcast %mul3A_263 : i32 to vector<16xi32>
      %mul3A_265 = arith.muli %convert_element_type3A_262, %mul3A_264 : vector<16xi32>
      %sub3A_266 = arith.subi %mul3A_257, %mul3A_265 : vector<16xi32>
      %lt3A_267 = arith.constant 0 : i32
      %lt3A_268 = vector.broadcast %lt3A_267 : i32 to vector<16xi32>
      %lt3A_269 = arith.cmpi slt, %sub3A_266, %lt3A_268 : vector<16xi32>
      %jit3A_270 = arith.constant 64000 : i32
      %jit3A_271 = arith.constant 0 : i32
      %broadcast_in_dim3A_272 = vector.broadcast %jit3A_270 : i32 to vector<16xi32>
      %broadcast_in_dim3A_273 = vector.broadcast %jit3A_271 : i32 to vector<16xi32>
      %select_n3A_274 = arith.select %lt3A_269, %broadcast_in_dim3A_272, %broadcast_in_dim3A_273 : vector<16xi1>, vector<16xi32>
      %add3A_275 = arith.addi %sub3A_266, %select_n3A_274 : vector<16xi32>
      %ge3A_276 = arith.constant 64000 : i32
      %ge3A_277 = vector.broadcast %ge3A_276 : i32 to vector<16xi32>
      %ge3A_278 = arith.cmpi sge, %add3A_275, %ge3A_277 : vector<16xi32>
      %jit3A_279 = arith.constant 64000 : i32
      %jit3A_280 = arith.constant 0 : i32
      %broadcast_in_dim3A_281 = vector.broadcast %jit3A_279 : i32 to vector<16xi32>
      %broadcast_in_dim3A_282 = vector.broadcast %jit3A_280 : i32 to vector<16xi32>
      %select_n3A_283 = arith.select %ge3A_278, %broadcast_in_dim3A_281, %broadcast_in_dim3A_282 : vector<16xi1>, vector<16xi32>
      %sub3A_284 = arith.subi %add3A_275, %select_n3A_283 : vector<16xi32>
      %mul3A_285 = arith.constant 35769 : i32
      %mul3A_286 = vector.broadcast %mul3A_285 : i32 to vector<16xi32>
      %mul3A_287 = arith.muli %get3A_254, %mul3A_286 : vector<16xi32>
      %convert_element_type3A_288 = arith.sitofp %mul3A_287 : vector<16xi32> to vector<16xf32>
      %mul3A_289 = arith.constant 1.562500e-05 : f32
      %mul3A_290 = vector.broadcast %mul3A_289 : f32 to vector<16xf32>
      %mul3A_291 = arith.mulf %convert_element_type3A_288, %mul3A_290 : vector<16xf32>
      %convert_element_type3A_292 = arith.fptosi %mul3A_291 : vector<16xf32> to vector<16xi32>
      %mul3A_293 = arith.constant 64000 : i32
      %mul3A_294 = vector.broadcast %mul3A_293 : i32 to vector<16xi32>
      %mul3A_295 = arith.muli %convert_element_type3A_292, %mul3A_294 : vector<16xi32>
      %sub3A_296 = arith.subi %mul3A_287, %mul3A_295 : vector<16xi32>
      %lt3A_297 = arith.constant 0 : i32
      %lt3A_298 = vector.broadcast %lt3A_297 : i32 to vector<16xi32>
      %lt3A_299 = arith.cmpi slt, %sub3A_296, %lt3A_298 : vector<16xi32>
      %jit3A_300 = arith.constant 64000 : i32
      %jit3A_301 = arith.constant 0 : i32
      %broadcast_in_dim3A_302 = vector.broadcast %jit3A_300 : i32 to vector<16xi32>
      %broadcast_in_dim3A_303 = vector.broadcast %jit3A_301 : i32 to vector<16xi32>
      %select_n3A_304 = arith.select %lt3A_299, %broadcast_in_dim3A_302, %broadcast_in_dim3A_303 : vector<16xi1>, vector<16xi32>
      %add3A_305 = arith.addi %sub3A_296, %select_n3A_304 : vector<16xi32>
      %ge3A_306 = arith.constant 64000 : i32
      %ge3A_307 = vector.broadcast %ge3A_306 : i32 to vector<16xi32>
      %ge3A_308 = arith.cmpi sge, %add3A_305, %ge3A_307 : vector<16xi32>
      %jit3A_309 = arith.constant 64000 : i32
      %jit3A_310 = arith.constant 0 : i32
      %broadcast_in_dim3A_311 = vector.broadcast %jit3A_309 : i32 to vector<16xi32>
      %broadcast_in_dim3A_312 = vector.broadcast %jit3A_310 : i32 to vector<16xi32>
      %select_n3A_313 = arith.select %ge3A_308, %broadcast_in_dim3A_311, %broadcast_in_dim3A_312 : vector<16xi1>, vector<16xi32>
      %sub3A_314 = arith.subi %add3A_305, %select_n3A_313 : vector<16xi32>
      %add3A_315 = arith.addi %sub3A_284, %sub3A_314 : vector<16xi32>
      %add3A_316 = arith.addi %add3A_315, %sub3A_26 : vector<16xi32>
      %ge3A_317 = arith.constant 64000 : i32
      %ge3A_318 = vector.broadcast %ge3A_317 : i32 to vector<16xi32>
      %ge3A_319 = arith.cmpi sge, %add3A_316, %ge3A_318 : vector<16xi32>
      %jit3A_320 = arith.constant 64000 : i32
      %jit3A_321 = arith.constant 0 : i32
      %broadcast_in_dim3A_322 = vector.broadcast %jit3A_320 : i32 to vector<16xi32>
      %broadcast_in_dim3A_323 = vector.broadcast %jit3A_321 : i32 to vector<16xi32>
      %select_n3A_324 = arith.select %ge3A_319, %broadcast_in_dim3A_322, %broadcast_in_dim3A_323 : vector<16xi1>, vector<16xi32>
      %sub3A_325 = arith.subi %add3A_316, %select_n3A_324 : vector<16xi32>
      %ge3A_326 = arith.constant 64000 : i32
      %ge3A_327 = vector.broadcast %ge3A_326 : i32 to vector<16xi32>
      %ge3A_328 = arith.cmpi sge, %sub3A_325, %ge3A_327 : vector<16xi32>
      %jit3A_329 = arith.constant 64000 : i32
      %jit3A_330 = arith.constant 0 : i32
      %broadcast_in_dim3A_331 = vector.broadcast %jit3A_329 : i32 to vector<16xi32>
      %broadcast_in_dim3A_332 = vector.broadcast %jit3A_330 : i32 to vector<16xi32>
      %select_n3A_333 = arith.select %ge3A_328, %broadcast_in_dim3A_331, %broadcast_in_dim3A_332 : vector<16xi1>, vector<16xi32>
      %sub3A_334 = arith.subi %sub3A_325, %select_n3A_333 : vector<16xi32>
      %add3A_335 = arith.constant 0 : i32
      %add3A_336 = vector.broadcast %add3A_335 : i32 to vector<16xi32>
      %add3A_337 = arith.addi %sub3A_334, %add3A_336 : vector<16xi32>
      %swap3A_338 = arith.constant 0 : i64
      %swap3A_339 = arith.constant 0 : i64
      %swap3A_340 = arith.index_cast %swap3A_338 : i64 to index
      %swap3A_341 = arith.index_cast %swap3A_339 : i64 to index
      %swap3A_342 = arith.constant 16 : index
      %swap3A_343 = tpu.vector_load %arg11[%swap3A_340, %swap3A_341, %swap3A_342] {strides = array<i32>} : memref<3x2x128xi32, #tpu.memory_space<vmem>>, vector<1x1x16xi32>,
      %swap3A_344 = vector.shape_cast %swap3A_343 : vector<1x1x16xi32> to vector<16xi32>
      %swap3A_345 = vector.shape_cast %add3A_337 : vector<16xi32> to vector<1x1x16xi32>
      tpu.vector_store %arg11[%swap3A_340, %swap3A_341, %swap3A_342], %swap3A_345 {strides = array<i32>} : memref<3x2x128xi32, #tpu.memory_space<vmem>>, vector<1x1x16xi32>,
      %add3A_346 = arith.addi %sub3A_284, %sub3A_314 : vector<16xi32>
      %add3A_347 = arith.addi %add3A_346, %sub3A_58 : vector<16xi32>
      %ge3A_348 = arith.constant 64000 : i32
      %ge3A_349 = vector.broadcast %ge3A_348 : i32 to vector<16xi32>
      %ge3A_350 = arith.cmpi sge, %add3A_347, %ge3A_349 : vector<16xi32>
      %jit3A_351 = arith.constant 64000 : i32
      %jit3A_352 = arith.constant 0 : i32
      %broadcast_in_dim3A_353 = vector.broadcast %jit3A_351 : i32 to vector<16xi32>
      %broadcast_in_dim3A_354 = vector.broadcast %jit3A_352 : i32 to vector<16xi32>
      %select_n3A_355 = arith.select %ge3A_350, %broadcast_in_dim3A_353, %broadcast_in_dim3A_354 : vector<16xi1>, vector<16xi32>
      %sub3A_356 = arith.subi %add3A_347, %select_n3A_355 : vector<16xi32>
      %ge3A_357 = arith.constant 64000 : i32
      %ge3A_358 = vector.broadcast %ge3A_357 : i32 to vector<16xi32>
      %ge3A_359 = arith.cmpi sge, %sub3A_356, %ge3A_358 : vector<16xi32>
      %jit3A_360 = arith.constant 64000 : i32
      %jit3A_361 = arith.constant 0 : i32
      %broadcast_in_dim3A_362 = vector.broadcast %jit3A_360 : i32 to vector<16xi32>
      %broadcast_in_dim3A_363 = vector.broadcast %jit3A_361 : i32 to vector<16xi32>
      %select_n3A_364 = arith.select %ge3A_359, %broadcast_in_dim3A_362, %broadcast_in_dim3A_363 : vector<16xi1>, vector<16xi32>
      %sub3A_365 = arith.subi %sub3A_356, %select_n3A_364 : vector<16xi32>
      %add3A_366 = arith.constant 64000 : i32
      %add3A_367 = vector.broadcast %add3A_366 : i32 to vector<16xi32>
      %add3A_368 = arith.addi %sub3A_365, %add3A_367 : vector<16xi32>
      %swap3A_369 = arith.constant 1 : i64
      %swap3A_370 = arith.constant 0 : i64
      %swap3A_371 = arith.index_cast %swap3A_369 : i64 to index
      %swap3A_372 = arith.index_cast %swap3A_370 : i64 to index
      %swap3A_373 = arith.constant 16 : index
      %swap3A_374 = tpu.vector_load %arg11[%swap3A_371, %swap3A_372, %swap3A_373] {strides = array<i32>} : memref<3x2x128xi32, #tpu.memory_space<vmem>>, vector<1x1x16xi32>,
      %swap3A_375 = vector.shape_cast %swap3A_374 : vector<1x1x16xi32> to vector<16xi32>
      %swap3A_376 = vector.shape_cast %add3A_368 : vector<16xi32> to vector<1x1x16xi32>
      tpu.vector_store %arg11[%swap3A_371, %swap3A_372, %swap3A_373], %swap3A_376 {strides = array<i32>} : memref<3x2x128xi32, #tpu.memory_space<vmem>>, vector<1x1x16xi32>,
      %add3A_377 = arith.addi %sub3A_284, %sub3A_314 : vector<16xi32>
      %add3A_378 = arith.addi %add3A_377, %sub3A_90 : vector<16xi32>
      %ge3A_379 = arith.constant 64000 : i32
      %ge3A_380 = vector.broadcast %ge3A_379 : i32 to vector<16xi32>
      %ge3A_381 = arith.cmpi sge, %add3A_378, %ge3A_380 : vector<16xi32>
      %jit3A_382 = arith.constant 64000 : i32
      %jit3A_383 = arith.constant 0 : i32
      %broadcast_in_dim3A_384 = vector.broadcast %jit3A_382 : i32 to vector<16xi32>
      %broadcast_in_dim3A_385 = vector.broadcast %jit3A_383 : i32 to vector<16xi32>
      %select_n3A_386 = arith.select %ge3A_381, %broadcast_in_dim3A_384, %broadcast_in_dim3A_385 : vector<16xi1>, vector<16xi32>
      %sub3A_387 = arith.subi %add3A_378, %select_n3A_386 : vector<16xi32>
      %ge3A_388 = arith.constant 64000 : i32
      %ge3A_389 = vector.broadcast %ge3A_388 : i32 to vector<16xi32>
      %ge3A_390 = arith.cmpi sge, %sub3A_387, %ge3A_389 : vector<16xi32>
      %jit3A_391 = arith.constant 64000 : i32
      %jit3A_392 = arith.constant 0 : i32
      %broadcast_in_dim3A_393 = vector.broadcast %jit3A_391 : i32 to vector<16xi32>
      %broadcast_in_dim3A_394 = vector.broadcast %jit3A_392 : i32 to vector<16xi32>
      %select_n3A_395 = arith.select %ge3A_390, %broadcast_in_dim3A_393, %broadcast_in_dim3A_394 : vector<16xi1>, vector<16xi32>
      %sub3A_396 = arith.subi %sub3A_387, %select_n3A_395 : vector<16xi32>
      %add3A_397 = arith.constant 128000 : i32
      %add3A_398 = vector.broadcast %add3A_397 : i32 to vector<16xi32>
      %add3A_399 = arith.addi %sub3A_396, %add3A_398 : vector<16xi32>
      %swap3A_400 = arith.constant 2 : i64
      %swap3A_401 = arith.constant 0 : i64
      %swap3A_402 = arith.index_cast %swap3A_400 : i64 to index
      %swap3A_403 = arith.index_cast %swap3A_401 : i64 to index
      %swap3A_404 = arith.constant 16 : index
      %swap3A_405 = tpu.vector_load %arg11[%swap3A_402, %swap3A_403, %swap3A_404] {strides = array<i32>} : memref<3x2x128xi32, #tpu.memory_space<vmem>>, vector<1x1x16xi32>,
      %swap3A_406 = vector.shape_cast %swap3A_405 : vector<1x1x16xi32> to vector<16xi32>
      %swap3A_407 = vector.shape_cast %add3A_399 : vector<16xi32> to vector<1x1x16xi32>
      tpu.vector_store %arg11[%swap3A_402, %swap3A_403, %swap3A_404], %swap3A_407 {strides = array<i32>} : memref<3x2x128xi32, #tpu.memory_space<vmem>>, vector<1x1x16xi32>,
      %get3A_408 = arith.constant 32 : index
      %get3A_409 = tpu.vector_load %arg9[%get3A_408] {strides = array<i32>} : memref<256xi32, #tpu.memory_space<vmem>>, vector<16xi32>,
      %get3A_410 = vector.shape_cast %get3A_409 : vector<16xi32> to vector<16xi32>
      %get3A_411 = arith.constant 32 : index
      %get3A_412 = tpu.vector_load %arg10[%get3A_411] {strides = array<i32>} : memref<256xi32, #tpu.memory_space<vmem>>, vector<16xi32>,
      %get3A_413 = vector.shape_cast %get3A_412 : vector<16xi32> to vector<16xi32>
      %mul3A_414 = arith.constant 31337 : i32
      %mul3A_415 = vector.broadcast %mul3A_414 : i32 to vector<16xi32>
      %mul3A_416 = arith.muli %get3A_410, %mul3A_415 : vector<16xi32>
      %convert_element_type3A_417 = arith.sitofp %mul3A_416 : vector<16xi32> to vector<16xf32>
      %mul3A_418 = arith.constant 1.562500e-05 : f32
      %mul3A_419 = vector.broadcast %mul3A_418 : f32 to vector<16xf32>
      %mul3A_420 = arith.mulf %convert_element_type3A_417, %mul3A_419 : vector<16xf32>
      %convert_element_type3A_421 = arith.fptosi %mul3A_420 : vector<16xf32> to vector<16xi32>
      %mul3A_422 = arith.constant 64000 : i32
      %mul3A_423 = vector.broadcast %mul3A_422 : i32 to vector<16xi32>
      %mul3A_424 = arith.muli %convert_element_type3A_421, %mul3A_423 : vector<16xi32>
      %sub3A_425 = arith.subi %mul3A_416, %mul3A_424 : vector<16xi32>
      %lt3A_426 = arith.constant 0 : i32
      %lt3A_427 = vector.broadcast %lt3A_426 : i32 to vector<16xi32>
      %lt3A_428 = arith.cmpi slt, %sub3A_425, %lt3A_427 : vector<16xi32>
      %jit3A_429 = arith.constant 64000 : i32
      %jit3A_430 = arith.constant 0 : i32
      %broadcast_in_dim3A_431 = vector.broadcast %jit3A_429 : i32 to vector<16xi32>
      %broadcast_in_dim3A_432 = vector.broadcast %jit3A_430 : i32 to vector<16xi32>
      %select_n3A_433 = arith.select %lt3A_428, %broadcast_in_dim3A_431, %broadcast_in_dim3A_432 : vector<16xi1>, vector<16xi32>
      %add3A_434 = arith.addi %sub3A_425, %select_n3A_433 : vector<16xi32>
      %ge3A_435 = arith.constant 64000 : i32
      %ge3A_436 = vector.broadcast %ge3A_435 : i32 to vector<16xi32>
      %ge3A_437 = arith.cmpi sge, %add3A_434, %ge3A_436 : vector<16xi32>
      %jit3A_438 = arith.constant 64000 : i32
      %jit3A_439 = arith.constant 0 : i32
      %broadcast_in_dim3A_440 = vector.broadcast %jit3A_438 : i32 to vector<16xi32>
      %broadcast_in_dim3A_441 = vector.broadcast %jit3A_439 : i32 to vector<16xi32>
      %select_n3A_442 = arith.select %ge3A_437, %broadcast_in_dim3A_440, %broadcast_in_dim3A_441 : vector<16xi1>, vector<16xi32>
      %sub3A_443 = arith.subi %add3A_434, %select_n3A_442 : vector<16xi32>
      %mul3A_444 = arith.constant 35769 : i32
      %mul3A_445 = vector.broadcast %mul3A_444 : i32 to vector<16xi32>
      %mul3A_446 = arith.muli %get3A_413, %mul3A_445 : vector<16xi32>
      %convert_element_type3A_447 = arith.sitofp %mul3A_446 : vector<16xi32> to vector<16xf32>
      %mul3A_448 = arith.constant 1.562500e-05 : f32
      %mul3A_449 = vector.broadcast %mul3A_448 : f32 to vector<16xf32>
      %mul3A_450 = arith.mulf %convert_element_type3A_447, %mul3A_449 : vector<16xf32>
      %convert_element_type3A_451 = arith.fptosi %mul3A_450 : vector<16xf32> to vector<16xi32>
      %mul3A_452 = arith.constant 64000 : i32
      %mul3A_453 = vector.broadcast %mul3A_452 : i32 to vector<16xi32>
      %mul3A_454 = arith.muli %convert_element_type3A_451, %mul3A_453 : vector<16xi32>
      %sub3A_455 = arith.subi %mul3A_446, %mul3A_454 : vector<16xi32>
      %lt3A_456 = arith.constant 0 : i32
      %lt3A_457 = vector.broadcast %lt3A_456 : i32 to vector<16xi32>
      %lt3A_458 = arith.cmpi slt, %sub3A_455, %lt3A_457 : vector<16xi32>
      %jit3A_459 = arith.constant 64000 : i32
      %jit3A_460 = arith.constant 0 : i32
      %broadcast_in_dim3A_461 = vector.broadcast %jit3A_459 : i32 to vector<16xi32>
      %broadcast_in_dim3A_462 = vector.broadcast %jit3A_460 : i32 to vector<16xi32>
      %select_n3A_463 = arith.select %lt3A_458, %broadcast_in_dim3A_461, %broadcast_in_dim3A_462 : vector<16xi1>, vector<16xi32>
      %add3A_464 = arith.addi %sub3A_455, %select_n3A_463 : vector<16xi32>
      %ge3A_465 = arith.constant 64000 : i32
      %ge3A_466 = vector.broadcast %ge3A_465 : i32 to vector<16xi32>
      %ge3A_467 = arith.cmpi sge, %add3A_464, %ge3A_466 : vector<16xi32>
      %jit3A_468 = arith.constant 64000 : i32
      %jit3A_469 = arith.constant 0 : i32
      %broadcast_in_dim3A_470 = vector.broadcast %jit3A_468 : i32 to vector<16xi32>
      %broadcast_in_dim3A_471 = vector.broadcast %jit3A_469 : i32 to vector<16xi32>
      %select_n3A_472 = arith.select %ge3A_467, %broadcast_in_dim3A_470, %broadcast_in_dim3A_471 : vector<16xi1>, vector<16xi32>
      %sub3A_473 = arith.subi %add3A_464, %select_n3A_472 : vector<16xi32>
      %add3A_474 = arith.addi %sub3A_443, %sub3A_473 : vector<16xi32>
      %add3A_475 = arith.addi %add3A_474, %sub3A_26 : vector<16xi32>
      %ge3A_476 = arith.constant 64000 : i32
      %ge3A_477 = vector.broadcast %ge3A_476 : i32 to vector<16xi32>
      %ge3A_478 = arith.cmpi sge, %add3A_475, %ge3A_477 : vector<16xi32>
      %jit3A_479 = arith.constant 64000 : i32
      %jit3A_480 = arith.constant 0 : i32
      %broadcast_in_dim3A_481 = vector.broadcast %jit3A_479 : i32 to vector<16xi32>
      %broadcast_in_dim3A_482 = vector.broadcast %jit3A_480 : i32 to vector<16xi32>
      %select_n3A_483 = arith.select %ge3A_478, %broadcast_in_dim3A_481, %broadcast_in_dim3A_482 : vector<16xi1>, vector<16xi32>
      %sub3A_484 = arith.subi %add3A_475, %select_n3A_483 : vector<16xi32>
      %ge3A_485 = arith.constant 64000 : i32
      %ge3A_486 = vector.broadcast %ge3A_485 : i32 to vector<16xi32>
      %ge3A_487 = arith.cmpi sge, %sub3A_484, %ge3A_486 : vector<16xi32>
      %jit3A_488 = arith.constant 64000 : i32
      %jit3A_489 = arith.constant 0 : i32
      %broadcast_in_dim3A_490 = vector.broadcast %jit3A_488 : i32 to vector<16xi32>
      %broadcast_in_dim3A_491 = vector.broadcast %jit3A_489 : i32 to vector<16xi32>
      %select_n3A_492 = arith.select %ge3A_487, %broadcast_in_dim3A_490, %broadcast_in_dim3A_491 : vector<16xi1>, vector<16xi32>
      %sub3A_493 = arith.subi %sub3A_484, %select_n3A_492 : vector<16xi32>
      %add3A_494 = arith.constant 0 : i32
      %add3A_495 = vector.broadcast %add3A_494 : i32 to vector<16xi32>
      %add3A_496 = arith.addi %sub3A_493, %add3A_495 : vector<16xi32>
      %swap3A_497 = arith.constant 0 : i64
      %swap3A_498 = arith.constant 0 : i64
      %swap3A_499 = arith.index_cast %swap3A_497 : i64 to index
      %swap3A_500 = arith.index_cast %swap3A_498 : i64 to index
      %swap3A_501 = arith.constant 32 : index
      %swap3A_502 = tpu.vector_load %arg11[%swap3A_499, %swap3A_500, %swap3A_501] {strides = array<i32>} : memref<3x2x128xi32, #tpu.memory_space<vmem>>, vector<1x1x16xi32>,
      %swap3A_503 = vector.shape_cast %swap3A_502 : vector<1x1x16xi32> to vector<16xi32>
      %swap3A_504 = vector.shape_cast %add3A_496 : vector<16xi32> to vector<1x1x16xi32>
      tpu.vector_store %arg11[%swap3A_499, %swap3A_500, %swap3A_501], %swap3A_504 {strides = array<i32>} : memref<3x2x128xi32, #tpu.memory_space<vmem>>, vector<1x1x16xi32>,
      %add3A_505 = arith.addi %sub3A_443, %sub3A_473 : vector<16xi32>
      %add3A_506 = arith.addi %add3A_505, %sub3A_58 : vector<16xi32>
      %ge3A_507 = arith.constant 64000 : i32
      %ge3A_508 = vector.broadcast %ge3A_507 : i32 to vector<16xi32>
      %ge3A_509 = arith.cmpi sge, %add3A_506, %ge3A_508 : vector<16xi32>
      %jit3A_510 = arith.constant 64000 : i32
      %jit3A_511 = arith.constant 0 : i32
      %broadcast_in_dim3A_512 = vector.broadcast %jit3A_510 : i32 to vector<16xi32>
      %broadcast_in_dim3A_513 = vector.broadcast %jit3A_511 : i32 to vector<16xi32>
      %select_n3A_514 = arith.select %ge3A_509, %broadcast_in_dim3A_512, %broadcast_in_dim3A_513 : vector<16xi1>, vector<16xi32>
      %sub3A_515 = arith.subi %add3A_506, %select_n3A_514 : vector<16xi32>
      %ge3A_516 = arith.constant 64000 : i32
      %ge3A_517 = vector.broadcast %ge3A_516 : i32 to vector<16xi32>
      %ge3A_518 = arith.cmpi sge, %sub3A_515, %ge3A_517 : vector<16xi32>
      %jit3A_519 = arith.constant 64000 : i32
      %jit3A_520 = arith.constant 0 : i32
      %broadcast_in_dim3A_521 = vector.broadcast %jit3A_519 : i32 to vector<16xi32>
      %broadcast_in_dim3A_522 = vector.broadcast %jit3A_520 : i32 to vector<16xi32>
      %select_n3A_523 = arith.select %ge3A_518, %broadcast_in_dim3A_521, %broadcast_in_dim3A_522 : vector<16xi1>, vector<16xi32>
      %sub3A_524 = arith.subi %sub3A_515, %select_n3A_523 : vector<16xi32>
      %add3A_525 = arith.constant 64000 : i32
      %add3A_526 = vector.broadcast %add3A_525 : i32 to vector<16xi32>
      %add3A_527 = arith.addi %sub3A_524, %add3A_526 : vector<16xi32>
      %swap3A_528 = arith.constant 1 : i64
      %swap3A_529 = arith.constant 0 : i64
      %swap3A_530 = arith.index_cast %swap3A_528 : i64 to index
      %swap3A_531 = arith.index_cast %swap3A_529 : i64 to index
      %swap3A_532 = arith.constant 32 : index
      %swap3A_533 = tpu.vector_load %arg11[%swap3A_530, %swap3A_531, %swap3A_532] {strides = array<i32>} : memref<3x2x128xi32, #tpu.memory_space<vmem>>, vector<1x1x16xi32>,
      %swap3A_534 = vector.shape_cast %swap3A_533 : vector<1x1x16xi32> to vector<16xi32>
      %swap3A_535 = vector.shape_cast %add3A_527 : vector<16xi32> to vector<1x1x16xi32>
      tpu.vector_store %arg11[%swap3A_530, %swap3A_531, %swap3A_532], %swap3A_535 {strides = array<i32>} : memref<3x2x128xi32, #tpu.memory_space<vmem>>, vector<1x1x16xi32>,
      %add3A_536 = arith.addi %sub3A_443, %sub3A_473 : vector<16xi32>
      %add3A_537 = arith.addi %add3A_536, %sub3A_90 : vector<16xi32>
      %ge3A_538 = arith.constant 64000 : i32
      %ge3A_539 = vector.broadcast %ge3A_538 : i32 to vector<16xi32>
      %ge3A_540 = arith.cmpi sge, %add3A_537, %ge3A_539 : vector<16xi32>
      %jit3A_541 = arith.constant 64000 : i32
      %jit3A_542 = arith.constant 0 : i32
      %broadcast_in_dim3A_543 = vector.broadcast %jit3A_541 : i32 to vector<16xi32>
      %broadcast_in_dim3A_544 = vector.broadcast %jit3A_542 : i32 to vector<16xi32>
      %select_n3A_545 = arith.select %ge3A_540, %broadcast_in_dim3A_543, %broadcast_in_dim3A_544 : vector<16xi1>, vector<16xi32>
      %sub3A_546 = arith.subi %add3A_537, %select_n3A_545 : vector<16xi32>
      %ge3A_547 = arith.constant 64000 : i32
      %ge3A_548 = vector.broadcast %ge3A_547 : i32 to vector<16xi32>
      %ge3A_549 = arith.cmpi sge, %sub3A_546, %ge3A_548 : vector<16xi32>
      %jit3A_550 = arith.constant 64000 : i32
      %jit3A_551 = arith.constant 0 : i32
      %broadcast_in_dim3A_552 = vector.broadcast %jit3A_550 : i32 to vector<16xi32>
      %broadcast_in_dim3A_553 = vector.broadcast %jit3A_551 : i32 to vector<16xi32>
      %select_n3A_554 = arith.select %ge3A_549, %broadcast_in_dim3A_552, %broadcast_in_dim3A_553 : vector<16xi1>, vector<16xi32>
      %sub3A_555 = arith.subi %sub3A_546, %select_n3A_554 : vector<16xi32>
      %add3A_556 = arith.constant 128000 : i32
      %add3A_557 = vector.broadcast %add3A_556 : i32 to vector<16xi32>
      %add3A_558 = arith.addi %sub3A_555, %add3A_557 : vector<16xi32>
      %swap3A_559 = arith.constant 2 : i64
      %swap3A_560 = arith.constant 0 : i64
      %swap3A_561 = arith.index_cast %swap3A_559 : i64 to index
      %swap3A_562 = arith.index_cast %swap3A_560 : i64 to index
      %swap3A_563 = arith.constant 32 : index
      %swap3A_564 = tpu.vector_load %arg11[%swap3A_561, %swap3A_562, %swap3A_563] {strides = array<i32>} : memref<3x2x128xi32, #tpu.memory_space<vmem>>, vector<1x1x16xi32>,
      %swap3A_565 = vector.shape_cast %swap3A_564 : vector<1x1x16xi32> to vector<16xi32>
      %swap3A_566 = vector.shape_cast %add3A_558 : vector<16xi32> to vector<1x1x16xi32>
      tpu.vector_store %arg11[%swap3A_561, %swap3A_562, %swap3A_563], %swap3A_566 {strides = array<i32>} : memref<3x2x128xi32, #tpu.memory_space<vmem>>, vector<1x1x16xi32>,
      %get3A_567 = arith.constant 48 : index
      %get3A_568 = tpu.vector_load %arg9[%get3A_567] {strides = array<i32>} : memref<256xi32, #tpu.memory_space<vmem>>, vector<16xi32>,
      %get3A_569 = vector.shape_cast %get3A_568 : vector<16xi32> to vector<16xi32>
      %get3A_570 = arith.constant 48 : index
      %get3A_571 = tpu.vector_load %arg10[%get3A_570] {strides = array<i32>} : memref<256xi32, #tpu.memory_space<vmem>>, vector<16xi32>,
      %get3A_572 = vector.shape_cast %get3A_571 : vector<16xi32> to vector<16xi32>
      %mul3A_573 = arith.constant 31337 : i32
      %mul3A_574 = vector.broadcast %mul3A_573 : i32 to vector<16xi32>
      %mul3A_575 = arith.muli %get3A_569, %mul3A_574 : vector<16xi32>
      %convert_element_type3A_576 = arith.sitofp %mul3A_575 : vector<16xi32> to vector<16xf32>
      %mul3A_577 = arith.constant 1.562500e-05 : f32
      %mul3A_578 = vector.broadcast %mul3A_577 : f32 to vector<16xf32>
      %mul3A_579 = arith.mulf %convert_element_type3A_576, %mul3A_578 : vector<16xf32>
      %convert_element_type3A_580 = arith.fptosi %mul3A_579 : vector<16xf32> to vector<16xi32>
      %mul3A_581 = arith.constant 64000 : i32
      %mul3A_582 = vector.broadcast %mul3A_581 : i32 to vector<16xi32>
      %mul3A_583 = arith.muli %convert_element_type3A_580, %mul3A_582 : vector<16xi32>
      %sub3A_584 = arith.subi %mul3A_575, %mul3A_583 : vector<16xi32>
      %lt3A_585 = arith.constant 0 : i32
      %lt3A_586 = vector.broadcast %lt3A_585 : i32 to vector<16xi32>
      %lt3A_587 = arith.cmpi slt, %sub3A_584, %lt3A_586 : vector<16xi32>
      %jit3A_588 = arith.constant 64000 : i32
      %jit3A_589 = arith.constant 0 : i32
      %broadcast_in_dim3A_590 = vector.broadcast %jit3A_588 : i32 to vector<16xi32>
      %broadcast_in_dim3A_591 = vector.broadcast %jit3A_589 : i32 to vector<16xi32>
      %select_n3A_592 = arith.select %lt3A_587, %broadcast_in_dim3A_590, %broadcast_in_dim3A_591 : vector<16xi1>, vector<16xi32>
      %add3A_593 = arith.addi %sub3A_584, %select_n3A_592 : vector<16xi32>
      %ge3A_594 = arith.constant 64000 : i32
      %ge3A_595 = vector.broadcast %ge3A_594 : i32 to vector<16xi32>
      %ge3A_596 = arith.cmpi sge, %add3A_593, %ge3A_595 : vector<16xi32>
      %jit3A_597 = arith.constant 64000 : i32
      %jit3A_598 = arith.constant 0 : i32
      %broadcast_in_dim3A_599 = vector.broadcast %jit3A_597 : i32 to vector<16xi32>
      %broadcast_in_dim3A_600 = vector.broadcast %jit3A_598 : i32 to vector<16xi32>
      %select_n3A_601 = arith.select %ge3A_596, %broadcast_in_dim3A_599, %broadcast_in_dim3A_600 : vector<16xi1>, vector<16xi32>
      %sub3A_602 = arith.subi %add3A_593, %select_n3A_601 : vector<16xi32>
      %mul3A_603 = arith.constant 35769 : i32
      %mul3A_604 = vector.broadcast %mul3A_603 : i32 to vector<16xi32>
      %mul3A_605 = arith.muli %get3A_572, %mul3A_604 : vector<16xi32>
      %convert_element_type3A_606 = arith.sitofp %mul3A_605 : vector<16xi32> to vector<16xf32>
      %mul3A_607 = arith.constant 1.562500e-05 : f32
      %mul3A_608 = vector.broadcast %mul3A_607 : f32 to vector<16xf32>
      %mul3A_609 = arith.mulf %convert_element_type3A_606, %mul3A_608 : vector<16xf32>
      %convert_element_type3A_610 = arith.fptosi %mul3A_609 : vector<16xf32> to vector<16xi32>
      %mul3A_611 = arith.constant 64000 : i32
      %mul3A_612 = vector.broadcast %mul3A_611 : i32 to vector<16xi32>
      %mul3A_613 = arith.muli %convert_element_type3A_610, %mul3A_612 : vector<16xi32>
      %sub3A_614 = arith.subi %mul3A_605, %mul3A_613 : vector<16xi32>
      %lt3A_615 = arith.constant 0 : i32
      %lt3A_616 = vector.broadcast %lt3A_615 : i32 to vector<16xi32>
      %lt3A_617 = arith.cmpi slt, %sub3A_614, %lt3A_616 : vector<16xi32>
      %jit3A_618 = arith.constant 64000 : i32
      %jit3A_619 = arith.constant 0 : i32
      %broadcast_in_dim3A_620 = vector.broadcast %jit3A_618 : i32 to vector<16xi32>
      %broadcast_in_dim3A_621 = vector.broadcast %jit3A_619 : i32 to vector<16xi32>
      %select_n3A_622 = arith.select %lt3A_617, %broadcast_in_dim3A_620, %broadcast_in_dim3A_621 : vector<16xi1>, vector<16xi32>
      %add3A_623 = arith.addi %sub3A_614, %select_n3A_622 : vector<16xi32>
      %ge3A_624 = arith.constant 64000 : i32
      %ge3A_625 = vector.broadcast %ge3A_624 : i32 to vector<16xi32>
      %ge3A_626 = arith.cmpi sge, %add3A_623, %ge3A_625 : vector<16xi32>
      %jit3A_627 = arith.constant 64000 : i32
      %jit3A_628 = arith.constant 0 : i32
      %broadcast_in_dim3A_629 = vector.broadcast %jit3A_627 : i32 to vector<16xi32>
      %broadcast_in_dim3A_630 = vector.broadcast %jit3A_628 : i32 to vector<16xi32>
      %select_n3A_631 = arith.select %ge3A_626, %broadcast_in_dim3A_629, %broadcast_in_dim3A_630 : vector<16xi1>, vector<16xi32>
      %sub3A_632 = arith.subi %add3A_623, %select_n3A_631 : vector<16xi32>
      %add3A_633 = arith.addi %sub3A_602, %sub3A_632 : vector<16xi32>
      %add3A_634 = arith.addi %add3A_633, %sub3A_26 : vector<16xi32>
      %ge3A_635 = arith.constant 64000 : i32
      %ge3A_636 = vector.broadcast %ge3A_635 : i32 to vector<16xi32>
      %ge3A_637 = arith.cmpi sge, %add3A_634, %ge3A_636 : vector<16xi32>
      %jit3A_638 = arith.constant 64000 : i32
      %jit3A_639 = arith.constant 0 : i32
      %broadcast_in_dim3A_640 = vector.broadcast %jit3A_638 : i32 to vector<16xi32>
      %broadcast_in_dim3A_641 = vector.broadcast %jit3A_639 : i32 to vector<16xi32>
      %select_n3A_642 = arith.select %ge3A_637, %broadcast_in_dim3A_640, %broadcast_in_dim3A_641 : vector<16xi1>, vector<16xi32>
      %sub3A_643 = arith.subi %add3A_634, %select_n3A_642 : vector<16xi32>
      %ge3A_644 = arith.constant 64000 : i32
      %ge3A_645 = vector.broadcast %ge3A_644 : i32 to vector<16xi32>
      %ge3A_646 = arith.cmpi sge, %sub3A_643, %ge3A_645 : vector<16xi32>
      %jit3A_647 = arith.constant 64000 : i32
      %jit3A_648 = arith.constant 0 : i32
      %broadcast_in_dim3A_649 = vector.broadcast %jit3A_647 : i32 to vector<16xi32>
      %broadcast_in_dim3A_650 = vector.broadcast %jit3A_648 : i32 to vector<16xi32>
      %select_n3A_651 = arith.select %ge3A_646, %broadcast_in_dim3A_649, %broadcast_in_dim3A_650 : vector<16xi1>, vector<16xi32>
      %sub3A_652 = arith.subi %sub3A_643, %select_n3A_651 : vector<16xi32>
      %add3A_653 = arith.constant 0 : i32
      %add3A_654 = vector.broadcast %add3A_653 : i32 to vector<16xi32>
      %add3A_655 = arith.addi %sub3A_652, %add3A_654 : vector<16xi32>
      %swap3A_656 = arith.constant 0 : i64
      %swap3A_657 = arith.constant 0 : i64
      %swap3A_658 = arith.index_cast %swap3A_656 : i64 to index
      %swap3A_659 = arith.index_cast %swap3A_657 : i64 to index
      %swap3A_660 = arith.constant 48 : index
      %swap3A_661 = tpu.vector_load %arg11[%swap3A_658, %swap3A_659, %swap3A_660] {strides = array<i32>} : memref<3x2x128xi32, #tpu.memory_space<vmem>>, vector<1x1x16xi32>,
      %swap3A_662 = vector.shape_cast %swap3A_661 : vector<1x1x16xi32> to vector<16xi32>
      %swap3A_663 = vector.shape_cast %add3A_655 : vector<16xi32> to vector<1x1x16xi32>
      tpu.vector_store %arg11[%swap3A_658, %swap3A_659, %swap3A_660], %swap3A_663 {strides = array<i32>} : memref<3x2x128xi32, #tpu.memory_space<vmem>>, vector<1x1x16xi32>,
      %add3A_664 = arith.addi %sub3A_602, %sub3A_632 : vector<16xi32>
      %add3A_665 = arith.addi %add3A_664, %sub3A_58 : vector<16xi32>
      %ge3A_666 = arith.constant 64000 : i32
      %ge3A_667 = vector.broadcast %ge3A_666 : i32 to vector<16xi32>
      %ge3A_668 = arith.cmpi sge, %add3A_665, %ge3A_667 : vector<16xi32>
      %jit3A_669 = arith.constant 64000 : i32
      %jit3A_670 = arith.constant 0 : i32
      %broadcast_in_dim3A_671 = vector.broadcast %jit3A_669 : i32 to vector<16xi32>
      %broadcast_in_dim3A_672 = vector.broadcast %jit3A_670 : i32 to vector<16xi32>
      %select_n3A_673 = arith.select %ge3A_668, %broadcast_in_dim3A_671, %broadcast_in_dim3A_672 : vector<16xi1>, vector<16xi32>
      %sub3A_674 = arith.subi %add3A_665, %select_n3A_673 : vector<16xi32>
      %ge3A_675 = arith.constant 64000 : i32
      %ge3A_676 = vector.broadcast %ge3A_675 : i32 to vector<16xi32>
      %ge3A_677 = arith.cmpi sge, %sub3A_674, %ge3A_676 : vector<16xi32>
      %jit3A_678 = arith.constant 64000 : i32
      %jit3A_679 = arith.constant 0 : i32
      %broadcast_in_dim3A_680 = vector.broadcast %jit3A_678 : i32 to vector<16xi32>
      %broadcast_in_dim3A_681 = vector.broadcast %jit3A_679 : i32 to vector<16xi32>
      %select_n3A_682 = arith.select %ge3A_677, %broadcast_in_dim3A_680, %broadcast_in_dim3A_681 : vector<16xi1>, vector<16xi32>
      %sub3A_683 = arith.subi %sub3A_674, %select_n3A_682 : vector<16xi32>
      %add3A_684 = arith.constant 64000 : i32
      %add3A_685 = vector.broadcast %add3A_684 : i32 to vector<16xi32>
      %add3A_686 = arith.addi %sub3A_683, %add3A_685 : vector<16xi32>
      %swap3A_687 = arith.constant 1 : i64
      %swap3A_688 = arith.constant 0 : i64
      %swap3A_689 = arith.index_cast %swap3A_687 : i64 to index
      %swap3A_690 = arith.index_cast %swap3A_688 : i64 to index
      %swap3A_691 = arith.constant 48 : index
      %swap3A_692 = tpu.vector_load %arg11[%swap3A_689, %swap3A_690, %swap3A_691] {strides = array<i32>} : memref<3x2x128xi32, #tpu.memory_space<vmem>>, vector<1x1x16xi32>,
      %swap3A_693 = vector.shape_cast %swap3A_692 : vector<1x1x16xi32> to vector<16xi32>
      %swap3A_694 = vector.shape_cast %add3A_686 : vector<16xi32> to vector<1x1x16xi32>
      tpu.vector_store %arg11[%swap3A_689, %swap3A_690, %swap3A_691], %swap3A_694 {strides = array<i32>} : memref<3x2x128xi32, #tpu.memory_space<vmem>>, vector<1x1x16xi32>,
      %add3A_695 = arith.addi %sub3A_602, %sub3A_632 : vector<16xi32>
      %add3A_696 = arith.addi %add3A_695, %sub3A_90 : vector<16xi32>
      %ge3A_697 = arith.constant 64000 : i32
      %ge3A_698 = vector.broadcast %ge3A_697 : i32 to vector<16xi32>
      %ge3A_699 = arith.cmpi sge, %add3A_696, %ge3A_698 : vector<16xi32>
      %jit3A_700 = arith.constant 64000 : i32
      %jit3A_701 = arith.constant 0 : i32
      %broadcast_in_dim3A_702 = vector.broadcast %jit3A_700 : i32 to vector<16xi32>
      %broadcast_in_dim3A_703 = vector.broadcast %jit3A_701 : i32 to vector<16xi32>
      %select_n3A_704 = arith.select %ge3A_699, %broadcast_in_dim3A_702, %broadcast_in_dim3A_703 : vector<16xi1>, vector<16xi32>
      %sub3A_705 = arith.subi %add3A_696, %select_n3A_704 : vector<16xi32>
      %ge3A_706 = arith.constant 64000 : i32
      %ge3A_707 = vector.broadcast %ge3A_706 : i32 to vector<16xi32>
      %ge3A_708 = arith.cmpi sge, %sub3A_705, %ge3A_707 : vector<16xi32>
      %jit3A_709 = arith.constant 64000 : i32
      %jit3A_710 = arith.constant 0 : i32
      %broadcast_in_dim3A_711 = vector.broadcast %jit3A_709 : i32 to vector<16xi32>
      %broadcast_in_dim3A_712 = vector.broadcast %jit3A_710 : i32 to vector<16xi32>
      %select_n3A_713 = arith.select %ge3A_708, %broadcast_in_dim3A_711, %broadcast_in_dim3A_712 : vector<16xi1>, vector<16xi32>
      %sub3A_714 = arith.subi %sub3A_705, %select_n3A_713 : vector<16xi32>
      %add3A_715 = arith.constant 128000 : i32
      %add3A_716 = vector.broadcast %add3A_715 : i32 to vector<16xi32>
      %add3A_717 = arith.addi %sub3A_714, %add3A_716 : vector<16xi32>
      %swap3A_718 = arith.constant 2 : i64
      %swap3A_719 = arith.constant 0 : i64
      %swap3A_720 = arith.index_cast %swap3A_718 : i64 to index
      %swap3A_721 = arith.index_cast %swap3A_719 : i64 to index
      %swap3A_722 = arith.constant 48 : index
      %swap3A_723 = tpu.vector_load %arg11[%swap3A_720, %swap3A_721, %swap3A_722] {strides = array<i32>} : memref<3x2x128xi32, #tpu.memory_space<vmem>>, vector<1x1x16xi32>,
      %swap3A_724 = vector.shape_cast %swap3A_723 : vector<1x1x16xi32> to vector<16xi32>
      %swap3A_725 = vector.shape_cast %add3A_717 : vector<16xi32> to vector<1x1x16xi32>
      tpu.vector_store %arg11[%swap3A_720, %swap3A_721, %swap3A_722], %swap3A_725 {strides = array<i32>} : memref<3x2x128xi32, #tpu.memory_space<vmem>>, vector<1x1x16xi32>,
      %get3A_726 = arith.constant 64 : index
      %get3A_727 = tpu.vector_load %arg9[%get3A_726] {strides = array<i32>} : memref<256xi32, #tpu.memory_space<vmem>>, vector<16xi32>,
      %get3A_728 = vector.shape_cast %get3A_727 : vector<16xi32> to vector<16xi32>
      %get3A_729 = arith.constant 64 : index
      %get3A_730 = tpu.vector_load %arg10[%get3A_729] {strides = array<i32>} : memref<256xi32, #tpu.memory_space<vmem>>, vector<16xi32>,
      %get3A_731 = vector.shape_cast %get3A_730 : vector<16xi32> to vector<16xi32>
      %mul3A_732 = arith.constant 31337 : i32
      %mul3A_733 = vector.broadcast %mul3A_732 : i32 to vector<16xi32>
      %mul3A_734 = arith.muli %get3A_728, %mul3A_733 : vector<16xi32>
      %convert_element_type3A_735 = arith.sitofp %mul3A_734 : vector<16xi32> to vector<16xf32>
      %mul3A_736 = arith.constant 1.562500e-05 : f32
      %mul3A_737 = vector.broadcast %mul3A_736 : f32 to vector<16xf32>
      %mul3A_738 = arith.mulf %convert_element_type3A_735, %mul3A_737 : vector<16xf32>
      %convert_element_type3A_739 = arith.fptosi %mul3A_738 : vector<16xf32> to vector<16xi32>
      %mul3A_740 = arith.constant 64000 : i32
      %mul3A_741 = vector.broadcast %mul3A_740 : i32 to vector<16xi32>
      %mul3A_742 = arith.muli %convert_element_type3A_739, %mul3A_741 : vector<16xi32>
      %sub3A_743 = arith.subi %mul3A_734, %mul3A_742 : vector<16xi32>
      %lt3A_744 = arith.constant 0 : i32
      %lt3A_745 = vector.broadcast %lt3A_744 : i32 to vector<16xi32>
      %lt3A_746 = arith.cmpi slt, %sub3A_743, %lt3A_745 : vector<16xi32>
      %jit3A_747 = arith.constant 64000 : i32
      %jit3A_748 = arith.constant 0 : i32
      %broadcast_in_dim3A_749 = vector.broadcast %jit3A_747 : i32 to vector<16xi32>
      %broadcast_in_dim3A_750 = vector.broadcast %jit3A_748 : i32 to vector<16xi32>
      %select_n3A_751 = arith.select %lt3A_746, %broadcast_in_dim3A_749, %broadcast_in_dim3A_750 : vector<16xi1>, vector<16xi32>
      %add3A_752 = arith.addi %sub3A_743, %select_n3A_751 : vector<16xi32>
      %ge3A_753 = arith.constant 64000 : i32
      %ge3A_754 = vector.broadcast %ge3A_753 : i32 to vector<16xi32>
      %ge3A_755 = arith.cmpi sge, %add3A_752, %ge3A_754 : vector<16xi32>
      %jit3A_756 = arith.constant 64000 : i32
      %jit3A_757 = arith.constant 0 : i32
      %broadcast_in_dim3A_758 = vector.broadcast %jit3A_756 : i32 to vector<16xi32>
      %broadcast_in_dim3A_759 = vector.broadcast %jit3A_757 : i32 to vector<16xi32>
      %select_n3A_760 = arith.select %ge3A_755, %broadcast_in_dim3A_758, %broadcast_in_dim3A_759 : vector<16xi1>, vector<16xi32>
      %sub3A_761 = arith.subi %add3A_752, %select_n3A_760 : vector<16xi32>
      %mul3A_762 = arith.constant 35769 : i32
      %mul3A_763 = vector.broadcast %mul3A_762 : i32 to vector<16xi32>
      %mul3A_764 = arith.muli %get3A_731, %mul3A_763 : vector<16xi32>
      %convert_element_type3A_765 = arith.sitofp %mul3A_764 : vector<16xi32> to vector<16xf32>
      %mul3A_766 = arith.constant 1.562500e-05 : f32
      %mul3A_767 = vector.broadcast %mul3A_766 : f32 to vector<16xf32>
      %mul3A_768 = arith.mulf %convert_element_type3A_765, %mul3A_767 : vector<16xf32>
      %convert_element_type3A_769 = arith.fptosi %mul3A_768 : vector<16xf32> to vector<16xi32>
      %mul3A_770 = arith.constant 64000 : i32
      %mul3A_771 = vector.broadcast %mul3A_770 : i32 to vector<16xi32>
      %mul3A_772 = arith.muli %convert_element_type3A_769, %mul3A_771 : vector<16xi32>
      %sub3A_773 = arith.subi %mul3A_764, %mul3A_772 : vector<16xi32>
      %lt3A_774 = arith.constant 0 : i32
      %lt3A_775 = vector.broadcast %lt3A_774 : i32 to vector<16xi32>
      %lt3A_776 = arith.cmpi slt, %sub3A_773, %lt3A_775 : vector<16xi32>
      %jit3A_777 = arith.constant 64000 : i32
      %jit3A_778 = arith.constant 0 : i32
      %broadcast_in_dim3A_779 = vector.broadcast %jit3A_777 : i32 to vector<16xi32>
      %broadcast_in_dim3A_780 = vector.broadcast %jit3A_778 : i32 to vector<16xi32>
      %select_n3A_781 = arith.select %lt3A_776, %broadcast_in_dim3A_779, %broadcast_in_dim3A_780 : vector<16xi1>, vector<16xi32>
      %add3A_782 = arith.addi %sub3A_773, %select_n3A_781 : vector<16xi32>
      %ge3A_783 = arith.constant 64000 : i32
      %ge3A_784 = vector.broadcast %ge3A_783 : i32 to vector<16xi32>
      %ge3A_785 = arith.cmpi sge, %add3A_782, %ge3A_784 : vector<16xi32>
      %jit3A_786 = arith.constant 64000 : i32
      %jit3A_787 = arith.constant 0 : i32
      %broadcast_in_dim3A_788 = vector.broadcast %jit3A_786 : i32 to vector<16xi32>
      %broadcast_in_dim3A_789 = vector.broadcast %jit3A_787 : i32 to vector<16xi32>
      %select_n3A_790 = arith.select %ge3A_785, %broadcast_in_dim3A_788, %broadcast_in_dim3A_789 : vector<16xi1>, vector<16xi32>
      %sub3A_791 = arith.subi %add3A_782, %select_n3A_790 : vector<16xi32>
      %add3A_792 = arith.addi %sub3A_761, %sub3A_791 : vector<16xi32>
      %add3A_793 = arith.addi %add3A_792, %sub3A_26 : vector<16xi32>
      %ge3A_794 = arith.constant 64000 : i32
      %ge3A_795 = vector.broadcast %ge3A_794 : i32 to vector<16xi32>
      %ge3A_796 = arith.cmpi sge, %add3A_793, %ge3A_795 : vector<16xi32>
      %jit3A_797 = arith.constant 64000 : i32
      %jit3A_798 = arith.constant 0 : i32
      %broadcast_in_dim3A_799 = vector.broadcast %jit3A_797 : i32 to vector<16xi32>
      %broadcast_in_dim3A_800 = vector.broadcast %jit3A_798 : i32 to vector<16xi32>
      %select_n3A_801 = arith.select %ge3A_796, %broadcast_in_dim3A_799, %broadcast_in_dim3A_800 : vector<16xi1>, vector<16xi32>
      %sub3A_802 = arith.subi %add3A_793, %select_n3A_801 : vector<16xi32>
      %ge3A_803 = arith.constant 64000 : i32
      %ge3A_804 = vector.broadcast %ge3A_803 : i32 to vector<16xi32>
      %ge3A_805 = arith.cmpi sge, %sub3A_802, %ge3A_804 : vector<16xi32>
      %jit3A_806 = arith.constant 64000 : i32
      %jit3A_807 = arith.constant 0 : i32
      %broadcast_in_dim3A_808 = vector.broadcast %jit3A_806 : i32 to vector<16xi32>
      %broadcast_in_dim3A_809 = vector.broadcast %jit3A_807 : i32 to vector<16xi32>
      %select_n3A_810 = arith.select %ge3A_805, %broadcast_in_dim3A_808, %broadcast_in_dim3A_809 : vector<16xi1>, vector<16xi32>
      %sub3A_811 = arith.subi %sub3A_802, %select_n3A_810 : vector<16xi32>
      %add3A_812 = arith.constant 0 : i32
      %add3A_813 = vector.broadcast %add3A_812 : i32 to vector<16xi32>
      %add3A_814 = arith.addi %sub3A_811, %add3A_813 : vector<16xi32>
      %swap3A_815 = arith.constant 0 : i64
      %swap3A_816 = arith.constant 0 : i64
      %swap3A_817 = arith.index_cast %swap3A_815 : i64 to index
      %swap3A_818 = arith.index_cast %swap3A_816 : i64 to index
      %swap3A_819 = arith.constant 64 : index
      %swap3A_820 = tpu.vector_load %arg11[%swap3A_817, %swap3A_818, %swap3A_819] {strides = array<i32>} : memref<3x2x128xi32, #tpu.memory_space<vmem>>, vector<1x1x16xi32>,
      %swap3A_821 = vector.shape_cast %swap3A_820 : vector<1x1x16xi32> to vector<16xi32>
      %swap3A_822 = vector.shape_cast %add3A_814 : vector<16xi32> to vector<1x1x16xi32>
      tpu.vector_store %arg11[%swap3A_817, %swap3A_818, %swap3A_819], %swap3A_822 {strides = array<i32>} : memref<3x2x128xi32, #tpu.memory_space<vmem>>, vector<1x1x16xi32>,
      %add3A_823 = arith.addi %sub3A_761, %sub3A_791 : vector<16xi32>
      %add3A_824 = arith.addi %add3A_823, %sub3A_58 : vector<16xi32>
      %ge3A_825 = arith.constant 64000 : i32
      %ge3A_826 = vector.broadcast %ge3A_825 : i32 to vector<16xi32>
      %ge3A_827 = arith.cmpi sge, %add3A_824, %ge3A_826 : vector<16xi32>
      %jit3A_828 = arith.constant 64000 : i32
      %jit3A_829 = arith.constant 0 : i32
      %broadcast_in_dim3A_830 = vector.broadcast %jit3A_828 : i32 to vector<16xi32>
      %broadcast_in_dim3A_831 = vector.broadcast %jit3A_829 : i32 to vector<16xi32>
      %select_n3A_832 = arith.select %ge3A_827, %broadcast_in_dim3A_830, %broadcast_in_dim3A_831 : vector<16xi1>, vector<16xi32>
      %sub3A_833 = arith.subi %add3A_824, %select_n3A_832 : vector<16xi32>
      %ge3A_834 = arith.constant 64000 : i32
      %ge3A_835 = vector.broadcast %ge3A_834 : i32 to vector<16xi32>
      %ge3A_836 = arith.cmpi sge, %sub3A_833, %ge3A_835 : vector<16xi32>
      %jit3A_837 = arith.constant 64000 : i32
      %jit3A_838 = arith.constant 0 : i32
      %broadcast_in_dim3A_839 = vector.broadcast %jit3A_837 : i32 to vector<16xi32>
      %broadcast_in_dim3A_840 = vector.broadcast %jit3A_838 : i32 to vector<16xi32>
      %select_n3A_841 = arith.select %ge3A_836, %broadcast_in_dim3A_839, %broadcast_in_dim3A_840 : vector<16xi1>, vector<16xi32>
      %sub3A_842 = arith.subi %sub3A_833, %select_n3A_841 : vector<16xi32>
      %add3A_843 = arith.constant 64000 : i32
      %add3A_844 = vector.broadcast %add3A_843 : i32 to vector<16xi32>
      %add3A_845 = arith.addi %sub3A_842, %add3A_844 : vector<16xi32>
      %swap3A_846 = arith.constant 1 : i64
      %swap3A_847 = arith.constant 0 : i64
      %swap3A_848 = arith.index_cast %swap3A_846 : i64 to index
      %swap3A_849 = arith.index_cast %swap3A_847 : i64 to index
      %swap3A_850 = arith.constant 64 : index
      %swap3A_851 = tpu.vector_load %arg11[%swap3A_848, %swap3A_849, %swap3A_850] {strides = array<i32>} : memref<3x2x128xi32, #tpu.memory_space<vmem>>, vector<1x1x16xi32>,
      %swap3A_852 = vector.shape_cast %swap3A_851 : vector<1x1x16xi32> to vector<16xi32>
      %swap3A_853 = vector.shape_cast %add3A_845 : vector<16xi32> to vector<1x1x16xi32>
      tpu.vector_store %arg11[%swap3A_848, %swap3A_849, %swap3A_850], %swap3A_853 {strides = array<i32>} : memref<3x2x128xi32, #tpu.memory_space<vmem>>, vector<1x1x16xi32>,
      %add3A_854 = arith.addi %sub3A_761, %sub3A_791 : vector<16xi32>
      %add3A_855 = arith.addi %add3A_854, %sub3A_90 : vector<16xi32>
      %ge3A_856 = arith.constant 64000 : i32
      %ge3A_857 = vector.broadcast %ge3A_856 : i32 to vector<16xi32>
      %ge3A_858 = arith.cmpi sge, %add3A_855, %ge3A_857 : vector<16xi32>
      %jit3A_859 = arith.constant 64000 : i32
      %jit3A_860 = arith.constant 0 : i32
      %broadcast_in_dim3A_861 = vector.broadcast %jit3A_859 : i32 to vector<16xi32>
      %broadcast_in_dim3A_862 = vector.broadcast %jit3A_860 : i32 to vector<16xi32>
      %select_n3A_863 = arith.select %ge3A_858, %broadcast_in_dim3A_861, %broadcast_in_dim3A_862 : vector<16xi1>, vector<16xi32>
      %sub3A_864 = arith.subi %add3A_855, %select_n3A_863 : vector<16xi32>
      %ge3A_865 = arith.constant 64000 : i32
      %ge3A_866 = vector.broadcast %ge3A_865 : i32 to vector<16xi32>
      %ge3A_867 = arith.cmpi sge, %sub3A_864, %ge3A_866 : vector<16xi32>
      %jit3A_868 = arith.constant 64000 : i32
      %jit3A_869 = arith.constant 0 : i32
      %broadcast_in_dim3A_870 = vector.broadcast %jit3A_868 : i32 to vector<16xi32>
      %broadcast_in_dim3A_871 = vector.broadcast %jit3A_869 : i32 to vector<16xi32>
      %select_n3A_872 = arith.select %ge3A_867, %broadcast_in_dim3A_870, %broadcast_in_dim3A_871 : vector<16xi1>, vector<16xi32>
      %sub3A_873 = arith.subi %sub3A_864, %select_n3A_872 : vector<16xi32>
      %add3A_874 = arith.constant 128000 : i32
      %add3A_875 = vector.broadcast %add3A_874 : i32 to vector<16xi32>
      %add3A_876 = arith.addi %sub3A_873, %add3A_875 : vector<16xi32>
      %swap3A_877 = arith.constant 2 : i64
      %swap3A_878 = arith.constant 0 : i64
      %swap3A_879 = arith.index_cast %swap3A_877 : i64 to index
      %swap3A_880 = arith.index_cast %swap3A_878 : i64 to index
      %swap3A_881 = arith.constant 64 : index
      %swap3A_882 = tpu.vector_load %arg11[%swap3A_879, %swap3A_880, %swap3A_881] {strides = array<i32>} : memref<3x2x128xi32, #tpu.memory_space<vmem>>, vector<1x1x16xi32>,
      %swap3A_883 = vector.shape_cast %swap3A_882 : vector<1x1x16xi32> to vector<16xi32>
      %swap3A_884 = vector.shape_cast %add3A_876 : vector<16xi32> to vector<1x1x16xi32>
      tpu.vector_store %arg11[%swap3A_879, %swap3A_880, %swap3A_881], %swap3A_884 {strides = array<i32>} : memref<3x2x128xi32, #tpu.memory_space<vmem>>, vector<1x1x16xi32>,
      %get3A_885 = arith.constant 80 : index
      %get3A_886 = tpu.vector_load %arg9[%get3A_885] {strides = array<i32>} : memref<256xi32, #tpu.memory_space<vmem>>, vector<16xi32>,
      %get3A_887 = vector.shape_cast %get3A_886 : vector<16xi32> to vector<16xi32>
      %get3A_888 = arith.constant 80 : index
      %get3A_889 = tpu.vector_load %arg10[%get3A_888] {strides = array<i32>} : memref<256xi32, #tpu.memory_space<vmem>>, vector<16xi32>,
      %get3A_890 = vector.shape_cast %get3A_889 : vector<16xi32> to vector<16xi32>
      %mul3A_891 = arith.constant 31337 : i32
      %mul3A_892 = vector.broadcast %mul3A_891 : i32 to vector<16xi32>
      %mul3A_893 = arith.muli %get3A_887, %mul3A_892 : vector<16xi32>
      %convert_element_type3A_894 = arith.sitofp %mul3A_893 : vector<16xi32> to vector<16xf32>
      %mul3A_895 = arith.constant 1.562500e-05 : f32
      %mul3A_896 = vector.broadcast %mul3A_895 : f32 to vector<16xf32>
      %mul3A_897 = arith.mulf %convert_element_type3A_894, %mul3A_896 : vector<16xf32>
      %convert_element_type3A_898 = arith.fptosi %mul3A_897 : vector<16xf32> to vector<16xi32>
      %mul3A_899 = arith.constant 64000 : i32
      %mul3A_900 = vector.broadcast %mul3A_899 : i32 to vector<16xi32>
      %mul3A_901 = arith.muli %convert_element_type3A_898, %mul3A_900 : vector<16xi32>
      %sub3A_902 = arith.subi %mul3A_893, %mul3A_901 : vector<16xi32>
      %lt3A_903 = arith.constant 0 : i32
      %lt3A_904 = vector.broadcast %lt3A_903 : i32 to vector<16xi32>
      %lt3A_905 = arith.cmpi slt, %sub3A_902, %lt3A_904 : vector<16xi32>
      %jit3A_906 = arith.constant 64000 : i32
      %jit3A_907 = arith.constant 0 : i32
      %broadcast_in_dim3A_908 = vector.broadcast %jit3A_906 : i32 to vector<16xi32>
      %broadcast_in_dim3A_909 = vector.broadcast %jit3A_907 : i32 to vector<16xi32>
      %select_n3A_910 = arith.select %lt3A_905, %broadcast_in_dim3A_908, %broadcast_in_dim3A_909 : vector<16xi1>, vector<16xi32>
      %add3A_911 = arith.addi %sub3A_902, %select_n3A_910 : vector<16xi32>
      %ge3A_912 = arith.constant 64000 : i32
      %ge3A_913 = vector.broadcast %ge3A_912 : i32 to vector<16xi32>
      %ge3A_914 = arith.cmpi sge, %add3A_911, %ge3A_913 : vector<16xi32>
      %jit3A_915 = arith.constant 64000 : i32
      %jit3A_916 = arith.constant 0 : i32
      %broadcast_in_dim3A_917 = vector.broadcast %jit3A_915 : i32 to vector<16xi32>
      %broadcast_in_dim3A_918 = vector.broadcast %jit3A_916 : i32 to vector<16xi32>
      %select_n3A_919 = arith.select %ge3A_914, %broadcast_in_dim3A_917, %broadcast_in_dim3A_918 : vector<16xi1>, vector<16xi32>
      %sub3A_920 = arith.subi %add3A_911, %select_n3A_919 : vector<16xi32>
      %mul3A_921 = arith.constant 35769 : i32
      %mul3A_922 = vector.broadcast %mul3A_921 : i32 to vector<16xi32>
      %mul3A_923 = arith.muli %get3A_890, %mul3A_922 : vector<16xi32>
      %convert_element_type3A_924 = arith.sitofp %mul3A_923 : vector<16xi32> to vector<16xf32>
      %mul3A_925 = arith.constant 1.562500e-05 : f32
      %mul3A_926 = vector.broadcast %mul3A_925 : f32 to vector<16xf32>
      %mul3A_927 = arith.mulf %convert_element_type3A_924, %mul3A_926 : vector<16xf32>
      %convert_element_type3A_928 = arith.fptosi %mul3A_927 : vector<16xf32> to vector<16xi32>
      %mul3A_929 = arith.constant 64000 : i32
      %mul3A_930 = vector.broadcast %mul3A_929 : i32 to vector<16xi32>
      %mul3A_931 = arith.muli %convert_element_type3A_928, %mul3A_930 : vector<16xi32>
      %sub3A_932 = arith.subi %mul3A_923, %mul3A_931 : vector<16xi32>
      %lt3A_933 = arith.constant 0 : i32
      %lt3A_934 = vector.broadcast %lt3A_933 : i32 to vector<16xi32>
      %lt3A_935 = arith.cmpi slt, %sub3A_932, %lt3A_934 : vector<16xi32>
      %jit3A_936 = arith.constant 64000 : i32
      %jit3A_937 = arith.constant 0 : i32
      %broadcast_in_dim3A_938 = vector.broadcast %jit3A_936 : i32 to vector<16xi32>
      %broadcast_in_dim3A_939 = vector.broadcast %jit3A_937 : i32 to vector<16xi32>
      %select_n3A_940 = arith.select %lt3A_935, %broadcast_in_dim3A_938, %broadcast_in_dim3A_939 : vector<16xi1>, vector<16xi32>
      %add3A_941 = arith.addi %sub3A_932, %select_n3A_940 : vector<16xi32>
      %ge3A_942 = arith.constant 64000 : i32
      %ge3A_943 = vector.broadcast %ge3A_942 : i32 to vector<16xi32>
      %ge3A_944 = arith.cmpi sge, %add3A_941, %ge3A_943 : vector<16xi32>
      %jit3A_945 = arith.constant 64000 : i32
      %jit3A_946 = arith.constant 0 : i32
      %broadcast_in_dim3A_947 = vector.broadcast %jit3A_945 : i32 to vector<16xi32>
      %broadcast_in_dim3A_948 = vector.broadcast %jit3A_946 : i32 to vector<16xi32>
      %select_n3A_949 = arith.select %ge3A_944, %broadcast_in_dim3A_947, %broadcast_in_dim3A_948 : vector<16xi1>, vector<16xi32>
      %sub3A_950 = arith.subi %add3A_941, %select_n3A_949 : vector<16xi32>
      %add3A_951 = arith.addi %sub3A_920, %sub3A_950 : vector<16xi32>
      %add3A_952 = arith.addi %add3A_951, %sub3A_26 : vector<16xi32>
      %ge3A_953 = arith.constant 64000 : i32
      %ge3A_954 = vector.broadcast %ge3A_953 : i32 to vector<16xi32>
      %ge3A_955 = arith.cmpi sge, %add3A_952, %ge3A_954 : vector<16xi32>
      %jit3A_956 = arith.constant 64000 : i32
      %jit3A_957 = arith.constant 0 : i32
      %broadcast_in_dim3A_958 = vector.broadcast %jit3A_956 : i32 to vector<16xi32>
      %broadcast_in_dim3A_959 = vector.broadcast %jit3A_957 : i32 to vector<16xi32>
      %select_n3A_960 = arith.select %ge3A_955, %broadcast_in_dim3A_958, %broadcast_in_dim3A_959 : vector<16xi1>, vector<16xi32>
      %sub3A_961 = arith.subi %add3A_952, %select_n3A_960 : vector<16xi32>
      %ge3A_962 = arith.constant 64000 : i32
      %ge3A_963 = vector.broadcast %ge3A_962 : i32 to vector<16xi32>
      %ge3A_964 = arith.cmpi sge, %sub3A_961, %ge3A_963 : vector<16xi32>
      %jit3A_965 = arith.constant 64000 : i32
      %jit3A_966 = arith.constant 0 : i32
      %broadcast_in_dim3A_967 = vector.broadcast %jit3A_965 : i32 to vector<16xi32>
      %broadcast_in_dim3A_968 = vector.broadcast %jit3A_966 : i32 to vector<16xi32>
      %select_n3A_969 = arith.select %ge3A_964, %broadcast_in_dim3A_967, %broadcast_in_dim3A_968 : vector<16xi1>, vector<16xi32>
      %sub3A_970 = arith.subi %sub3A_961, %select_n3A_969 : vector<16xi32>
      %add3A_971 = arith.constant 0 : i32
      %add3A_972 = vector.broadcast %add3A_971 : i32 to vector<16xi32>
      %add3A_973 = arith.addi %sub3A_970, %add3A_972 : vector<16xi32>
      %swap3A_974 = arith.constant 0 : i64
      %swap3A_975 = arith.constant 0 : i64
      %swap3A_976 = arith.index_cast %swap3A_974 : i64 to index
      %swap3A_977 = arith.index_cast %swap3A_975 : i64 to index
      %swap3A_978 = arith.constant 80 : index
      %swap3A_979 = tpu.vector_load %arg11[%swap3A_976, %swap3A_977, %swap3A_978] {strides = array<i32>} : memref<3x2x128xi32, #tpu.memory_space<vmem>>, vector<1x1x16xi32>,
      %swap3A_980 = vector.shape_cast %swap3A_979 : vector<1x1x16xi32> to vector<16xi32>
      %swap3A_981 = vector.shape_cast %add3A_973 : vector<16xi32> to vector<1x1x16xi32>
      tpu.vector_store %arg11[%swap3A_976, %swap3A_977, %swap3A_978], %swap3A_981 {strides = array<i32>} : memref<3x2x128xi32, #tpu.memory_space<vmem>>, vector<1x1x16xi32>,
      %add3A_982 = arith.addi %sub3A_920, %sub3A_950 : vector<16xi32>
      %add3A_983 = arith.addi %add3A_982, %sub3A_58 : vector<16xi32>
      %ge3A_984 = arith.constant 64000 : i32
      %ge3A_985 = vector.broadcast %ge3A_984 : i32 to vector<16xi32>
      %ge3A_986 = arith.cmpi sge, %add3A_983, %ge3A_985 : vector<16xi32>
      %jit3A_987 = arith.constant 64000 : i32
      %jit3A_988 = arith.constant 0 : i32
      %broadcast_in_dim3A_989 = vector.broadcast %jit3A_987 : i32 to vector<16xi32>
      %broadcast_in_dim3A_990 = vector.broadcast %jit3A_988 : i32 to vector<16xi32>
      %select_n3A_991 = arith.select %ge3A_986, %broadcast_in_dim3A_989, %broadcast_in_dim3A_990 : vector<16xi1>, vector<16xi32>
      %sub3A_992 = arith.subi %add3A_983, %select_n3A_991 : vector<16xi32>
      %ge3A_993 = arith.constant 64000 : i32
      %ge3A_994 = vector.broadcast %ge3A_993 : i32 to vector<16xi32>
      %ge3A_995 = arith.cmpi sge, %sub3A_992, %ge3A_994 : vector<16xi32>
      %jit3A_996 = arith.constant 64000 : i32
      %jit3A_997 = arith.constant 0 : i32
      %broadcast_in_dim3A_998 = vector.broadcast %jit3A_996 : i32 to vector<16xi32>
      %broadcast_in_dim3A_999 = vector.broadcast %jit3A_997 : i32 to vector<16xi32>
      %select_n3A_1000 = arith.select %ge3A_995, %broadcast_in_dim3A_998, %broadcast_in_dim3A_999 : vector<16xi1>, vector<16xi32>
      %sub3A_1001 = arith.subi %sub3A_992, %select_n3A_1000 : vector<16xi32>
      %add3A_1002 = arith.constant 64000 : i32
      %add3A_1003 = vector.broadcast %add3A_1002 : i32 to vector<16xi32>
      %add3A_1004 = arith.addi %sub3A_1001, %add3A_1003 : vector<16xi32>
      %swap3A_1005 = arith.constant 1 : i64
      %swap3A_1006 = arith.constant 0 : i64
      %swap3A_1007 = arith.index_cast %swap3A_1005 : i64 to index
      %swap3A_1008 = arith.index_cast %swap3A_1006 : i64 to index
      %swap3A_1009 = arith.constant 80 : index
      %swap3A_1010 = tpu.vector_load %arg11[%swap3A_1007, %swap3A_1008, %swap3A_1009] {strides = array<i32>} : memref<3x2x128xi32, #tpu.memory_space<vmem>>, vector<1x1x16xi32>,
      %swap3A_1011 = vector.shape_cast %swap3A_1010 : vector<1x1x16xi32> to vector<16xi32>
      %swap3A_1012 = vector.shape_cast %add3A_1004 : vector<16xi32> to vector<1x1x16xi32>
      tpu.vector_store %arg11[%swap3A_1007, %swap3A_1008, %swap3A_1009], %swap3A_1012 {strides = array<i32>} : memref<3x2x128xi32, #tpu.memory_space<vmem>>, vector<1x1x16xi32>,
      %add3A_1013 = arith.addi %sub3A_920, %sub3A_950 : vector<16xi32>
      %add3A_1014 = arith.addi %add3A_1013, %sub3A_90 : vector<16xi32>
      %ge3A_1015 = arith.constant 64000 : i32
      %ge3A_1016 = vector.broadcast %ge3A_1015 : i32 to vector<16xi32>
      %ge3A_1017 = arith.cmpi sge, %add3A_1014, %ge3A_1016 : vector<16xi32>
      %jit3A_1018 = arith.constant 64000 : i32
      %jit3A_1019 = arith.constant 0 : i32
      %broadcast_in_dim3A_1020 = vector.broadcast %jit3A_1018 : i32 to vector<16xi32>
      %broadcast_in_dim3A_1021 = vector.broadcast %jit3A_1019 : i32 to vector<16xi32>
      %select_n3A_1022 = arith.select %ge3A_1017, %broadcast_in_dim3A_1020, %broadcast_in_dim3A_1021 : vector<16xi1>, vector<16xi32>
      %sub3A_1023 = arith.subi %add3A_1014, %select_n3A_1022 : vector<16xi32>
      %ge3A_1024 = arith.constant 64000 : i32
      %ge3A_1025 = vector.broadcast %ge3A_1024 : i32 to vector<16xi32>
      %ge3A_1026 = arith.cmpi sge, %sub3A_1023, %ge3A_1025 : vector<16xi32>
      %jit3A_1027 = arith.constant 64000 : i32
      %jit3A_1028 = arith.constant 0 : i32
      %broadcast_in_dim3A_1029 = vector.broadcast %jit3A_1027 : i32 to vector<16xi32>
      %broadcast_in_dim3A_1030 = vector.broadcast %jit3A_1028 : i32 to vector<16xi32>
      %select_n3A_1031 = arith.select %ge3A_1026, %broadcast_in_dim3A_1029, %broadcast_in_dim3A_1030 : vector<16xi1>, vector<16xi32>
      %sub3A_1032 = arith.subi %sub3A_1023, %select_n3A_1031 : vector<16xi32>
      %add3A_1033 = arith.constant 128000 : i32
      %add3A_1034 = vector.broadcast %add3A_1033 : i32 to vector<16xi32>
      %add3A_1035 = arith.addi %sub3A_1032, %add3A_1034 : vector<16xi32>
      %swap3A_1036 = arith.constant 2 : i64
      %swap3A_1037 = arith.constant 0 : i64
      %swap3A_1038 = arith.index_cast %swap3A_1036 : i64 to index
      %swap3A_1039 = arith.index_cast %swap3A_1037 : i64 to index
      %swap3A_1040 = arith.constant 80 : index
      %swap3A_1041 = tpu.vector_load %arg11[%swap3A_1038, %swap3A_1039, %swap3A_1040] {strides = array<i32>} : memref<3x2x128xi32, #tpu.memory_space<vmem>>, vector<1x1x16xi32>,
      %swap3A_1042 = vector.shape_cast %swap3A_1041 : vector<1x1x16xi32> to vector<16xi32>
      %swap3A_1043 = vector.shape_cast %add3A_1035 : vector<16xi32> to vector<1x1x16xi32>
      tpu.vector_store %arg11[%swap3A_1038, %swap3A_1039, %swap3A_1040], %swap3A_1043 {strides = array<i32>} : memref<3x2x128xi32, #tpu.memory_space<vmem>>, vector<1x1x16xi32>,
      %get3A_1044 = arith.constant 96 : index
      %get3A_1045 = tpu.vector_load %arg9[%get3A_1044] {strides = array<i32>} : memref<256xi32, #tpu.memory_space<vmem>>, vector<16xi32>,
      %get3A_1046 = vector.shape_cast %get3A_1045 : vector<16xi32> to vector<16xi32>
      %get3A_1047 = arith.constant 96 : index
      %get3A_1048 = tpu.vector_load %arg10[%get3A_1047] {strides = array<i32>} : memref<256xi32, #tpu.memory_space<vmem>>, vector<16xi32>,
      %get3A_1049 = vector.shape_cast %get3A_1048 : vector<16xi32> to vector<16xi32>
      %mul3A_1050 = arith.constant 31337 : i32
      %mul3A_1051 = vector.broadcast %mul3A_1050 : i32 to vector<16xi32>
      %mul3A_1052 = arith.muli %get3A_1046, %mul3A_1051 : vector<16xi32>
      %convert_element_type3A_1053 = arith.sitofp %mul3A_1052 : vector<16xi32> to vector<16xf32>
      %mul3A_1054 = arith.constant 1.562500e-05 : f32
      %mul3A_1055 = vector.broadcast %mul3A_1054 : f32 to vector<16xf32>
      %mul3A_1056 = arith.mulf %convert_element_type3A_1053, %mul3A_1055 : vector<16xf32>
      %convert_element_type3A_1057 = arith.fptosi %mul3A_1056 : vector<16xf32> to vector<16xi32>
      %mul3A_1058 = arith.constant 64000 : i32
      %mul3A_1059 = vector.broadcast %mul3A_1058 : i32 to vector<16xi32>
      %mul3A_1060 = arith.muli %convert_element_type3A_1057, %mul3A_1059 : vector<16xi32>
      %sub3A_1061 = arith.subi %mul3A_1052, %mul3A_1060 : vector<16xi32>
      %lt3A_1062 = arith.constant 0 : i32
      %lt3A_1063 = vector.broadcast %lt3A_1062 : i32 to vector<16xi32>
      %lt3A_1064 = arith.cmpi slt, %sub3A_1061, %lt3A_1063 : vector<16xi32>
      %jit3A_1065 = arith.constant 64000 : i32
      %jit3A_1066 = arith.constant 0 : i32
      %broadcast_in_dim3A_1067 = vector.broadcast %jit3A_1065 : i32 to vector<16xi32>
      %broadcast_in_dim3A_1068 = vector.broadcast %jit3A_1066 : i32 to vector<16xi32>
      %select_n3A_1069 = arith.select %lt3A_1064, %broadcast_in_dim3A_1067, %broadcast_in_dim3A_1068 : vector<16xi1>, vector<16xi32>
      %add3A_1070 = arith.addi %sub3A_1061, %select_n3A_1069 : vector<16xi32>
      %ge3A_1071 = arith.constant 64000 : i32
      %ge3A_1072 = vector.broadcast %ge3A_1071 : i32 to vector<16xi32>
      %ge3A_1073 = arith.cmpi sge, %add3A_1070, %ge3A_1072 : vector<16xi32>
      %jit3A_1074 = arith.constant 64000 : i32
      %jit3A_1075 = arith.constant 0 : i32
      %broadcast_in_dim3A_1076 = vector.broadcast %jit3A_1074 : i32 to vector<16xi32>
      %broadcast_in_dim3A_1077 = vector.broadcast %jit3A_1075 : i32 to vector<16xi32>
      %select_n3A_1078 = arith.select %ge3A_1073, %broadcast_in_dim3A_1076, %broadcast_in_dim3A_1077 : vector<16xi1>, vector<16xi32>
      %sub3A_1079 = arith.subi %add3A_1070, %select_n3A_1078 : vector<16xi32>
      %mul3A_1080 = arith.constant 35769 : i32
      %mul3A_1081 = vector.broadcast %mul3A_1080 : i32 to vector<16xi32>
      %mul3A_1082 = arith.muli %get3A_1049, %mul3A_1081 : vector<16xi32>
      %convert_element_type3A_1083 = arith.sitofp %mul3A_1082 : vector<16xi32> to vector<16xf32>
      %mul3A_1084 = arith.constant 1.562500e-05 : f32
      %mul3A_1085 = vector.broadcast %mul3A_1084 : f32 to vector<16xf32>
      %mul3A_1086 = arith.mulf %convert_element_type3A_1083, %mul3A_1085 : vector<16xf32>
      %convert_element_type3A_1087 = arith.fptosi %mul3A_1086 : vector<16xf32> to vector<16xi32>
      %mul3A_1088 = arith.constant 64000 : i32
      %mul3A_1089 = vector.broadcast %mul3A_1088 : i32 to vector<16xi32>
      %mul3A_1090 = arith.muli %convert_element_type3A_1087, %mul3A_1089 : vector<16xi32>
      %sub3A_1091 = arith.subi %mul3A_1082, %mul3A_1090 : vector<16xi32>
      %lt3A_1092 = arith.constant 0 : i32
      %lt3A_1093 = vector.broadcast %lt3A_1092 : i32 to vector<16xi32>
      %lt3A_1094 = arith.cmpi slt, %sub3A_1091, %lt3A_1093 : vector<16xi32>
      %jit3A_1095 = arith.constant 64000 : i32
      %jit3A_1096 = arith.constant 0 : i32
      %broadcast_in_dim3A_1097 = vector.broadcast %jit3A_1095 : i32 to vector<16xi32>
      %broadcast_in_dim3A_1098 = vector.broadcast %jit3A_1096 : i32 to vector<16xi32>
      %select_n3A_1099 = arith.select %lt3A_1094, %broadcast_in_dim3A_1097, %broadcast_in_dim3A_1098 : vector<16xi1>, vector<16xi32>
      %add3A_1100 = arith.addi %sub3A_1091, %select_n3A_1099 : vector<16xi32>
      %ge3A_1101 = arith.constant 64000 : i32
      %ge3A_1102 = vector.broadcast %ge3A_1101 : i32 to vector<16xi32>
      %ge3A_1103 = arith.cmpi sge, %add3A_1100, %ge3A_1102 : vector<16xi32>
      %jit3A_1104 = arith.constant 64000 : i32
      %jit3A_1105 = arith.constant 0 : i32
      %broadcast_in_dim3A_1106 = vector.broadcast %jit3A_1104 : i32 to vector<16xi32>
      %broadcast_in_dim3A_1107 = vector.broadcast %jit3A_1105 : i32 to vector<16xi32>
      %select_n3A_1108 = arith.select %ge3A_1103, %broadcast_in_dim3A_1106, %broadcast_in_dim3A_1107 : vector<16xi1>, vector<16xi32>
      %sub3A_1109 = arith.subi %add3A_1100, %select_n3A_1108 : vector<16xi32>
      %add3A_1110 = arith.addi %sub3A_1079, %sub3A_1109 : vector<16xi32>
      %add3A_1111 = arith.addi %add3A_1110, %sub3A_26 : vector<16xi32>
      %ge3A_1112 = arith.constant 64000 : i32
      %ge3A_1113 = vector.broadcast %ge3A_1112 : i32 to vector<16xi32>
      %ge3A_1114 = arith.cmpi sge, %add3A_1111, %ge3A_1113 : vector<16xi32>
      %jit3A_1115 = arith.constant 64000 : i32
      %jit3A_1116 = arith.constant 0 : i32
      %broadcast_in_dim3A_1117 = vector.broadcast %jit3A_1115 : i32 to vector<16xi32>
      %broadcast_in_dim3A_1118 = vector.broadcast %jit3A_1116 : i32 to vector<16xi32>
      %select_n3A_1119 = arith.select %ge3A_1114, %broadcast_in_dim3A_1117, %broadcast_in_dim3A_1118 : vector<16xi1>, vector<16xi32>
      %sub3A_1120 = arith.subi %add3A_1111, %select_n3A_1119 : vector<16xi32>
      %ge3A_1121 = arith.constant 64000 : i32
      %ge3A_1122 = vector.broadcast %ge3A_1121 : i32 to vector<16xi32>
      %ge3A_1123 = arith.cmpi sge, %sub3A_1120, %ge3A_1122 : vector<16xi32>
      %jit3A_1124 = arith.constant 64000 : i32
      %jit3A_1125 = arith.constant 0 : i32
      %broadcast_in_dim3A_1126 = vector.broadcast %jit3A_1124 : i32 to vector<16xi32>
      %broadcast_in_dim3A_1127 = vector.broadcast %jit3A_1125 : i32 to vector<16xi32>
      %select_n3A_1128 = arith.select %ge3A_1123, %broadcast_in_dim3A_1126, %broadcast_in_dim3A_1127 : vector<16xi1>, vector<16xi32>
      %sub3A_1129 = arith.subi %sub3A_1120, %select_n3A_1128 : vector<16xi32>
      %add3A_1130 = arith.constant 0 : i32
      %add3A_1131 = vector.broadcast %add3A_1130 : i32 to vector<16xi32>
      %add3A_1132 = arith.addi %sub3A_1129, %add3A_1131 : vector<16xi32>
      %swap3A_1133 = arith.constant 0 : i64
      %swap3A_1134 = arith.constant 0 : i64
      %swap3A_1135 = arith.index_cast %swap3A_1133 : i64 to index
      %swap3A_1136 = arith.index_cast %swap3A_1134 : i64 to index
      %swap3A_1137 = arith.constant 96 : index
      %swap3A_1138 = tpu.vector_load %arg11[%swap3A_1135, %swap3A_1136, %swap3A_1137] {strides = array<i32>} : memref<3x2x128xi32, #tpu.memory_space<vmem>>, vector<1x1x16xi32>,
      %swap3A_1139 = vector.shape_cast %swap3A_1138 : vector<1x1x16xi32> to vector<16xi32>
      %swap3A_1140 = vector.shape_cast %add3A_1132 : vector<16xi32> to vector<1x1x16xi32>
      tpu.vector_store %arg11[%swap3A_1135, %swap3A_1136, %swap3A_1137], %swap3A_1140 {strides = array<i32>} : memref<3x2x128xi32, #tpu.memory_space<vmem>>, vector<1x1x16xi32>,
      %add3A_1141 = arith.addi %sub3A_1079, %sub3A_1109 : vector<16xi32>
      %add3A_1142 = arith.addi %add3A_1141, %sub3A_58 : vector<16xi32>
      %ge3A_1143 = arith.constant 64000 : i32
      %ge3A_1144 = vector.broadcast %ge3A_1143 : i32 to vector<16xi32>
      %ge3A_1145 = arith.cmpi sge, %add3A_1142, %ge3A_1144 : vector<16xi32>
      %jit3A_1146 = arith.constant 64000 : i32
      %jit3A_1147 = arith.constant 0 : i32
      %broadcast_in_dim3A_1148 = vector.broadcast %jit3A_1146 : i32 to vector<16xi32>
      %broadcast_in_dim3A_1149 = vector.broadcast %jit3A_1147 : i32 to vector<16xi32>
      %select_n3A_1150 = arith.select %ge3A_1145, %broadcast_in_dim3A_1148, %broadcast_in_dim3A_1149 : vector<16xi1>, vector<16xi32>
      %sub3A_1151 = arith.subi %add3A_1142, %select_n3A_1150 : vector<16xi32>
      %ge3A_1152 = arith.constant 64000 : i32
      %ge3A_1153 = vector.broadcast %ge3A_1152 : i32 to vector<16xi32>
      %ge3A_1154 = arith.cmpi sge, %sub3A_1151, %ge3A_1153 : vector<16xi32>
      %jit3A_1155 = arith.constant 64000 : i32
      %jit3A_1156 = arith.constant 0 : i32
      %broadcast_in_dim3A_1157 = vector.broadcast %jit3A_1155 : i32 to vector<16xi32>
      %broadcast_in_dim3A_1158 = vector.broadcast %jit3A_1156 : i32 to vector<16xi32>
      %select_n3A_1159 = arith.select %ge3A_1154, %broadcast_in_dim3A_1157, %broadcast_in_dim3A_1158 : vector<16xi1>, vector<16xi32>
      %sub3A_1160 = arith.subi %sub3A_1151, %select_n3A_1159 : vector<16xi32>
      %add3A_1161 = arith.constant 64000 : i32
      %add3A_1162 = vector.broadcast %add3A_1161 : i32 to vector<16xi32>
      %add3A_1163 = arith.addi %sub3A_1160, %add3A_1162 : vector<16xi32>
      %swap3A_1164 = arith.constant 1 : i64
      %swap3A_1165 = arith.constant 0 : i64
      %swap3A_1166 = arith.index_cast %swap3A_1164 : i64 to index
      %swap3A_1167 = arith.index_cast %swap3A_1165 : i64 to index
      %swap3A_1168 = arith.constant 96 : index
      %swap3A_1169 = tpu.vector_load %arg11[%swap3A_1166, %swap3A_1167, %swap3A_1168] {strides = array<i32>} : memref<3x2x128xi32, #tpu.memory_space<vmem>>, vector<1x1x16xi32>,
      %swap3A_1170 = vector.shape_cast %swap3A_1169 : vector<1x1x16xi32> to vector<16xi32>
      %swap3A_1171 = vector.shape_cast %add3A_1163 : vector<16xi32> to vector<1x1x16xi32>
      tpu.vector_store %arg11[%swap3A_1166, %swap3A_1167, %swap3A_1168], %swap3A_1171 {strides = array<i32>} : memref<3x2x128xi32, #tpu.memory_space<vmem>>, vector<1x1x16xi32>,
      %add3A_1172 = arith.addi %sub3A_1079, %sub3A_1109 : vector<16xi32>
      %add3A_1173 = arith.addi %add3A_1172, %sub3A_90 : vector<16xi32>
      %ge3A_1174 = arith.constant 64000 : i32
      %ge3A_1175 = vector.broadcast %ge3A_1174 : i32 to vector<16xi32>
      %ge3A_1176 = arith.cmpi sge, %add3A_1173, %ge3A_1175 : vector<16xi32>
      %jit3A_1177 = arith.constant 64000 : i32
      %jit3A_1178 = arith.constant 0 : i32
      %broadcast_in_dim3A_1179 = vector.broadcast %jit3A_1177 : i32 to vector<16xi32>
      %broadcast_in_dim3A_1180 = vector.broadcast %jit3A_1178 : i32 to vector<16xi32>
      %select_n3A_1181 = arith.select %ge3A_1176, %broadcast_in_dim3A_1179, %broadcast_in_dim3A_1180 : vector<16xi1>, vector<16xi32>
      %sub3A_1182 = arith.subi %add3A_1173, %select_n3A_1181 : vector<16xi32>
      %ge3A_1183 = arith.constant 64000 : i32
      %ge3A_1184 = vector.broadcast %ge3A_1183 : i32 to vector<16xi32>
      %ge3A_1185 = arith.cmpi sge, %sub3A_1182, %ge3A_1184 : vector<16xi32>
      %jit3A_1186 = arith.constant 64000 : i32
      %jit3A_1187 = arith.constant 0 : i32
      %broadcast_in_dim3A_1188 = vector.broadcast %jit3A_1186 : i32 to vector<16xi32>
      %broadcast_in_dim3A_1189 = vector.broadcast %jit3A_1187 : i32 to vector<16xi32>
      %select_n3A_1190 = arith.select %ge3A_1185, %broadcast_in_dim3A_1188, %broadcast_in_dim3A_1189 : vector<16xi1>, vector<16xi32>
      %sub3A_1191 = arith.subi %sub3A_1182, %select_n3A_1190 : vector<16xi32>
      %add3A_1192 = arith.constant 128000 : i32
      %add3A_1193 = vector.broadcast %add3A_1192 : i32 to vector<16xi32>
      %add3A_1194 = arith.addi %sub3A_1191, %add3A_1193 : vector<16xi32>
      %swap3A_1195 = arith.constant 2 : i64
      %swap3A_1196 = arith.constant 0 : i64
      %swap3A_1197 = arith.index_cast %swap3A_1195 : i64 to index
      %swap3A_1198 = arith.index_cast %swap3A_1196 : i64 to index
      %swap3A_1199 = arith.constant 96 : index
      %swap3A_1200 = tpu.vector_load %arg11[%swap3A_1197, %swap3A_1198, %swap3A_1199] {strides = array<i32>} : memref<3x2x128xi32, #tpu.memory_space<vmem>>, vector<1x1x16xi32>,
      %swap3A_1201 = vector.shape_cast %swap3A_1200 : vector<1x1x16xi32> to vector<16xi32>
      %swap3A_1202 = vector.shape_cast %add3A_1194 : vector<16xi32> to vector<1x1x16xi32>
      tpu.vector_store %arg11[%swap3A_1197, %swap3A_1198, %swap3A_1199], %swap3A_1202 {strides = array<i32>} : memref<3x2x128xi32, #tpu.memory_space<vmem>>, vector<1x1x16xi32>,
      %get3A_1203 = arith.constant 112 : index
      %get3A_1204 = tpu.vector_load %arg9[%get3A_1203] {strides = array<i32>} : memref<256xi32, #tpu.memory_space<vmem>>, vector<16xi32>,
      %get3A_1205 = vector.shape_cast %get3A_1204 : vector<16xi32> to vector<16xi32>
      %get3A_1206 = arith.constant 112 : index
      %get3A_1207 = tpu.vector_load %arg10[%get3A_1206] {strides = array<i32>} : memref<256xi32, #tpu.memory_space<vmem>>, vector<16xi32>,
      %get3A_1208 = vector.shape_cast %get3A_1207 : vector<16xi32> to vector<16xi32>
      %mul3A_1209 = arith.constant 31337 : i32
      %mul3A_1210 = vector.broadcast %mul3A_1209 : i32 to vector<16xi32>
      %mul3A_1211 = arith.muli %get3A_1205, %mul3A_1210 : vector<16xi32>
      %convert_element_type3A_1212 = arith.sitofp %mul3A_1211 : vector<16xi32> to vector<16xf32>
      %mul3A_1213 = arith.constant 1.562500e-05 : f32
      %mul3A_1214 = vector.broadcast %mul3A_1213 : f32 to vector<16xf32>
      %mul3A_1215 = arith.mulf %convert_element_type3A_1212, %mul3A_1214 : vector<16xf32>
      %convert_element_type3A_1216 = arith.fptosi %mul3A_1215 : vector<16xf32> to vector<16xi32>
      %mul3A_1217 = arith.constant 64000 : i32
      %mul3A_1218 = vector.broadcast %mul3A_1217 : i32 to vector<16xi32>
      %mul3A_1219 = arith.muli %convert_element_type3A_1216, %mul3A_1218 : vector<16xi32>
      %sub3A_1220 = arith.subi %mul3A_1211, %mul3A_1219 : vector<16xi32>
      %lt3A_1221 = arith.constant 0 : i32
      %lt3A_1222 = vector.broadcast %lt3A_1221 : i32 to vector<16xi32>
      %lt3A_1223 = arith.cmpi slt, %sub3A_1220, %lt3A_1222 : vector<16xi32>
      %jit3A_1224 = arith.constant 64000 : i32
      %jit3A_1225 = arith.constant 0 : i32
      %broadcast_in_dim3A_1226 = vector.broadcast %jit3A_1224 : i32 to vector<16xi32>
      %broadcast_in_dim3A_1227 = vector.broadcast %jit3A_1225 : i32 to vector<16xi32>
      %select_n3A_1228 = arith.select %lt3A_1223, %broadcast_in_dim3A_1226, %broadcast_in_dim3A_1227 : vector<16xi1>, vector<16xi32>
      %add3A_1229 = arith.addi %sub3A_1220, %select_n3A_1228 : vector<16xi32>
      %ge3A_1230 = arith.constant 64000 : i32
      %ge3A_1231 = vector.broadcast %ge3A_1230 : i32 to vector<16xi32>
      %ge3A_1232 = arith.cmpi sge, %add3A_1229, %ge3A_1231 : vector<16xi32>
      %jit3A_1233 = arith.constant 64000 : i32
      %jit3A_1234 = arith.constant 0 : i32
      %broadcast_in_dim3A_1235 = vector.broadcast %jit3A_1233 : i32 to vector<16xi32>
      %broadcast_in_dim3A_1236 = vector.broadcast %jit3A_1234 : i32 to vector<16xi32>
      %select_n3A_1237 = arith.select %ge3A_1232, %broadcast_in_dim3A_1235, %broadcast_in_dim3A_1236 : vector<16xi1>, vector<16xi32>
      %sub3A_1238 = arith.subi %add3A_1229, %select_n3A_1237 : vector<16xi32>
      %mul3A_1239 = arith.constant 35769 : i32
      %mul3A_1240 = vector.broadcast %mul3A_1239 : i32 to vector<16xi32>
      %mul3A_1241 = arith.muli %get3A_1208, %mul3A_1240 : vector<16xi32>
      %convert_element_type3A_1242 = arith.sitofp %mul3A_1241 : vector<16xi32> to vector<16xf32>
      %mul3A_1243 = arith.constant 1.562500e-05 : f32
      %mul3A_1244 = vector.broadcast %mul3A_1243 : f32 to vector<16xf32>
      %mul3A_1245 = arith.mulf %convert_element_type3A_1242, %mul3A_1244 : vector<16xf32>
      %convert_element_type3A_1246 = arith.fptosi %mul3A_1245 : vector<16xf32> to vector<16xi32>
      %mul3A_1247 = arith.constant 64000 : i32
      %mul3A_1248 = vector.broadcast %mul3A_1247 : i32 to vector<16xi32>
      %mul3A_1249 = arith.muli %convert_element_type3A_1246, %mul3A_1248 : vector<16xi32>
      %sub3A_1250 = arith.subi %mul3A_1241, %mul3A_1249 : vector<16xi32>
      %lt3A_1251 = arith.constant 0 : i32
      %lt3A_1252 = vector.broadcast %lt3A_1251 : i32 to vector<16xi32>
      %lt3A_1253 = arith.cmpi slt, %sub3A_1250, %lt3A_1252 : vector<16xi32>
      %jit3A_1254 = arith.constant 64000 : i32
      %jit3A_1255 = arith.constant 0 : i32
      %broadcast_in_dim3A_1256 = vector.broadcast %jit3A_1254 : i32 to vector<16xi32>
      %broadcast_in_dim3A_1257 = vector.broadcast %jit3A_1255 : i32 to vector<16xi32>
      %select_n3A_1258 = arith.select %lt3A_1253, %broadcast_in_dim3A_1256, %broadcast_in_dim3A_1257 : vector<16xi1>, vector<16xi32>
      %add3A_1259 = arith.addi %sub3A_1250, %select_n3A_1258 : vector<16xi32>
      %ge3A_1260 = arith.constant 64000 : i32
      %ge3A_1261 = vector.broadcast %ge3A_1260 : i32 to vector<16xi32>
      %ge3A_1262 = arith.cmpi sge, %add3A_1259, %ge3A_1261 : vector<16xi32>
      %jit3A_1263 = arith.constant 64000 : i32
      %jit3A_1264 = arith.constant 0 : i32
      %broadcast_in_dim3A_1265 = vector.broadcast %jit3A_1263 : i32 to vector<16xi32>
      %broadcast_in_dim3A_1266 = vector.broadcast %jit3A_1264 : i32 to vector<16xi32>
      %select_n3A_1267 = arith.select %ge3A_1262, %broadcast_in_dim3A_1265, %broadcast_in_dim3A_1266 : vector<16xi1>, vector<16xi32>
      %sub3A_1268 = arith.subi %add3A_1259, %select_n3A_1267 : vector<16xi32>
      %add3A_1269 = arith.addi %sub3A_1238, %sub3A_1268 : vector<16xi32>
      %add3A_1270 = arith.addi %add3A_1269, %sub3A_26 : vector<16xi32>
      %ge3A_1271 = arith.constant 64000 : i32
      %ge3A_1272 = vector.broadcast %ge3A_1271 : i32 to vector<16xi32>
      %ge3A_1273 = arith.cmpi sge, %add3A_1270, %ge3A_1272 : vector<16xi32>
      %jit3A_1274 = arith.constant 64000 : i32
      %jit3A_1275 = arith.constant 0 : i32
      %broadcast_in_dim3A_1276 = vector.broadcast %jit3A_1274 : i32 to vector<16xi32>
      %broadcast_in_dim3A_1277 = vector.broadcast %jit3A_1275 : i32 to vector<16xi32>
      %select_n3A_1278 = arith.select %ge3A_1273, %broadcast_in_dim3A_1276, %broadcast_in_dim3A_1277 : vector<16xi1>, vector<16xi32>
      %sub3A_1279 = arith.subi %add3A_1270, %select_n3A_1278 : vector<16xi32>
      %ge3A_1280 = arith.constant 64000 : i32
      %ge3A_1281 = vector.broadcast %ge3A_1280 : i32 to vector<16xi32>
      %ge3A_1282 = arith.cmpi sge, %sub3A_1279, %ge3A_1281 : vector<16xi32>
      %jit3A_1283 = arith.constant 64000 : i32
      %jit3A_1284 = arith.constant 0 : i32
      %broadcast_in_dim3A_1285 = vector.broadcast %jit3A_1283 : i32 to vector<16xi32>
      %broadcast_in_dim3A_1286 = vector.broadcast %jit3A_1284 : i32 to vector<16xi32>
      %select_n3A_1287 = arith.select %ge3A_1282, %broadcast_in_dim3A_1285, %broadcast_in_dim3A_1286 : vector<16xi1>, vector<16xi32>
      %sub3A_1288 = arith.subi %sub3A_1279, %select_n3A_1287 : vector<16xi32>
      %add3A_1289 = arith.constant 0 : i32
      %add3A_1290 = vector.broadcast %add3A_1289 : i32 to vector<16xi32>
      %add3A_1291 = arith.addi %sub3A_1288, %add3A_1290 : vector<16xi32>
      %swap3A_1292 = arith.constant 0 : i64
      %swap3A_1293 = arith.constant 0 : i64
      %swap3A_1294 = arith.index_cast %swap3A_1292 : i64 to index
      %swap3A_1295 = arith.index_cast %swap3A_1293 : i64 to index
      %swap3A_1296 = arith.constant 112 : index
      %swap3A_1297 = tpu.vector_load %arg11[%swap3A_1294, %swap3A_1295, %swap3A_1296] {strides = array<i32>} : memref<3x2x128xi32, #tpu.memory_space<vmem>>, vector<1x1x16xi32>,
      %swap3A_1298 = vector.shape_cast %swap3A_1297 : vector<1x1x16xi32> to vector<16xi32>
      %swap3A_1299 = vector.shape_cast %add3A_1291 : vector<16xi32> to vector<1x1x16xi32>
      tpu.vector_store %arg11[%swap3A_1294, %swap3A_1295, %swap3A_1296], %swap3A_1299 {strides = array<i32>} : memref<3x2x128xi32, #tpu.memory_space<vmem>>, vector<1x1x16xi32>,
      %add3A_1300 = arith.addi %sub3A_1238, %sub3A_1268 : vector<16xi32>
      %add3A_1301 = arith.addi %add3A_1300, %sub3A_58 : vector<16xi32>
      %ge3A_1302 = arith.constant 64000 : i32
      %ge3A_1303 = vector.broadcast %ge3A_1302 : i32 to vector<16xi32>
      %ge3A_1304 = arith.cmpi sge, %add3A_1301, %ge3A_1303 : vector<16xi32>
      %jit3A_1305 = arith.constant 64000 : i32
      %jit3A_1306 = arith.constant 0 : i32
      %broadcast_in_dim3A_1307 = vector.broadcast %jit3A_1305 : i32 to vector<16xi32>
      %broadcast_in_dim3A_1308 = vector.broadcast %jit3A_1306 : i32 to vector<16xi32>
      %select_n3A_1309 = arith.select %ge3A_1304, %broadcast_in_dim3A_1307, %broadcast_in_dim3A_1308 : vector<16xi1>, vector<16xi32>
      %sub3A_1310 = arith.subi %add3A_1301, %select_n3A_1309 : vector<16xi32>
      %ge3A_1311 = arith.constant 64000 : i32
      %ge3A_1312 = vector.broadcast %ge3A_1311 : i32 to vector<16xi32>
      %ge3A_1313 = arith.cmpi sge, %sub3A_1310, %ge3A_1312 : vector<16xi32>
      %jit3A_1314 = arith.constant 64000 : i32
      %jit3A_1315 = arith.constant 0 : i32
      %broadcast_in_dim3A_1316 = vector.broadcast %jit3A_1314 : i32 to vector<16xi32>
      %broadcast_in_dim3A_1317 = vector.broadcast %jit3A_1315 : i32 to vector<16xi32>
      %select_n3A_1318 = arith.select %ge3A_1313, %broadcast_in_dim3A_1316, %broadcast_in_dim3A_1317 : vector<16xi1>, vector<16xi32>
      %sub3A_1319 = arith.subi %sub3A_1310, %select_n3A_1318 : vector<16xi32>
      %add3A_1320 = arith.constant 64000 : i32
      %add3A_1321 = vector.broadcast %add3A_1320 : i32 to vector<16xi32>
      %add3A_1322 = arith.addi %sub3A_1319, %add3A_1321 : vector<16xi32>
      %swap3A_1323 = arith.constant 1 : i64
      %swap3A_1324 = arith.constant 0 : i64
      %swap3A_1325 = arith.index_cast %swap3A_1323 : i64 to index
      %swap3A_1326 = arith.index_cast %swap3A_1324 : i64 to index
      %swap3A_1327 = arith.constant 112 : index
      %swap3A_1328 = tpu.vector_load %arg11[%swap3A_1325, %swap3A_1326, %swap3A_1327] {strides = array<i32>} : memref<3x2x128xi32, #tpu.memory_space<vmem>>, vector<1x1x16xi32>,
      %swap3A_1329 = vector.shape_cast %swap3A_1328 : vector<1x1x16xi32> to vector<16xi32>
      %swap3A_1330 = vector.shape_cast %add3A_1322 : vector<16xi32> to vector<1x1x16xi32>
      tpu.vector_store %arg11[%swap3A_1325, %swap3A_1326, %swap3A_1327], %swap3A_1330 {strides = array<i32>} : memref<3x2x128xi32, #tpu.memory_space<vmem>>, vector<1x1x16xi32>,
      %add3A_1331 = arith.addi %sub3A_1238, %sub3A_1268 : vector<16xi32>
      %add3A_1332 = arith.addi %add3A_1331, %sub3A_90 : vector<16xi32>
      %ge3A_1333 = arith.constant 64000 : i32
      %ge3A_1334 = vector.broadcast %ge3A_1333 : i32 to vector<16xi32>
      %ge3A_1335 = arith.cmpi sge, %add3A_1332, %ge3A_1334 : vector<16xi32>
      %jit3A_1336 = arith.constant 64000 : i32
      %jit3A_1337 = arith.constant 0 : i32
      %broadcast_in_dim3A_1338 = vector.broadcast %jit3A_1336 : i32 to vector<16xi32>
      %broadcast_in_dim3A_1339 = vector.broadcast %jit3A_1337 : i32 to vector<16xi32>
      %select_n3A_1340 = arith.select %ge3A_1335, %broadcast_in_dim3A_1338, %broadcast_in_dim3A_1339 : vector<16xi1>, vector<16xi32>
      %sub3A_1341 = arith.subi %add3A_1332, %select_n3A_1340 : vector<16xi32>
      %ge3A_1342 = arith.constant 64000 : i32
      %ge3A_1343 = vector.broadcast %ge3A_1342 : i32 to vector<16xi32>
      %ge3A_1344 = arith.cmpi sge, %sub3A_1341, %ge3A_1343 : vector<16xi32>
      %jit3A_1345 = arith.constant 64000 : i32
      %jit3A_1346 = arith.constant 0 : i32
      %broadcast_in_dim3A_1347 = vector.broadcast %jit3A_1345 : i32 to vector<16xi32>
      %broadcast_in_dim3A_1348 = vector.broadcast %jit3A_1346 : i32 to vector<16xi32>
      %select_n3A_1349 = arith.select %ge3A_1344, %broadcast_in_dim3A_1347, %broadcast_in_dim3A_1348 : vector<16xi1>, vector<16xi32>
      %sub3A_1350 = arith.subi %sub3A_1341, %select_n3A_1349 : vector<16xi32>
      %add3A_1351 = arith.constant 128000 : i32
      %add3A_1352 = vector.broadcast %add3A_1351 : i32 to vector<16xi32>
      %add3A_1353 = arith.addi %sub3A_1350, %add3A_1352 : vector<16xi32>
      %swap3A_1354 = arith.constant 2 : i64
      %swap3A_1355 = arith.constant 0 : i64
      %swap3A_1356 = arith.index_cast %swap3A_1354 : i64 to index
      %swap3A_1357 = arith.index_cast %swap3A_1355 : i64 to index
      %swap3A_1358 = arith.constant 112 : index
      %swap3A_1359 = tpu.vector_load %arg11[%swap3A_1356, %swap3A_1357, %swap3A_1358] {strides = array<i32>} : memref<3x2x128xi32, #tpu.memory_space<vmem>>, vector<1x1x16xi32>,
      %swap3A_1360 = vector.shape_cast %swap3A_1359 : vector<1x1x16xi32> to vector<16xi32>
      %swap3A_1361 = vector.shape_cast %add3A_1353 : vector<16xi32> to vector<1x1x16xi32>
      tpu.vector_store %arg11[%swap3A_1356, %swap3A_1357, %swap3A_1358], %swap3A_1361 {strides = array<i32>} : memref<3x2x128xi32, #tpu.memory_space<vmem>>, vector<1x1x16xi32>,
      %get3A_1362 = arith.constant 128 : index
      %get3A_1363 = tpu.vector_load %arg9[%get3A_1362] {strides = array<i32>} : memref<256xi32, #tpu.memory_space<vmem>>, vector<16xi32>,
      %get3A_1364 = vector.shape_cast %get3A_1363 : vector<16xi32> to vector<16xi32>
      %get3A_1365 = arith.constant 128 : index
      %get3A_1366 = tpu.vector_load %arg10[%get3A_1365] {strides = array<i32>} : memref<256xi32, #tpu.memory_space<vmem>>, vector<16xi32>,
      %get3A_1367 = vector.shape_cast %get3A_1366 : vector<16xi32> to vector<16xi32>
      %mul3A_1368 = arith.constant 31337 : i32
      %mul3A_1369 = vector.broadcast %mul3A_1368 : i32 to vector<16xi32>
      %mul3A_1370 = arith.muli %get3A_1364, %mul3A_1369 : vector<16xi32>
      %convert_element_type3A_1371 = arith.sitofp %mul3A_1370 : vector<16xi32> to vector<16xf32>
      %mul3A_1372 = arith.constant 1.562500e-05 : f32
      %mul3A_1373 = vector.broadcast %mul3A_1372 : f32 to vector<16xf32>
      %mul3A_1374 = arith.mulf %convert_element_type3A_1371, %mul3A_1373 : vector<16xf32>
      %convert_element_type3A_1375 = arith.fptosi %mul3A_1374 : vector<16xf32> to vector<16xi32>
      %mul3A_1376 = arith.constant 64000 : i32
      %mul3A_1377 = vector.broadcast %mul3A_1376 : i32 to vector<16xi32>
      %mul3A_1378 = arith.muli %convert_element_type3A_1375, %mul3A_1377 : vector<16xi32>
      %sub3A_1379 = arith.subi %mul3A_1370, %mul3A_1378 : vector<16xi32>
      %lt3A_1380 = arith.constant 0 : i32
      %lt3A_1381 = vector.broadcast %lt3A_1380 : i32 to vector<16xi32>
      %lt3A_1382 = arith.cmpi slt, %sub3A_1379, %lt3A_1381 : vector<16xi32>
      %jit3A_1383 = arith.constant 64000 : i32
      %jit3A_1384 = arith.constant 0 : i32
      %broadcast_in_dim3A_1385 = vector.broadcast %jit3A_1383 : i32 to vector<16xi32>
      %broadcast_in_dim3A_1386 = vector.broadcast %jit3A_1384 : i32 to vector<16xi32>
      %select_n3A_1387 = arith.select %lt3A_1382, %broadcast_in_dim3A_1385, %broadcast_in_dim3A_1386 : vector<16xi1>, vector<16xi32>
      %add3A_1388 = arith.addi %sub3A_1379, %select_n3A_1387 : vector<16xi32>
      %ge3A_1389 = arith.constant 64000 : i32
      %ge3A_1390 = vector.broadcast %ge3A_1389 : i32 to vector<16xi32>
      %ge3A_1391 = arith.cmpi sge, %add3A_1388, %ge3A_1390 : vector<16xi32>
      %jit3A_1392 = arith.constant 64000 : i32
      %jit3A_1393 = arith.constant 0 : i32
      %broadcast_in_dim3A_1394 = vector.broadcast %jit3A_1392 : i32 to vector<16xi32>
      %broadcast_in_dim3A_1395 = vector.broadcast %jit3A_1393 : i32 to vector<16xi32>
      %select_n3A_1396 = arith.select %ge3A_1391, %broadcast_in_dim3A_1394, %broadcast_in_dim3A_1395 : vector<16xi1>, vector<16xi32>
      %sub3A_1397 = arith.subi %add3A_1388, %select_n3A_1396 : vector<16xi32>
      %mul3A_1398 = arith.constant 35769 : i32
      %mul3A_1399 = vector.broadcast %mul3A_1398 : i32 to vector<16xi32>
      %mul3A_1400 = arith.muli %get3A_1367, %mul3A_1399 : vector<16xi32>
      %convert_element_type3A_1401 = arith.sitofp %mul3A_1400 : vector<16xi32> to vector<16xf32>
      %mul3A_1402 = arith.constant 1.562500e-05 : f32
      %mul3A_1403 = vector.broadcast %mul3A_1402 : f32 to vector<16xf32>
      %mul3A_1404 = arith.mulf %convert_element_type3A_1401, %mul3A_1403 : vector<16xf32>
      %convert_element_type3A_1405 = arith.fptosi %mul3A_1404 : vector<16xf32> to vector<16xi32>
      %mul3A_1406 = arith.constant 64000 : i32
      %mul3A_1407 = vector.broadcast %mul3A_1406 : i32 to vector<16xi32>
      %mul3A_1408 = arith.muli %convert_element_type3A_1405, %mul3A_1407 : vector<16xi32>
      %sub3A_1409 = arith.subi %mul3A_1400, %mul3A_1408 : vector<16xi32>
      %lt3A_1410 = arith.constant 0 : i32
      %lt3A_1411 = vector.broadcast %lt3A_1410 : i32 to vector<16xi32>
      %lt3A_1412 = arith.cmpi slt, %sub3A_1409, %lt3A_1411 : vector<16xi32>
      %jit3A_1413 = arith.constant 64000 : i32
      %jit3A_1414 = arith.constant 0 : i32
      %broadcast_in_dim3A_1415 = vector.broadcast %jit3A_1413 : i32 to vector<16xi32>
      %broadcast_in_dim3A_1416 = vector.broadcast %jit3A_1414 : i32 to vector<16xi32>
      %select_n3A_1417 = arith.select %lt3A_1412, %broadcast_in_dim3A_1415, %broadcast_in_dim3A_1416 : vector<16xi1>, vector<16xi32>
      %add3A_1418 = arith.addi %sub3A_1409, %select_n3A_1417 : vector<16xi32>
      %ge3A_1419 = arith.constant 64000 : i32
      %ge3A_1420 = vector.broadcast %ge3A_1419 : i32 to vector<16xi32>
      %ge3A_1421 = arith.cmpi sge, %add3A_1418, %ge3A_1420 : vector<16xi32>
      %jit3A_1422 = arith.constant 64000 : i32
      %jit3A_1423 = arith.constant 0 : i32
      %broadcast_in_dim3A_1424 = vector.broadcast %jit3A_1422 : i32 to vector<16xi32>
      %broadcast_in_dim3A_1425 = vector.broadcast %jit3A_1423 : i32 to vector<16xi32>
      %select_n3A_1426 = arith.select %ge3A_1421, %broadcast_in_dim3A_1424, %broadcast_in_dim3A_1425 : vector<16xi1>, vector<16xi32>
      %sub3A_1427 = arith.subi %add3A_1418, %select_n3A_1426 : vector<16xi32>
      %add3A_1428 = arith.addi %sub3A_1397, %sub3A_1427 : vector<16xi32>
      %add3A_1429 = arith.addi %add3A_1428, %sub3A_26 : vector<16xi32>
      %ge3A_1430 = arith.constant 64000 : i32
      %ge3A_1431 = vector.broadcast %ge3A_1430 : i32 to vector<16xi32>
      %ge3A_1432 = arith.cmpi sge, %add3A_1429, %ge3A_1431 : vector<16xi32>
      %jit3A_1433 = arith.constant 64000 : i32
      %jit3A_1434 = arith.constant 0 : i32
      %broadcast_in_dim3A_1435 = vector.broadcast %jit3A_1433 : i32 to vector<16xi32>
      %broadcast_in_dim3A_1436 = vector.broadcast %jit3A_1434 : i32 to vector<16xi32>
      %select_n3A_1437 = arith.select %ge3A_1432, %broadcast_in_dim3A_1435, %broadcast_in_dim3A_1436 : vector<16xi1>, vector<16xi32>
      %sub3A_1438 = arith.subi %add3A_1429, %select_n3A_1437 : vector<16xi32>
      %ge3A_1439 = arith.constant 64000 : i32
      %ge3A_1440 = vector.broadcast %ge3A_1439 : i32 to vector<16xi32>
      %ge3A_1441 = arith.cmpi sge, %sub3A_1438, %ge3A_1440 : vector<16xi32>
      %jit3A_1442 = arith.constant 64000 : i32
      %jit3A_1443 = arith.constant 0 : i32
      %broadcast_in_dim3A_1444 = vector.broadcast %jit3A_1442 : i32 to vector<16xi32>
      %broadcast_in_dim3A_1445 = vector.broadcast %jit3A_1443 : i32 to vector<16xi32>
      %select_n3A_1446 = arith.select %ge3A_1441, %broadcast_in_dim3A_1444, %broadcast_in_dim3A_1445 : vector<16xi1>, vector<16xi32>
      %sub3A_1447 = arith.subi %sub3A_1438, %select_n3A_1446 : vector<16xi32>
      %add3A_1448 = arith.constant 0 : i32
      %add3A_1449 = vector.broadcast %add3A_1448 : i32 to vector<16xi32>
      %add3A_1450 = arith.addi %sub3A_1447, %add3A_1449 : vector<16xi32>
      %swap3A_1451 = arith.constant 0 : i64
      %swap3A_1452 = arith.constant 1 : i64
      %swap3A_1453 = arith.index_cast %swap3A_1451 : i64 to index
      %swap3A_1454 = arith.index_cast %swap3A_1452 : i64 to index
      %swap3A_1455 = arith.constant 0 : index
      %swap3A_1456 = tpu.vector_load %arg11[%swap3A_1453, %swap3A_1454, %swap3A_1455] {strides = array<i32>} : memref<3x2x128xi32, #tpu.memory_space<vmem>>, vector<1x1x16xi32>,
      %swap3A_1457 = vector.shape_cast %swap3A_1456 : vector<1x1x16xi32> to vector<16xi32>
      %swap3A_1458 = vector.shape_cast %add3A_1450 : vector<16xi32> to vector<1x1x16xi32>
      tpu.vector_store %arg11[%swap3A_1453, %swap3A_1454, %swap3A_1455], %swap3A_1458 {strides = array<i32>} : memref<3x2x128xi32, #tpu.memory_space<vmem>>, vector<1x1x16xi32>,
      %add3A_1459 = arith.addi %sub3A_1397, %sub3A_1427 : vector<16xi32>
      %add3A_1460 = arith.addi %add3A_1459, %sub3A_58 : vector<16xi32>
      %ge3A_1461 = arith.constant 64000 : i32
      %ge3A_1462 = vector.broadcast %ge3A_1461 : i32 to vector<16xi32>
      %ge3A_1463 = arith.cmpi sge, %add3A_1460, %ge3A_1462 : vector<16xi32>
      %jit3A_1464 = arith.constant 64000 : i32
      %jit3A_1465 = arith.constant 0 : i32
      %broadcast_in_dim3A_1466 = vector.broadcast %jit3A_1464 : i32 to vector<16xi32>
      %broadcast_in_dim3A_1467 = vector.broadcast %jit3A_1465 : i32 to vector<16xi32>
      %select_n3A_1468 = arith.select %ge3A_1463, %broadcast_in_dim3A_1466, %broadcast_in_dim3A_1467 : vector<16xi1>, vector<16xi32>
      %sub3A_1469 = arith.subi %add3A_1460, %select_n3A_1468 : vector<16xi32>
      %ge3A_1470 = arith.constant 64000 : i32
      %ge3A_1471 = vector.broadcast %ge3A_1470 : i32 to vector<16xi32>
      %ge3A_1472 = arith.cmpi sge, %sub3A_1469, %ge3A_1471 : vector<16xi32>
      %jit3A_1473 = arith.constant 64000 : i32
      %jit3A_1474 = arith.constant 0 : i32
      %broadcast_in_dim3A_1475 = vector.broadcast %jit3A_1473 : i32 to vector<16xi32>
      %broadcast_in_dim3A_1476 = vector.broadcast %jit3A_1474 : i32 to vector<16xi32>
      %select_n3A_1477 = arith.select %ge3A_1472, %broadcast_in_dim3A_1475, %broadcast_in_dim3A_1476 : vector<16xi1>, vector<16xi32>
      %sub3A_1478 = arith.subi %sub3A_1469, %select_n3A_1477 : vector<16xi32>
      %add3A_1479 = arith.constant 64000 : i32
      %add3A_1480 = vector.broadcast %add3A_1479 : i32 to vector<16xi32>
      %add3A_1481 = arith.addi %sub3A_1478, %add3A_1480 : vector<16xi32>
      %swap3A_1482 = arith.constant 1 : i64
      %swap3A_1483 = arith.constant 1 : i64
      %swap3A_1484 = arith.index_cast %swap3A_1482 : i64 to index
      %swap3A_1485 = arith.index_cast %swap3A_1483 : i64 to index
      %swap3A_1486 = arith.constant 0 : index
      %swap3A_1487 = tpu.vector_load %arg11[%swap3A_1484, %swap3A_1485, %swap3A_1486] {strides = array<i32>} : memref<3x2x128xi32, #tpu.memory_space<vmem>>, vector<1x1x16xi32>,
      %swap3A_1488 = vector.shape_cast %swap3A_1487 : vector<1x1x16xi32> to vector<16xi32>
      %swap3A_1489 = vector.shape_cast %add3A_1481 : vector<16xi32> to vector<1x1x16xi32>
      tpu.vector_store %arg11[%swap3A_1484, %swap3A_1485, %swap3A_1486], %swap3A_1489 {strides = array<i32>} : memref<3x2x128xi32, #tpu.memory_space<vmem>>, vector<1x1x16xi32>,
      %add3A_1490 = arith.addi %sub3A_1397, %sub3A_1427 : vector<16xi32>
      %add3A_1491 = arith.addi %add3A_1490, %sub3A_90 : vector<16xi32>
      %ge3A_1492 = arith.constant 64000 : i32
      %ge3A_1493 = vector.broadcast %ge3A_1492 : i32 to vector<16xi32>
      %ge3A_1494 = arith.cmpi sge, %add3A_1491, %ge3A_1493 : vector<16xi32>
      %jit3A_1495 = arith.constant 64000 : i32
      %jit3A_1496 = arith.constant 0 : i32
      %broadcast_in_dim3A_1497 = vector.broadcast %jit3A_1495 : i32 to vector<16xi32>
      %broadcast_in_dim3A_1498 = vector.broadcast %jit3A_1496 : i32 to vector<16xi32>
      %select_n3A_1499 = arith.select %ge3A_1494, %broadcast_in_dim3A_1497, %broadcast_in_dim3A_1498 : vector<16xi1>, vector<16xi32>
      %sub3A_1500 = arith.subi %add3A_1491, %select_n3A_1499 : vector<16xi32>
      %ge3A_1501 = arith.constant 64000 : i32
      %ge3A_1502 = vector.broadcast %ge3A_1501 : i32 to vector<16xi32>
      %ge3A_1503 = arith.cmpi sge, %sub3A_1500, %ge3A_1502 : vector<16xi32>
      %jit3A_1504 = arith.constant 64000 : i32
      %jit3A_1505 = arith.constant 0 : i32
      %broadcast_in_dim3A_1506 = vector.broadcast %jit3A_1504 : i32 to vector<16xi32>
      %broadcast_in_dim3A_1507 = vector.broadcast %jit3A_1505 : i32 to vector<16xi32>
      %select_n3A_1508 = arith.select %ge3A_1503, %broadcast_in_dim3A_1506, %broadcast_in_dim3A_1507 : vector<16xi1>, vector<16xi32>
      %sub3A_1509 = arith.subi %sub3A_1500, %select_n3A_1508 : vector<16xi32>
      %add3A_1510 = arith.constant 128000 : i32
      %add3A_1511 = vector.broadcast %add3A_1510 : i32 to vector<16xi32>
      %add3A_1512 = arith.addi %sub3A_1509, %add3A_1511 : vector<16xi32>
      %swap3A_1513 = arith.constant 2 : i64
      %swap3A_1514 = arith.constant 1 : i64
      %swap3A_1515 = arith.index_cast %swap3A_1513 : i64 to index
      %swap3A_1516 = arith.index_cast %swap3A_1514 : i64 to index
      %swap3A_1517 = arith.constant 0 : index
      %swap3A_1518 = tpu.vector_load %arg11[%swap3A_1515, %swap3A_1516, %swap3A_1517] {strides = array<i32>} : memref<3x2x128xi32, #tpu.memory_space<vmem>>, vector<1x1x16xi32>,
      %swap3A_1519 = vector.shape_cast %swap3A_1518 : vector<1x1x16xi32> to vector<16xi32>
      %swap3A_1520 = vector.shape_cast %add3A_1512 : vector<16xi32> to vector<1x1x16xi32>
      tpu.vector_store %arg11[%swap3A_1515, %swap3A_1516, %swap3A_1517], %swap3A_1520 {strides = array<i32>} : memref<3x2x128xi32, #tpu.memory_space<vmem>>, vector<1x1x16xi32>,
      %get3A_1521 = arith.constant 144 : index
      %get3A_1522 = tpu.vector_load %arg9[%get3A_1521] {strides = array<i32>} : memref<256xi32, #tpu.memory_space<vmem>>, vector<16xi32>,
      %get3A_1523 = vector.shape_cast %get3A_1522 : vector<16xi32> to vector<16xi32>
      %get3A_1524 = arith.constant 144 : index
      %get3A_1525 = tpu.vector_load %arg10[%get3A_1524] {strides = array<i32>} : memref<256xi32, #tpu.memory_space<vmem>>, vector<16xi32>,
      %get3A_1526 = vector.shape_cast %get3A_1525 : vector<16xi32> to vector<16xi32>
      %mul3A_1527 = arith.constant 31337 : i32
      %mul3A_1528 = vector.broadcast %mul3A_1527 : i32 to vector<16xi32>
      %mul3A_1529 = arith.muli %get3A_1523, %mul3A_1528 : vector<16xi32>
      %convert_element_type3A_1530 = arith.sitofp %mul3A_1529 : vector<16xi32> to vector<16xf32>
      %mul3A_1531 = arith.constant 1.562500e-05 : f32
      %mul3A_1532 = vector.broadcast %mul3A_1531 : f32 to vector<16xf32>
      %mul3A_1533 = arith.mulf %convert_element_type3A_1530, %mul3A_1532 : vector<16xf32>
      %convert_element_type3A_1534 = arith.fptosi %mul3A_1533 : vector<16xf32> to vector<16xi32>
      %mul3A_1535 = arith.constant 64000 : i32
      %mul3A_1536 = vector.broadcast %mul3A_1535 : i32 to vector<16xi32>
      %mul3A_1537 = arith.muli %convert_element_type3A_1534, %mul3A_1536 : vector<16xi32>
      %sub3A_1538 = arith.subi %mul3A_1529, %mul3A_1537 : vector<16xi32>
      %lt3A_1539 = arith.constant 0 : i32
      %lt3A_1540 = vector.broadcast %lt3A_1539 : i32 to vector<16xi32>
      %lt3A_1541 = arith.cmpi slt, %sub3A_1538, %lt3A_1540 : vector<16xi32>
      %jit3A_1542 = arith.constant 64000 : i32
      %jit3A_1543 = arith.constant 0 : i32
      %broadcast_in_dim3A_1544 = vector.broadcast %jit3A_1542 : i32 to vector<16xi32>
      %broadcast_in_dim3A_1545 = vector.broadcast %jit3A_1543 : i32 to vector<16xi32>
      %select_n3A_1546 = arith.select %lt3A_1541, %broadcast_in_dim3A_1544, %broadcast_in_dim3A_1545 : vector<16xi1>, vector<16xi32>
      %add3A_1547 = arith.addi %sub3A_1538, %select_n3A_1546 : vector<16xi32>
      %ge3A_1548 = arith.constant 64000 : i32
      %ge3A_1549 = vector.broadcast %ge3A_1548 : i32 to vector<16xi32>
      %ge3A_1550 = arith.cmpi sge, %add3A_1547, %ge3A_1549 : vector<16xi32>
      %jit3A_1551 = arith.constant 64000 : i32
      %jit3A_1552 = arith.constant 0 : i32
      %broadcast_in_dim3A_1553 = vector.broadcast %jit3A_1551 : i32 to vector<16xi32>
      %broadcast_in_dim3A_1554 = vector.broadcast %jit3A_1552 : i32 to vector<16xi32>
      %select_n3A_1555 = arith.select %ge3A_1550, %broadcast_in_dim3A_1553, %broadcast_in_dim3A_1554 : vector<16xi1>, vector<16xi32>
      %sub3A_1556 = arith.subi %add3A_1547, %select_n3A_1555 : vector<16xi32>
      %mul3A_1557 = arith.constant 35769 : i32
      %mul3A_1558 = vector.broadcast %mul3A_1557 : i32 to vector<16xi32>
      %mul3A_1559 = arith.muli %get3A_1526, %mul3A_1558 : vector<16xi32>
      %convert_element_type3A_1560 = arith.sitofp %mul3A_1559 : vector<16xi32> to vector<16xf32>
      %mul3A_1561 = arith.constant 1.562500e-05 : f32
      %mul3A_1562 = vector.broadcast %mul3A_1561 : f32 to vector<16xf32>
      %mul3A_1563 = arith.mulf %convert_element_type3A_1560, %mul3A_1562 : vector<16xf32>
      %convert_element_type3A_1564 = arith.fptosi %mul3A_1563 : vector<16xf32> to vector<16xi32>
      %mul3A_1565 = arith.constant 64000 : i32
      %mul3A_1566 = vector.broadcast %mul3A_1565 : i32 to vector<16xi32>
      %mul3A_1567 = arith.muli %convert_element_type3A_1564, %mul3A_1566 : vector<16xi32>
      %sub3A_1568 = arith.subi %mul3A_1559, %mul3A_1567 : vector<16xi32>
      %lt3A_1569 = arith.constant 0 : i32
      %lt3A_1570 = vector.broadcast %lt3A_1569 : i32 to vector<16xi32>
      %lt3A_1571 = arith.cmpi slt, %sub3A_1568, %lt3A_1570 : vector<16xi32>
      %jit3A_1572 = arith.constant 64000 : i32
      %jit3A_1573 = arith.constant 0 : i32
      %broadcast_in_dim3A_1574 = vector.broadcast %jit3A_1572 : i32 to vector<16xi32>
      %broadcast_in_dim3A_1575 = vector.broadcast %jit3A_1573 : i32 to vector<16xi32>
      %select_n3A_1576 = arith.select %lt3A_1571, %broadcast_in_dim3A_1574, %broadcast_in_dim3A_1575 : vector<16xi1>, vector<16xi32>
      %add3A_1577 = arith.addi %sub3A_1568, %select_n3A_1576 : vector<16xi32>
      %ge3A_1578 = arith.constant 64000 : i32
      %ge3A_1579 = vector.broadcast %ge3A_1578 : i32 to vector<16xi32>
      %ge3A_1580 = arith.cmpi sge, %add3A_1577, %ge3A_1579 : vector<16xi32>
      %jit3A_1581 = arith.constant 64000 : i32
      %jit3A_1582 = arith.constant 0 : i32
      %broadcast_in_dim3A_1583 = vector.broadcast %jit3A_1581 : i32 to vector<16xi32>
      %broadcast_in_dim3A_1584 = vector.broadcast %jit3A_1582 : i32 to vector<16xi32>
      %select_n3A_1585 = arith.select %ge3A_1580, %broadcast_in_dim3A_1583, %broadcast_in_dim3A_1584 : vector<16xi1>, vector<16xi32>
      %sub3A_1586 = arith.subi %add3A_1577, %select_n3A_1585 : vector<16xi32>
      %add3A_1587 = arith.addi %sub3A_1556, %sub3A_1586 : vector<16xi32>
      %add3A_1588 = arith.addi %add3A_1587, %sub3A_26 : vector<16xi32>
      %ge3A_1589 = arith.constant 64000 : i32
      %ge3A_1590 = vector.broadcast %ge3A_1589 : i32 to vector<16xi32>
      %ge3A_1591 = arith.cmpi sge, %add3A_1588, %ge3A_1590 : vector<16xi32>
      %jit3A_1592 = arith.constant 64000 : i32
      %jit3A_1593 = arith.constant 0 : i32
      %broadcast_in_dim3A_1594 = vector.broadcast %jit3A_1592 : i32 to vector<16xi32>
      %broadcast_in_dim3A_1595 = vector.broadcast %jit3A_1593 : i32 to vector<16xi32>
      %select_n3A_1596 = arith.select %ge3A_1591, %broadcast_in_dim3A_1594, %broadcast_in_dim3A_1595 : vector<16xi1>, vector<16xi32>
      %sub3A_1597 = arith.subi %add3A_1588, %select_n3A_1596 : vector<16xi32>
      %ge3A_1598 = arith.constant 64000 : i32
      %ge3A_1599 = vector.broadcast %ge3A_1598 : i32 to vector<16xi32>
      %ge3A_1600 = arith.cmpi sge, %sub3A_1597, %ge3A_1599 : vector<16xi32>
      %jit3A_1601 = arith.constant 64000 : i32
      %jit3A_1602 = arith.constant 0 : i32
      %broadcast_in_dim3A_1603 = vector.broadcast %jit3A_1601 : i32 to vector<16xi32>
      %broadcast_in_dim3A_1604 = vector.broadcast %jit3A_1602 : i32 to vector<16xi32>
      %select_n3A_1605 = arith.select %ge3A_1600, %broadcast_in_dim3A_1603, %broadcast_in_dim3A_1604 : vector<16xi1>, vector<16xi32>
      %sub3A_1606 = arith.subi %sub3A_1597, %select_n3A_1605 : vector<16xi32>
      %add3A_1607 = arith.constant 0 : i32
      %add3A_1608 = vector.broadcast %add3A_1607 : i32 to vector<16xi32>
      %add3A_1609 = arith.addi %sub3A_1606, %add3A_1608 : vector<16xi32>
      %swap3A_1610 = arith.constant 0 : i64
      %swap3A_1611 = arith.constant 1 : i64
      %swap3A_1612 = arith.index_cast %swap3A_1610 : i64 to index
      %swap3A_1613 = arith.index_cast %swap3A_1611 : i64 to index
      %swap3A_1614 = arith.constant 16 : index
      %swap3A_1615 = tpu.vector_load %arg11[%swap3A_1612, %swap3A_1613, %swap3A_1614] {strides = array<i32>} : memref<3x2x128xi32, #tpu.memory_space<vmem>>, vector<1x1x16xi32>,
      %swap3A_1616 = vector.shape_cast %swap3A_1615 : vector<1x1x16xi32> to vector<16xi32>
      %swap3A_1617 = vector.shape_cast %add3A_1609 : vector<16xi32> to vector<1x1x16xi32>
      tpu.vector_store %arg11[%swap3A_1612, %swap3A_1613, %swap3A_1614], %swap3A_1617 {strides = array<i32>} : memref<3x2x128xi32, #tpu.memory_space<vmem>>, vector<1x1x16xi32>,
      %add3A_1618 = arith.addi %sub3A_1556, %sub3A_1586 : vector<16xi32>
      %add3A_1619 = arith.addi %add3A_1618, %sub3A_58 : vector<16xi32>
      %ge3A_1620 = arith.constant 64000 : i32
      %ge3A_1621 = vector.broadcast %ge3A_1620 : i32 to vector<16xi32>
      %ge3A_1622 = arith.cmpi sge, %add3A_1619, %ge3A_1621 : vector<16xi32>
      %jit3A_1623 = arith.constant 64000 : i32
      %jit3A_1624 = arith.constant 0 : i32
      %broadcast_in_dim3A_1625 = vector.broadcast %jit3A_1623 : i32 to vector<16xi32>
      %broadcast_in_dim3A_1626 = vector.broadcast %jit3A_1624 : i32 to vector<16xi32>
      %select_n3A_1627 = arith.select %ge3A_1622, %broadcast_in_dim3A_1625, %broadcast_in_dim3A_1626 : vector<16xi1>, vector<16xi32>
      %sub3A_1628 = arith.subi %add3A_1619, %select_n3A_1627 : vector<16xi32>
      %ge3A_1629 = arith.constant 64000 : i32
      %ge3A_1630 = vector.broadcast %ge3A_1629 : i32 to vector<16xi32>
      %ge3A_1631 = arith.cmpi sge, %sub3A_1628, %ge3A_1630 : vector<16xi32>
      %jit3A_1632 = arith.constant 64000 : i32
      %jit3A_1633 = arith.constant 0 : i32
      %broadcast_in_dim3A_1634 = vector.broadcast %jit3A_1632 : i32 to vector<16xi32>
      %broadcast_in_dim3A_1635 = vector.broadcast %jit3A_1633 : i32 to vector<16xi32>
      %select_n3A_1636 = arith.select %ge3A_1631, %broadcast_in_dim3A_1634, %broadcast_in_dim3A_1635 : vector<16xi1>, vector<16xi32>
      %sub3A_1637 = arith.subi %sub3A_1628, %select_n3A_1636 : vector<16xi32>
      %add3A_1638 = arith.constant 64000 : i32
      %add3A_1639 = vector.broadcast %add3A_1638 : i32 to vector<16xi32>
      %add3A_1640 = arith.addi %sub3A_1637, %add3A_1639 : vector<16xi32>
      %swap3A_1641 = arith.constant 1 : i64
      %swap3A_1642 = arith.constant 1 : i64
      %swap3A_1643 = arith.index_cast %swap3A_1641 : i64 to index
      %swap3A_1644 = arith.index_cast %swap3A_1642 : i64 to index
      %swap3A_1645 = arith.constant 16 : index
      %swap3A_1646 = tpu.vector_load %arg11[%swap3A_1643, %swap3A_1644, %swap3A_1645] {strides = array<i32>} : memref<3x2x128xi32, #tpu.memory_space<vmem>>, vector<1x1x16xi32>,
      %swap3A_1647 = vector.shape_cast %swap3A_1646 : vector<1x1x16xi32> to vector<16xi32>
      %swap3A_1648 = vector.shape_cast %add3A_1640 : vector<16xi32> to vector<1x1x16xi32>
      tpu.vector_store %arg11[%swap3A_1643, %swap3A_1644, %swap3A_1645], %swap3A_1648 {strides = array<i32>} : memref<3x2x128xi32, #tpu.memory_space<vmem>>, vector<1x1x16xi32>,
      %add3A_1649 = arith.addi %sub3A_1556, %sub3A_1586 : vector<16xi32>
      %add3A_1650 = arith.addi %add3A_1649, %sub3A_90 : vector<16xi32>
      %ge3A_1651 = arith.constant 64000 : i32
      %ge3A_1652 = vector.broadcast %ge3A_1651 : i32 to vector<16xi32>
      %ge3A_1653 = arith.cmpi sge, %add3A_1650, %ge3A_1652 : vector<16xi32>
      %jit3A_1654 = arith.constant 64000 : i32
      %jit3A_1655 = arith.constant 0 : i32
      %broadcast_in_dim3A_1656 = vector.broadcast %jit3A_1654 : i32 to vector<16xi32>
      %broadcast_in_dim3A_1657 = vector.broadcast %jit3A_1655 : i32 to vector<16xi32>
      %select_n3A_1658 = arith.select %ge3A_1653, %broadcast_in_dim3A_1656, %broadcast_in_dim3A_1657 : vector<16xi1>, vector<16xi32>
      %sub3A_1659 = arith.subi %add3A_1650, %select_n3A_1658 : vector<16xi32>
      %ge3A_1660 = arith.constant 64000 : i32
      %ge3A_1661 = vector.broadcast %ge3A_1660 : i32 to vector<16xi32>
      %ge3A_1662 = arith.cmpi sge, %sub3A_1659, %ge3A_1661 : vector<16xi32>
      %jit3A_1663 = arith.constant 64000 : i32
      %jit3A_1664 = arith.constant 0 : i32
      %broadcast_in_dim3A_1665 = vector.broadcast %jit3A_1663 : i32 to vector<16xi32>
      %broadcast_in_dim3A_1666 = vector.broadcast %jit3A_1664 : i32 to vector<16xi32>
      %select_n3A_1667 = arith.select %ge3A_1662, %broadcast_in_dim3A_1665, %broadcast_in_dim3A_1666 : vector<16xi1>, vector<16xi32>
      %sub3A_1668 = arith.subi %sub3A_1659, %select_n3A_1667 : vector<16xi32>
      %add3A_1669 = arith.constant 128000 : i32
      %add3A_1670 = vector.broadcast %add3A_1669 : i32 to vector<16xi32>
      %add3A_1671 = arith.addi %sub3A_1668, %add3A_1670 : vector<16xi32>
      %swap3A_1672 = arith.constant 2 : i64
      %swap3A_1673 = arith.constant 1 : i64
      %swap3A_1674 = arith.index_cast %swap3A_1672 : i64 to index
      %swap3A_1675 = arith.index_cast %swap3A_1673 : i64 to index
      %swap3A_1676 = arith.constant 16 : index
      %swap3A_1677 = tpu.vector_load %arg11[%swap3A_1674, %swap3A_1675, %swap3A_1676] {strides = array<i32>} : memref<3x2x128xi32, #tpu.memory_space<vmem>>, vector<1x1x16xi32>,
      %swap3A_1678 = vector.shape_cast %swap3A_1677 : vector<1x1x16xi32> to vector<16xi32>
      %swap3A_1679 = vector.shape_cast %add3A_1671 : vector<16xi32> to vector<1x1x16xi32>
      tpu.vector_store %arg11[%swap3A_1674, %swap3A_1675, %swap3A_1676], %swap3A_1679 {strides = array<i32>} : memref<3x2x128xi32, #tpu.memory_space<vmem>>, vector<1x1x16xi32>,
      %get3A_1680 = arith.constant 160 : index
      %get3A_1681 = tpu.vector_load %arg9[%get3A_1680] {strides = array<i32>} : memref<256xi32, #tpu.memory_space<vmem>>, vector<16xi32>,
      %get3A_1682 = vector.shape_cast %get3A_1681 : vector<16xi32> to vector<16xi32>
      %get3A_1683 = arith.constant 160 : index
      %get3A_1684 = tpu.vector_load %arg10[%get3A_1683] {strides = array<i32>} : memref<256xi32, #tpu.memory_space<vmem>>, vector<16xi32>,
      %get3A_1685 = vector.shape_cast %get3A_1684 : vector<16xi32> to vector<16xi32>
      %mul3A_1686 = arith.constant 31337 : i32
      %mul3A_1687 = vector.broadcast %mul3A_1686 : i32 to vector<16xi32>
      %mul3A_1688 = arith.muli %get3A_1682, %mul3A_1687 : vector<16xi32>
      %convert_element_type3A_1689 = arith.sitofp %mul3A_1688 : vector<16xi32> to vector<16xf32>
      %mul3A_1690 = arith.constant 1.562500e-05 : f32
      %mul3A_1691 = vector.broadcast %mul3A_1690 : f32 to vector<16xf32>
      %mul3A_1692 = arith.mulf %convert_element_type3A_1689, %mul3A_1691 : vector<16xf32>
      %convert_element_type3A_1693 = arith.fptosi %mul3A_1692 : vector<16xf32> to vector<16xi32>
      %mul3A_1694 = arith.constant 64000 : i32
      %mul3A_1695 = vector.broadcast %mul3A_1694 : i32 to vector<16xi32>
      %mul3A_1696 = arith.muli %convert_element_type3A_1693, %mul3A_1695 : vector<16xi32>
      %sub3A_1697 = arith.subi %mul3A_1688, %mul3A_1696 : vector<16xi32>
      %lt3A_1698 = arith.constant 0 : i32
      %lt3A_1699 = vector.broadcast %lt3A_1698 : i32 to vector<16xi32>
      %lt3A_1700 = arith.cmpi slt, %sub3A_1697, %lt3A_1699 : vector<16xi32>
      %jit3A_1701 = arith.constant 64000 : i32
      %jit3A_1702 = arith.constant 0 : i32
      %broadcast_in_dim3A_1703 = vector.broadcast %jit3A_1701 : i32 to vector<16xi32>
      %broadcast_in_dim3A_1704 = vector.broadcast %jit3A_1702 : i32 to vector<16xi32>
      %select_n3A_1705 = arith.select %lt3A_1700, %broadcast_in_dim3A_1703, %broadcast_in_dim3A_1704 : vector<16xi1>, vector<16xi32>
      %add3A_1706 = arith.addi %sub3A_1697, %select_n3A_1705 : vector<16xi32>
      %ge3A_1707 = arith.constant 64000 : i32
      %ge3A_1708 = vector.broadcast %ge3A_1707 : i32 to vector<16xi32>
      %ge3A_1709 = arith.cmpi sge, %add3A_1706, %ge3A_1708 : vector<16xi32>
      %jit3A_1710 = arith.constant 64000 : i32
      %jit3A_1711 = arith.constant 0 : i32
      %broadcast_in_dim3A_1712 = vector.broadcast %jit3A_1710 : i32 to vector<16xi32>
      %broadcast_in_dim3A_1713 = vector.broadcast %jit3A_1711 : i32 to vector<16xi32>
      %select_n3A_1714 = arith.select %ge3A_1709, %broadcast_in_dim3A_1712, %broadcast_in_dim3A_1713 : vector<16xi1>, vector<16xi32>
      %sub3A_1715 = arith.subi %add3A_1706, %select_n3A_1714 : vector<16xi32>
      %mul3A_1716 = arith.constant 35769 : i32
      %mul3A_1717 = vector.broadcast %mul3A_1716 : i32 to vector<16xi32>
      %mul3A_1718 = arith.muli %get3A_1685, %mul3A_1717 : vector<16xi32>
      %convert_element_type3A_1719 = arith.sitofp %mul3A_1718 : vector<16xi32> to vector<16xf32>
      %mul3A_1720 = arith.constant 1.562500e-05 : f32
      %mul3A_1721 = vector.broadcast %mul3A_1720 : f32 to vector<16xf32>
      %mul3A_1722 = arith.mulf %convert_element_type3A_1719, %mul3A_1721 : vector<16xf32>
      %convert_element_type3A_1723 = arith.fptosi %mul3A_1722 : vector<16xf32> to vector<16xi32>
      %mul3A_1724 = arith.constant 64000 : i32
      %mul3A_1725 = vector.broadcast %mul3A_1724 : i32 to vector<16xi32>
      %mul3A_1726 = arith.muli %convert_element_type3A_1723, %mul3A_1725 : vector<16xi32>
      %sub3A_1727 = arith.subi %mul3A_1718, %mul3A_1726 : vector<16xi32>
      %lt3A_1728 = arith.constant 0 : i32
      %lt3A_1729 = vector.broadcast %lt3A_1728 : i32 to vector<16xi32>
      %lt3A_1730 = arith.cmpi slt, %sub3A_1727, %lt3A_1729 : vector<16xi32>
      %jit3A_1731 = arith.constant 64000 : i32
      %jit3A_1732 = arith.constant 0 : i32
      %broadcast_in_dim3A_1733 = vector.broadcast %jit3A_1731 : i32 to vector<16xi32>
      %broadcast_in_dim3A_1734 = vector.broadcast %jit3A_1732 : i32 to vector<16xi32>
      %select_n3A_1735 = arith.select %lt3A_1730, %broadcast_in_dim3A_1733, %broadcast_in_dim3A_1734 : vector<16xi1>, vector<16xi32>
      %add3A_1736 = arith.addi %sub3A_1727, %select_n3A_1735 : vector<16xi32>
      %ge3A_1737 = arith.constant 64000 : i32
      %ge3A_1738 = vector.broadcast %ge3A_1737 : i32 to vector<16xi32>
      %ge3A_1739 = arith.cmpi sge, %add3A_1736, %ge3A_1738 : vector<16xi32>
      %jit3A_1740 = arith.constant 64000 : i32
      %jit3A_1741 = arith.constant 0 : i32
      %broadcast_in_dim3A_1742 = vector.broadcast %jit3A_1740 : i32 to vector<16xi32>
      %broadcast_in_dim3A_1743 = vector.broadcast %jit3A_1741 : i32 to vector<16xi32>
      %select_n3A_1744 = arith.select %ge3A_1739, %broadcast_in_dim3A_1742, %broadcast_in_dim3A_1743 : vector<16xi1>, vector<16xi32>
      %sub3A_1745 = arith.subi %add3A_1736, %select_n3A_1744 : vector<16xi32>
      %add3A_1746 = arith.addi %sub3A_1715, %sub3A_1745 : vector<16xi32>
      %add3A_1747 = arith.addi %add3A_1746, %sub3A_26 : vector<16xi32>
      %ge3A_1748 = arith.constant 64000 : i32
      %ge3A_1749 = vector.broadcast %ge3A_1748 : i32 to vector<16xi32>
      %ge3A_1750 = arith.cmpi sge, %add3A_1747, %ge3A_1749 : vector<16xi32>
      %jit3A_1751 = arith.constant 64000 : i32
      %jit3A_1752 = arith.constant 0 : i32
      %broadcast_in_dim3A_1753 = vector.broadcast %jit3A_1751 : i32 to vector<16xi32>
      %broadcast_in_dim3A_1754 = vector.broadcast %jit3A_1752 : i32 to vector<16xi32>
      %select_n3A_1755 = arith.select %ge3A_1750, %broadcast_in_dim3A_1753, %broadcast_in_dim3A_1754 : vector<16xi1>, vector<16xi32>
      %sub3A_1756 = arith.subi %add3A_1747, %select_n3A_1755 : vector<16xi32>
      %ge3A_1757 = arith.constant 64000 : i32
      %ge3A_1758 = vector.broadcast %ge3A_1757 : i32 to vector<16xi32>
      %ge3A_1759 = arith.cmpi sge, %sub3A_1756, %ge3A_1758 : vector<16xi32>
      %jit3A_1760 = arith.constant 64000 : i32
      %jit3A_1761 = arith.constant 0 : i32
      %broadcast_in_dim3A_1762 = vector.broadcast %jit3A_1760 : i32 to vector<16xi32>
      %broadcast_in_dim3A_1763 = vector.broadcast %jit3A_1761 : i32 to vector<16xi32>
      %select_n3A_1764 = arith.select %ge3A_1759, %broadcast_in_dim3A_1762, %broadcast_in_dim3A_1763 : vector<16xi1>, vector<16xi32>
      %sub3A_1765 = arith.subi %sub3A_1756, %select_n3A_1764 : vector<16xi32>
      %add3A_1766 = arith.constant 0 : i32
      %add3A_1767 = vector.broadcast %add3A_1766 : i32 to vector<16xi32>
      %add3A_1768 = arith.addi %sub3A_1765, %add3A_1767 : vector<16xi32>
      %swap3A_1769 = arith.constant 0 : i64
      %swap3A_1770 = arith.constant 1 : i64
      %swap3A_1771 = arith.index_cast %swap3A_1769 : i64 to index
      %swap3A_1772 = arith.index_cast %swap3A_1770 : i64 to index
      %swap3A_1773 = arith.constant 32 : index
      %swap3A_1774 = tpu.vector_load %arg11[%swap3A_1771, %swap3A_1772, %swap3A_1773] {strides = array<i32>} : memref<3x2x128xi32, #tpu.memory_space<vmem>>, vector<1x1x16xi32>,
      %swap3A_1775 = vector.shape_cast %swap3A_1774 : vector<1x1x16xi32> to vector<16xi32>
      %swap3A_1776 = vector.shape_cast %add3A_1768 : vector<16xi32> to vector<1x1x16xi32>
      tpu.vector_store %arg11[%swap3A_1771, %swap3A_1772, %swap3A_1773], %swap3A_1776 {strides = array<i32>} : memref<3x2x128xi32, #tpu.memory_space<vmem>>, vector<1x1x16xi32>,
      %add3A_1777 = arith.addi %sub3A_1715, %sub3A_1745 : vector<16xi32>
      %add3A_1778 = arith.addi %add3A_1777, %sub3A_58 : vector<16xi32>
      %ge3A_1779 = arith.constant 64000 : i32
      %ge3A_1780 = vector.broadcast %ge3A_1779 : i32 to vector<16xi32>
      %ge3A_1781 = arith.cmpi sge, %add3A_1778, %ge3A_1780 : vector<16xi32>
      %jit3A_1782 = arith.constant 64000 : i32
      %jit3A_1783 = arith.constant 0 : i32
      %broadcast_in_dim3A_1784 = vector.broadcast %jit3A_1782 : i32 to vector<16xi32>
      %broadcast_in_dim3A_1785 = vector.broadcast %jit3A_1783 : i32 to vector<16xi32>
      %select_n3A_1786 = arith.select %ge3A_1781, %broadcast_in_dim3A_1784, %broadcast_in_dim3A_1785 : vector<16xi1>, vector<16xi32>
      %sub3A_1787 = arith.subi %add3A_1778, %select_n3A_1786 : vector<16xi32>
      %ge3A_1788 = arith.constant 64000 : i32
      %ge3A_1789 = vector.broadcast %ge3A_1788 : i32 to vector<16xi32>
      %ge3A_1790 = arith.cmpi sge, %sub3A_1787, %ge3A_1789 : vector<16xi32>
      %jit3A_1791 = arith.constant 64000 : i32
      %jit3A_1792 = arith.constant 0 : i32
      %broadcast_in_dim3A_1793 = vector.broadcast %jit3A_1791 : i32 to vector<16xi32>
      %broadcast_in_dim3A_1794 = vector.broadcast %jit3A_1792 : i32 to vector<16xi32>
      %select_n3A_1795 = arith.select %ge3A_1790, %broadcast_in_dim3A_1793, %broadcast_in_dim3A_1794 : vector<16xi1>, vector<16xi32>
      %sub3A_1796 = arith.subi %sub3A_1787, %select_n3A_1795 : vector<16xi32>
      %add3A_1797 = arith.constant 64000 : i32
      %add3A_1798 = vector.broadcast %add3A_1797 : i32 to vector<16xi32>
      %add3A_1799 = arith.addi %sub3A_1796, %add3A_1798 : vector<16xi32>
      %swap3A_1800 = arith.constant 1 : i64
      %swap3A_1801 = arith.constant 1 : i64
      %swap3A_1802 = arith.index_cast %swap3A_1800 : i64 to index
      %swap3A_1803 = arith.index_cast %swap3A_1801 : i64 to index
      %swap3A_1804 = arith.constant 32 : index
      %swap3A_1805 = tpu.vector_load %arg11[%swap3A_1802, %swap3A_1803, %swap3A_1804] {strides = array<i32>} : memref<3x2x128xi32, #tpu.memory_space<vmem>>, vector<1x1x16xi32>,
      %swap3A_1806 = vector.shape_cast %swap3A_1805 : vector<1x1x16xi32> to vector<16xi32>
      %swap3A_1807 = vector.shape_cast %add3A_1799 : vector<16xi32> to vector<1x1x16xi32>
      tpu.vector_store %arg11[%swap3A_1802, %swap3A_1803, %swap3A_1804], %swap3A_1807 {strides = array<i32>} : memref<3x2x128xi32, #tpu.memory_space<vmem>>, vector<1x1x16xi32>,
      %add3A_1808 = arith.addi %sub3A_1715, %sub3A_1745 : vector<16xi32>
      %add3A_1809 = arith.addi %add3A_1808, %sub3A_90 : vector<16xi32>
      %ge3A_1810 = arith.constant 64000 : i32
      %ge3A_1811 = vector.broadcast %ge3A_1810 : i32 to vector<16xi32>
      %ge3A_1812 = arith.cmpi sge, %add3A_1809, %ge3A_1811 : vector<16xi32>
      %jit3A_1813 = arith.constant 64000 : i32
      %jit3A_1814 = arith.constant 0 : i32
      %broadcast_in_dim3A_1815 = vector.broadcast %jit3A_1813 : i32 to vector<16xi32>
      %broadcast_in_dim3A_1816 = vector.broadcast %jit3A_1814 : i32 to vector<16xi32>
      %select_n3A_1817 = arith.select %ge3A_1812, %broadcast_in_dim3A_1815, %broadcast_in_dim3A_1816 : vector<16xi1>, vector<16xi32>
      %sub3A_1818 = arith.subi %add3A_1809, %select_n3A_1817 : vector<16xi32>
      %ge3A_1819 = arith.constant 64000 : i32
      %ge3A_1820 = vector.broadcast %ge3A_1819 : i32 to vector<16xi32>
      %ge3A_1821 = arith.cmpi sge, %sub3A_1818, %ge3A_1820 : vector<16xi32>
      %jit3A_1822 = arith.constant 64000 : i32
      %jit3A_1823 = arith.constant 0 : i32
      %broadcast_in_dim3A_1824 = vector.broadcast %jit3A_1822 : i32 to vector<16xi32>
      %broadcast_in_dim3A_1825 = vector.broadcast %jit3A_1823 : i32 to vector<16xi32>
      %select_n3A_1826 = arith.select %ge3A_1821, %broadcast_in_dim3A_1824, %broadcast_in_dim3A_1825 : vector<16xi1>, vector<16xi32>
      %sub3A_1827 = arith.subi %sub3A_1818, %select_n3A_1826 : vector<16xi32>
      %add3A_1828 = arith.constant 128000 : i32
      %add3A_1829 = vector.broadcast %add3A_1828 : i32 to vector<16xi32>
      %add3A_1830 = arith.addi %sub3A_1827, %add3A_1829 : vector<16xi32>
      %swap3A_1831 = arith.constant 2 : i64
      %swap3A_1832 = arith.constant 1 : i64
      %swap3A_1833 = arith.index_cast %swap3A_1831 : i64 to index
      %swap3A_1834 = arith.index_cast %swap3A_1832 : i64 to index
      %swap3A_1835 = arith.constant 32 : index
      %swap3A_1836 = tpu.vector_load %arg11[%swap3A_1833, %swap3A_1834, %swap3A_1835] {strides = array<i32>} : memref<3x2x128xi32, #tpu.memory_space<vmem>>, vector<1x1x16xi32>,
      %swap3A_1837 = vector.shape_cast %swap3A_1836 : vector<1x1x16xi32> to vector<16xi32>
      %swap3A_1838 = vector.shape_cast %add3A_1830 : vector<16xi32> to vector<1x1x16xi32>
      tpu.vector_store %arg11[%swap3A_1833, %swap3A_1834, %swap3A_1835], %swap3A_1838 {strides = array<i32>} : memref<3x2x128xi32, #tpu.memory_space<vmem>>, vector<1x1x16xi32>,
      %get3A_1839 = arith.constant 176 : index
      %get3A_1840 = tpu.vector_load %arg9[%get3A_1839] {strides = array<i32>} : memref<256xi32, #tpu.memory_space<vmem>>, vector<16xi32>,
      %get3A_1841 = vector.shape_cast %get3A_1840 : vector<16xi32> to vector<16xi32>
      %get3A_1842 = arith.constant 176 : index
      %get3A_1843 = tpu.vector_load %arg10[%get3A_1842] {strides = array<i32>} : memref<256xi32, #tpu.memory_space<vmem>>, vector<16xi32>,
      %get3A_1844 = vector.shape_cast %get3A_1843 : vector<16xi32> to vector<16xi32>
      %mul3A_1845 = arith.constant 31337 : i32
      %mul3A_1846 = vector.broadcast %mul3A_1845 : i32 to vector<16xi32>
      %mul3A_1847 = arith.muli %get3A_1841, %mul3A_1846 : vector<16xi32>
      %convert_element_type3A_1848 = arith.sitofp %mul3A_1847 : vector<16xi32> to vector<16xf32>
      %mul3A_1849 = arith.constant 1.562500e-05 : f32
      %mul3A_1850 = vector.broadcast %mul3A_1849 : f32 to vector<16xf32>
      %mul3A_1851 = arith.mulf %convert_element_type3A_1848, %mul3A_1850 : vector<16xf32>
      %convert_element_type3A_1852 = arith.fptosi %mul3A_1851 : vector<16xf32> to vector<16xi32>
      %mul3A_1853 = arith.constant 64000 : i32
      %mul3A_1854 = vector.broadcast %mul3A_1853 : i32 to vector<16xi32>
      %mul3A_1855 = arith.muli %convert_element_type3A_1852, %mul3A_1854 : vector<16xi32>
      %sub3A_1856 = arith.subi %mul3A_1847, %mul3A_1855 : vector<16xi32>
      %lt3A_1857 = arith.constant 0 : i32
      %lt3A_1858 = vector.broadcast %lt3A_1857 : i32 to vector<16xi32>
      %lt3A_1859 = arith.cmpi slt, %sub3A_1856, %lt3A_1858 : vector<16xi32>
      %jit3A_1860 = arith.constant 64000 : i32
      %jit3A_1861 = arith.constant 0 : i32
      %broadcast_in_dim3A_1862 = vector.broadcast %jit3A_1860 : i32 to vector<16xi32>
      %broadcast_in_dim3A_1863 = vector.broadcast %jit3A_1861 : i32 to vector<16xi32>
      %select_n3A_1864 = arith.select %lt3A_1859, %broadcast_in_dim3A_1862, %broadcast_in_dim3A_1863 : vector<16xi1>, vector<16xi32>
      %add3A_1865 = arith.addi %sub3A_1856, %select_n3A_1864 : vector<16xi32>
      %ge3A_1866 = arith.constant 64000 : i32
      %ge3A_1867 = vector.broadcast %ge3A_1866 : i32 to vector<16xi32>
      %ge3A_1868 = arith.cmpi sge, %add3A_1865, %ge3A_1867 : vector<16xi32>
      %jit3A_1869 = arith.constant 64000 : i32
      %jit3A_1870 = arith.constant 0 : i32
      %broadcast_in_dim3A_1871 = vector.broadcast %jit3A_1869 : i32 to vector<16xi32>
      %broadcast_in_dim3A_1872 = vector.broadcast %jit3A_1870 : i32 to vector<16xi32>
      %select_n3A_1873 = arith.select %ge3A_1868, %broadcast_in_dim3A_1871, %broadcast_in_dim3A_1872 : vector<16xi1>, vector<16xi32>
      %sub3A_1874 = arith.subi %add3A_1865, %select_n3A_1873 : vector<16xi32>
      %mul3A_1875 = arith.constant 35769 : i32
      %mul3A_1876 = vector.broadcast %mul3A_1875 : i32 to vector<16xi32>
      %mul3A_1877 = arith.muli %get3A_1844, %mul3A_1876 : vector<16xi32>
      %convert_element_type3A_1878 = arith.sitofp %mul3A_1877 : vector<16xi32> to vector<16xf32>
      %mul3A_1879 = arith.constant 1.562500e-05 : f32
      %mul3A_1880 = vector.broadcast %mul3A_1879 : f32 to vector<16xf32>
      %mul3A_1881 = arith.mulf %convert_element_type3A_1878, %mul3A_1880 : vector<16xf32>
      %convert_element_type3A_1882 = arith.fptosi %mul3A_1881 : vector<16xf32> to vector<16xi32>
      %mul3A_1883 = arith.constant 64000 : i32
      %mul3A_1884 = vector.broadcast %mul3A_1883 : i32 to vector<16xi32>
      %mul3A_1885 = arith.muli %convert_element_type3A_1882, %mul3A_1884 : vector<16xi32>
      %sub3A_1886 = arith.subi %mul3A_1877, %mul3A_1885 : vector<16xi32>
      %lt3A_1887 = arith.constant 0 : i32
      %lt3A_1888 = vector.broadcast %lt3A_1887 : i32 to vector<16xi32>
      %lt3A_1889 = arith.cmpi slt, %sub3A_1886, %lt3A_1888 : vector<16xi32>
      %jit3A_1890 = arith.constant 64000 : i32
      %jit3A_1891 = arith.constant 0 : i32
      %broadcast_in_dim3A_1892 = vector.broadcast %jit3A_1890 : i32 to vector<16xi32>
      %broadcast_in_dim3A_1893 = vector.broadcast %jit3A_1891 : i32 to vector<16xi32>
      %select_n3A_1894 = arith.select %lt3A_1889, %broadcast_in_dim3A_1892, %broadcast_in_dim3A_1893 : vector<16xi1>, vector<16xi32>
      %add3A_1895 = arith.addi %sub3A_1886, %select_n3A_1894 : vector<16xi32>
      %ge3A_1896 = arith.constant 64000 : i32
      %ge3A_1897 = vector.broadcast %ge3A_1896 : i32 to vector<16xi32>
      %ge3A_1898 = arith.cmpi sge, %add3A_1895, %ge3A_1897 : vector<16xi32>
      %jit3A_1899 = arith.constant 64000 : i32
      %jit3A_1900 = arith.constant 0 : i32
      %broadcast_in_dim3A_1901 = vector.broadcast %jit3A_1899 : i32 to vector<16xi32>
      %broadcast_in_dim3A_1902 = vector.broadcast %jit3A_1900 : i32 to vector<16xi32>
      %select_n3A_1903 = arith.select %ge3A_1898, %broadcast_in_dim3A_1901, %broadcast_in_dim3A_1902 : vector<16xi1>, vector<16xi32>
      %sub3A_1904 = arith.subi %add3A_1895, %select_n3A_1903 : vector<16xi32>
      %add3A_1905 = arith.addi %sub3A_1874, %sub3A_1904 : vector<16xi32>
      %add3A_1906 = arith.addi %add3A_1905, %sub3A_26 : vector<16xi32>
      %ge3A_1907 = arith.constant 64000 : i32
      %ge3A_1908 = vector.broadcast %ge3A_1907 : i32 to vector<16xi32>
      %ge3A_1909 = arith.cmpi sge, %add3A_1906, %ge3A_1908 : vector<16xi32>
      %jit3A_1910 = arith.constant 64000 : i32
      %jit3A_1911 = arith.constant 0 : i32
      %broadcast_in_dim3A_1912 = vector.broadcast %jit3A_1910 : i32 to vector<16xi32>
      %broadcast_in_dim3A_1913 = vector.broadcast %jit3A_1911 : i32 to vector<16xi32>
      %select_n3A_1914 = arith.select %ge3A_1909, %broadcast_in_dim3A_1912, %broadcast_in_dim3A_1913 : vector<16xi1>, vector<16xi32>
      %sub3A_1915 = arith.subi %add3A_1906, %select_n3A_1914 : vector<16xi32>
      %ge3A_1916 = arith.constant 64000 : i32
      %ge3A_1917 = vector.broadcast %ge3A_1916 : i32 to vector<16xi32>
      %ge3A_1918 = arith.cmpi sge, %sub3A_1915, %ge3A_1917 : vector<16xi32>
      %jit3A_1919 = arith.constant 64000 : i32
      %jit3A_1920 = arith.constant 0 : i32
      %broadcast_in_dim3A_1921 = vector.broadcast %jit3A_1919 : i32 to vector<16xi32>
      %broadcast_in_dim3A_1922 = vector.broadcast %jit3A_1920 : i32 to vector<16xi32>
      %select_n3A_1923 = arith.select %ge3A_1918, %broadcast_in_dim3A_1921, %broadcast_in_dim3A_1922 : vector<16xi1>, vector<16xi32>
      %sub3A_1924 = arith.subi %sub3A_1915, %select_n3A_1923 : vector<16xi32>
      %add3A_1925 = arith.constant 0 : i32
      %add3A_1926 = vector.broadcast %add3A_1925 : i32 to vector<16xi32>
      %add3A_1927 = arith.addi %sub3A_1924, %add3A_1926 : vector<16xi32>
      %swap3A_1928 = arith.constant 0 : i64
      %swap3A_1929 = arith.constant 1 : i64
      %swap3A_1930 = arith.index_cast %swap3A_1928 : i64 to index
      %swap3A_1931 = arith.index_cast %swap3A_1929 : i64 to index
      %swap3A_1932 = arith.constant 48 : index
      %swap3A_1933 = tpu.vector_load %arg11[%swap3A_1930, %swap3A_1931, %swap3A_1932] {strides = array<i32>} : memref<3x2x128xi32, #tpu.memory_space<vmem>>, vector<1x1x16xi32>,
      %swap3A_1934 = vector.shape_cast %swap3A_1933 : vector<1x1x16xi32> to vector<16xi32>
      %swap3A_1935 = vector.shape_cast %add3A_1927 : vector<16xi32> to vector<1x1x16xi32>
      tpu.vector_store %arg11[%swap3A_1930, %swap3A_1931, %swap3A_1932], %swap3A_1935 {strides = array<i32>} : memref<3x2x128xi32, #tpu.memory_space<vmem>>, vector<1x1x16xi32>,
      %add3A_1936 = arith.addi %sub3A_1874, %sub3A_1904 : vector<16xi32>
      %add3A_1937 = arith.addi %add3A_1936, %sub3A_58 : vector<16xi32>
      %ge3A_1938 = arith.constant 64000 : i32
      %ge3A_1939 = vector.broadcast %ge3A_1938 : i32 to vector<16xi32>
      %ge3A_1940 = arith.cmpi sge, %add3A_1937, %ge3A_1939 : vector<16xi32>
      %jit3A_1941 = arith.constant 64000 : i32
      %jit3A_1942 = arith.constant 0 : i32
      %broadcast_in_dim3A_1943 = vector.broadcast %jit3A_1941 : i32 to vector<16xi32>
      %broadcast_in_dim3A_1944 = vector.broadcast %jit3A_1942 : i32 to vector<16xi32>
      %select_n3A_1945 = arith.select %ge3A_1940, %broadcast_in_dim3A_1943, %broadcast_in_dim3A_1944 : vector<16xi1>, vector<16xi32>
      %sub3A_1946 = arith.subi %add3A_1937, %select_n3A_1945 : vector<16xi32>
      %ge3A_1947 = arith.constant 64000 : i32
      %ge3A_1948 = vector.broadcast %ge3A_1947 : i32 to vector<16xi32>
      %ge3A_1949 = arith.cmpi sge, %sub3A_1946, %ge3A_1948 : vector<16xi32>
      %jit3A_1950 = arith.constant 64000 : i32
      %jit3A_1951 = arith.constant 0 : i32
      %broadcast_in_dim3A_1952 = vector.broadcast %jit3A_1950 : i32 to vector<16xi32>
      %broadcast_in_dim3A_1953 = vector.broadcast %jit3A_1951 : i32 to vector<16xi32>
      %select_n3A_1954 = arith.select %ge3A_1949, %broadcast_in_dim3A_1952, %broadcast_in_dim3A_1953 : vector<16xi1>, vector<16xi32>
      %sub3A_1955 = arith.subi %sub3A_1946, %select_n3A_1954 : vector<16xi32>
      %add3A_1956 = arith.constant 64000 : i32
      %add3A_1957 = vector.broadcast %add3A_1956 : i32 to vector<16xi32>
      %add3A_1958 = arith.addi %sub3A_1955, %add3A_1957 : vector<16xi32>
      %swap3A_1959 = arith.constant 1 : i64
      %swap3A_1960 = arith.constant 1 : i64
      %swap3A_1961 = arith.index_cast %swap3A_1959 : i64 to index
      %swap3A_1962 = arith.index_cast %swap3A_1960 : i64 to index
      %swap3A_1963 = arith.constant 48 : index
      %swap3A_1964 = tpu.vector_load %arg11[%swap3A_1961, %swap3A_1962, %swap3A_1963] {strides = array<i32>} : memref<3x2x128xi32, #tpu.memory_space<vmem>>, vector<1x1x16xi32>,
      %swap3A_1965 = vector.shape_cast %swap3A_1964 : vector<1x1x16xi32> to vector<16xi32>
      %swap3A_1966 = vector.shape_cast %add3A_1958 : vector<16xi32> to vector<1x1x16xi32>
      tpu.vector_store %arg11[%swap3A_1961, %swap3A_1962, %swap3A_1963], %swap3A_1966 {strides = array<i32>} : memref<3x2x128xi32, #tpu.memory_space<vmem>>, vector<1x1x16xi32>,
      %add3A_1967 = arith.addi %sub3A_1874, %sub3A_1904 : vector<16xi32>
      %add3A_1968 = arith.addi %add3A_1967, %sub3A_90 : vector<16xi32>
      %ge3A_1969 = arith.constant 64000 : i32
      %ge3A_1970 = vector.broadcast %ge3A_1969 : i32 to vector<16xi32>
      %ge3A_1971 = arith.cmpi sge, %add3A_1968, %ge3A_1970 : vector<16xi32>
      %jit3A_1972 = arith.constant 64000 : i32
      %jit3A_1973 = arith.constant 0 : i32
      %broadcast_in_dim3A_1974 = vector.broadcast %jit3A_1972 : i32 to vector<16xi32>
      %broadcast_in_dim3A_1975 = vector.broadcast %jit3A_1973 : i32 to vector<16xi32>
      %select_n3A_1976 = arith.select %ge3A_1971, %broadcast_in_dim3A_1974, %broadcast_in_dim3A_1975 : vector<16xi1>, vector<16xi32>
      %sub3A_1977 = arith.subi %add3A_1968, %select_n3A_1976 : vector<16xi32>
      %ge3A_1978 = arith.constant 64000 : i32
      %ge3A_1979 = vector.broadcast %ge3A_1978 : i32 to vector<16xi32>
      %ge3A_1980 = arith.cmpi sge, %sub3A_1977, %ge3A_1979 : vector<16xi32>
      %jit3A_1981 = arith.constant 64000 : i32
      %jit3A_1982 = arith.constant 0 : i32
      %broadcast_in_dim3A_1983 = vector.broadcast %jit3A_1981 : i32 to vector<16xi32>
      %broadcast_in_dim3A_1984 = vector.broadcast %jit3A_1982 : i32 to vector<16xi32>
      %select_n3A_1985 = arith.select %ge3A_1980, %broadcast_in_dim3A_1983, %broadcast_in_dim3A_1984 : vector<16xi1>, vector<16xi32>
      %sub3A_1986 = arith.subi %sub3A_1977, %select_n3A_1985 : vector<16xi32>
      %add3A_1987 = arith.constant 128000 : i32
      %add3A_1988 = vector.broadcast %add3A_1987 : i32 to vector<16xi32>
      %add3A_1989 = arith.addi %sub3A_1986, %add3A_1988 : vector<16xi32>
      %swap3A_1990 = arith.constant 2 : i64
      %swap3A_1991 = arith.constant 1 : i64
      %swap3A_1992 = arith.index_cast %swap3A_1990 : i64 to index
      %swap3A_1993 = arith.index_cast %swap3A_1991 : i64 to index
      %swap3A_1994 = arith.constant 48 : index
      %swap3A_1995 = tpu.vector_load %arg11[%swap3A_1992, %swap3A_1993, %swap3A_1994] {strides = array<i32>} : memref<3x2x128xi32, #tpu.memory_space<vmem>>, vector<1x1x16xi32>,
      %swap3A_1996 = vector.shape_cast %swap3A_1995 : vector<1x1x16xi32> to vector<16xi32>
      %swap3A_1997 = vector.shape_cast %add3A_1989 : vector<16xi32> to vector<1x1x16xi32>
      tpu.vector_store %arg11[%swap3A_1992, %swap3A_1993, %swap3A_1994], %swap3A_1997 {strides = array<i32>} : memref<3x2x128xi32, #tpu.memory_space<vmem>>, vector<1x1x16xi32>,
      %get3A_1998 = arith.constant 192 : index
      %get3A_1999 = tpu.vector_load %arg9[%get3A_1998] {strides = array<i32>} : memref<256xi32, #tpu.memory_space<vmem>>, vector<16xi32>,
      %get3A_2000 = vector.shape_cast %get3A_1999 : vector<16xi32> to vector<16xi32>
      %get3A_2001 = arith.constant 192 : index
      %get3A_2002 = tpu.vector_load %arg10[%get3A_2001] {strides = array<i32>} : memref<256xi32, #tpu.memory_space<vmem>>, vector<16xi32>,
      %get3A_2003 = vector.shape_cast %get3A_2002 : vector<16xi32> to vector<16xi32>
      %mul3A_2004 = arith.constant 31337 : i32
      %mul3A_2005 = vector.broadcast %mul3A_2004 : i32 to vector<16xi32>
      %mul3A_2006 = arith.muli %get3A_2000, %mul3A_2005 : vector<16xi32>
      %convert_element_type3A_2007 = arith.sitofp %mul3A_2006 : vector<16xi32> to vector<16xf32>
      %mul3A_2008 = arith.constant 1.562500e-05 : f32
      %mul3A_2009 = vector.broadcast %mul3A_2008 : f32 to vector<16xf32>
      %mul3A_2010 = arith.mulf %convert_element_type3A_2007, %mul3A_2009 : vector<16xf32>
      %convert_element_type3A_2011 = arith.fptosi %mul3A_2010 : vector<16xf32> to vector<16xi32>
      %mul3A_2012 = arith.constant 64000 : i32
      %mul3A_2013 = vector.broadcast %mul3A_2012 : i32 to vector<16xi32>
      %mul3A_2014 = arith.muli %convert_element_type3A_2011, %mul3A_2013 : vector<16xi32>
      %sub3A_2015 = arith.subi %mul3A_2006, %mul3A_2014 : vector<16xi32>
      %lt3A_2016 = arith.constant 0 : i32
      %lt3A_2017 = vector.broadcast %lt3A_2016 : i32 to vector<16xi32>
      %lt3A_2018 = arith.cmpi slt, %sub3A_2015, %lt3A_2017 : vector<16xi32>
      %jit3A_2019 = arith.constant 64000 : i32
      %jit3A_2020 = arith.constant 0 : i32
      %broadcast_in_dim3A_2021 = vector.broadcast %jit3A_2019 : i32 to vector<16xi32>
      %broadcast_in_dim3A_2022 = vector.broadcast %jit3A_2020 : i32 to vector<16xi32>
      %select_n3A_2023 = arith.select %lt3A_2018, %broadcast_in_dim3A_2021, %broadcast_in_dim3A_2022 : vector<16xi1>, vector<16xi32>
      %add3A_2024 = arith.addi %sub3A_2015, %select_n3A_2023 : vector<16xi32>
      %ge3A_2025 = arith.constant 64000 : i32
      %ge3A_2026 = vector.broadcast %ge3A_2025 : i32 to vector<16xi32>
      %ge3A_2027 = arith.cmpi sge, %add3A_2024, %ge3A_2026 : vector<16xi32>
      %jit3A_2028 = arith.constant 64000 : i32
      %jit3A_2029 = arith.constant 0 : i32
      %broadcast_in_dim3A_2030 = vector.broadcast %jit3A_2028 : i32 to vector<16xi32>
      %broadcast_in_dim3A_2031 = vector.broadcast %jit3A_2029 : i32 to vector<16xi32>
      %select_n3A_2032 = arith.select %ge3A_2027, %broadcast_in_dim3A_2030, %broadcast_in_dim3A_2031 : vector<16xi1>, vector<16xi32>
      %sub3A_2033 = arith.subi %add3A_2024, %select_n3A_2032 : vector<16xi32>
      %mul3A_2034 = arith.constant 35769 : i32
      %mul3A_2035 = vector.broadcast %mul3A_2034 : i32 to vector<16xi32>
      %mul3A_2036 = arith.muli %get3A_2003, %mul3A_2035 : vector<16xi32>
      %convert_element_type3A_2037 = arith.sitofp %mul3A_2036 : vector<16xi32> to vector<16xf32>
      %mul3A_2038 = arith.constant 1.562500e-05 : f32
      %mul3A_2039 = vector.broadcast %mul3A_2038 : f32 to vector<16xf32>
      %mul3A_2040 = arith.mulf %convert_element_type3A_2037, %mul3A_2039 : vector<16xf32>
      %convert_element_type3A_2041 = arith.fptosi %mul3A_2040 : vector<16xf32> to vector<16xi32>
      %mul3A_2042 = arith.constant 64000 : i32
      %mul3A_2043 = vector.broadcast %mul3A_2042 : i32 to vector<16xi32>
      %mul3A_2044 = arith.muli %convert_element_type3A_2041, %mul3A_2043 : vector<16xi32>
      %sub3A_2045 = arith.subi %mul3A_2036, %mul3A_2044 : vector<16xi32>
      %lt3A_2046 = arith.constant 0 : i32
      %lt3A_2047 = vector.broadcast %lt3A_2046 : i32 to vector<16xi32>
      %lt3A_2048 = arith.cmpi slt, %sub3A_2045, %lt3A_2047 : vector<16xi32>
      %jit3A_2049 = arith.constant 64000 : i32
      %jit3A_2050 = arith.constant 0 : i32
      %broadcast_in_dim3A_2051 = vector.broadcast %jit3A_2049 : i32 to vector<16xi32>
      %broadcast_in_dim3A_2052 = vector.broadcast %jit3A_2050 : i32 to vector<16xi32>
      %select_n3A_2053 = arith.select %lt3A_2048, %broadcast_in_dim3A_2051, %broadcast_in_dim3A_2052 : vector<16xi1>, vector<16xi32>
      %add3A_2054 = arith.addi %sub3A_2045, %select_n3A_2053 : vector<16xi32>
      %ge3A_2055 = arith.constant 64000 : i32
      %ge3A_2056 = vector.broadcast %ge3A_2055 : i32 to vector<16xi32>
      %ge3A_2057 = arith.cmpi sge, %add3A_2054, %ge3A_2056 : vector<16xi32>
      %jit3A_2058 = arith.constant 64000 : i32
      %jit3A_2059 = arith.constant 0 : i32
      %broadcast_in_dim3A_2060 = vector.broadcast %jit3A_2058 : i32 to vector<16xi32>
      %broadcast_in_dim3A_2061 = vector.broadcast %jit3A_2059 : i32 to vector<16xi32>
      %select_n3A_2062 = arith.select %ge3A_2057, %broadcast_in_dim3A_2060, %broadcast_in_dim3A_2061 : vector<16xi1>, vector<16xi32>
      %sub3A_2063 = arith.subi %add3A_2054, %select_n3A_2062 : vector<16xi32>
      %add3A_2064 = arith.addi %sub3A_2033, %sub3A_2063 : vector<16xi32>
      %add3A_2065 = arith.addi %add3A_2064, %sub3A_26 : vector<16xi32>
      %ge3A_2066 = arith.constant 64000 : i32
      %ge3A_2067 = vector.broadcast %ge3A_2066 : i32 to vector<16xi32>
      %ge3A_2068 = arith.cmpi sge, %add3A_2065, %ge3A_2067 : vector<16xi32>
      %jit3A_2069 = arith.constant 64000 : i32
      %jit3A_2070 = arith.constant 0 : i32
      %broadcast_in_dim3A_2071 = vector.broadcast %jit3A_2069 : i32 to vector<16xi32>
      %broadcast_in_dim3A_2072 = vector.broadcast %jit3A_2070 : i32 to vector<16xi32>
      %select_n3A_2073 = arith.select %ge3A_2068, %broadcast_in_dim3A_2071, %broadcast_in_dim3A_2072 : vector<16xi1>, vector<16xi32>
      %sub3A_2074 = arith.subi %add3A_2065, %select_n3A_2073 : vector<16xi32>
      %ge3A_2075 = arith.constant 64000 : i32
      %ge3A_2076 = vector.broadcast %ge3A_2075 : i32 to vector<16xi32>
      %ge3A_2077 = arith.cmpi sge, %sub3A_2074, %ge3A_2076 : vector<16xi32>
      %jit3A_2078 = arith.constant 64000 : i32
      %jit3A_2079 = arith.constant 0 : i32
      %broadcast_in_dim3A_2080 = vector.broadcast %jit3A_2078 : i32 to vector<16xi32>
      %broadcast_in_dim3A_2081 = vector.broadcast %jit3A_2079 : i32 to vector<16xi32>
      %select_n3A_2082 = arith.select %ge3A_2077, %broadcast_in_dim3A_2080, %broadcast_in_dim3A_2081 : vector<16xi1>, vector<16xi32>
      %sub3A_2083 = arith.subi %sub3A_2074, %select_n3A_2082 : vector<16xi32>
      %add3A_2084 = arith.constant 0 : i32
      %add3A_2085 = vector.broadcast %add3A_2084 : i32 to vector<16xi32>
      %add3A_2086 = arith.addi %sub3A_2083, %add3A_2085 : vector<16xi32>
      %swap3A_2087 = arith.constant 0 : i64
      %swap3A_2088 = arith.constant 1 : i64
      %swap3A_2089 = arith.index_cast %swap3A_2087 : i64 to index
      %swap3A_2090 = arith.index_cast %swap3A_2088 : i64 to index
      %swap3A_2091 = arith.constant 64 : index
      %swap3A_2092 = tpu.vector_load %arg11[%swap3A_2089, %swap3A_2090, %swap3A_2091] {strides = array<i32>} : memref<3x2x128xi32, #tpu.memory_space<vmem>>, vector<1x1x16xi32>,
      %swap3A_2093 = vector.shape_cast %swap3A_2092 : vector<1x1x16xi32> to vector<16xi32>
      %swap3A_2094 = vector.shape_cast %add3A_2086 : vector<16xi32> to vector<1x1x16xi32>
      tpu.vector_store %arg11[%swap3A_2089, %swap3A_2090, %swap3A_2091], %swap3A_2094 {strides = array<i32>} : memref<3x2x128xi32, #tpu.memory_space<vmem>>, vector<1x1x16xi32>,
      %add3A_2095 = arith.addi %sub3A_2033, %sub3A_2063 : vector<16xi32>
      %add3A_2096 = arith.addi %add3A_2095, %sub3A_58 : vector<16xi32>
      %ge3A_2097 = arith.constant 64000 : i32
      %ge3A_2098 = vector.broadcast %ge3A_2097 : i32 to vector<16xi32>
      %ge3A_2099 = arith.cmpi sge, %add3A_2096, %ge3A_2098 : vector<16xi32>
      %jit3A_2100 = arith.constant 64000 : i32
      %jit3A_2101 = arith.constant 0 : i32
      %broadcast_in_dim3A_2102 = vector.broadcast %jit3A_2100 : i32 to vector<16xi32>
      %broadcast_in_dim3A_2103 = vector.broadcast %jit3A_2101 : i32 to vector<16xi32>
      %select_n3A_2104 = arith.select %ge3A_2099, %broadcast_in_dim3A_2102, %broadcast_in_dim3A_2103 : vector<16xi1>, vector<16xi32>
      %sub3A_2105 = arith.subi %add3A_2096, %select_n3A_2104 : vector<16xi32>
      %ge3A_2106 = arith.constant 64000 : i32
      %ge3A_2107 = vector.broadcast %ge3A_2106 : i32 to vector<16xi32>
      %ge3A_2108 = arith.cmpi sge, %sub3A_2105, %ge3A_2107 : vector<16xi32>
      %jit3A_2109 = arith.constant 64000 : i32
      %jit3A_2110 = arith.constant 0 : i32
      %broadcast_in_dim3A_2111 = vector.broadcast %jit3A_2109 : i32 to vector<16xi32>
      %broadcast_in_dim3A_2112 = vector.broadcast %jit3A_2110 : i32 to vector<16xi32>
      %select_n3A_2113 = arith.select %ge3A_2108, %broadcast_in_dim3A_2111, %broadcast_in_dim3A_2112 : vector<16xi1>, vector<16xi32>
      %sub3A_2114 = arith.subi %sub3A_2105, %select_n3A_2113 : vector<16xi32>
      %add3A_2115 = arith.constant 64000 : i32
      %add3A_2116 = vector.broadcast %add3A_2115 : i32 to vector<16xi32>
      %add3A_2117 = arith.addi %sub3A_2114, %add3A_2116 : vector<16xi32>
      %swap3A_2118 = arith.constant 1 : i64
      %swap3A_2119 = arith.constant 1 : i64
      %swap3A_2120 = arith.index_cast %swap3A_2118 : i64 to index
      %swap3A_2121 = arith.index_cast %swap3A_2119 : i64 to index
      %swap3A_2122 = arith.constant 64 : index
      %swap3A_2123 = tpu.vector_load %arg11[%swap3A_2120, %swap3A_2121, %swap3A_2122] {strides = array<i32>} : memref<3x2x128xi32, #tpu.memory_space<vmem>>, vector<1x1x16xi32>,
      %swap3A_2124 = vector.shape_cast %swap3A_2123 : vector<1x1x16xi32> to vector<16xi32>
      %swap3A_2125 = vector.shape_cast %add3A_2117 : vector<16xi32> to vector<1x1x16xi32>
      tpu.vector_store %arg11[%swap3A_2120, %swap3A_2121, %swap3A_2122], %swap3A_2125 {strides = array<i32>} : memref<3x2x128xi32, #tpu.memory_space<vmem>>, vector<1x1x16xi32>,
      %add3A_2126 = arith.addi %sub3A_2033, %sub3A_2063 : vector<16xi32>
      %add3A_2127 = arith.addi %add3A_2126, %sub3A_90 : vector<16xi32>
      %ge3A_2128 = arith.constant 64000 : i32
      %ge3A_2129 = vector.broadcast %ge3A_2128 : i32 to vector<16xi32>
      %ge3A_2130 = arith.cmpi sge, %add3A_2127, %ge3A_2129 : vector<16xi32>
      %jit3A_2131 = arith.constant 64000 : i32
      %jit3A_2132 = arith.constant 0 : i32
      %broadcast_in_dim3A_2133 = vector.broadcast %jit3A_2131 : i32 to vector<16xi32>
      %broadcast_in_dim3A_2134 = vector.broadcast %jit3A_2132 : i32 to vector<16xi32>
      %select_n3A_2135 = arith.select %ge3A_2130, %broadcast_in_dim3A_2133, %broadcast_in_dim3A_2134 : vector<16xi1>, vector<16xi32>
      %sub3A_2136 = arith.subi %add3A_2127, %select_n3A_2135 : vector<16xi32>
      %ge3A_2137 = arith.constant 64000 : i32
      %ge3A_2138 = vector.broadcast %ge3A_2137 : i32 to vector<16xi32>
      %ge3A_2139 = arith.cmpi sge, %sub3A_2136, %ge3A_2138 : vector<16xi32>
      %jit3A_2140 = arith.constant 64000 : i32
      %jit3A_2141 = arith.constant 0 : i32
      %broadcast_in_dim3A_2142 = vector.broadcast %jit3A_2140 : i32 to vector<16xi32>
      %broadcast_in_dim3A_2143 = vector.broadcast %jit3A_2141 : i32 to vector<16xi32>
      %select_n3A_2144 = arith.select %ge3A_2139, %broadcast_in_dim3A_2142, %broadcast_in_dim3A_2143 : vector<16xi1>, vector<16xi32>
      %sub3A_2145 = arith.subi %sub3A_2136, %select_n3A_2144 : vector<16xi32>
      %add3A_2146 = arith.constant 128000 : i32
      %add3A_2147 = vector.broadcast %add3A_2146 : i32 to vector<16xi32>
      %add3A_2148 = arith.addi %sub3A_2145, %add3A_2147 : vector<16xi32>
      %swap3A_2149 = arith.constant 2 : i64
      %swap3A_2150 = arith.constant 1 : i64
      %swap3A_2151 = arith.index_cast %swap3A_2149 : i64 to index
      %swap3A_2152 = arith.index_cast %swap3A_2150 : i64 to index
      %swap3A_2153 = arith.constant 64 : index
      %swap3A_2154 = tpu.vector_load %arg11[%swap3A_2151, %swap3A_2152, %swap3A_2153] {strides = array<i32>} : memref<3x2x128xi32, #tpu.memory_space<vmem>>, vector<1x1x16xi32>,
      %swap3A_2155 = vector.shape_cast %swap3A_2154 : vector<1x1x16xi32> to vector<16xi32>
      %swap3A_2156 = vector.shape_cast %add3A_2148 : vector<16xi32> to vector<1x1x16xi32>
      tpu.vector_store %arg11[%swap3A_2151, %swap3A_2152, %swap3A_2153], %swap3A_2156 {strides = array<i32>} : memref<3x2x128xi32, #tpu.memory_space<vmem>>, vector<1x1x16xi32>,
      %get3A_2157 = arith.constant 208 : index
      %get3A_2158 = tpu.vector_load %arg9[%get3A_2157] {strides = array<i32>} : memref<256xi32, #tpu.memory_space<vmem>>, vector<16xi32>,
      %get3A_2159 = vector.shape_cast %get3A_2158 : vector<16xi32> to vector<16xi32>
      %get3A_2160 = arith.constant 208 : index
      %get3A_2161 = tpu.vector_load %arg10[%get3A_2160] {strides = array<i32>} : memref<256xi32, #tpu.memory_space<vmem>>, vector<16xi32>,
      %get3A_2162 = vector.shape_cast %get3A_2161 : vector<16xi32> to vector<16xi32>
      %mul3A_2163 = arith.constant 31337 : i32
      %mul3A_2164 = vector.broadcast %mul3A_2163 : i32 to vector<16xi32>
      %mul3A_2165 = arith.muli %get3A_2159, %mul3A_2164 : vector<16xi32>
      %convert_element_type3A_2166 = arith.sitofp %mul3A_2165 : vector<16xi32> to vector<16xf32>
      %mul3A_2167 = arith.constant 1.562500e-05 : f32
      %mul3A_2168 = vector.broadcast %mul3A_2167 : f32 to vector<16xf32>
      %mul3A_2169 = arith.mulf %convert_element_type3A_2166, %mul3A_2168 : vector<16xf32>
      %convert_element_type3A_2170 = arith.fptosi %mul3A_2169 : vector<16xf32> to vector<16xi32>
      %mul3A_2171 = arith.constant 64000 : i32
      %mul3A_2172 = vector.broadcast %mul3A_2171 : i32 to vector<16xi32>
      %mul3A_2173 = arith.muli %convert_element_type3A_2170, %mul3A_2172 : vector<16xi32>
      %sub3A_2174 = arith.subi %mul3A_2165, %mul3A_2173 : vector<16xi32>
      %lt3A_2175 = arith.constant 0 : i32
      %lt3A_2176 = vector.broadcast %lt3A_2175 : i32 to vector<16xi32>
      %lt3A_2177 = arith.cmpi slt, %sub3A_2174, %lt3A_2176 : vector<16xi32>
      %jit3A_2178 = arith.constant 64000 : i32
      %jit3A_2179 = arith.constant 0 : i32
      %broadcast_in_dim3A_2180 = vector.broadcast %jit3A_2178 : i32 to vector<16xi32>
      %broadcast_in_dim3A_2181 = vector.broadcast %jit3A_2179 : i32 to vector<16xi32>
      %select_n3A_2182 = arith.select %lt3A_2177, %broadcast_in_dim3A_2180, %broadcast_in_dim3A_2181 : vector<16xi1>, vector<16xi32>
      %add3A_2183 = arith.addi %sub3A_2174, %select_n3A_2182 : vector<16xi32>
      %ge3A_2184 = arith.constant 64000 : i32
      %ge3A_2185 = vector.broadcast %ge3A_2184 : i32 to vector<16xi32>
      %ge3A_2186 = arith.cmpi sge, %add3A_2183, %ge3A_2185 : vector<16xi32>
      %jit3A_2187 = arith.constant 64000 : i32
      %jit3A_2188 = arith.constant 0 : i32
      %broadcast_in_dim3A_2189 = vector.broadcast %jit3A_2187 : i32 to vector<16xi32>
      %broadcast_in_dim3A_2190 = vector.broadcast %jit3A_2188 : i32 to vector<16xi32>
      %select_n3A_2191 = arith.select %ge3A_2186, %broadcast_in_dim3A_2189, %broadcast_in_dim3A_2190 : vector<16xi1>, vector<16xi32>
      %sub3A_2192 = arith.subi %add3A_2183, %select_n3A_2191 : vector<16xi32>
      %mul3A_2193 = arith.constant 35769 : i32
      %mul3A_2194 = vector.broadcast %mul3A_2193 : i32 to vector<16xi32>
      %mul3A_2195 = arith.muli %get3A_2162, %mul3A_2194 : vector<16xi32>
      %convert_element_type3A_2196 = arith.sitofp %mul3A_2195 : vector<16xi32> to vector<16xf32>
      %mul3A_2197 = arith.constant 1.562500e-05 : f32
      %mul3A_2198 = vector.broadcast %mul3A_2197 : f32 to vector<16xf32>
      %mul3A_2199 = arith.mulf %convert_element_type3A_2196, %mul3A_2198 : vector<16xf32>
      %convert_element_type3A_2200 = arith.fptosi %mul3A_2199 : vector<16xf32> to vector<16xi32>
      %mul3A_2201 = arith.constant 64000 : i32
      %mul3A_2202 = vector.broadcast %mul3A_2201 : i32 to vector<16xi32>
      %mul3A_2203 = arith.muli %convert_element_type3A_2200, %mul3A_2202 : vector<16xi32>
      %sub3A_2204 = arith.subi %mul3A_2195, %mul3A_2203 : vector<16xi32>
      %lt3A_2205 = arith.constant 0 : i32
      %lt3A_2206 = vector.broadcast %lt3A_2205 : i32 to vector<16xi32>
      %lt3A_2207 = arith.cmpi slt, %sub3A_2204, %lt3A_2206 : vector<16xi32>
      %jit3A_2208 = arith.constant 64000 : i32
      %jit3A_2209 = arith.constant 0 : i32
      %broadcast_in_dim3A_2210 = vector.broadcast %jit3A_2208 : i32 to vector<16xi32>
      %broadcast_in_dim3A_2211 = vector.broadcast %jit3A_2209 : i32 to vector<16xi32>
      %select_n3A_2212 = arith.select %lt3A_2207, %broadcast_in_dim3A_2210, %broadcast_in_dim3A_2211 : vector<16xi1>, vector<16xi32>
      %add3A_2213 = arith.addi %sub3A_2204, %select_n3A_2212 : vector<16xi32>
      %ge3A_2214 = arith.constant 64000 : i32
      %ge3A_2215 = vector.broadcast %ge3A_2214 : i32 to vector<16xi32>
      %ge3A_2216 = arith.cmpi sge, %add3A_2213, %ge3A_2215 : vector<16xi32>
      %jit3A_2217 = arith.constant 64000 : i32
      %jit3A_2218 = arith.constant 0 : i32
      %broadcast_in_dim3A_2219 = vector.broadcast %jit3A_2217 : i32 to vector<16xi32>
      %broadcast_in_dim3A_2220 = vector.broadcast %jit3A_2218 : i32 to vector<16xi32>
      %select_n3A_2221 = arith.select %ge3A_2216, %broadcast_in_dim3A_2219, %broadcast_in_dim3A_2220 : vector<16xi1>, vector<16xi32>
      %sub3A_2222 = arith.subi %add3A_2213, %select_n3A_2221 : vector<16xi32>
      %add3A_2223 = arith.addi %sub3A_2192, %sub3A_2222 : vector<16xi32>
      %add3A_2224 = arith.addi %add3A_2223, %sub3A_26 : vector<16xi32>
      %ge3A_2225 = arith.constant 64000 : i32
      %ge3A_2226 = vector.broadcast %ge3A_2225 : i32 to vector<16xi32>
      %ge3A_2227 = arith.cmpi sge, %add3A_2224, %ge3A_2226 : vector<16xi32>
      %jit3A_2228 = arith.constant 64000 : i32
      %jit3A_2229 = arith.constant 0 : i32
      %broadcast_in_dim3A_2230 = vector.broadcast %jit3A_2228 : i32 to vector<16xi32>
      %broadcast_in_dim3A_2231 = vector.broadcast %jit3A_2229 : i32 to vector<16xi32>
      %select_n3A_2232 = arith.select %ge3A_2227, %broadcast_in_dim3A_2230, %broadcast_in_dim3A_2231 : vector<16xi1>, vector<16xi32>
      %sub3A_2233 = arith.subi %add3A_2224, %select_n3A_2232 : vector<16xi32>
      %ge3A_2234 = arith.constant 64000 : i32
      %ge3A_2235 = vector.broadcast %ge3A_2234 : i32 to vector<16xi32>
      %ge3A_2236 = arith.cmpi sge, %sub3A_2233, %ge3A_2235 : vector<16xi32>
      %jit3A_2237 = arith.constant 64000 : i32
      %jit3A_2238 = arith.constant 0 : i32
      %broadcast_in_dim3A_2239 = vector.broadcast %jit3A_2237 : i32 to vector<16xi32>
      %broadcast_in_dim3A_2240 = vector.broadcast %jit3A_2238 : i32 to vector<16xi32>
      %select_n3A_2241 = arith.select %ge3A_2236, %broadcast_in_dim3A_2239, %broadcast_in_dim3A_2240 : vector<16xi1>, vector<16xi32>
      %sub3A_2242 = arith.subi %sub3A_2233, %select_n3A_2241 : vector<16xi32>
      %add3A_2243 = arith.constant 0 : i32
      %add3A_2244 = vector.broadcast %add3A_2243 : i32 to vector<16xi32>
      %add3A_2245 = arith.addi %sub3A_2242, %add3A_2244 : vector<16xi32>
      %swap3A_2246 = arith.constant 0 : i64
      %swap3A_2247 = arith.constant 1 : i64
      %swap3A_2248 = arith.index_cast %swap3A_2246 : i64 to index
      %swap3A_2249 = arith.index_cast %swap3A_2247 : i64 to index
      %swap3A_2250 = arith.constant 80 : index
      %swap3A_2251 = tpu.vector_load %arg11[%swap3A_2248, %swap3A_2249, %swap3A_2250] {strides = array<i32>} : memref<3x2x128xi32, #tpu.memory_space<vmem>>, vector<1x1x16xi32>,
      %swap3A_2252 = vector.shape_cast %swap3A_2251 : vector<1x1x16xi32> to vector<16xi32>
      %swap3A_2253 = vector.shape_cast %add3A_2245 : vector<16xi32> to vector<1x1x16xi32>
      tpu.vector_store %arg11[%swap3A_2248, %swap3A_2249, %swap3A_2250], %swap3A_2253 {strides = array<i32>} : memref<3x2x128xi32, #tpu.memory_space<vmem>>, vector<1x1x16xi32>,
      %add3A_2254 = arith.addi %sub3A_2192, %sub3A_2222 : vector<16xi32>
      %add3A_2255 = arith.addi %add3A_2254, %sub3A_58 : vector<16xi32>
      %ge3A_2256 = arith.constant 64000 : i32
      %ge3A_2257 = vector.broadcast %ge3A_2256 : i32 to vector<16xi32>
      %ge3A_2258 = arith.cmpi sge, %add3A_2255, %ge3A_2257 : vector<16xi32>
      %jit3A_2259 = arith.constant 64000 : i32
      %jit3A_2260 = arith.constant 0 : i32
      %broadcast_in_dim3A_2261 = vector.broadcast %jit3A_2259 : i32 to vector<16xi32>
      %broadcast_in_dim3A_2262 = vector.broadcast %jit3A_2260 : i32 to vector<16xi32>
      %select_n3A_2263 = arith.select %ge3A_2258, %broadcast_in_dim3A_2261, %broadcast_in_dim3A_2262 : vector<16xi1>, vector<16xi32>
      %sub3A_2264 = arith.subi %add3A_2255, %select_n3A_2263 : vector<16xi32>
      %ge3A_2265 = arith.constant 64000 : i32
      %ge3A_2266 = vector.broadcast %ge3A_2265 : i32 to vector<16xi32>
      %ge3A_2267 = arith.cmpi sge, %sub3A_2264, %ge3A_2266 : vector<16xi32>
      %jit3A_2268 = arith.constant 64000 : i32
      %jit3A_2269 = arith.constant 0 : i32
      %broadcast_in_dim3A_2270 = vector.broadcast %jit3A_2268 : i32 to vector<16xi32>
      %broadcast_in_dim3A_2271 = vector.broadcast %jit3A_2269 : i32 to vector<16xi32>
      %select_n3A_2272 = arith.select %ge3A_2267, %broadcast_in_dim3A_2270, %broadcast_in_dim3A_2271 : vector<16xi1>, vector<16xi32>
      %sub3A_2273 = arith.subi %sub3A_2264, %select_n3A_2272 : vector<16xi32>
      %add3A_2274 = arith.constant 64000 : i32
      %add3A_2275 = vector.broadcast %add3A_2274 : i32 to vector<16xi32>
      %add3A_2276 = arith.addi %sub3A_2273, %add3A_2275 : vector<16xi32>
      %swap3A_2277 = arith.constant 1 : i64
      %swap3A_2278 = arith.constant 1 : i64
      %swap3A_2279 = arith.index_cast %swap3A_2277 : i64 to index
      %swap3A_2280 = arith.index_cast %swap3A_2278 : i64 to index
      %swap3A_2281 = arith.constant 80 : index
      %swap3A_2282 = tpu.vector_load %arg11[%swap3A_2279, %swap3A_2280, %swap3A_2281] {strides = array<i32>} : memref<3x2x128xi32, #tpu.memory_space<vmem>>, vector<1x1x16xi32>,
      %swap3A_2283 = vector.shape_cast %swap3A_2282 : vector<1x1x16xi32> to vector<16xi32>
      %swap3A_2284 = vector.shape_cast %add3A_2276 : vector<16xi32> to vector<1x1x16xi32>
      tpu.vector_store %arg11[%swap3A_2279, %swap3A_2280, %swap3A_2281], %swap3A_2284 {strides = array<i32>} : memref<3x2x128xi32, #tpu.memory_space<vmem>>, vector<1x1x16xi32>,
      %add3A_2285 = arith.addi %sub3A_2192, %sub3A_2222 : vector<16xi32>
      %add3A_2286 = arith.addi %add3A_2285, %sub3A_90 : vector<16xi32>
      %ge3A_2287 = arith.constant 64000 : i32
      %ge3A_2288 = vector.broadcast %ge3A_2287 : i32 to vector<16xi32>
      %ge3A_2289 = arith.cmpi sge, %add3A_2286, %ge3A_2288 : vector<16xi32>
      %jit3A_2290 = arith.constant 64000 : i32
      %jit3A_2291 = arith.constant 0 : i32
      %broadcast_in_dim3A_2292 = vector.broadcast %jit3A_2290 : i32 to vector<16xi32>
      %broadcast_in_dim3A_2293 = vector.broadcast %jit3A_2291 : i32 to vector<16xi32>
      %select_n3A_2294 = arith.select %ge3A_2289, %broadcast_in_dim3A_2292, %broadcast_in_dim3A_2293 : vector<16xi1>, vector<16xi32>
      %sub3A_2295 = arith.subi %add3A_2286, %select_n3A_2294 : vector<16xi32>
      %ge3A_2296 = arith.constant 64000 : i32
      %ge3A_2297 = vector.broadcast %ge3A_2296 : i32 to vector<16xi32>
      %ge3A_2298 = arith.cmpi sge, %sub3A_2295, %ge3A_2297 : vector<16xi32>
      %jit3A_2299 = arith.constant 64000 : i32
      %jit3A_2300 = arith.constant 0 : i32
      %broadcast_in_dim3A_2301 = vector.broadcast %jit3A_2299 : i32 to vector<16xi32>
      %broadcast_in_dim3A_2302 = vector.broadcast %jit3A_2300 : i32 to vector<16xi32>
      %select_n3A_2303 = arith.select %ge3A_2298, %broadcast_in_dim3A_2301, %broadcast_in_dim3A_2302 : vector<16xi1>, vector<16xi32>
      %sub3A_2304 = arith.subi %sub3A_2295, %select_n3A_2303 : vector<16xi32>
      %add3A_2305 = arith.constant 128000 : i32
      %add3A_2306 = vector.broadcast %add3A_2305 : i32 to vector<16xi32>
      %add3A_2307 = arith.addi %sub3A_2304, %add3A_2306 : vector<16xi32>
      %swap3A_2308 = arith.constant 2 : i64
      %swap3A_2309 = arith.constant 1 : i64
      %swap3A_2310 = arith.index_cast %swap3A_2308 : i64 to index
      %swap3A_2311 = arith.index_cast %swap3A_2309 : i64 to index
      %swap3A_2312 = arith.constant 80 : index
      %swap3A_2313 = tpu.vector_load %arg11[%swap3A_2310, %swap3A_2311, %swap3A_2312] {strides = array<i32>} : memref<3x2x128xi32, #tpu.memory_space<vmem>>, vector<1x1x16xi32>,
      %swap3A_2314 = vector.shape_cast %swap3A_2313 : vector<1x1x16xi32> to vector<16xi32>
      %swap3A_2315 = vector.shape_cast %add3A_2307 : vector<16xi32> to vector<1x1x16xi32>
      tpu.vector_store %arg11[%swap3A_2310, %swap3A_2311, %swap3A_2312], %swap3A_2315 {strides = array<i32>} : memref<3x2x128xi32, #tpu.memory_space<vmem>>, vector<1x1x16xi32>,
      %get3A_2316 = arith.constant 224 : index
      %get3A_2317 = tpu.vector_load %arg9[%get3A_2316] {strides = array<i32>} : memref<256xi32, #tpu.memory_space<vmem>>, vector<16xi32>,
      %get3A_2318 = vector.shape_cast %get3A_2317 : vector<16xi32> to vector<16xi32>
      %get3A_2319 = arith.constant 224 : index
      %get3A_2320 = tpu.vector_load %arg10[%get3A_2319] {strides = array<i32>} : memref<256xi32, #tpu.memory_space<vmem>>, vector<16xi32>,
      %get3A_2321 = vector.shape_cast %get3A_2320 : vector<16xi32> to vector<16xi32>
      %mul3A_2322 = arith.constant 31337 : i32
      %mul3A_2323 = vector.broadcast %mul3A_2322 : i32 to vector<16xi32>
      %mul3A_2324 = arith.muli %get3A_2318, %mul3A_2323 : vector<16xi32>
      %convert_element_type3A_2325 = arith.sitofp %mul3A_2324 : vector<16xi32> to vector<16xf32>
      %mul3A_2326 = arith.constant 1.562500e-05 : f32
      %mul3A_2327 = vector.broadcast %mul3A_2326 : f32 to vector<16xf32>
      %mul3A_2328 = arith.mulf %convert_element_type3A_2325, %mul3A_2327 : vector<16xf32>
      %convert_element_type3A_2329 = arith.fptosi %mul3A_2328 : vector<16xf32> to vector<16xi32>
      %mul3A_2330 = arith.constant 64000 : i32
      %mul3A_2331 = vector.broadcast %mul3A_2330 : i32 to vector<16xi32>
      %mul3A_2332 = arith.muli %convert_element_type3A_2329, %mul3A_2331 : vector<16xi32>
      %sub3A_2333 = arith.subi %mul3A_2324, %mul3A_2332 : vector<16xi32>
      %lt3A_2334 = arith.constant 0 : i32
      %lt3A_2335 = vector.broadcast %lt3A_2334 : i32 to vector<16xi32>
      %lt3A_2336 = arith.cmpi slt, %sub3A_2333, %lt3A_2335 : vector<16xi32>
      %jit3A_2337 = arith.constant 64000 : i32
      %jit3A_2338 = arith.constant 0 : i32
      %broadcast_in_dim3A_2339 = vector.broadcast %jit3A_2337 : i32 to vector<16xi32>
      %broadcast_in_dim3A_2340 = vector.broadcast %jit3A_2338 : i32 to vector<16xi32>
      %select_n3A_2341 = arith.select %lt3A_2336, %broadcast_in_dim3A_2339, %broadcast_in_dim3A_2340 : vector<16xi1>, vector<16xi32>
      %add3A_2342 = arith.addi %sub3A_2333, %select_n3A_2341 : vector<16xi32>
      %ge3A_2343 = arith.constant 64000 : i32
      %ge3A_2344 = vector.broadcast %ge3A_2343 : i32 to vector<16xi32>
      %ge3A_2345 = arith.cmpi sge, %add3A_2342, %ge3A_2344 : vector<16xi32>
      %jit3A_2346 = arith.constant 64000 : i32
      %jit3A_2347 = arith.constant 0 : i32
      %broadcast_in_dim3A_2348 = vector.broadcast %jit3A_2346 : i32 to vector<16xi32>
      %broadcast_in_dim3A_2349 = vector.broadcast %jit3A_2347 : i32 to vector<16xi32>
      %select_n3A_2350 = arith.select %ge3A_2345, %broadcast_in_dim3A_2348, %broadcast_in_dim3A_2349 : vector<16xi1>, vector<16xi32>
      %sub3A_2351 = arith.subi %add3A_2342, %select_n3A_2350 : vector<16xi32>
      %mul3A_2352 = arith.constant 35769 : i32
      %mul3A_2353 = vector.broadcast %mul3A_2352 : i32 to vector<16xi32>
      %mul3A_2354 = arith.muli %get3A_2321, %mul3A_2353 : vector<16xi32>
      %convert_element_type3A_2355 = arith.sitofp %mul3A_2354 : vector<16xi32> to vector<16xf32>
      %mul3A_2356 = arith.constant 1.562500e-05 : f32
      %mul3A_2357 = vector.broadcast %mul3A_2356 : f32 to vector<16xf32>
      %mul3A_2358 = arith.mulf %convert_element_type3A_2355, %mul3A_2357 : vector<16xf32>
      %convert_element_type3A_2359 = arith.fptosi %mul3A_2358 : vector<16xf32> to vector<16xi32>
      %mul3A_2360 = arith.constant 64000 : i32
      %mul3A_2361 = vector.broadcast %mul3A_2360 : i32 to vector<16xi32>
      %mul3A_2362 = arith.muli %convert_element_type3A_2359, %mul3A_2361 : vector<16xi32>
      %sub3A_2363 = arith.subi %mul3A_2354, %mul3A_2362 : vector<16xi32>
      %lt3A_2364 = arith.constant 0 : i32
      %lt3A_2365 = vector.broadcast %lt3A_2364 : i32 to vector<16xi32>
      %lt3A_2366 = arith.cmpi slt, %sub3A_2363, %lt3A_2365 : vector<16xi32>
      %jit3A_2367 = arith.constant 64000 : i32
      %jit3A_2368 = arith.constant 0 : i32
      %broadcast_in_dim3A_2369 = vector.broadcast %jit3A_2367 : i32 to vector<16xi32>
      %broadcast_in_dim3A_2370 = vector.broadcast %jit3A_2368 : i32 to vector<16xi32>
      %select_n3A_2371 = arith.select %lt3A_2366, %broadcast_in_dim3A_2369, %broadcast_in_dim3A_2370 : vector<16xi1>, vector<16xi32>
      %add3A_2372 = arith.addi %sub3A_2363, %select_n3A_2371 : vector<16xi32>
      %ge3A_2373 = arith.constant 64000 : i32
      %ge3A_2374 = vector.broadcast %ge3A_2373 : i32 to vector<16xi32>
      %ge3A_2375 = arith.cmpi sge, %add3A_2372, %ge3A_2374 : vector<16xi32>
      %jit3A_2376 = arith.constant 64000 : i32
      %jit3A_2377 = arith.constant 0 : i32
      %broadcast_in_dim3A_2378 = vector.broadcast %jit3A_2376 : i32 to vector<16xi32>
      %broadcast_in_dim3A_2379 = vector.broadcast %jit3A_2377 : i32 to vector<16xi32>
      %select_n3A_2380 = arith.select %ge3A_2375, %broadcast_in_dim3A_2378, %broadcast_in_dim3A_2379 : vector<16xi1>, vector<16xi32>
      %sub3A_2381 = arith.subi %add3A_2372, %select_n3A_2380 : vector<16xi32>
      %add3A_2382 = arith.addi %sub3A_2351, %sub3A_2381 : vector<16xi32>
      %add3A_2383 = arith.addi %add3A_2382, %sub3A_26 : vector<16xi32>
      %ge3A_2384 = arith.constant 64000 : i32
      %ge3A_2385 = vector.broadcast %ge3A_2384 : i32 to vector<16xi32>
      %ge3A_2386 = arith.cmpi sge, %add3A_2383, %ge3A_2385 : vector<16xi32>
      %jit3A_2387 = arith.constant 64000 : i32
      %jit3A_2388 = arith.constant 0 : i32
      %broadcast_in_dim3A_2389 = vector.broadcast %jit3A_2387 : i32 to vector<16xi32>
      %broadcast_in_dim3A_2390 = vector.broadcast %jit3A_2388 : i32 to vector<16xi32>
      %select_n3A_2391 = arith.select %ge3A_2386, %broadcast_in_dim3A_2389, %broadcast_in_dim3A_2390 : vector<16xi1>, vector<16xi32>
      %sub3A_2392 = arith.subi %add3A_2383, %select_n3A_2391 : vector<16xi32>
      %ge3A_2393 = arith.constant 64000 : i32
      %ge3A_2394 = vector.broadcast %ge3A_2393 : i32 to vector<16xi32>
      %ge3A_2395 = arith.cmpi sge, %sub3A_2392, %ge3A_2394 : vector<16xi32>
      %jit3A_2396 = arith.constant 64000 : i32
      %jit3A_2397 = arith.constant 0 : i32
      %broadcast_in_dim3A_2398 = vector.broadcast %jit3A_2396 : i32 to vector<16xi32>
      %broadcast_in_dim3A_2399 = vector.broadcast %jit3A_2397 : i32 to vector<16xi32>
      %select_n3A_2400 = arith.select %ge3A_2395, %broadcast_in_dim3A_2398, %broadcast_in_dim3A_2399 : vector<16xi1>, vector<16xi32>
      %sub3A_2401 = arith.subi %sub3A_2392, %select_n3A_2400 : vector<16xi32>
      %add3A_2402 = arith.constant 0 : i32
      %add3A_2403 = vector.broadcast %add3A_2402 : i32 to vector<16xi32>
      %add3A_2404 = arith.addi %sub3A_2401, %add3A_2403 : vector<16xi32>
      %swap3A_2405 = arith.constant 0 : i64
      %swap3A_2406 = arith.constant 1 : i64
      %swap3A_2407 = arith.index_cast %swap3A_2405 : i64 to index
      %swap3A_2408 = arith.index_cast %swap3A_2406 : i64 to index
      %swap3A_2409 = arith.constant 96 : index
      %swap3A_2410 = tpu.vector_load %arg11[%swap3A_2407, %swap3A_2408, %swap3A_2409] {strides = array<i32>} : memref<3x2x128xi32, #tpu.memory_space<vmem>>, vector<1x1x16xi32>,
      %swap3A_2411 = vector.shape_cast %swap3A_2410 : vector<1x1x16xi32> to vector<16xi32>
      %swap3A_2412 = vector.shape_cast %add3A_2404 : vector<16xi32> to vector<1x1x16xi32>
      tpu.vector_store %arg11[%swap3A_2407, %swap3A_2408, %swap3A_2409], %swap3A_2412 {strides = array<i32>} : memref<3x2x128xi32, #tpu.memory_space<vmem>>, vector<1x1x16xi32>,
      %add3A_2413 = arith.addi %sub3A_2351, %sub3A_2381 : vector<16xi32>
      %add3A_2414 = arith.addi %add3A_2413, %sub3A_58 : vector<16xi32>
      %ge3A_2415 = arith.constant 64000 : i32
      %ge3A_2416 = vector.broadcast %ge3A_2415 : i32 to vector<16xi32>
      %ge3A_2417 = arith.cmpi sge, %add3A_2414, %ge3A_2416 : vector<16xi32>
      %jit3A_2418 = arith.constant 64000 : i32
      %jit3A_2419 = arith.constant 0 : i32
      %broadcast_in_dim3A_2420 = vector.broadcast %jit3A_2418 : i32 to vector<16xi32>
      %broadcast_in_dim3A_2421 = vector.broadcast %jit3A_2419 : i32 to vector<16xi32>
      %select_n3A_2422 = arith.select %ge3A_2417, %broadcast_in_dim3A_2420, %broadcast_in_dim3A_2421 : vector<16xi1>, vector<16xi32>
      %sub3A_2423 = arith.subi %add3A_2414, %select_n3A_2422 : vector<16xi32>
      %ge3A_2424 = arith.constant 64000 : i32
      %ge3A_2425 = vector.broadcast %ge3A_2424 : i32 to vector<16xi32>
      %ge3A_2426 = arith.cmpi sge, %sub3A_2423, %ge3A_2425 : vector<16xi32>
      %jit3A_2427 = arith.constant 64000 : i32
      %jit3A_2428 = arith.constant 0 : i32
      %broadcast_in_dim3A_2429 = vector.broadcast %jit3A_2427 : i32 to vector<16xi32>
      %broadcast_in_dim3A_2430 = vector.broadcast %jit3A_2428 : i32 to vector<16xi32>
      %select_n3A_2431 = arith.select %ge3A_2426, %broadcast_in_dim3A_2429, %broadcast_in_dim3A_2430 : vector<16xi1>, vector<16xi32>
      %sub3A_2432 = arith.subi %sub3A_2423, %select_n3A_2431 : vector<16xi32>
      %add3A_2433 = arith.constant 64000 : i32
      %add3A_2434 = vector.broadcast %add3A_2433 : i32 to vector<16xi32>
      %add3A_2435 = arith.addi %sub3A_2432, %add3A_2434 : vector<16xi32>
      %swap3A_2436 = arith.constant 1 : i64
      %swap3A_2437 = arith.constant 1 : i64
      %swap3A_2438 = arith.index_cast %swap3A_2436 : i64 to index
      %swap3A_2439 = arith.index_cast %swap3A_2437 : i64 to index
      %swap3A_2440 = arith.constant 96 : index
      %swap3A_2441 = tpu.vector_load %arg11[%swap3A_2438, %swap3A_2439, %swap3A_2440] {strides = array<i32>} : memref<3x2x128xi32, #tpu.memory_space<vmem>>, vector<1x1x16xi32>,
      %swap3A_2442 = vector.shape_cast %swap3A_2441 : vector<1x1x16xi32> to vector<16xi32>
      %swap3A_2443 = vector.shape_cast %add3A_2435 : vector<16xi32> to vector<1x1x16xi32>
      tpu.vector_store %arg11[%swap3A_2438, %swap3A_2439, %swap3A_2440], %swap3A_2443 {strides = array<i32>} : memref<3x2x128xi32, #tpu.memory_space<vmem>>, vector<1x1x16xi32>,
      %add3A_2444 = arith.addi %sub3A_2351, %sub3A_2381 : vector<16xi32>
      %add3A_2445 = arith.addi %add3A_2444, %sub3A_90 : vector<16xi32>
      %ge3A_2446 = arith.constant 64000 : i32
      %ge3A_2447 = vector.broadcast %ge3A_2446 : i32 to vector<16xi32>
      %ge3A_2448 = arith.cmpi sge, %add3A_2445, %ge3A_2447 : vector<16xi32>
      %jit3A_2449 = arith.constant 64000 : i32
      %jit3A_2450 = arith.constant 0 : i32
      %broadcast_in_dim3A_2451 = vector.broadcast %jit3A_2449 : i32 to vector<16xi32>
      %broadcast_in_dim3A_2452 = vector.broadcast %jit3A_2450 : i32 to vector<16xi32>
      %select_n3A_2453 = arith.select %ge3A_2448, %broadcast_in_dim3A_2451, %broadcast_in_dim3A_2452 : vector<16xi1>, vector<16xi32>
      %sub3A_2454 = arith.subi %add3A_2445, %select_n3A_2453 : vector<16xi32>
      %ge3A_2455 = arith.constant 64000 : i32
      %ge3A_2456 = vector.broadcast %ge3A_2455 : i32 to vector<16xi32>
      %ge3A_2457 = arith.cmpi sge, %sub3A_2454, %ge3A_2456 : vector<16xi32>
      %jit3A_2458 = arith.constant 64000 : i32
      %jit3A_2459 = arith.constant 0 : i32
      %broadcast_in_dim3A_2460 = vector.broadcast %jit3A_2458 : i32 to vector<16xi32>
      %broadcast_in_dim3A_2461 = vector.broadcast %jit3A_2459 : i32 to vector<16xi32>
      %select_n3A_2462 = arith.select %ge3A_2457, %broadcast_in_dim3A_2460, %broadcast_in_dim3A_2461 : vector<16xi1>, vector<16xi32>
      %sub3A_2463 = arith.subi %sub3A_2454, %select_n3A_2462 : vector<16xi32>
      %add3A_2464 = arith.constant 128000 : i32
      %add3A_2465 = vector.broadcast %add3A_2464 : i32 to vector<16xi32>
      %add3A_2466 = arith.addi %sub3A_2463, %add3A_2465 : vector<16xi32>
      %swap3A_2467 = arith.constant 2 : i64
      %swap3A_2468 = arith.constant 1 : i64
      %swap3A_2469 = arith.index_cast %swap3A_2467 : i64 to index
      %swap3A_2470 = arith.index_cast %swap3A_2468 : i64 to index
      %swap3A_2471 = arith.constant 96 : index
      %swap3A_2472 = tpu.vector_load %arg11[%swap3A_2469, %swap3A_2470, %swap3A_2471] {strides = array<i32>} : memref<3x2x128xi32, #tpu.memory_space<vmem>>, vector<1x1x16xi32>,
      %swap3A_2473 = vector.shape_cast %swap3A_2472 : vector<1x1x16xi32> to vector<16xi32>
      %swap3A_2474 = vector.shape_cast %add3A_2466 : vector<16xi32> to vector<1x1x16xi32>
      tpu.vector_store %arg11[%swap3A_2469, %swap3A_2470, %swap3A_2471], %swap3A_2474 {strides = array<i32>} : memref<3x2x128xi32, #tpu.memory_space<vmem>>, vector<1x1x16xi32>,
      %get3A_2475 = arith.constant 240 : index
      %get3A_2476 = tpu.vector_load %arg9[%get3A_2475] {strides = array<i32>} : memref<256xi32, #tpu.memory_space<vmem>>, vector<16xi32>,
      %get3A_2477 = vector.shape_cast %get3A_2476 : vector<16xi32> to vector<16xi32>
      %get3A_2478 = arith.constant 240 : index
      %get3A_2479 = tpu.vector_load %arg10[%get3A_2478] {strides = array<i32>} : memref<256xi32, #tpu.memory_space<vmem>>, vector<16xi32>,
      %get3A_2480 = vector.shape_cast %get3A_2479 : vector<16xi32> to vector<16xi32>
      %mul3A_2481 = arith.constant 31337 : i32
      %mul3A_2482 = vector.broadcast %mul3A_2481 : i32 to vector<16xi32>
      %mul3A_2483 = arith.muli %get3A_2477, %mul3A_2482 : vector<16xi32>
      %convert_element_type3A_2484 = arith.sitofp %mul3A_2483 : vector<16xi32> to vector<16xf32>
      %mul3A_2485 = arith.constant 1.562500e-05 : f32
      %mul3A_2486 = vector.broadcast %mul3A_2485 : f32 to vector<16xf32>
      %mul3A_2487 = arith.mulf %convert_element_type3A_2484, %mul3A_2486 : vector<16xf32>
      %convert_element_type3A_2488 = arith.fptosi %mul3A_2487 : vector<16xf32> to vector<16xi32>
      %mul3A_2489 = arith.constant 64000 : i32
      %mul3A_2490 = vector.broadcast %mul3A_2489 : i32 to vector<16xi32>
      %mul3A_2491 = arith.muli %convert_element_type3A_2488, %mul3A_2490 : vector<16xi32>
      %sub3A_2492 = arith.subi %mul3A_2483, %mul3A_2491 : vector<16xi32>
      %lt3A_2493 = arith.constant 0 : i32
      %lt3A_2494 = vector.broadcast %lt3A_2493 : i32 to vector<16xi32>
      %lt3A_2495 = arith.cmpi slt, %sub3A_2492, %lt3A_2494 : vector<16xi32>
      %jit3A_2496 = arith.constant 64000 : i32
      %jit3A_2497 = arith.constant 0 : i32
      %broadcast_in_dim3A_2498 = vector.broadcast %jit3A_2496 : i32 to vector<16xi32>
      %broadcast_in_dim3A_2499 = vector.broadcast %jit3A_2497 : i32 to vector<16xi32>
      %select_n3A_2500 = arith.select %lt3A_2495, %broadcast_in_dim3A_2498, %broadcast_in_dim3A_2499 : vector<16xi1>, vector<16xi32>
      %add3A_2501 = arith.addi %sub3A_2492, %select_n3A_2500 : vector<16xi32>
      %ge3A_2502 = arith.constant 64000 : i32
      %ge3A_2503 = vector.broadcast %ge3A_2502 : i32 to vector<16xi32>
      %ge3A_2504 = arith.cmpi sge, %add3A_2501, %ge3A_2503 : vector<16xi32>
      %jit3A_2505 = arith.constant 64000 : i32
      %jit3A_2506 = arith.constant 0 : i32
      %broadcast_in_dim3A_2507 = vector.broadcast %jit3A_2505 : i32 to vector<16xi32>
      %broadcast_in_dim3A_2508 = vector.broadcast %jit3A_2506 : i32 to vector<16xi32>
      %select_n3A_2509 = arith.select %ge3A_2504, %broadcast_in_dim3A_2507, %broadcast_in_dim3A_2508 : vector<16xi1>, vector<16xi32>
      %sub3A_2510 = arith.subi %add3A_2501, %select_n3A_2509 : vector<16xi32>
      %mul3A_2511 = arith.constant 35769 : i32
      %mul3A_2512 = vector.broadcast %mul3A_2511 : i32 to vector<16xi32>
      %mul3A_2513 = arith.muli %get3A_2480, %mul3A_2512 : vector<16xi32>
      %convert_element_type3A_2514 = arith.sitofp %mul3A_2513 : vector<16xi32> to vector<16xf32>
      %mul3A_2515 = arith.constant 1.562500e-05 : f32
      %mul3A_2516 = vector.broadcast %mul3A_2515 : f32 to vector<16xf32>
      %mul3A_2517 = arith.mulf %convert_element_type3A_2514, %mul3A_2516 : vector<16xf32>
      %convert_element_type3A_2518 = arith.fptosi %mul3A_2517 : vector<16xf32> to vector<16xi32>
      %mul3A_2519 = arith.constant 64000 : i32
      %mul3A_2520 = vector.broadcast %mul3A_2519 : i32 to vector<16xi32>
      %mul3A_2521 = arith.muli %convert_element_type3A_2518, %mul3A_2520 : vector<16xi32>
      %sub3A_2522 = arith.subi %mul3A_2513, %mul3A_2521 : vector<16xi32>
      %lt3A_2523 = arith.constant 0 : i32
      %lt3A_2524 = vector.broadcast %lt3A_2523 : i32 to vector<16xi32>
      %lt3A_2525 = arith.cmpi slt, %sub3A_2522, %lt3A_2524 : vector<16xi32>
      %jit3A_2526 = arith.constant 64000 : i32
      %jit3A_2527 = arith.constant 0 : i32
      %broadcast_in_dim3A_2528 = vector.broadcast %jit3A_2526 : i32 to vector<16xi32>
      %broadcast_in_dim3A_2529 = vector.broadcast %jit3A_2527 : i32 to vector<16xi32>
      %select_n3A_2530 = arith.select %lt3A_2525, %broadcast_in_dim3A_2528, %broadcast_in_dim3A_2529 : vector<16xi1>, vector<16xi32>
      %add3A_2531 = arith.addi %sub3A_2522, %select_n3A_2530 : vector<16xi32>
      %ge3A_2532 = arith.constant 64000 : i32
      %ge3A_2533 = vector.broadcast %ge3A_2532 : i32 to vector<16xi32>
      %ge3A_2534 = arith.cmpi sge, %add3A_2531, %ge3A_2533 : vector<16xi32>
      %jit3A_2535 = arith.constant 64000 : i32
      %jit3A_2536 = arith.constant 0 : i32
      %broadcast_in_dim3A_2537 = vector.broadcast %jit3A_2535 : i32 to vector<16xi32>
      %broadcast_in_dim3A_2538 = vector.broadcast %jit3A_2536 : i32 to vector<16xi32>
      %select_n3A_2539 = arith.select %ge3A_2534, %broadcast_in_dim3A_2537, %broadcast_in_dim3A_2538 : vector<16xi1>, vector<16xi32>
      %sub3A_2540 = arith.subi %add3A_2531, %select_n3A_2539 : vector<16xi32>
      %add3A_2541 = arith.addi %sub3A_2510, %sub3A_2540 : vector<16xi32>
      %add3A_2542 = arith.addi %add3A_2541, %sub3A_26 : vector<16xi32>
      %ge3A_2543 = arith.constant 64000 : i32
      %ge3A_2544 = vector.broadcast %ge3A_2543 : i32 to vector<16xi32>
      %ge3A_2545 = arith.cmpi sge, %add3A_2542, %ge3A_2544 : vector<16xi32>
      %jit3A_2546 = arith.constant 64000 : i32
      %jit3A_2547 = arith.constant 0 : i32
      %broadcast_in_dim3A_2548 = vector.broadcast %jit3A_2546 : i32 to vector<16xi32>
      %broadcast_in_dim3A_2549 = vector.broadcast %jit3A_2547 : i32 to vector<16xi32>
      %select_n3A_2550 = arith.select %ge3A_2545, %broadcast_in_dim3A_2548, %broadcast_in_dim3A_2549 : vector<16xi1>, vector<16xi32>
      %sub3A_2551 = arith.subi %add3A_2542, %select_n3A_2550 : vector<16xi32>
      %ge3A_2552 = arith.constant 64000 : i32
      %ge3A_2553 = vector.broadcast %ge3A_2552 : i32 to vector<16xi32>
      %ge3A_2554 = arith.cmpi sge, %sub3A_2551, %ge3A_2553 : vector<16xi32>
      %jit3A_2555 = arith.constant 64000 : i32
      %jit3A_2556 = arith.constant 0 : i32
      %broadcast_in_dim3A_2557 = vector.broadcast %jit3A_2555 : i32 to vector<16xi32>
      %broadcast_in_dim3A_2558 = vector.broadcast %jit3A_2556 : i32 to vector<16xi32>
      %select_n3A_2559 = arith.select %ge3A_2554, %broadcast_in_dim3A_2557, %broadcast_in_dim3A_2558 : vector<16xi1>, vector<16xi32>
      %sub3A_2560 = arith.subi %sub3A_2551, %select_n3A_2559 : vector<16xi32>
      %add3A_2561 = arith.constant 0 : i32
      %add3A_2562 = vector.broadcast %add3A_2561 : i32 to vector<16xi32>
      %add3A_2563 = arith.addi %sub3A_2560, %add3A_2562 : vector<16xi32>
      %swap3A_2564 = arith.constant 0 : i64
      %swap3A_2565 = arith.constant 1 : i64
      %swap3A_2566 = arith.index_cast %swap3A_2564 : i64 to index
      %swap3A_2567 = arith.index_cast %swap3A_2565 : i64 to index
      %swap3A_2568 = arith.constant 112 : index
      %swap3A_2569 = tpu.vector_load %arg11[%swap3A_2566, %swap3A_2567, %swap3A_2568] {strides = array<i32>} : memref<3x2x128xi32, #tpu.memory_space<vmem>>, vector<1x1x16xi32>,
      %swap3A_2570 = vector.shape_cast %swap3A_2569 : vector<1x1x16xi32> to vector<16xi32>
      %swap3A_2571 = vector.shape_cast %add3A_2563 : vector<16xi32> to vector<1x1x16xi32>
      tpu.vector_store %arg11[%swap3A_2566, %swap3A_2567, %swap3A_2568], %swap3A_2571 {strides = array<i32>} : memref<3x2x128xi32, #tpu.memory_space<vmem>>, vector<1x1x16xi32>,
      %add3A_2572 = arith.addi %sub3A_2510, %sub3A_2540 : vector<16xi32>
      %add3A_2573 = arith.addi %add3A_2572, %sub3A_58 : vector<16xi32>
      %ge3A_2574 = arith.constant 64000 : i32
      %ge3A_2575 = vector.broadcast %ge3A_2574 : i32 to vector<16xi32>
      %ge3A_2576 = arith.cmpi sge, %add3A_2573, %ge3A_2575 : vector<16xi32>
      %jit3A_2577 = arith.constant 64000 : i32
      %jit3A_2578 = arith.constant 0 : i32
      %broadcast_in_dim3A_2579 = vector.broadcast %jit3A_2577 : i32 to vector<16xi32>
      %broadcast_in_dim3A_2580 = vector.broadcast %jit3A_2578 : i32 to vector<16xi32>
      %select_n3A_2581 = arith.select %ge3A_2576, %broadcast_in_dim3A_2579, %broadcast_in_dim3A_2580 : vector<16xi1>, vector<16xi32>
      %sub3A_2582 = arith.subi %add3A_2573, %select_n3A_2581 : vector<16xi32>
      %ge3A_2583 = arith.constant 64000 : i32
      %ge3A_2584 = vector.broadcast %ge3A_2583 : i32 to vector<16xi32>
      %ge3A_2585 = arith.cmpi sge, %sub3A_2582, %ge3A_2584 : vector<16xi32>
      %jit3A_2586 = arith.constant 64000 : i32
      %jit3A_2587 = arith.constant 0 : i32
      %broadcast_in_dim3A_2588 = vector.broadcast %jit3A_2586 : i32 to vector<16xi32>
      %broadcast_in_dim3A_2589 = vector.broadcast %jit3A_2587 : i32 to vector<16xi32>
      %select_n3A_2590 = arith.select %ge3A_2585, %broadcast_in_dim3A_2588, %broadcast_in_dim3A_2589 : vector<16xi1>, vector<16xi32>
      %sub3A_2591 = arith.subi %sub3A_2582, %select_n3A_2590 : vector<16xi32>
      %add3A_2592 = arith.constant 64000 : i32
      %add3A_2593 = vector.broadcast %add3A_2592 : i32 to vector<16xi32>
      %add3A_2594 = arith.addi %sub3A_2591, %add3A_2593 : vector<16xi32>
      %swap3A_2595 = arith.constant 1 : i64
      %swap3A_2596 = arith.constant 1 : i64
      %swap3A_2597 = arith.index_cast %swap3A_2595 : i64 to index
      %swap3A_2598 = arith.index_cast %swap3A_2596 : i64 to index
      %swap3A_2599 = arith.constant 112 : index
      %swap3A_2600 = tpu.vector_load %arg11[%swap3A_2597, %swap3A_2598, %swap3A_2599] {strides = array<i32>} : memref<3x2x128xi32, #tpu.memory_space<vmem>>, vector<1x1x16xi32>,
      %swap3A_2601 = vector.shape_cast %swap3A_2600 : vector<1x1x16xi32> to vector<16xi32>
      %swap3A_2602 = vector.shape_cast %add3A_2594 : vector<16xi32> to vector<1x1x16xi32>
      tpu.vector_store %arg11[%swap3A_2597, %swap3A_2598, %swap3A_2599], %swap3A_2602 {strides = array<i32>} : memref<3x2x128xi32, #tpu.memory_space<vmem>>, vector<1x1x16xi32>,
      %add3A_2603 = arith.addi %sub3A_2510, %sub3A_2540 : vector<16xi32>
      %add3A_2604 = arith.addi %add3A_2603, %sub3A_90 : vector<16xi32>
      %ge3A_2605 = arith.constant 64000 : i32
      %ge3A_2606 = vector.broadcast %ge3A_2605 : i32 to vector<16xi32>
      %ge3A_2607 = arith.cmpi sge, %add3A_2604, %ge3A_2606 : vector<16xi32>
      %jit3A_2608 = arith.constant 64000 : i32
      %jit3A_2609 = arith.constant 0 : i32
      %broadcast_in_dim3A_2610 = vector.broadcast %jit3A_2608 : i32 to vector<16xi32>
      %broadcast_in_dim3A_2611 = vector.broadcast %jit3A_2609 : i32 to vector<16xi32>
      %select_n3A_2612 = arith.select %ge3A_2607, %broadcast_in_dim3A_2610, %broadcast_in_dim3A_2611 : vector<16xi1>, vector<16xi32>
      %sub3A_2613 = arith.subi %add3A_2604, %select_n3A_2612 : vector<16xi32>
      %ge3A_2614 = arith.constant 64000 : i32
      %ge3A_2615 = vector.broadcast %ge3A_2614 : i32 to vector<16xi32>
      %ge3A_2616 = arith.cmpi sge, %sub3A_2613, %ge3A_2615 : vector<16xi32>
      %jit3A_2617 = arith.constant 64000 : i32
      %jit3A_2618 = arith.constant 0 : i32
      %broadcast_in_dim3A_2619 = vector.broadcast %jit3A_2617 : i32 to vector<16xi32>
      %broadcast_in_dim3A_2620 = vector.broadcast %jit3A_2618 : i32 to vector<16xi32>
      %select_n3A_2621 = arith.select %ge3A_2616, %broadcast_in_dim3A_2619, %broadcast_in_dim3A_2620 : vector<16xi1>, vector<16xi32>
      %sub3A_2622 = arith.subi %sub3A_2613, %select_n3A_2621 : vector<16xi32>
      %add3A_2623 = arith.constant 128000 : i32
      %add3A_2624 = vector.broadcast %add3A_2623 : i32 to vector<16xi32>
      %add3A_2625 = arith.addi %sub3A_2622, %add3A_2624 : vector<16xi32>
      %swap3A_2626 = arith.constant 2 : i64
      %swap3A_2627 = arith.constant 1 : i64
      %swap3A_2628 = arith.index_cast %swap3A_2626 : i64 to index
      %swap3A_2629 = arith.index_cast %swap3A_2627 : i64 to index
      %swap3A_2630 = arith.constant 112 : index
      %swap3A_2631 = tpu.vector_load %arg11[%swap3A_2628, %swap3A_2629, %swap3A_2630] {strides = array<i32>} : memref<3x2x128xi32, #tpu.memory_space<vmem>>, vector<1x1x16xi32>,
      %swap3A_2632 = vector.shape_cast %swap3A_2631 : vector<1x1x16xi32> to vector<16xi32>
      %swap3A_2633 = vector.shape_cast %add3A_2625 : vector<16xi32> to vector<1x1x16xi32>
      tpu.vector_store %arg11[%swap3A_2628, %swap3A_2629, %swap3A_2630], %swap3A_2633 {strides = array<i32>} : memref<3x2x128xi32, #tpu.memory_space<vmem>>, vector<1x1x16xi32>,
      %mul3A_2634 = arith.constant 12000 : i32
      %mul3A_2635 = arith.muli %arg1, %mul3A_2634 : i32
      "tpu.region"() ({
        %run_scoped3A_3105 = tpu.sem_alloc : memref<!tpu.dma_semaphore, #tpu.memory_space<semaphore_mem>>
        %dma_start3A = tpu.memref_slice %arg5[%mul3A_2635] : memref<192000xf32, #tpu.memory_space<hbm>> -> memref<12000xf32, #tpu.memory_space<hbm>>
        %dma_start3A_3106 = tpu.memref_slice %arg5[%mul3A_2635] : memref<192000xf32, #tpu.memory_space<hbm>> -> memref<12000xf32, #tpu.memory_space<hbm>>
        tpu.enqueue_dma source(%dma_start3A_3106 : memref<12000xf32, #tpu.memory_space<hbm>>) target(%arg15 : memref<12000xf32, #tpu.memory_space<vmem>>) target_semaphore(%run_scoped3A_3105 : memref<!tpu.dma_semaphore, #tpu.memory_space<semaphore_mem>>)
        %dma_wait3A = tpu.memref_slice %arg5[%mul3A_2635] : memref<192000xf32, #tpu.memory_space<hbm>> -> memref<12000xf32, #tpu.memory_space<hbm>>
        %dma_wait3A_3107 = tpu.memref_slice %arg5[%mul3A_2635] : memref<192000xf32, #tpu.memory_space<hbm>> -> memref<12000xf32, #tpu.memory_space<hbm>>
        tpu.wait_dma2 semaphore(%run_scoped3A_3105 : memref<!tpu.dma_semaphore, #tpu.memory_space<semaphore_mem>>) src(%dma_wait3A_3107 : memref<12000xf32, #tpu.memory_space<hbm>>) dst(%arg15 : memref<12000xf32, #tpu.memory_space<vmem>>)
        tpu.yield
      }) : () -> ()
      %mul3A_2636 = arith.constant 12000 : i32
      %mul3A_2637 = arith.muli %arg1, %mul3A_2636 : i32
      "tpu.region"() ({
        %run_scoped3A_3105 = tpu.sem_alloc : memref<!tpu.dma_semaphore, #tpu.memory_space<semaphore_mem>>
        %dma_start3A = tpu.memref_slice %arg16[%mul3A_2637] : memref<192000xf32, #tpu.memory_space<vmem_shared>> -> memref<12000xf32, #tpu.memory_space<vmem_shared>>
        %dma_start3A_3106 = tpu.memref_slice %arg16[%mul3A_2637] : memref<192000xf32, #tpu.memory_space<vmem_shared>> -> memref<12000xf32, #tpu.memory_space<vmem_shared>>
        tpu.enqueue_dma source(%arg15 : memref<12000xf32, #tpu.memory_space<vmem>>) target(%dma_start3A_3106 : memref<12000xf32, #tpu.memory_space<vmem_shared>>) target_semaphore(%run_scoped3A_3105 : memref<!tpu.dma_semaphore, #tpu.memory_space<semaphore_mem>>)
        %dma_wait3A = tpu.memref_slice %arg16[%mul3A_2637] : memref<192000xf32, #tpu.memory_space<vmem_shared>> -> memref<12000xf32, #tpu.memory_space<vmem_shared>>
        %dma_wait3A_3107 = tpu.memref_slice %arg16[%mul3A_2637] : memref<192000xf32, #tpu.memory_space<vmem_shared>> -> memref<12000xf32, #tpu.memory_space<vmem_shared>>
        tpu.wait_dma2 semaphore(%run_scoped3A_3105 : memref<!tpu.dma_semaphore, #tpu.memory_space<semaphore_mem>>) src(%arg15 : memref<12000xf32, #tpu.memory_space<vmem>>) dst(%dma_wait3A_3107 : memref<12000xf32, #tpu.memory_space<vmem_shared>>)
        tpu.yield
      }) : () -> ()
      %barrier3A = arith.constant 0 : index
      tpu.barrier barrier_id(%barrier3A)
      %run_scoped3A = arith.constant 0 : i32
      %run_scoped3A_2638 = arith.constant 0 : i32
      "tpu.region"() ({
        %run_scoped3A_3105 = tpu.sem_alloc : memref<!tpu.dma_semaphore, #tpu.memory_space<semaphore_mem>>
        %dma_start3A = arith.constant 0 : i32
        %dma_start3A_3106 = tpu.memref_slice %arg11[%run_scoped3A, %run_scoped3A_2638, %dma_start3A] : memref<3x2x128xi32, #tpu.memory_space<vmem>> -> memref<1x1x128xi32, #tpu.memory_space<vmem>>
        %dma_start3A_3107 = tpu.memref_squeeze %dma_start3A_3106 : memref<1x1x128xi32, #tpu.memory_space<vmem>> -> memref<128xi32, #tpu.memory_space<vmem>>
        %dma_start3A_3108 = arith.constant 0 : i32
        %dma_start3A_3109 = tpu.memref_slice %arg16[%dma_start3A_3108] : memref<192000xf32, #tpu.memory_space<vmem_shared>> -> memref<192000xf32, #tpu.memory_space<vmem_shared>>
        tpu.enqueue_indirect_dma source(%arg12 : memref<128xf32, #tpu.memory_space<vmem>>) target(%dma_start3A_3109 : memref<192000xf32, #tpu.memory_space<vmem_shared>>) offsets(%dma_start3A_3107 : memref<128xi32, #tpu.memory_space<vmem>>) semaphore(%run_scoped3A_3105 : memref<!tpu.dma_semaphore, #tpu.memory_space<semaphore_mem>>) {add = true}
        %dma_wait3A = arith.constant 0 : i32
        %dma_wait3A_3110 = tpu.memref_slice %arg11[%run_scoped3A, %run_scoped3A_2638, %dma_wait3A] : memref<3x2x128xi32, #tpu.memory_space<vmem>> -> memref<1x1x128xi32, #tpu.memory_space<vmem>>
        %dma_wait3A_3111 = tpu.memref_squeeze %dma_wait3A_3110 : memref<1x1x128xi32, #tpu.memory_space<vmem>> -> memref<128xi32, #tpu.memory_space<vmem>>
        %dma_wait3A_3112 = arith.constant 0 : i32
        %dma_wait3A_3113 = tpu.memref_slice %arg16[%dma_wait3A_3112] : memref<192000xf32, #tpu.memory_space<vmem_shared>> -> memref<192000xf32, #tpu.memory_space<vmem_shared>>
        tpu.wait_indirect_dma semaphore(%run_scoped3A_3105 : memref<!tpu.dma_semaphore, #tpu.memory_space<semaphore_mem>>) src(%arg12 : memref<128xf32, #tpu.memory_space<vmem>>) dst(%dma_wait3A_3113 : memref<192000xf32, #tpu.memory_space<vmem_shared>>)
        tpu.yield
      }) : () -> ()
      %run_scoped3A_2639 = arith.constant 0 : i32
      %run_scoped3A_2640 = arith.constant 1 : i32
      "tpu.region"() ({
        %run_scoped3A_3105 = tpu.sem_alloc : memref<!tpu.dma_semaphore, #tpu.memory_space<semaphore_mem>>
        %dma_start3A = arith.constant 0 : i32
        %dma_start3A_3106 = tpu.memref_slice %arg11[%run_scoped3A_2639, %run_scoped3A_2640, %dma_start3A] : memref<3x2x128xi32, #tpu.memory_space<vmem>> -> memref<1x1x128xi32, #tpu.memory_space<vmem>>
        %dma_start3A_3107 = tpu.memref_squeeze %dma_start3A_3106 : memref<1x1x128xi32, #tpu.memory_space<vmem>> -> memref<128xi32, #tpu.memory_space<vmem>>
        %dma_start3A_3108 = arith.constant 0 : i32
        %dma_start3A_3109 = tpu.memref_slice %arg16[%dma_start3A_3108] : memref<192000xf32, #tpu.memory_space<vmem_shared>> -> memref<192000xf32, #tpu.memory_space<vmem_shared>>
        tpu.enqueue_indirect_dma source(%arg12 : memref<128xf32, #tpu.memory_space<vmem>>) target(%dma_start3A_3109 : memref<192000xf32, #tpu.memory_space<vmem_shared>>) offsets(%dma_start3A_3107 : memref<128xi32, #tpu.memory_space<vmem>>) semaphore(%run_scoped3A_3105 : memref<!tpu.dma_semaphore, #tpu.memory_space<semaphore_mem>>) {add = true}
        %dma_wait3A = arith.constant 0 : i32
        %dma_wait3A_3110 = tpu.memref_slice %arg11[%run_scoped3A_2639, %run_scoped3A_2640, %dma_wait3A] : memref<3x2x128xi32, #tpu.memory_space<vmem>> -> memref<1x1x128xi32, #tpu.memory_space<vmem>>
        %dma_wait3A_3111 = tpu.memref_squeeze %dma_wait3A_3110 : memref<1x1x128xi32, #tpu.memory_space<vmem>> -> memref<128xi32, #tpu.memory_space<vmem>>
        %dma_wait3A_3112 = arith.constant 0 : i32
        %dma_wait3A_3113 = tpu.memref_slice %arg16[%dma_wait3A_3112] : memref<192000xf32, #tpu.memory_space<vmem_shared>> -> memref<192000xf32, #tpu.memory_space<vmem_shared>>
        tpu.wait_indirect_dma semaphore(%run_scoped3A_3105 : memref<!tpu.dma_semaphore, #tpu.memory_space<semaphore_mem>>) src(%arg12 : memref<128xf32, #tpu.memory_space<vmem>>) dst(%dma_wait3A_3113 : memref<192000xf32, #tpu.memory_space<vmem_shared>>)
        tpu.yield
      }) : () -> ()
      %run_scoped3A_2641 = arith.constant 1 : i32
      %run_scoped3A_2642 = arith.constant 0 : i32
      "tpu.region"() ({
        %run_scoped3A_3105 = tpu.sem_alloc : memref<!tpu.dma_semaphore, #tpu.memory_space<semaphore_mem>>
        %dma_start3A = arith.constant 0 : i32
        %dma_start3A_3106 = tpu.memref_slice %arg11[%run_scoped3A_2641, %run_scoped3A_2642, %dma_start3A] : memref<3x2x128xi32, #tpu.memory_space<vmem>> -> memref<1x1x128xi32, #tpu.memory_space<vmem>>
        %dma_start3A_3107 = tpu.memref_squeeze %dma_start3A_3106 : memref<1x1x128xi32, #tpu.memory_space<vmem>> -> memref<128xi32, #tpu.memory_space<vmem>>
        %dma_start3A_3108 = arith.constant 0 : i32
        %dma_start3A_3109 = tpu.memref_slice %arg16[%dma_start3A_3108] : memref<192000xf32, #tpu.memory_space<vmem_shared>> -> memref<192000xf32, #tpu.memory_space<vmem_shared>>
        tpu.enqueue_indirect_dma source(%arg12 : memref<128xf32, #tpu.memory_space<vmem>>) target(%dma_start3A_3109 : memref<192000xf32, #tpu.memory_space<vmem_shared>>) offsets(%dma_start3A_3107 : memref<128xi32, #tpu.memory_space<vmem>>) semaphore(%run_scoped3A_3105 : memref<!tpu.dma_semaphore, #tpu.memory_space<semaphore_mem>>) {add = true}
        %dma_wait3A = arith.constant 0 : i32
        %dma_wait3A_3110 = tpu.memref_slice %arg11[%run_scoped3A_2641, %run_scoped3A_2642, %dma_wait3A] : memref<3x2x128xi32, #tpu.memory_space<vmem>> -> memref<1x1x128xi32, #tpu.memory_space<vmem>>
        %dma_wait3A_3111 = tpu.memref_squeeze %dma_wait3A_3110 : memref<1x1x128xi32, #tpu.memory_space<vmem>> -> memref<128xi32, #tpu.memory_space<vmem>>
        %dma_wait3A_3112 = arith.constant 0 : i32
        %dma_wait3A_3113 = tpu.memref_slice %arg16[%dma_wait3A_3112] : memref<192000xf32, #tpu.memory_space<vmem_shared>> -> memref<192000xf32, #tpu.memory_space<vmem_shared>>
        tpu.wait_indirect_dma semaphore(%run_scoped3A_3105 : memref<!tpu.dma_semaphore, #tpu.memory_space<semaphore_mem>>) src(%arg12 : memref<128xf32, #tpu.memory_space<vmem>>) dst(%dma_wait3A_3113 : memref<192000xf32, #tpu.memory_space<vmem_shared>>)
        tpu.yield
      }) : () -> ()
      %run_scoped3A_2643 = arith.constant 1 : i32
      %run_scoped3A_2644 = arith.constant 1 : i32
      "tpu.region"() ({
        %run_scoped3A_3105 = tpu.sem_alloc : memref<!tpu.dma_semaphore, #tpu.memory_space<semaphore_mem>>
        %dma_start3A = arith.constant 0 : i32
        %dma_start3A_3106 = tpu.memref_slice %arg11[%run_scoped3A_2643, %run_scoped3A_2644, %dma_start3A] : memref<3x2x128xi32, #tpu.memory_space<vmem>> -> memref<1x1x128xi32, #tpu.memory_space<vmem>>
        %dma_start3A_3107 = tpu.memref_squeeze %dma_start3A_3106 : memref<1x1x128xi32, #tpu.memory_space<vmem>> -> memref<128xi32, #tpu.memory_space<vmem>>
        %dma_start3A_3108 = arith.constant 0 : i32
        %dma_start3A_3109 = tpu.memref_slice %arg16[%dma_start3A_3108] : memref<192000xf32, #tpu.memory_space<vmem_shared>> -> memref<192000xf32, #tpu.memory_space<vmem_shared>>
        tpu.enqueue_indirect_dma source(%arg12 : memref<128xf32, #tpu.memory_space<vmem>>) target(%dma_start3A_3109 : memref<192000xf32, #tpu.memory_space<vmem_shared>>) offsets(%dma_start3A_3107 : memref<128xi32, #tpu.memory_space<vmem>>) semaphore(%run_scoped3A_3105 : memref<!tpu.dma_semaphore, #tpu.memory_space<semaphore_mem>>) {add = true}
        %dma_wait3A = arith.constant 0 : i32
        %dma_wait3A_3110 = tpu.memref_slice %arg11[%run_scoped3A_2643, %run_scoped3A_2644, %dma_wait3A] : memref<3x2x128xi32, #tpu.memory_space<vmem>> -> memref<1x1x128xi32, #tpu.memory_space<vmem>>
        %dma_wait3A_3111 = tpu.memref_squeeze %dma_wait3A_3110 : memref<1x1x128xi32, #tpu.memory_space<vmem>> -> memref<128xi32, #tpu.memory_space<vmem>>
        %dma_wait3A_3112 = arith.constant 0 : i32
        %dma_wait3A_3113 = tpu.memref_slice %arg16[%dma_wait3A_3112] : memref<192000xf32, #tpu.memory_space<vmem_shared>> -> memref<192000xf32, #tpu.memory_space<vmem_shared>>
        tpu.wait_indirect_dma semaphore(%run_scoped3A_3105 : memref<!tpu.dma_semaphore, #tpu.memory_space<semaphore_mem>>) src(%arg12 : memref<128xf32, #tpu.memory_space<vmem>>) dst(%dma_wait3A_3113 : memref<192000xf32, #tpu.memory_space<vmem_shared>>)
        tpu.yield
      }) : () -> ()
      %run_scoped3A_2645 = arith.constant 2 : i32
      %run_scoped3A_2646 = arith.constant 0 : i32
      "tpu.region"() ({
        %run_scoped3A_3105 = tpu.sem_alloc : memref<!tpu.dma_semaphore, #tpu.memory_space<semaphore_mem>>
        %dma_start3A = arith.constant 0 : i32
        %dma_start3A_3106 = tpu.memref_slice %arg11[%run_scoped3A_2645, %run_scoped3A_2646, %dma_start3A] : memref<3x2x128xi32, #tpu.memory_space<vmem>> -> memref<1x1x128xi32, #tpu.memory_space<vmem>>
        %dma_start3A_3107 = tpu.memref_squeeze %dma_start3A_3106 : memref<1x1x128xi32, #tpu.memory_space<vmem>> -> memref<128xi32, #tpu.memory_space<vmem>>
        %dma_start3A_3108 = arith.constant 0 : i32
        %dma_start3A_3109 = tpu.memref_slice %arg16[%dma_start3A_3108] : memref<192000xf32, #tpu.memory_space<vmem_shared>> -> memref<192000xf32, #tpu.memory_space<vmem_shared>>
        tpu.enqueue_indirect_dma source(%arg12 : memref<128xf32, #tpu.memory_space<vmem>>) target(%dma_start3A_3109 : memref<192000xf32, #tpu.memory_space<vmem_shared>>) offsets(%dma_start3A_3107 : memref<128xi32, #tpu.memory_space<vmem>>) semaphore(%run_scoped3A_3105 : memref<!tpu.dma_semaphore, #tpu.memory_space<semaphore_mem>>) {add = true}
        %dma_wait3A = arith.constant 0 : i32
        %dma_wait3A_3110 = tpu.memref_slice %arg11[%run_scoped3A_2645, %run_scoped3A_2646, %dma_wait3A] : memref<3x2x128xi32, #tpu.memory_space<vmem>> -> memref<1x1x128xi32, #tpu.memory_space<vmem>>
        %dma_wait3A_3111 = tpu.memref_squeeze %dma_wait3A_3110 : memref<1x1x128xi32, #tpu.memory_space<vmem>> -> memref<128xi32, #tpu.memory_space<vmem>>
        %dma_wait3A_3112 = arith.constant 0 : i32
        %dma_wait3A_3113 = tpu.memref_slice %arg16[%dma_wait3A_3112] : memref<192000xf32, #tpu.memory_space<vmem_shared>> -> memref<192000xf32, #tpu.memory_space<vmem_shared>>
        tpu.wait_indirect_dma semaphore(%run_scoped3A_3105 : memref<!tpu.dma_semaphore, #tpu.memory_space<semaphore_mem>>) src(%arg12 : memref<128xf32, #tpu.memory_space<vmem>>) dst(%dma_wait3A_3113 : memref<192000xf32, #tpu.memory_space<vmem_shared>>)
        tpu.yield
      }) : () -> ()
      %run_scoped3A_2647 = arith.constant 2 : i32
      %run_scoped3A_2648 = arith.constant 1 : i32
      "tpu.region"() ({
        %run_scoped3A_3105 = tpu.sem_alloc : memref<!tpu.dma_semaphore, #tpu.memory_space<semaphore_mem>>
        %dma_start3A = arith.constant 0 : i32
        %dma_start3A_3106 = tpu.memref_slice %arg11[%run_scoped3A_2647, %run_scoped3A_2648, %dma_start3A] : memref<3x2x128xi32, #tpu.memory_space<vmem>> -> memref<1x1x128xi32, #tpu.memory_space<vmem>>
        %dma_start3A_3107 = tpu.memref_squeeze %dma_start3A_3106 : memref<1x1x128xi32, #tpu.memory_space<vmem>> -> memref<128xi32, #tpu.memory_space<vmem>>
        %dma_start3A_3108 = arith.constant 0 : i32
        %dma_start3A_3109 = tpu.memref_slice %arg16[%dma_start3A_3108] : memref<192000xf32, #tpu.memory_space<vmem_shared>> -> memref<192000xf32, #tpu.memory_space<vmem_shared>>
        tpu.enqueue_indirect_dma source(%arg12 : memref<128xf32, #tpu.memory_space<vmem>>) target(%dma_start3A_3109 : memref<192000xf32, #tpu.memory_space<vmem_shared>>) offsets(%dma_start3A_3107 : memref<128xi32, #tpu.memory_space<vmem>>) semaphore(%run_scoped3A_3105 : memref<!tpu.dma_semaphore, #tpu.memory_space<semaphore_mem>>) {add = true}
        %dma_wait3A = arith.constant 0 : i32
        %dma_wait3A_3110 = tpu.memref_slice %arg11[%run_scoped3A_2647, %run_scoped3A_2648, %dma_wait3A] : memref<3x2x128xi32, #tpu.memory_space<vmem>> -> memref<1x1x128xi32, #tpu.memory_space<vmem>>
        %dma_wait3A_3111 = tpu.memref_squeeze %dma_wait3A_3110 : memref<1x1x128xi32, #tpu.memory_space<vmem>> -> memref<128xi32, #tpu.memory_space<vmem>>
        %dma_wait3A_3112 = arith.constant 0 : i32
        %dma_wait3A_3113 = tpu.memref_slice %arg16[%dma_wait3A_3112] : memref<192000xf32, #tpu.memory_space<vmem_shared>> -> memref<192000xf32, #tpu.memory_space<vmem_shared>>
        tpu.wait_indirect_dma semaphore(%run_scoped3A_3105 : memref<!tpu.dma_semaphore, #tpu.memory_space<semaphore_mem>>) src(%arg12 : memref<128xf32, #tpu.memory_space<vmem>>) dst(%dma_wait3A_3113 : memref<192000xf32, #tpu.memory_space<vmem_shared>>)
        tpu.yield
      }) : () -> ()
      %barrier3A_2649 = arith.constant 0 : index
      tpu.barrier barrier_id(%barrier3A_2649)
      %run_scoped3A_2650 = arith.constant 0 : i32
      %run_scoped3A_2651 = arith.constant 0 : i32
      %run_scoped3A_2652 = arith.constant 0 : i32
      %run_scoped3A_2653 = arith.constant 0 : i32
      "tpu.region"() ({
        %run_scoped3A_3105 = tpu.sem_alloc : memref<!tpu.dma_semaphore, #tpu.memory_space<semaphore_mem>>
        %dma_start3A = arith.constant 0 : i32
        %dma_start3A_3106 = tpu.memref_slice %arg13[%run_scoped3A_2652, %run_scoped3A_2653, %dma_start3A] : memref<3x2x128xf32, #tpu.memory_space<vmem>> -> memref<1x1x128xf32, #tpu.memory_space<vmem>>
        %dma_start3A_3107 = tpu.memref_squeeze %dma_start3A_3106 : memref<1x1x128xf32, #tpu.memory_space<vmem>> -> memref<128xf32, #tpu.memory_space<vmem>>
        %dma_start3A_3108 = arith.constant 0 : i32
        %dma_start3A_3109 = tpu.memref_slice %arg11[%run_scoped3A_2650, %run_scoped3A_2651, %dma_start3A_3108] : memref<3x2x128xi32, #tpu.memory_space<vmem>> -> memref<1x1x128xi32, #tpu.memory_space<vmem>>
        %dma_start3A_3110 = tpu.memref_squeeze %dma_start3A_3109 : memref<1x1x128xi32, #tpu.memory_space<vmem>> -> memref<128xi32, #tpu.memory_space<vmem>>
        %dma_start3A_3111 = arith.constant 0 : i32
        %dma_start3A_3112 = tpu.memref_slice %arg16[%dma_start3A_3111] : memref<192000xf32, #tpu.memory_space<vmem_shared>> -> memref<192000xf32, #tpu.memory_space<vmem_shared>>
        tpu.enqueue_indirect_dma source(%dma_start3A_3112 : memref<192000xf32, #tpu.memory_space<vmem_shared>>) target(%dma_start3A_3107 : memref<128xf32, #tpu.memory_space<vmem>>) offsets(%dma_start3A_3110 : memref<128xi32, #tpu.memory_space<vmem>>) semaphore(%run_scoped3A_3105 : memref<!tpu.dma_semaphore, #tpu.memory_space<semaphore_mem>>)
        %dma_wait3A = arith.constant 0 : i32
        %dma_wait3A_3113 = tpu.memref_slice %arg13[%run_scoped3A_2652, %run_scoped3A_2653, %dma_wait3A] : memref<3x2x128xf32, #tpu.memory_space<vmem>> -> memref<1x1x128xf32, #tpu.memory_space<vmem>>
        %dma_wait3A_3114 = tpu.memref_squeeze %dma_wait3A_3113 : memref<1x1x128xf32, #tpu.memory_space<vmem>> -> memref<128xf32, #tpu.memory_space<vmem>>
        %dma_wait3A_3115 = arith.constant 0 : i32
        %dma_wait3A_3116 = tpu.memref_slice %arg11[%run_scoped3A_2650, %run_scoped3A_2651, %dma_wait3A_3115] : memref<3x2x128xi32, #tpu.memory_space<vmem>> -> memref<1x1x128xi32, #tpu.memory_space<vmem>>
        %dma_wait3A_3117 = tpu.memref_squeeze %dma_wait3A_3116 : memref<1x1x128xi32, #tpu.memory_space<vmem>> -> memref<128xi32, #tpu.memory_space<vmem>>
        %dma_wait3A_3118 = arith.constant 0 : i32
        %dma_wait3A_3119 = tpu.memref_slice %arg16[%dma_wait3A_3118] : memref<192000xf32, #tpu.memory_space<vmem_shared>> -> memref<192000xf32, #tpu.memory_space<vmem_shared>>
        tpu.wait_indirect_dma semaphore(%run_scoped3A_3105 : memref<!tpu.dma_semaphore, #tpu.memory_space<semaphore_mem>>) src(%dma_wait3A_3119 : memref<192000xf32, #tpu.memory_space<vmem_shared>>) dst(%dma_wait3A_3114 : memref<128xf32, #tpu.memory_space<vmem>>)
        tpu.yield
      }) : () -> ()
      %run_scoped3A_2654 = arith.constant 0 : i32
      %run_scoped3A_2655 = arith.constant 1 : i32
      %run_scoped3A_2656 = arith.constant 0 : i32
      %run_scoped3A_2657 = arith.constant 1 : i32
      "tpu.region"() ({
        %run_scoped3A_3105 = tpu.sem_alloc : memref<!tpu.dma_semaphore, #tpu.memory_space<semaphore_mem>>
        %dma_start3A = arith.constant 0 : i32
        %dma_start3A_3106 = tpu.memref_slice %arg13[%run_scoped3A_2656, %run_scoped3A_2657, %dma_start3A] : memref<3x2x128xf32, #tpu.memory_space<vmem>> -> memref<1x1x128xf32, #tpu.memory_space<vmem>>
        %dma_start3A_3107 = tpu.memref_squeeze %dma_start3A_3106 : memref<1x1x128xf32, #tpu.memory_space<vmem>> -> memref<128xf32, #tpu.memory_space<vmem>>
        %dma_start3A_3108 = arith.constant 0 : i32
        %dma_start3A_3109 = tpu.memref_slice %arg11[%run_scoped3A_2654, %run_scoped3A_2655, %dma_start3A_3108] : memref<3x2x128xi32, #tpu.memory_space<vmem>> -> memref<1x1x128xi32, #tpu.memory_space<vmem>>
        %dma_start3A_3110 = tpu.memref_squeeze %dma_start3A_3109 : memref<1x1x128xi32, #tpu.memory_space<vmem>> -> memref<128xi32, #tpu.memory_space<vmem>>
        %dma_start3A_3111 = arith.constant 0 : i32
        %dma_start3A_3112 = tpu.memref_slice %arg16[%dma_start3A_3111] : memref<192000xf32, #tpu.memory_space<vmem_shared>> -> memref<192000xf32, #tpu.memory_space<vmem_shared>>
        tpu.enqueue_indirect_dma source(%dma_start3A_3112 : memref<192000xf32, #tpu.memory_space<vmem_shared>>) target(%dma_start3A_3107 : memref<128xf32, #tpu.memory_space<vmem>>) offsets(%dma_start3A_3110 : memref<128xi32, #tpu.memory_space<vmem>>) semaphore(%run_scoped3A_3105 : memref<!tpu.dma_semaphore, #tpu.memory_space<semaphore_mem>>)
        %dma_wait3A = arith.constant 0 : i32
        %dma_wait3A_3113 = tpu.memref_slice %arg13[%run_scoped3A_2656, %run_scoped3A_2657, %dma_wait3A] : memref<3x2x128xf32, #tpu.memory_space<vmem>> -> memref<1x1x128xf32, #tpu.memory_space<vmem>>
        %dma_wait3A_3114 = tpu.memref_squeeze %dma_wait3A_3113 : memref<1x1x128xf32, #tpu.memory_space<vmem>> -> memref<128xf32, #tpu.memory_space<vmem>>
        %dma_wait3A_3115 = arith.constant 0 : i32
        %dma_wait3A_3116 = tpu.memref_slice %arg11[%run_scoped3A_2654, %run_scoped3A_2655, %dma_wait3A_3115] : memref<3x2x128xi32, #tpu.memory_space<vmem>> -> memref<1x1x128xi32, #tpu.memory_space<vmem>>
        %dma_wait3A_3117 = tpu.memref_squeeze %dma_wait3A_3116 : memref<1x1x128xi32, #tpu.memory_space<vmem>> -> memref<128xi32, #tpu.memory_space<vmem>>
        %dma_wait3A_3118 = arith.constant 0 : i32
        %dma_wait3A_3119 = tpu.memref_slice %arg16[%dma_wait3A_3118] : memref<192000xf32, #tpu.memory_space<vmem_shared>> -> memref<192000xf32, #tpu.memory_space<vmem_shared>>
        tpu.wait_indirect_dma semaphore(%run_scoped3A_3105 : memref<!tpu.dma_semaphore, #tpu.memory_space<semaphore_mem>>) src(%dma_wait3A_3119 : memref<192000xf32, #tpu.memory_space<vmem_shared>>) dst(%dma_wait3A_3114 : memref<128xf32, #tpu.memory_space<vmem>>)
        tpu.yield
      }) : () -> ()
      %run_scoped3A_2658 = arith.constant 1 : i32
      %run_scoped3A_2659 = arith.constant 0 : i32
      %run_scoped3A_2660 = arith.constant 1 : i32
      %run_scoped3A_2661 = arith.constant 0 : i32
      "tpu.region"() ({
        %run_scoped3A_3105 = tpu.sem_alloc : memref<!tpu.dma_semaphore, #tpu.memory_space<semaphore_mem>>
        %dma_start3A = arith.constant 0 : i32
        %dma_start3A_3106 = tpu.memref_slice %arg13[%run_scoped3A_2660, %run_scoped3A_2661, %dma_start3A] : memref<3x2x128xf32, #tpu.memory_space<vmem>> -> memref<1x1x128xf32, #tpu.memory_space<vmem>>
        %dma_start3A_3107 = tpu.memref_squeeze %dma_start3A_3106 : memref<1x1x128xf32, #tpu.memory_space<vmem>> -> memref<128xf32, #tpu.memory_space<vmem>>
        %dma_start3A_3108 = arith.constant 0 : i32
        %dma_start3A_3109 = tpu.memref_slice %arg11[%run_scoped3A_2658, %run_scoped3A_2659, %dma_start3A_3108] : memref<3x2x128xi32, #tpu.memory_space<vmem>> -> memref<1x1x128xi32, #tpu.memory_space<vmem>>
        %dma_start3A_3110 = tpu.memref_squeeze %dma_start3A_3109 : memref<1x1x128xi32, #tpu.memory_space<vmem>> -> memref<128xi32, #tpu.memory_space<vmem>>
        %dma_start3A_3111 = arith.constant 0 : i32
        %dma_start3A_3112 = tpu.memref_slice %arg16[%dma_start3A_3111] : memref<192000xf32, #tpu.memory_space<vmem_shared>> -> memref<192000xf32, #tpu.memory_space<vmem_shared>>
        tpu.enqueue_indirect_dma source(%dma_start3A_3112 : memref<192000xf32, #tpu.memory_space<vmem_shared>>) target(%dma_start3A_3107 : memref<128xf32, #tpu.memory_space<vmem>>) offsets(%dma_start3A_3110 : memref<128xi32, #tpu.memory_space<vmem>>) semaphore(%run_scoped3A_3105 : memref<!tpu.dma_semaphore, #tpu.memory_space<semaphore_mem>>)
        %dma_wait3A = arith.constant 0 : i32
        %dma_wait3A_3113 = tpu.memref_slice %arg13[%run_scoped3A_2660, %run_scoped3A_2661, %dma_wait3A] : memref<3x2x128xf32, #tpu.memory_space<vmem>> -> memref<1x1x128xf32, #tpu.memory_space<vmem>>
        %dma_wait3A_3114 = tpu.memref_squeeze %dma_wait3A_3113 : memref<1x1x128xf32, #tpu.memory_space<vmem>> -> memref<128xf32, #tpu.memory_space<vmem>>
        %dma_wait3A_3115 = arith.constant 0 : i32
        %dma_wait3A_3116 = tpu.memref_slice %arg11[%run_scoped3A_2658, %run_scoped3A_2659, %dma_wait3A_3115] : memref<3x2x128xi32, #tpu.memory_space<vmem>> -> memref<1x1x128xi32, #tpu.memory_space<vmem>>
        %dma_wait3A_3117 = tpu.memref_squeeze %dma_wait3A_3116 : memref<1x1x128xi32, #tpu.memory_space<vmem>> -> memref<128xi32, #tpu.memory_space<vmem>>
        %dma_wait3A_3118 = arith.constant 0 : i32
        %dma_wait3A_3119 = tpu.memref_slice %arg16[%dma_wait3A_3118] : memref<192000xf32, #tpu.memory_space<vmem_shared>> -> memref<192000xf32, #tpu.memory_space<vmem_shared>>
        tpu.wait_indirect_dma semaphore(%run_scoped3A_3105 : memref<!tpu.dma_semaphore, #tpu.memory_space<semaphore_mem>>) src(%dma_wait3A_3119 : memref<192000xf32, #tpu.memory_space<vmem_shared>>) dst(%dma_wait3A_3114 : memref<128xf32, #tpu.memory_space<vmem>>)
        tpu.yield
      }) : () -> ()
      %run_scoped3A_2662 = arith.constant 1 : i32
      %run_scoped3A_2663 = arith.constant 1 : i32
      %run_scoped3A_2664 = arith.constant 1 : i32
      %run_scoped3A_2665 = arith.constant 1 : i32
      "tpu.region"() ({
        %run_scoped3A_3105 = tpu.sem_alloc : memref<!tpu.dma_semaphore, #tpu.memory_space<semaphore_mem>>
        %dma_start3A = arith.constant 0 : i32
        %dma_start3A_3106 = tpu.memref_slice %arg13[%run_scoped3A_2664, %run_scoped3A_2665, %dma_start3A] : memref<3x2x128xf32, #tpu.memory_space<vmem>> -> memref<1x1x128xf32, #tpu.memory_space<vmem>>
        %dma_start3A_3107 = tpu.memref_squeeze %dma_start3A_3106 : memref<1x1x128xf32, #tpu.memory_space<vmem>> -> memref<128xf32, #tpu.memory_space<vmem>>
        %dma_start3A_3108 = arith.constant 0 : i32
        %dma_start3A_3109 = tpu.memref_slice %arg11[%run_scoped3A_2662, %run_scoped3A_2663, %dma_start3A_3108] : memref<3x2x128xi32, #tpu.memory_space<vmem>> -> memref<1x1x128xi32, #tpu.memory_space<vmem>>
        %dma_start3A_3110 = tpu.memref_squeeze %dma_start3A_3109 : memref<1x1x128xi32, #tpu.memory_space<vmem>> -> memref<128xi32, #tpu.memory_space<vmem>>
        %dma_start3A_3111 = arith.constant 0 : i32
        %dma_start3A_3112 = tpu.memref_slice %arg16[%dma_start3A_3111] : memref<192000xf32, #tpu.memory_space<vmem_shared>> -> memref<192000xf32, #tpu.memory_space<vmem_shared>>
        tpu.enqueue_indirect_dma source(%dma_start3A_3112 : memref<192000xf32, #tpu.memory_space<vmem_shared>>) target(%dma_start3A_3107 : memref<128xf32, #tpu.memory_space<vmem>>) offsets(%dma_start3A_3110 : memref<128xi32, #tpu.memory_space<vmem>>) semaphore(%run_scoped3A_3105 : memref<!tpu.dma_semaphore, #tpu.memory_space<semaphore_mem>>)
        %dma_wait3A = arith.constant 0 : i32
        %dma_wait3A_3113 = tpu.memref_slice %arg13[%run_scoped3A_2664, %run_scoped3A_2665, %dma_wait3A] : memref<3x2x128xf32, #tpu.memory_space<vmem>> -> memref<1x1x128xf32, #tpu.memory_space<vmem>>
        %dma_wait3A_3114 = tpu.memref_squeeze %dma_wait3A_3113 : memref<1x1x128xf32, #tpu.memory_space<vmem>> -> memref<128xf32, #tpu.memory_space<vmem>>
        %dma_wait3A_3115 = arith.constant 0 : i32
        %dma_wait3A_3116 = tpu.memref_slice %arg11[%run_scoped3A_2662, %run_scoped3A_2663, %dma_wait3A_3115] : memref<3x2x128xi32, #tpu.memory_space<vmem>> -> memref<1x1x128xi32, #tpu.memory_space<vmem>>
        %dma_wait3A_3117 = tpu.memref_squeeze %dma_wait3A_3116 : memref<1x1x128xi32, #tpu.memory_space<vmem>> -> memref<128xi32, #tpu.memory_space<vmem>>
        %dma_wait3A_3118 = arith.constant 0 : i32
        %dma_wait3A_3119 = tpu.memref_slice %arg16[%dma_wait3A_3118] : memref<192000xf32, #tpu.memory_space<vmem_shared>> -> memref<192000xf32, #tpu.memory_space<vmem_shared>>
        tpu.wait_indirect_dma semaphore(%run_scoped3A_3105 : memref<!tpu.dma_semaphore, #tpu.memory_space<semaphore_mem>>) src(%dma_wait3A_3119 : memref<192000xf32, #tpu.memory_space<vmem_shared>>) dst(%dma_wait3A_3114 : memref<128xf32, #tpu.memory_space<vmem>>)
        tpu.yield
      }) : () -> ()
      %run_scoped3A_2666 = arith.constant 2 : i32
      %run_scoped3A_2667 = arith.constant 0 : i32
      %run_scoped3A_2668 = arith.constant 2 : i32
      %run_scoped3A_2669 = arith.constant 0 : i32
      "tpu.region"() ({
        %run_scoped3A_3105 = tpu.sem_alloc : memref<!tpu.dma_semaphore, #tpu.memory_space<semaphore_mem>>
        %dma_start3A = arith.constant 0 : i32
        %dma_start3A_3106 = tpu.memref_slice %arg13[%run_scoped3A_2668, %run_scoped3A_2669, %dma_start3A] : memref<3x2x128xf32, #tpu.memory_space<vmem>> -> memref<1x1x128xf32, #tpu.memory_space<vmem>>
        %dma_start3A_3107 = tpu.memref_squeeze %dma_start3A_3106 : memref<1x1x128xf32, #tpu.memory_space<vmem>> -> memref<128xf32, #tpu.memory_space<vmem>>
        %dma_start3A_3108 = arith.constant 0 : i32
        %dma_start3A_3109 = tpu.memref_slice %arg11[%run_scoped3A_2666, %run_scoped3A_2667, %dma_start3A_3108] : memref<3x2x128xi32, #tpu.memory_space<vmem>> -> memref<1x1x128xi32, #tpu.memory_space<vmem>>
        %dma_start3A_3110 = tpu.memref_squeeze %dma_start3A_3109 : memref<1x1x128xi32, #tpu.memory_space<vmem>> -> memref<128xi32, #tpu.memory_space<vmem>>
        %dma_start3A_3111 = arith.constant 0 : i32
        %dma_start3A_3112 = tpu.memref_slice %arg16[%dma_start3A_3111] : memref<192000xf32, #tpu.memory_space<vmem_shared>> -> memref<192000xf32, #tpu.memory_space<vmem_shared>>
        tpu.enqueue_indirect_dma source(%dma_start3A_3112 : memref<192000xf32, #tpu.memory_space<vmem_shared>>) target(%dma_start3A_3107 : memref<128xf32, #tpu.memory_space<vmem>>) offsets(%dma_start3A_3110 : memref<128xi32, #tpu.memory_space<vmem>>) semaphore(%run_scoped3A_3105 : memref<!tpu.dma_semaphore, #tpu.memory_space<semaphore_mem>>)
        %dma_wait3A = arith.constant 0 : i32
        %dma_wait3A_3113 = tpu.memref_slice %arg13[%run_scoped3A_2668, %run_scoped3A_2669, %dma_wait3A] : memref<3x2x128xf32, #tpu.memory_space<vmem>> -> memref<1x1x128xf32, #tpu.memory_space<vmem>>
        %dma_wait3A_3114 = tpu.memref_squeeze %dma_wait3A_3113 : memref<1x1x128xf32, #tpu.memory_space<vmem>> -> memref<128xf32, #tpu.memory_space<vmem>>
        %dma_wait3A_3115 = arith.constant 0 : i32
        %dma_wait3A_3116 = tpu.memref_slice %arg11[%run_scoped3A_2666, %run_scoped3A_2667, %dma_wait3A_3115] : memref<3x2x128xi32, #tpu.memory_space<vmem>> -> memref<1x1x128xi32, #tpu.memory_space<vmem>>
        %dma_wait3A_3117 = tpu.memref_squeeze %dma_wait3A_3116 : memref<1x1x128xi32, #tpu.memory_space<vmem>> -> memref<128xi32, #tpu.memory_space<vmem>>
        %dma_wait3A_3118 = arith.constant 0 : i32
        %dma_wait3A_3119 = tpu.memref_slice %arg16[%dma_wait3A_3118] : memref<192000xf32, #tpu.memory_space<vmem_shared>> -> memref<192000xf32, #tpu.memory_space<vmem_shared>>
        tpu.wait_indirect_dma semaphore(%run_scoped3A_3105 : memref<!tpu.dma_semaphore, #tpu.memory_space<semaphore_mem>>) src(%dma_wait3A_3119 : memref<192000xf32, #tpu.memory_space<vmem_shared>>) dst(%dma_wait3A_3114 : memref<128xf32, #tpu.memory_space<vmem>>)
        tpu.yield
      }) : () -> ()
      %run_scoped3A_2670 = arith.constant 2 : i32
      %run_scoped3A_2671 = arith.constant 1 : i32
      %run_scoped3A_2672 = arith.constant 2 : i32
      %run_scoped3A_2673 = arith.constant 1 : i32
      "tpu.region"() ({
        %run_scoped3A_3105 = tpu.sem_alloc : memref<!tpu.dma_semaphore, #tpu.memory_space<semaphore_mem>>
        %dma_start3A = arith.constant 0 : i32
        %dma_start3A_3106 = tpu.memref_slice %arg13[%run_scoped3A_2672, %run_scoped3A_2673, %dma_start3A] : memref<3x2x128xf32, #tpu.memory_space<vmem>> -> memref<1x1x128xf32, #tpu.memory_space<vmem>>
        %dma_start3A_3107 = tpu.memref_squeeze %dma_start3A_3106 : memref<1x1x128xf32, #tpu.memory_space<vmem>> -> memref<128xf32, #tpu.memory_space<vmem>>
        %dma_start3A_3108 = arith.constant 0 : i32
        %dma_start3A_3109 = tpu.memref_slice %arg11[%run_scoped3A_2670, %run_scoped3A_2671, %dma_start3A_3108] : memref<3x2x128xi32, #tpu.memory_space<vmem>> -> memref<1x1x128xi32, #tpu.memory_space<vmem>>
        %dma_start3A_3110 = tpu.memref_squeeze %dma_start3A_3109 : memref<1x1x128xi32, #tpu.memory_space<vmem>> -> memref<128xi32, #tpu.memory_space<vmem>>
        %dma_start3A_3111 = arith.constant 0 : i32
        %dma_start3A_3112 = tpu.memref_slice %arg16[%dma_start3A_3111] : memref<192000xf32, #tpu.memory_space<vmem_shared>> -> memref<192000xf32, #tpu.memory_space<vmem_shared>>
        tpu.enqueue_indirect_dma source(%dma_start3A_3112 : memref<192000xf32, #tpu.memory_space<vmem_shared>>) target(%dma_start3A_3107 : memref<128xf32, #tpu.memory_space<vmem>>) offsets(%dma_start3A_3110 : memref<128xi32, #tpu.memory_space<vmem>>) semaphore(%run_scoped3A_3105 : memref<!tpu.dma_semaphore, #tpu.memory_space<semaphore_mem>>)
        %dma_wait3A = arith.constant 0 : i32
        %dma_wait3A_3113 = tpu.memref_slice %arg13[%run_scoped3A_2672, %run_scoped3A_2673, %dma_wait3A] : memref<3x2x128xf32, #tpu.memory_space<vmem>> -> memref<1x1x128xf32, #tpu.memory_space<vmem>>
        %dma_wait3A_3114 = tpu.memref_squeeze %dma_wait3A_3113 : memref<1x1x128xf32, #tpu.memory_space<vmem>> -> memref<128xf32, #tpu.memory_space<vmem>>
        %dma_wait3A_3115 = arith.constant 0 : i32
        %dma_wait3A_3116 = tpu.memref_slice %arg11[%run_scoped3A_2670, %run_scoped3A_2671, %dma_wait3A_3115] : memref<3x2x128xi32, #tpu.memory_space<vmem>> -> memref<1x1x128xi32, #tpu.memory_space<vmem>>
        %dma_wait3A_3117 = tpu.memref_squeeze %dma_wait3A_3116 : memref<1x1x128xi32, #tpu.memory_space<vmem>> -> memref<128xi32, #tpu.memory_space<vmem>>
        %dma_wait3A_3118 = arith.constant 0 : i32
        %dma_wait3A_3119 = tpu.memref_slice %arg16[%dma_wait3A_3118] : memref<192000xf32, #tpu.memory_space<vmem_shared>> -> memref<192000xf32, #tpu.memory_space<vmem_shared>>
        tpu.wait_indirect_dma semaphore(%run_scoped3A_3105 : memref<!tpu.dma_semaphore, #tpu.memory_space<semaphore_mem>>) src(%dma_wait3A_3119 : memref<192000xf32, #tpu.memory_space<vmem_shared>>) dst(%dma_wait3A_3114 : memref<128xf32, #tpu.memory_space<vmem>>)
        tpu.yield
      }) : () -> ()
      %get3A_2674 = arith.constant 0 : i64
      %get3A_2675 = arith.constant 0 : i64
      %get3A_2676 = arith.index_cast %get3A_2674 : i64 to index
      %get3A_2677 = arith.index_cast %get3A_2675 : i64 to index
      %get3A_2678 = arith.constant 0 : index
      %get3A_2679 = tpu.vector_load %arg13[%get3A_2676, %get3A_2677, %get3A_2678] {strides = array<i32>} : memref<3x2x128xf32, #tpu.memory_space<vmem>>, vector<1x1x16xf32>,
      %get3A_2680 = vector.shape_cast %get3A_2679 : vector<1x1x16xf32> to vector<16xf32>
      %get3A_2681 = arith.constant 1 : i64
      %get3A_2682 = arith.constant 0 : i64
      %get3A_2683 = arith.index_cast %get3A_2681 : i64 to index
      %get3A_2684 = arith.index_cast %get3A_2682 : i64 to index
      %get3A_2685 = arith.constant 0 : index
      %get3A_2686 = tpu.vector_load %arg13[%get3A_2683, %get3A_2684, %get3A_2685] {strides = array<i32>} : memref<3x2x128xf32, #tpu.memory_space<vmem>>, vector<1x1x16xf32>,
      %get3A_2687 = vector.shape_cast %get3A_2686 : vector<1x1x16xf32> to vector<16xf32>
      %min3A = arith.minimumf %get3A_2680, %get3A_2687 : vector<16xf32>
      %get3A_2688 = arith.constant 2 : i64
      %get3A_2689 = arith.constant 0 : i64
      %get3A_2690 = arith.index_cast %get3A_2688 : i64 to index
      %get3A_2691 = arith.index_cast %get3A_2689 : i64 to index
      %get3A_2692 = arith.constant 0 : index
      %get3A_2693 = tpu.vector_load %arg13[%get3A_2690, %get3A_2691, %get3A_2692] {strides = array<i32>} : memref<3x2x128xf32, #tpu.memory_space<vmem>>, vector<1x1x16xf32>,
      %get3A_2694 = vector.shape_cast %get3A_2693 : vector<1x1x16xf32> to vector<16xf32>
      %min3A_2695 = arith.minimumf %min3A, %get3A_2694 : vector<16xf32>
      %swap3A_2696 = arith.constant 0 : index
      %swap3A_2697 = tpu.vector_load %arg14[%swap3A_2696] {strides = array<i32>} : memref<256xf32, #tpu.memory_space<vmem>>, vector<16xf32>,
      %swap3A_2698 = vector.shape_cast %swap3A_2697 : vector<16xf32> to vector<16xf32>
      %swap3A_2699 = vector.shape_cast %min3A_2695 : vector<16xf32> to vector<16xf32>
      tpu.vector_store %arg14[%swap3A_2696], %swap3A_2699 {strides = array<i32>} : memref<256xf32, #tpu.memory_space<vmem>>, vector<16xf32>,
      %get3A_2700 = arith.constant 0 : i64
      %get3A_2701 = arith.constant 0 : i64
      %get3A_2702 = arith.index_cast %get3A_2700 : i64 to index
      %get3A_2703 = arith.index_cast %get3A_2701 : i64 to index
      %get3A_2704 = arith.constant 16 : index
      %get3A_2705 = tpu.vector_load %arg13[%get3A_2702, %get3A_2703, %get3A_2704] {strides = array<i32>} : memref<3x2x128xf32, #tpu.memory_space<vmem>>, vector<1x1x16xf32>,
      %get3A_2706 = vector.shape_cast %get3A_2705 : vector<1x1x16xf32> to vector<16xf32>
      %get3A_2707 = arith.constant 1 : i64
      %get3A_2708 = arith.constant 0 : i64
      %get3A_2709 = arith.index_cast %get3A_2707 : i64 to index
      %get3A_2710 = arith.index_cast %get3A_2708 : i64 to index
      %get3A_2711 = arith.constant 16 : index
      %get3A_2712 = tpu.vector_load %arg13[%get3A_2709, %get3A_2710, %get3A_2711] {strides = array<i32>} : memref<3x2x128xf32, #tpu.memory_space<vmem>>, vector<1x1x16xf32>,
      %get3A_2713 = vector.shape_cast %get3A_2712 : vector<1x1x16xf32> to vector<16xf32>
      %min3A_2714 = arith.minimumf %get3A_2706, %get3A_2713 : vector<16xf32>
      %get3A_2715 = arith.constant 2 : i64
      %get3A_2716 = arith.constant 0 : i64
      %get3A_2717 = arith.index_cast %get3A_2715 : i64 to index
      %get3A_2718 = arith.index_cast %get3A_2716 : i64 to index
      %get3A_2719 = arith.constant 16 : index
      %get3A_2720 = tpu.vector_load %arg13[%get3A_2717, %get3A_2718, %get3A_2719] {strides = array<i32>} : memref<3x2x128xf32, #tpu.memory_space<vmem>>, vector<1x1x16xf32>,
      %get3A_2721 = vector.shape_cast %get3A_2720 : vector<1x1x16xf32> to vector<16xf32>
      %min3A_2722 = arith.minimumf %min3A_2714, %get3A_2721 : vector<16xf32>
      %swap3A_2723 = arith.constant 16 : index
      %swap3A_2724 = tpu.vector_load %arg14[%swap3A_2723] {strides = array<i32>} : memref<256xf32, #tpu.memory_space<vmem>>, vector<16xf32>,
      %swap3A_2725 = vector.shape_cast %swap3A_2724 : vector<16xf32> to vector<16xf32>
      %swap3A_2726 = vector.shape_cast %min3A_2722 : vector<16xf32> to vector<16xf32>
      tpu.vector_store %arg14[%swap3A_2723], %swap3A_2726 {strides = array<i32>} : memref<256xf32, #tpu.memory_space<vmem>>, vector<16xf32>,
      %get3A_2727 = arith.constant 0 : i64
      %get3A_2728 = arith.constant 0 : i64
      %get3A_2729 = arith.index_cast %get3A_2727 : i64 to index
      %get3A_2730 = arith.index_cast %get3A_2728 : i64 to index
      %get3A_2731 = arith.constant 32 : index
      %get3A_2732 = tpu.vector_load %arg13[%get3A_2729, %get3A_2730, %get3A_2731] {strides = array<i32>} : memref<3x2x128xf32, #tpu.memory_space<vmem>>, vector<1x1x16xf32>,
      %get3A_2733 = vector.shape_cast %get3A_2732 : vector<1x1x16xf32> to vector<16xf32>
      %get3A_2734 = arith.constant 1 : i64
      %get3A_2735 = arith.constant 0 : i64
      %get3A_2736 = arith.index_cast %get3A_2734 : i64 to index
      %get3A_2737 = arith.index_cast %get3A_2735 : i64 to index
      %get3A_2738 = arith.constant 32 : index
      %get3A_2739 = tpu.vector_load %arg13[%get3A_2736, %get3A_2737, %get3A_2738] {strides = array<i32>} : memref<3x2x128xf32, #tpu.memory_space<vmem>>, vector<1x1x16xf32>,
      %get3A_2740 = vector.shape_cast %get3A_2739 : vector<1x1x16xf32> to vector<16xf32>
      %min3A_2741 = arith.minimumf %get3A_2733, %get3A_2740 : vector<16xf32>
      %get3A_2742 = arith.constant 2 : i64
      %get3A_2743 = arith.constant 0 : i64
      %get3A_2744 = arith.index_cast %get3A_2742 : i64 to index
      %get3A_2745 = arith.index_cast %get3A_2743 : i64 to index
      %get3A_2746 = arith.constant 32 : index
      %get3A_2747 = tpu.vector_load %arg13[%get3A_2744, %get3A_2745, %get3A_2746] {strides = array<i32>} : memref<3x2x128xf32, #tpu.memory_space<vmem>>, vector<1x1x16xf32>,
      %get3A_2748 = vector.shape_cast %get3A_2747 : vector<1x1x16xf32> to vector<16xf32>
      %min3A_2749 = arith.minimumf %min3A_2741, %get3A_2748 : vector<16xf32>
      %swap3A_2750 = arith.constant 32 : index
      %swap3A_2751 = tpu.vector_load %arg14[%swap3A_2750] {strides = array<i32>} : memref<256xf32, #tpu.memory_space<vmem>>, vector<16xf32>,
      %swap3A_2752 = vector.shape_cast %swap3A_2751 : vector<16xf32> to vector<16xf32>
      %swap3A_2753 = vector.shape_cast %min3A_2749 : vector<16xf32> to vector<16xf32>
      tpu.vector_store %arg14[%swap3A_2750], %swap3A_2753 {strides = array<i32>} : memref<256xf32, #tpu.memory_space<vmem>>, vector<16xf32>,
      %get3A_2754 = arith.constant 0 : i64
      %get3A_2755 = arith.constant 0 : i64
      %get3A_2756 = arith.index_cast %get3A_2754 : i64 to index
      %get3A_2757 = arith.index_cast %get3A_2755 : i64 to index
      %get3A_2758 = arith.constant 48 : index
      %get3A_2759 = tpu.vector_load %arg13[%get3A_2756, %get3A_2757, %get3A_2758] {strides = array<i32>} : memref<3x2x128xf32, #tpu.memory_space<vmem>>, vector<1x1x16xf32>,
      %get3A_2760 = vector.shape_cast %get3A_2759 : vector<1x1x16xf32> to vector<16xf32>
      %get3A_2761 = arith.constant 1 : i64
      %get3A_2762 = arith.constant 0 : i64
      %get3A_2763 = arith.index_cast %get3A_2761 : i64 to index
      %get3A_2764 = arith.index_cast %get3A_2762 : i64 to index
      %get3A_2765 = arith.constant 48 : index
      %get3A_2766 = tpu.vector_load %arg13[%get3A_2763, %get3A_2764, %get3A_2765] {strides = array<i32>} : memref<3x2x128xf32, #tpu.memory_space<vmem>>, vector<1x1x16xf32>,
      %get3A_2767 = vector.shape_cast %get3A_2766 : vector<1x1x16xf32> to vector<16xf32>
      %min3A_2768 = arith.minimumf %get3A_2760, %get3A_2767 : vector<16xf32>
      %get3A_2769 = arith.constant 2 : i64
      %get3A_2770 = arith.constant 0 : i64
      %get3A_2771 = arith.index_cast %get3A_2769 : i64 to index
      %get3A_2772 = arith.index_cast %get3A_2770 : i64 to index
      %get3A_2773 = arith.constant 48 : index
      %get3A_2774 = tpu.vector_load %arg13[%get3A_2771, %get3A_2772, %get3A_2773] {strides = array<i32>} : memref<3x2x128xf32, #tpu.memory_space<vmem>>, vector<1x1x16xf32>,
      %get3A_2775 = vector.shape_cast %get3A_2774 : vector<1x1x16xf32> to vector<16xf32>
      %min3A_2776 = arith.minimumf %min3A_2768, %get3A_2775 : vector<16xf32>
      %swap3A_2777 = arith.constant 48 : index
      %swap3A_2778 = tpu.vector_load %arg14[%swap3A_2777] {strides = array<i32>} : memref<256xf32, #tpu.memory_space<vmem>>, vector<16xf32>,
      %swap3A_2779 = vector.shape_cast %swap3A_2778 : vector<16xf32> to vector<16xf32>
      %swap3A_2780 = vector.shape_cast %min3A_2776 : vector<16xf32> to vector<16xf32>
      tpu.vector_store %arg14[%swap3A_2777], %swap3A_2780 {strides = array<i32>} : memref<256xf32, #tpu.memory_space<vmem>>, vector<16xf32>,
      %get3A_2781 = arith.constant 0 : i64
      %get3A_2782 = arith.constant 0 : i64
      %get3A_2783 = arith.index_cast %get3A_2781 : i64 to index
      %get3A_2784 = arith.index_cast %get3A_2782 : i64 to index
      %get3A_2785 = arith.constant 64 : index
      %get3A_2786 = tpu.vector_load %arg13[%get3A_2783, %get3A_2784, %get3A_2785] {strides = array<i32>} : memref<3x2x128xf32, #tpu.memory_space<vmem>>, vector<1x1x16xf32>,
      %get3A_2787 = vector.shape_cast %get3A_2786 : vector<1x1x16xf32> to vector<16xf32>
      %get3A_2788 = arith.constant 1 : i64
      %get3A_2789 = arith.constant 0 : i64
      %get3A_2790 = arith.index_cast %get3A_2788 : i64 to index
      %get3A_2791 = arith.index_cast %get3A_2789 : i64 to index
      %get3A_2792 = arith.constant 64 : index
      %get3A_2793 = tpu.vector_load %arg13[%get3A_2790, %get3A_2791, %get3A_2792] {strides = array<i32>} : memref<3x2x128xf32, #tpu.memory_space<vmem>>, vector<1x1x16xf32>,
      %get3A_2794 = vector.shape_cast %get3A_2793 : vector<1x1x16xf32> to vector<16xf32>
      %min3A_2795 = arith.minimumf %get3A_2787, %get3A_2794 : vector<16xf32>
      %get3A_2796 = arith.constant 2 : i64
      %get3A_2797 = arith.constant 0 : i64
      %get3A_2798 = arith.index_cast %get3A_2796 : i64 to index
      %get3A_2799 = arith.index_cast %get3A_2797 : i64 to index
      %get3A_2800 = arith.constant 64 : index
      %get3A_2801 = tpu.vector_load %arg13[%get3A_2798, %get3A_2799, %get3A_2800] {strides = array<i32>} : memref<3x2x128xf32, #tpu.memory_space<vmem>>, vector<1x1x16xf32>,
      %get3A_2802 = vector.shape_cast %get3A_2801 : vector<1x1x16xf32> to vector<16xf32>
      %min3A_2803 = arith.minimumf %min3A_2795, %get3A_2802 : vector<16xf32>
      %swap3A_2804 = arith.constant 64 : index
      %swap3A_2805 = tpu.vector_load %arg14[%swap3A_2804] {strides = array<i32>} : memref<256xf32, #tpu.memory_space<vmem>>, vector<16xf32>,
      %swap3A_2806 = vector.shape_cast %swap3A_2805 : vector<16xf32> to vector<16xf32>
      %swap3A_2807 = vector.shape_cast %min3A_2803 : vector<16xf32> to vector<16xf32>
      tpu.vector_store %arg14[%swap3A_2804], %swap3A_2807 {strides = array<i32>} : memref<256xf32, #tpu.memory_space<vmem>>, vector<16xf32>,
      %get3A_2808 = arith.constant 0 : i64
      %get3A_2809 = arith.constant 0 : i64
      %get3A_2810 = arith.index_cast %get3A_2808 : i64 to index
      %get3A_2811 = arith.index_cast %get3A_2809 : i64 to index
      %get3A_2812 = arith.constant 80 : index
      %get3A_2813 = tpu.vector_load %arg13[%get3A_2810, %get3A_2811, %get3A_2812] {strides = array<i32>} : memref<3x2x128xf32, #tpu.memory_space<vmem>>, vector<1x1x16xf32>,
      %get3A_2814 = vector.shape_cast %get3A_2813 : vector<1x1x16xf32> to vector<16xf32>
      %get3A_2815 = arith.constant 1 : i64
      %get3A_2816 = arith.constant 0 : i64
      %get3A_2817 = arith.index_cast %get3A_2815 : i64 to index
      %get3A_2818 = arith.index_cast %get3A_2816 : i64 to index
      %get3A_2819 = arith.constant 80 : index
      %get3A_2820 = tpu.vector_load %arg13[%get3A_2817, %get3A_2818, %get3A_2819] {strides = array<i32>} : memref<3x2x128xf32, #tpu.memory_space<vmem>>, vector<1x1x16xf32>,
      %get3A_2821 = vector.shape_cast %get3A_2820 : vector<1x1x16xf32> to vector<16xf32>
      %min3A_2822 = arith.minimumf %get3A_2814, %get3A_2821 : vector<16xf32>
      %get3A_2823 = arith.constant 2 : i64
      %get3A_2824 = arith.constant 0 : i64
      %get3A_2825 = arith.index_cast %get3A_2823 : i64 to index
      %get3A_2826 = arith.index_cast %get3A_2824 : i64 to index
      %get3A_2827 = arith.constant 80 : index
      %get3A_2828 = tpu.vector_load %arg13[%get3A_2825, %get3A_2826, %get3A_2827] {strides = array<i32>} : memref<3x2x128xf32, #tpu.memory_space<vmem>>, vector<1x1x16xf32>,
      %get3A_2829 = vector.shape_cast %get3A_2828 : vector<1x1x16xf32> to vector<16xf32>
      %min3A_2830 = arith.minimumf %min3A_2822, %get3A_2829 : vector<16xf32>
      %swap3A_2831 = arith.constant 80 : index
      %swap3A_2832 = tpu.vector_load %arg14[%swap3A_2831] {strides = array<i32>} : memref<256xf32, #tpu.memory_space<vmem>>, vector<16xf32>,
      %swap3A_2833 = vector.shape_cast %swap3A_2832 : vector<16xf32> to vector<16xf32>
      %swap3A_2834 = vector.shape_cast %min3A_2830 : vector<16xf32> to vector<16xf32>
      tpu.vector_store %arg14[%swap3A_2831], %swap3A_2834 {strides = array<i32>} : memref<256xf32, #tpu.memory_space<vmem>>, vector<16xf32>,
      %get3A_2835 = arith.constant 0 : i64
      %get3A_2836 = arith.constant 0 : i64
      %get3A_2837 = arith.index_cast %get3A_2835 : i64 to index
      %get3A_2838 = arith.index_cast %get3A_2836 : i64 to index
      %get3A_2839 = arith.constant 96 : index
      %get3A_2840 = tpu.vector_load %arg13[%get3A_2837, %get3A_2838, %get3A_2839] {strides = array<i32>} : memref<3x2x128xf32, #tpu.memory_space<vmem>>, vector<1x1x16xf32>,
      %get3A_2841 = vector.shape_cast %get3A_2840 : vector<1x1x16xf32> to vector<16xf32>
      %get3A_2842 = arith.constant 1 : i64
      %get3A_2843 = arith.constant 0 : i64
      %get3A_2844 = arith.index_cast %get3A_2842 : i64 to index
      %get3A_2845 = arith.index_cast %get3A_2843 : i64 to index
      %get3A_2846 = arith.constant 96 : index
      %get3A_2847 = tpu.vector_load %arg13[%get3A_2844, %get3A_2845, %get3A_2846] {strides = array<i32>} : memref<3x2x128xf32, #tpu.memory_space<vmem>>, vector<1x1x16xf32>,
      %get3A_2848 = vector.shape_cast %get3A_2847 : vector<1x1x16xf32> to vector<16xf32>
      %min3A_2849 = arith.minimumf %get3A_2841, %get3A_2848 : vector<16xf32>
      %get3A_2850 = arith.constant 2 : i64
      %get3A_2851 = arith.constant 0 : i64
      %get3A_2852 = arith.index_cast %get3A_2850 : i64 to index
      %get3A_2853 = arith.index_cast %get3A_2851 : i64 to index
      %get3A_2854 = arith.constant 96 : index
      %get3A_2855 = tpu.vector_load %arg13[%get3A_2852, %get3A_2853, %get3A_2854] {strides = array<i32>} : memref<3x2x128xf32, #tpu.memory_space<vmem>>, vector<1x1x16xf32>,
      %get3A_2856 = vector.shape_cast %get3A_2855 : vector<1x1x16xf32> to vector<16xf32>
      %min3A_2857 = arith.minimumf %min3A_2849, %get3A_2856 : vector<16xf32>
      %swap3A_2858 = arith.constant 96 : index
      %swap3A_2859 = tpu.vector_load %arg14[%swap3A_2858] {strides = array<i32>} : memref<256xf32, #tpu.memory_space<vmem>>, vector<16xf32>,
      %swap3A_2860 = vector.shape_cast %swap3A_2859 : vector<16xf32> to vector<16xf32>
      %swap3A_2861 = vector.shape_cast %min3A_2857 : vector<16xf32> to vector<16xf32>
      tpu.vector_store %arg14[%swap3A_2858], %swap3A_2861 {strides = array<i32>} : memref<256xf32, #tpu.memory_space<vmem>>, vector<16xf32>,
      %get3A_2862 = arith.constant 0 : i64
      %get3A_2863 = arith.constant 0 : i64
      %get3A_2864 = arith.index_cast %get3A_2862 : i64 to index
      %get3A_2865 = arith.index_cast %get3A_2863 : i64 to index
      %get3A_2866 = arith.constant 112 : index
      %get3A_2867 = tpu.vector_load %arg13[%get3A_2864, %get3A_2865, %get3A_2866] {strides = array<i32>} : memref<3x2x128xf32, #tpu.memory_space<vmem>>, vector<1x1x16xf32>,
      %get3A_2868 = vector.shape_cast %get3A_2867 : vector<1x1x16xf32> to vector<16xf32>
      %get3A_2869 = arith.constant 1 : i64
      %get3A_2870 = arith.constant 0 : i64
      %get3A_2871 = arith.index_cast %get3A_2869 : i64 to index
      %get3A_2872 = arith.index_cast %get3A_2870 : i64 to index
      %get3A_2873 = arith.constant 112 : index
      %get3A_2874 = tpu.vector_load %arg13[%get3A_2871, %get3A_2872, %get3A_2873] {strides = array<i32>} : memref<3x2x128xf32, #tpu.memory_space<vmem>>, vector<1x1x16xf32>,
      %get3A_2875 = vector.shape_cast %get3A_2874 : vector<1x1x16xf32> to vector<16xf32>
      %min3A_2876 = arith.minimumf %get3A_2868, %get3A_2875 : vector<16xf32>
      %get3A_2877 = arith.constant 2 : i64
      %get3A_2878 = arith.constant 0 : i64
      %get3A_2879 = arith.index_cast %get3A_2877 : i64 to index
      %get3A_2880 = arith.index_cast %get3A_2878 : i64 to index
      %get3A_2881 = arith.constant 112 : index
      %get3A_2882 = tpu.vector_load %arg13[%get3A_2879, %get3A_2880, %get3A_2881] {strides = array<i32>} : memref<3x2x128xf32, #tpu.memory_space<vmem>>, vector<1x1x16xf32>,
      %get3A_2883 = vector.shape_cast %get3A_2882 : vector<1x1x16xf32> to vector<16xf32>
      %min3A_2884 = arith.minimumf %min3A_2876, %get3A_2883 : vector<16xf32>
      %swap3A_2885 = arith.constant 112 : index
      %swap3A_2886 = tpu.vector_load %arg14[%swap3A_2885] {strides = array<i32>} : memref<256xf32, #tpu.memory_space<vmem>>, vector<16xf32>,
      %swap3A_2887 = vector.shape_cast %swap3A_2886 : vector<16xf32> to vector<16xf32>
      %swap3A_2888 = vector.shape_cast %min3A_2884 : vector<16xf32> to vector<16xf32>
      tpu.vector_store %arg14[%swap3A_2885], %swap3A_2888 {strides = array<i32>} : memref<256xf32, #tpu.memory_space<vmem>>, vector<16xf32>,
      %get3A_2889 = arith.constant 0 : i64
      %get3A_2890 = arith.constant 1 : i64
      %get3A_2891 = arith.index_cast %get3A_2889 : i64 to index
      %get3A_2892 = arith.index_cast %get3A_2890 : i64 to index
      %get3A_2893 = arith.constant 0 : index
      %get3A_2894 = tpu.vector_load %arg13[%get3A_2891, %get3A_2892, %get3A_2893] {strides = array<i32>} : memref<3x2x128xf32, #tpu.memory_space<vmem>>, vector<1x1x16xf32>,
      %get3A_2895 = vector.shape_cast %get3A_2894 : vector<1x1x16xf32> to vector<16xf32>
      %get3A_2896 = arith.constant 1 : i64
      %get3A_2897 = arith.constant 1 : i64
      %get3A_2898 = arith.index_cast %get3A_2896 : i64 to index
      %get3A_2899 = arith.index_cast %get3A_2897 : i64 to index
      %get3A_2900 = arith.constant 0 : index
      %get3A_2901 = tpu.vector_load %arg13[%get3A_2898, %get3A_2899, %get3A_2900] {strides = array<i32>} : memref<3x2x128xf32, #tpu.memory_space<vmem>>, vector<1x1x16xf32>,
      %get3A_2902 = vector.shape_cast %get3A_2901 : vector<1x1x16xf32> to vector<16xf32>
      %min3A_2903 = arith.minimumf %get3A_2895, %get3A_2902 : vector<16xf32>
      %get3A_2904 = arith.constant 2 : i64
      %get3A_2905 = arith.constant 1 : i64
      %get3A_2906 = arith.index_cast %get3A_2904 : i64 to index
      %get3A_2907 = arith.index_cast %get3A_2905 : i64 to index
      %get3A_2908 = arith.constant 0 : index
      %get3A_2909 = tpu.vector_load %arg13[%get3A_2906, %get3A_2907, %get3A_2908] {strides = array<i32>} : memref<3x2x128xf32, #tpu.memory_space<vmem>>, vector<1x1x16xf32>,
      %get3A_2910 = vector.shape_cast %get3A_2909 : vector<1x1x16xf32> to vector<16xf32>
      %min3A_2911 = arith.minimumf %min3A_2903, %get3A_2910 : vector<16xf32>
      %swap3A_2912 = arith.constant 128 : index
      %swap3A_2913 = tpu.vector_load %arg14[%swap3A_2912] {strides = array<i32>} : memref<256xf32, #tpu.memory_space<vmem>>, vector<16xf32>,
      %swap3A_2914 = vector.shape_cast %swap3A_2913 : vector<16xf32> to vector<16xf32>
      %swap3A_2915 = vector.shape_cast %min3A_2911 : vector<16xf32> to vector<16xf32>
      tpu.vector_store %arg14[%swap3A_2912], %swap3A_2915 {strides = array<i32>} : memref<256xf32, #tpu.memory_space<vmem>>, vector<16xf32>,
      %get3A_2916 = arith.constant 0 : i64
      %get3A_2917 = arith.constant 1 : i64
      %get3A_2918 = arith.index_cast %get3A_2916 : i64 to index
      %get3A_2919 = arith.index_cast %get3A_2917 : i64 to index
      %get3A_2920 = arith.constant 16 : index
      %get3A_2921 = tpu.vector_load %arg13[%get3A_2918, %get3A_2919, %get3A_2920] {strides = array<i32>} : memref<3x2x128xf32, #tpu.memory_space<vmem>>, vector<1x1x16xf32>,
      %get3A_2922 = vector.shape_cast %get3A_2921 : vector<1x1x16xf32> to vector<16xf32>
      %get3A_2923 = arith.constant 1 : i64
      %get3A_2924 = arith.constant 1 : i64
      %get3A_2925 = arith.index_cast %get3A_2923 : i64 to index
      %get3A_2926 = arith.index_cast %get3A_2924 : i64 to index
      %get3A_2927 = arith.constant 16 : index
      %get3A_2928 = tpu.vector_load %arg13[%get3A_2925, %get3A_2926, %get3A_2927] {strides = array<i32>} : memref<3x2x128xf32, #tpu.memory_space<vmem>>, vector<1x1x16xf32>,
      %get3A_2929 = vector.shape_cast %get3A_2928 : vector<1x1x16xf32> to vector<16xf32>
      %min3A_2930 = arith.minimumf %get3A_2922, %get3A_2929 : vector<16xf32>
      %get3A_2931 = arith.constant 2 : i64
      %get3A_2932 = arith.constant 1 : i64
      %get3A_2933 = arith.index_cast %get3A_2931 : i64 to index
      %get3A_2934 = arith.index_cast %get3A_2932 : i64 to index
      %get3A_2935 = arith.constant 16 : index
      %get3A_2936 = tpu.vector_load %arg13[%get3A_2933, %get3A_2934, %get3A_2935] {strides = array<i32>} : memref<3x2x128xf32, #tpu.memory_space<vmem>>, vector<1x1x16xf32>,
      %get3A_2937 = vector.shape_cast %get3A_2936 : vector<1x1x16xf32> to vector<16xf32>
      %min3A_2938 = arith.minimumf %min3A_2930, %get3A_2937 : vector<16xf32>
      %swap3A_2939 = arith.constant 144 : index
      %swap3A_2940 = tpu.vector_load %arg14[%swap3A_2939] {strides = array<i32>} : memref<256xf32, #tpu.memory_space<vmem>>, vector<16xf32>,
      %swap3A_2941 = vector.shape_cast %swap3A_2940 : vector<16xf32> to vector<16xf32>
      %swap3A_2942 = vector.shape_cast %min3A_2938 : vector<16xf32> to vector<16xf32>
      tpu.vector_store %arg14[%swap3A_2939], %swap3A_2942 {strides = array<i32>} : memref<256xf32, #tpu.memory_space<vmem>>, vector<16xf32>,
      %get3A_2943 = arith.constant 0 : i64
      %get3A_2944 = arith.constant 1 : i64
      %get3A_2945 = arith.index_cast %get3A_2943 : i64 to index
      %get3A_2946 = arith.index_cast %get3A_2944 : i64 to index
      %get3A_2947 = arith.constant 32 : index
      %get3A_2948 = tpu.vector_load %arg13[%get3A_2945, %get3A_2946, %get3A_2947] {strides = array<i32>} : memref<3x2x128xf32, #tpu.memory_space<vmem>>, vector<1x1x16xf32>,
      %get3A_2949 = vector.shape_cast %get3A_2948 : vector<1x1x16xf32> to vector<16xf32>
      %get3A_2950 = arith.constant 1 : i64
      %get3A_2951 = arith.constant 1 : i64
      %get3A_2952 = arith.index_cast %get3A_2950 : i64 to index
      %get3A_2953 = arith.index_cast %get3A_2951 : i64 to index
      %get3A_2954 = arith.constant 32 : index
      %get3A_2955 = tpu.vector_load %arg13[%get3A_2952, %get3A_2953, %get3A_2954] {strides = array<i32>} : memref<3x2x128xf32, #tpu.memory_space<vmem>>, vector<1x1x16xf32>,
      %get3A_2956 = vector.shape_cast %get3A_2955 : vector<1x1x16xf32> to vector<16xf32>
      %min3A_2957 = arith.minimumf %get3A_2949, %get3A_2956 : vector<16xf32>
      %get3A_2958 = arith.constant 2 : i64
      %get3A_2959 = arith.constant 1 : i64
      %get3A_2960 = arith.index_cast %get3A_2958 : i64 to index
      %get3A_2961 = arith.index_cast %get3A_2959 : i64 to index
      %get3A_2962 = arith.constant 32 : index
      %get3A_2963 = tpu.vector_load %arg13[%get3A_2960, %get3A_2961, %get3A_2962] {strides = array<i32>} : memref<3x2x128xf32, #tpu.memory_space<vmem>>, vector<1x1x16xf32>,
      %get3A_2964 = vector.shape_cast %get3A_2963 : vector<1x1x16xf32> to vector<16xf32>
      %min3A_2965 = arith.minimumf %min3A_2957, %get3A_2964 : vector<16xf32>
      %swap3A_2966 = arith.constant 160 : index
      %swap3A_2967 = tpu.vector_load %arg14[%swap3A_2966] {strides = array<i32>} : memref<256xf32, #tpu.memory_space<vmem>>, vector<16xf32>,
      %swap3A_2968 = vector.shape_cast %swap3A_2967 : vector<16xf32> to vector<16xf32>
      %swap3A_2969 = vector.shape_cast %min3A_2965 : vector<16xf32> to vector<16xf32>
      tpu.vector_store %arg14[%swap3A_2966], %swap3A_2969 {strides = array<i32>} : memref<256xf32, #tpu.memory_space<vmem>>, vector<16xf32>,
      %get3A_2970 = arith.constant 0 : i64
      %get3A_2971 = arith.constant 1 : i64
      %get3A_2972 = arith.index_cast %get3A_2970 : i64 to index
      %get3A_2973 = arith.index_cast %get3A_2971 : i64 to index
      %get3A_2974 = arith.constant 48 : index
      %get3A_2975 = tpu.vector_load %arg13[%get3A_2972, %get3A_2973, %get3A_2974] {strides = array<i32>} : memref<3x2x128xf32, #tpu.memory_space<vmem>>, vector<1x1x16xf32>,
      %get3A_2976 = vector.shape_cast %get3A_2975 : vector<1x1x16xf32> to vector<16xf32>
      %get3A_2977 = arith.constant 1 : i64
      %get3A_2978 = arith.constant 1 : i64
      %get3A_2979 = arith.index_cast %get3A_2977 : i64 to index
      %get3A_2980 = arith.index_cast %get3A_2978 : i64 to index
      %get3A_2981 = arith.constant 48 : index
      %get3A_2982 = tpu.vector_load %arg13[%get3A_2979, %get3A_2980, %get3A_2981] {strides = array<i32>} : memref<3x2x128xf32, #tpu.memory_space<vmem>>, vector<1x1x16xf32>,
      %get3A_2983 = vector.shape_cast %get3A_2982 : vector<1x1x16xf32> to vector<16xf32>
      %min3A_2984 = arith.minimumf %get3A_2976, %get3A_2983 : vector<16xf32>
      %get3A_2985 = arith.constant 2 : i64
      %get3A_2986 = arith.constant 1 : i64
      %get3A_2987 = arith.index_cast %get3A_2985 : i64 to index
      %get3A_2988 = arith.index_cast %get3A_2986 : i64 to index
      %get3A_2989 = arith.constant 48 : index
      %get3A_2990 = tpu.vector_load %arg13[%get3A_2987, %get3A_2988, %get3A_2989] {strides = array<i32>} : memref<3x2x128xf32, #tpu.memory_space<vmem>>, vector<1x1x16xf32>,
      %get3A_2991 = vector.shape_cast %get3A_2990 : vector<1x1x16xf32> to vector<16xf32>
      %min3A_2992 = arith.minimumf %min3A_2984, %get3A_2991 : vector<16xf32>
      %swap3A_2993 = arith.constant 176 : index
      %swap3A_2994 = tpu.vector_load %arg14[%swap3A_2993] {strides = array<i32>} : memref<256xf32, #tpu.memory_space<vmem>>, vector<16xf32>,
      %swap3A_2995 = vector.shape_cast %swap3A_2994 : vector<16xf32> to vector<16xf32>
      %swap3A_2996 = vector.shape_cast %min3A_2992 : vector<16xf32> to vector<16xf32>
      tpu.vector_store %arg14[%swap3A_2993], %swap3A_2996 {strides = array<i32>} : memref<256xf32, #tpu.memory_space<vmem>>, vector<16xf32>,
      %get3A_2997 = arith.constant 0 : i64
      %get3A_2998 = arith.constant 1 : i64
      %get3A_2999 = arith.index_cast %get3A_2997 : i64 to index
      %get3A_3000 = arith.index_cast %get3A_2998 : i64 to index
      %get3A_3001 = arith.constant 64 : index
      %get3A_3002 = tpu.vector_load %arg13[%get3A_2999, %get3A_3000, %get3A_3001] {strides = array<i32>} : memref<3x2x128xf32, #tpu.memory_space<vmem>>, vector<1x1x16xf32>,
      %get3A_3003 = vector.shape_cast %get3A_3002 : vector<1x1x16xf32> to vector<16xf32>
      %get3A_3004 = arith.constant 1 : i64
      %get3A_3005 = arith.constant 1 : i64
      %get3A_3006 = arith.index_cast %get3A_3004 : i64 to index
      %get3A_3007 = arith.index_cast %get3A_3005 : i64 to index
      %get3A_3008 = arith.constant 64 : index
      %get3A_3009 = tpu.vector_load %arg13[%get3A_3006, %get3A_3007, %get3A_3008] {strides = array<i32>} : memref<3x2x128xf32, #tpu.memory_space<vmem>>, vector<1x1x16xf32>,
      %get3A_3010 = vector.shape_cast %get3A_3009 : vector<1x1x16xf32> to vector<16xf32>
      %min3A_3011 = arith.minimumf %get3A_3003, %get3A_3010 : vector<16xf32>
      %get3A_3012 = arith.constant 2 : i64
      %get3A_3013 = arith.constant 1 : i64
      %get3A_3014 = arith.index_cast %get3A_3012 : i64 to index
      %get3A_3015 = arith.index_cast %get3A_3013 : i64 to index
      %get3A_3016 = arith.constant 64 : index
      %get3A_3017 = tpu.vector_load %arg13[%get3A_3014, %get3A_3015, %get3A_3016] {strides = array<i32>} : memref<3x2x128xf32, #tpu.memory_space<vmem>>, vector<1x1x16xf32>,
      %get3A_3018 = vector.shape_cast %get3A_3017 : vector<1x1x16xf32> to vector<16xf32>
      %min3A_3019 = arith.minimumf %min3A_3011, %get3A_3018 : vector<16xf32>
      %swap3A_3020 = arith.constant 192 : index
      %swap3A_3021 = tpu.vector_load %arg14[%swap3A_3020] {strides = array<i32>} : memref<256xf32, #tpu.memory_space<vmem>>, vector<16xf32>,
      %swap3A_3022 = vector.shape_cast %swap3A_3021 : vector<16xf32> to vector<16xf32>
      %swap3A_3023 = vector.shape_cast %min3A_3019 : vector<16xf32> to vector<16xf32>
      tpu.vector_store %arg14[%swap3A_3020], %swap3A_3023 {strides = array<i32>} : memref<256xf32, #tpu.memory_space<vmem>>, vector<16xf32>,
      %get3A_3024 = arith.constant 0 : i64
      %get3A_3025 = arith.constant 1 : i64
      %get3A_3026 = arith.index_cast %get3A_3024 : i64 to index
      %get3A_3027 = arith.index_cast %get3A_3025 : i64 to index
      %get3A_3028 = arith.constant 80 : index
      %get3A_3029 = tpu.vector_load %arg13[%get3A_3026, %get3A_3027, %get3A_3028] {strides = array<i32>} : memref<3x2x128xf32, #tpu.memory_space<vmem>>, vector<1x1x16xf32>,
      %get3A_3030 = vector.shape_cast %get3A_3029 : vector<1x1x16xf32> to vector<16xf32>
      %get3A_3031 = arith.constant 1 : i64
      %get3A_3032 = arith.constant 1 : i64
      %get3A_3033 = arith.index_cast %get3A_3031 : i64 to index
      %get3A_3034 = arith.index_cast %get3A_3032 : i64 to index
      %get3A_3035 = arith.constant 80 : index
      %get3A_3036 = tpu.vector_load %arg13[%get3A_3033, %get3A_3034, %get3A_3035] {strides = array<i32>} : memref<3x2x128xf32, #tpu.memory_space<vmem>>, vector<1x1x16xf32>,
      %get3A_3037 = vector.shape_cast %get3A_3036 : vector<1x1x16xf32> to vector<16xf32>
      %min3A_3038 = arith.minimumf %get3A_3030, %get3A_3037 : vector<16xf32>
      %get3A_3039 = arith.constant 2 : i64
      %get3A_3040 = arith.constant 1 : i64
      %get3A_3041 = arith.index_cast %get3A_3039 : i64 to index
      %get3A_3042 = arith.index_cast %get3A_3040 : i64 to index
      %get3A_3043 = arith.constant 80 : index
      %get3A_3044 = tpu.vector_load %arg13[%get3A_3041, %get3A_3042, %get3A_3043] {strides = array<i32>} : memref<3x2x128xf32, #tpu.memory_space<vmem>>, vector<1x1x16xf32>,
      %get3A_3045 = vector.shape_cast %get3A_3044 : vector<1x1x16xf32> to vector<16xf32>
      %min3A_3046 = arith.minimumf %min3A_3038, %get3A_3045 : vector<16xf32>
      %swap3A_3047 = arith.constant 208 : index
      %swap3A_3048 = tpu.vector_load %arg14[%swap3A_3047] {strides = array<i32>} : memref<256xf32, #tpu.memory_space<vmem>>, vector<16xf32>,
      %swap3A_3049 = vector.shape_cast %swap3A_3048 : vector<16xf32> to vector<16xf32>
      %swap3A_3050 = vector.shape_cast %min3A_3046 : vector<16xf32> to vector<16xf32>
      tpu.vector_store %arg14[%swap3A_3047], %swap3A_3050 {strides = array<i32>} : memref<256xf32, #tpu.memory_space<vmem>>, vector<16xf32>,
      %get3A_3051 = arith.constant 0 : i64
      %get3A_3052 = arith.constant 1 : i64
      %get3A_3053 = arith.index_cast %get3A_3051 : i64 to index
      %get3A_3054 = arith.index_cast %get3A_3052 : i64 to index
      %get3A_3055 = arith.constant 96 : index
      %get3A_3056 = tpu.vector_load %arg13[%get3A_3053, %get3A_3054, %get3A_3055] {strides = array<i32>} : memref<3x2x128xf32, #tpu.memory_space<vmem>>, vector<1x1x16xf32>,
      %get3A_3057 = vector.shape_cast %get3A_3056 : vector<1x1x16xf32> to vector<16xf32>
      %get3A_3058 = arith.constant 1 : i64
      %get3A_3059 = arith.constant 1 : i64
      %get3A_3060 = arith.index_cast %get3A_3058 : i64 to index
      %get3A_3061 = arith.index_cast %get3A_3059 : i64 to index
      %get3A_3062 = arith.constant 96 : index
      %get3A_3063 = tpu.vector_load %arg13[%get3A_3060, %get3A_3061, %get3A_3062] {strides = array<i32>} : memref<3x2x128xf32, #tpu.memory_space<vmem>>, vector<1x1x16xf32>,
      %get3A_3064 = vector.shape_cast %get3A_3063 : vector<1x1x16xf32> to vector<16xf32>
      %min3A_3065 = arith.minimumf %get3A_3057, %get3A_3064 : vector<16xf32>
      %get3A_3066 = arith.constant 2 : i64
      %get3A_3067 = arith.constant 1 : i64
      %get3A_3068 = arith.index_cast %get3A_3066 : i64 to index
      %get3A_3069 = arith.index_cast %get3A_3067 : i64 to index
      %get3A_3070 = arith.constant 96 : index
      %get3A_3071 = tpu.vector_load %arg13[%get3A_3068, %get3A_3069, %get3A_3070] {strides = array<i32>} : memref<3x2x128xf32, #tpu.memory_space<vmem>>, vector<1x1x16xf32>,
      %get3A_3072 = vector.shape_cast %get3A_3071 : vector<1x1x16xf32> to vector<16xf32>
      %min3A_3073 = arith.minimumf %min3A_3065, %get3A_3072 : vector<16xf32>
      %swap3A_3074 = arith.constant 224 : index
      %swap3A_3075 = tpu.vector_load %arg14[%swap3A_3074] {strides = array<i32>} : memref<256xf32, #tpu.memory_space<vmem>>, vector<16xf32>,
      %swap3A_3076 = vector.shape_cast %swap3A_3075 : vector<16xf32> to vector<16xf32>
      %swap3A_3077 = vector.shape_cast %min3A_3073 : vector<16xf32> to vector<16xf32>
      tpu.vector_store %arg14[%swap3A_3074], %swap3A_3077 {strides = array<i32>} : memref<256xf32, #tpu.memory_space<vmem>>, vector<16xf32>,
      %get3A_3078 = arith.constant 0 : i64
      %get3A_3079 = arith.constant 1 : i64
      %get3A_3080 = arith.index_cast %get3A_3078 : i64 to index
      %get3A_3081 = arith.index_cast %get3A_3079 : i64 to index
      %get3A_3082 = arith.constant 112 : index
      %get3A_3083 = tpu.vector_load %arg13[%get3A_3080, %get3A_3081, %get3A_3082] {strides = array<i32>} : memref<3x2x128xf32, #tpu.memory_space<vmem>>, vector<1x1x16xf32>,
      %get3A_3084 = vector.shape_cast %get3A_3083 : vector<1x1x16xf32> to vector<16xf32>
      %get3A_3085 = arith.constant 1 : i64
      %get3A_3086 = arith.constant 1 : i64
      %get3A_3087 = arith.index_cast %get3A_3085 : i64 to index
      %get3A_3088 = arith.index_cast %get3A_3086 : i64 to index
      %get3A_3089 = arith.constant 112 : index
      %get3A_3090 = tpu.vector_load %arg13[%get3A_3087, %get3A_3088, %get3A_3089] {strides = array<i32>} : memref<3x2x128xf32, #tpu.memory_space<vmem>>, vector<1x1x16xf32>,
      %get3A_3091 = vector.shape_cast %get3A_3090 : vector<1x1x16xf32> to vector<16xf32>
      %min3A_3092 = arith.minimumf %get3A_3084, %get3A_3091 : vector<16xf32>
      %get3A_3093 = arith.constant 2 : i64
      %get3A_3094 = arith.constant 1 : i64
      %get3A_3095 = arith.index_cast %get3A_3093 : i64 to index
      %get3A_3096 = arith.index_cast %get3A_3094 : i64 to index
      %get3A_3097 = arith.constant 112 : index
      %get3A_3098 = tpu.vector_load %arg13[%get3A_3095, %get3A_3096, %get3A_3097] {strides = array<i32>} : memref<3x2x128xf32, #tpu.memory_space<vmem>>, vector<1x1x16xf32>,
      %get3A_3099 = vector.shape_cast %get3A_3098 : vector<1x1x16xf32> to vector<16xf32>
      %min3A_3100 = arith.minimumf %min3A_3092, %get3A_3099 : vector<16xf32>
      %swap3A_3101 = arith.constant 240 : index
      %swap3A_3102 = tpu.vector_load %arg14[%swap3A_3101] {strides = array<i32>} : memref<256xf32, #tpu.memory_space<vmem>>, vector<16xf32>,
      %swap3A_3103 = vector.shape_cast %swap3A_3102 : vector<16xf32> to vector<16xf32>
      %swap3A_3104 = vector.shape_cast %min3A_3100 : vector<16xf32> to vector<16xf32>
      tpu.vector_store %arg14[%swap3A_3101], %swap3A_3104 {strides = array<i32>} : memref<256xf32, #tpu.memory_space<vmem>>, vector<16xf32>,
      "tpu.region"() ({
        %run_scoped3A_3105 = tpu.sem_alloc : memref<!tpu.dma_semaphore, #tpu.memory_space<semaphore_mem>>
        %dma_start3A = tpu.memref_slice %arg7[%mul3A_2] : memref<4096xf32, #tpu.memory_space<hbm>> -> memref<256xf32, #tpu.memory_space<hbm>>
        %dma_start3A_3106 = tpu.memref_slice %arg7[%mul3A_2] : memref<4096xf32, #tpu.memory_space<hbm>> -> memref<256xf32, #tpu.memory_space<hbm>>
        tpu.enqueue_dma source(%arg14 : memref<256xf32, #tpu.memory_space<vmem>>) target(%dma_start3A_3106 : memref<256xf32, #tpu.memory_space<hbm>>) target_semaphore(%run_scoped3A_3105 : memref<!tpu.dma_semaphore, #tpu.memory_space<semaphore_mem>>)
        %dma_wait3A = tpu.memref_slice %arg7[%mul3A_2] : memref<4096xf32, #tpu.memory_space<hbm>> -> memref<256xf32, #tpu.memory_space<hbm>>
        %dma_wait3A_3107 = tpu.memref_slice %arg7[%mul3A_2] : memref<4096xf32, #tpu.memory_space<hbm>> -> memref<256xf32, #tpu.memory_space<hbm>>
        tpu.wait_dma2 semaphore(%run_scoped3A_3105 : memref<!tpu.dma_semaphore, #tpu.memory_space<semaphore_mem>>) src(%arg14 : memref<256xf32, #tpu.memory_space<vmem>>) dst(%dma_wait3A_3107 : memref<256xf32, #tpu.memory_space<hbm>>)
        tpu.yield
      }) : () -> ()
    } else {
    }
    return
  }
}

module attributes {stable_mosaic.version = 14 : i64} {
  func.func @body(%arg0: i32, %arg1: memref<128x32000xf32, #tpu.memory_space<vmem>>, %arg2: memref<128x1xi32, #tpu.memory_space<vmem>>, %arg3: memref<128x1xf32, #tpu.memory_space<vmem>>, %arg4: memref<128x1xf32, #tpu.memory_space<vmem>>, %arg5: memref<128x1xf32, #tpu.memory_space<vmem>>) attributes {dimension_semantics = [#tpu.dimension_semantics<arbitrary>], iteration_bounds = array<i64: 32>, scalar_prefetch = 0 : i64, scratch_operands = 0 : i64, tpu.core_type = #tpu.core_type<tc>, window_params = [{transform_indices = @transform_0, window_bounds = array<i64: 128, 32000>}, {transform_indices = @transform_1, window_bounds = array<i64: 128, 1>}, {transform_indices = @transform_2, window_bounds = array<i64: 128, 1>}, {transform_indices = @transform_3, window_bounds = array<i64: 128, 1>}, {transform_indices = @transform_4, window_bounds = array<i64: 128, 1>}]} {
    %get3A = arith.constant 0 : index
    %get3A_0 = arith.constant 0 : index
    %get3A_1 = vector.load %arg1[%get3A, %get3A_0] : memref<128x32000xf32, #tpu.memory_space<vmem>>, vector<128x32000xf32>
    %get3A_2 = arith.constant 0 : index
    %get3A_3 = arith.constant 0 : index
    %get3A_4 = vector.load %arg2[%get3A_2, %get3A_3] : memref<128x1xi32, #tpu.memory_space<vmem>>, vector<128x1xi32>
    %iota3A = tpu.iota {dimensions = array<i32: 1>} : vector<128x32000xi32>
    %reduce_sum3A = arith.constant dense<0.000000e+00> : vector<128xf32>
    %reduce_sum3A_5 = vector.multi_reduction <add>, %get3A_1, %reduce_sum3A [1] : vector<128x32000xf32> to vector<128xf32>
    %broadcast_in_dim3A = vector.shape_cast %reduce_sum3A_5 : vector<128xf32> to vector<128x1xf32>
    %swap3A = arith.constant 0 : index
    %swap3A_6 = arith.constant 0 : index
    %swap3A_7 = vector.load %arg3[%swap3A, %swap3A_6] : memref<128x1xf32, #tpu.memory_space<vmem>>, vector<128x1xf32>
    tpu.vector_store %arg3[%swap3A, %swap3A_6], %broadcast_in_dim3A {strides = array<i32>} : memref<128x1xf32, #tpu.memory_space<vmem>>, vector<128x1xf32>,
    %eq3A = vector.broadcast %get3A_4 : vector<128x1xi32> to vector<128x32000xi32>
    %eq3A_8 = arith.cmpi eq, %iota3A, %eq3A : vector<128x32000xi32>
    %jit3A = arith.constant 0.000000e+00 : f64
    %convert_element_type3A = arith.truncf %jit3A : f64 to f32
    %broadcast_in_dim3A_9 = vector.broadcast %convert_element_type3A : f32 to vector<128x32000xf32>
    %select_n3A = arith.select %eq3A_8, %get3A_1, %broadcast_in_dim3A_9 : vector<128x32000xi1>, vector<128x32000xf32>
    %broadcast_in_dim3A_10 = arith.constant 1.000000e+00 : f32
    %broadcast_in_dim3A_11 = vector.broadcast %broadcast_in_dim3A_10 : f32 to vector<32000x1xf32>
    %dot_general3A = arith.constant dense<0.000000e+00> : vector<128x1xf32>
    %dot_general3A_12 = tpu.matmul %select_n3A, %broadcast_in_dim3A_11, %dot_general3A {dimension_numbers = #tpu.dot_dimension_numbers<[1], [0], [0], [1], [0, 0, 1, 1], [], []>, transpose_lhs_hint = false} : vector<128x32000xf32>, vector<32000x1xf32>, vector<128x1xf32> -> vector<128x1xf32>
    %swap3A_13 = arith.constant 0 : index
    %swap3A_14 = arith.constant 0 : index
    %swap3A_15 = vector.load %arg4[%swap3A_13, %swap3A_14] : memref<128x1xf32, #tpu.memory_space<vmem>>, vector<128x1xf32>
    tpu.vector_store %arg4[%swap3A_13, %swap3A_14], %dot_general3A_12 {strides = array<i32>} : memref<128x1xf32, #tpu.memory_space<vmem>>, vector<128x1xf32>,
    %slice3A = vector.extract_strided_slice %get3A_1 {offsets = [0, 0], sizes = [128, 1], strides = [1, 1]} : vector<128x32000xf32> to vector<128x1xf32>
    %swap3A_16 = arith.constant 0 : index
    %swap3A_17 = arith.constant 0 : index
    %swap3A_18 = vector.load %arg5[%swap3A_16, %swap3A_17] : memref<128x1xf32, #tpu.memory_space<vmem>>, vector<128x1xf32>
    tpu.vector_store %arg5[%swap3A_16, %swap3A_17], %slice3A {strides = array<i32>} : memref<128x1xf32, #tpu.memory_space<vmem>>, vector<128x1xf32>,
    return
  }
  func.func @transform_0(%arg0: i32) -> (i32, i32) {
    %c0_i32 = arith.constant 0 : i32
    %c0_i32_0 = arith.constant 0 : i32
    return %arg0, %c0_i32 : i32, i32
  }
  func.func @transform_1(%arg0: i32) -> (i32, i32) {
    %c0_i32 = arith.constant 0 : i32
    %c0_i32_0 = arith.constant 0 : i32
    return %arg0, %c0_i32 : i32, i32
  }
  func.func @transform_2(%arg0: i32) -> (i32, i32) {
    %c0_i32 = arith.constant 0 : i32
    %c0_i32_0 = arith.constant 0 : i32
    return %arg0, %c0_i32 : i32, i32
  }
  func.func @transform_3(%arg0: i32) -> (i32, i32) {
    %c0_i32 = arith.constant 0 : i32
    %c0_i32_0 = arith.constant 0 : i32
    return %arg0, %c0_i32 : i32, i32
  }
  func.func @transform_4(%arg0: i32) -> (i32, i32) {
    %c0_i32 = arith.constant 0 : i32
    %c0_i32_0 = arith.constant 0 : i32
    return %arg0, %c0_i32 : i32, i32
  }
}

module attributes {stable_mosaic.version = 14 : i64} {
  func.func @body(%arg0: memref<32x128xf32, #tpu.memory_space<vmem>>, %arg1: memref<32x128xf32, #tpu.memory_space<vmem>>, %arg2: memref<32x128xf32, #tpu.memory_space<vmem>>, %arg3: memref<32x128xi32, #tpu.memory_space<vmem>>, %arg4: memref<32x128xf32, #tpu.memory_space<vmem>>, %arg5: memref<1x1xf32, #tpu.memory_space<vmem>>) attributes {dimension_semantics = [], scalar_prefetch = 0 : i64, scratch_operands = 0 : i64, tpu.core_type = #tpu.core_type<tc>} {
    %get3A = arith.constant 0 : index
    %get3A_0 = arith.constant 0 : index
    %get3A_1 = vector.load %arg0[%get3A, %get3A_0] : memref<32x128xf32, #tpu.memory_space<vmem>>, vector<32x128xf32>
    %get3A_2 = arith.constant 0 : index
    %get3A_3 = arith.constant 0 : index
    %get3A_4 = vector.load %arg1[%get3A_2, %get3A_3] : memref<32x128xf32, #tpu.memory_space<vmem>>, vector<32x128xf32>
    %get3A_5 = arith.constant 0 : index
    %get3A_6 = arith.constant 0 : index
    %get3A_7 = vector.load %arg2[%get3A_5, %get3A_6] : memref<32x128xf32, #tpu.memory_space<vmem>>, vector<32x128xf32>
    %get3A_8 = arith.constant 0 : index
    %get3A_9 = arith.constant 0 : index
    %get3A_10 = vector.load %arg3[%get3A_8, %get3A_9] : memref<32x128xi32, #tpu.memory_space<vmem>>, vector<32x128xi32>
    %add3A = arith.constant 9.99999997E-7 : f32
    %add3A_11 = vector.broadcast %add3A : f32 to vector<32x128xf32>
    %add3A_12 = arith.addf %get3A_1, %add3A_11 : vector<32x128xf32>
    %div3A = arith.constant 1.000000e+00 : f32
    %div3A_13 = vector.broadcast %div3A : f32 to vector<32x128xf32>
    %div3A_14 = arith.divf %div3A_13, %add3A_12 : vector<32x128xf32>
    %min3A = arith.constant 1.000000e+00 : f32
    %min3A_15 = vector.broadcast %min3A : f32 to vector<32x128xf32>
    %min3A_16 = arith.minimumf %div3A_14, %min3A_15 : vector<32x128xf32>
    %mul3A = arith.mulf %get3A_1, %min3A_16 : vector<32x128xf32>
    %sub3A = arith.constant 1.000000e+00 : f32
    %sub3A_17 = vector.broadcast %sub3A : f32 to vector<32x128xf32>
    %sub3A_18 = arith.subf %sub3A_17, %mul3A : vector<32x128xf32>
    %max3A = arith.constant 0.000000e+00 : f32
    %max3A_19 = vector.broadcast %max3A : f32 to vector<32x128xf32>
    %max3A_20 = arith.maximumf %sub3A_18, %max3A_19 : vector<32x128xf32>
    %mul3A_21 = arith.mulf %get3A_4, %min3A_16 : vector<32x128xf32>
    %eq3A = arith.constant 0 : i32
    %eq3A_22 = vector.broadcast %eq3A : i32 to vector<32x128xi32>
    %eq3A_23 = arith.cmpi eq, %get3A_10, %eq3A_22 : vector<32x128xi32>
    %jit3A = arith.constant 0.000000e+00 : f64
    %convert_element_type3A = arith.truncf %jit3A : f64 to f32
    %broadcast_in_dim3A = vector.broadcast %convert_element_type3A : f32 to vector<32x128xf32>
    %select_n3A = arith.select %eq3A_23, %max3A_20, %broadcast_in_dim3A : vector<32x128xi1>, vector<32x128xf32>
    %add3A_24 = arith.addf %mul3A_21, %select_n3A : vector<32x128xf32>
    %mul3A_25 = arith.mulf %get3A_7, %min3A_16 : vector<32x128xf32>
    %add3A_26 = arith.addf %mul3A_25, %max3A_20 : vector<32x128xf32>
    %max3A_27 = arith.constant 1.000000e-10 : f32
    %max3A_28 = vector.broadcast %max3A_27 : f32 to vector<32x128xf32>
    %max3A_29 = arith.maximumf %add3A_24, %max3A_28 : vector<32x128xf32>
    %log3A = math.log %max3A_29 : vector<32x128xf32>
    %sub3A_30 = arith.subf %add3A_26, %add3A_24 : vector<32x128xf32>
    %add3A_31 = arith.constant 1.000000e-01 : f32
    %add3A_32 = vector.broadcast %add3A_31 : f32 to vector<32x128xf32>
    %add3A_33 = arith.addf %sub3A_30, %add3A_32 : vector<32x128xf32>
    %max3A_34 = arith.constant 0.000000e+00 : f32
    %max3A_35 = vector.broadcast %max3A_34 : f32 to vector<32x128xf32>
    %max3A_36 = arith.maximumf %add3A_33, %max3A_35 : vector<32x128xf32>
    %get3A_37 = arith.constant 0 : index
    %get3A_38 = arith.constant 0 : index
    %get3A_39 = vector.load %arg4[%get3A_37, %get3A_38] : memref<32x128xf32, #tpu.memory_space<vmem>>, vector<32x128xf32>
    %mul3A_40 = arith.constant 1.000000e-01 : f32
    %mul3A_41 = vector.broadcast %mul3A_40 : f32 to vector<32x128xf32>
    %mul3A_42 = arith.mulf %get3A_39, %mul3A_41 : vector<32x128xf32>
    %tanh3A = math.tanh %mul3A_42 : vector<32x128xf32>
    %mul3A_43 = arith.mulf %max3A_36, %tanh3A : vector<32x128xf32>
    %reduce_sum3A = vector.shape_cast %mul3A_43 : vector<32x128xf32> to vector<1x32x128xf32>
    %reduce_sum3A_44 = arith.constant dense<0.000000e+00> : vector<1xf32>
    %reduce_sum3A_45 = vector.multi_reduction <add>, %reduce_sum3A, %reduce_sum3A_44 [1, 2] : vector<1x32x128xf32> to vector<1xf32>
    %reduce_sum3A_46 = vector.shape_cast %reduce_sum3A_45 : vector<1xf32> to vector<1x1x1xf32>
    %reduce_sum3A_47 = vector.extract %reduce_sum3A_46[0, 0, 0] : f32 from vector<1x1x1xf32>
    %mul3A_48 = arith.constant 5.000000e-01 : f32
    %mul3A_49 = arith.mulf %mul3A_48, %reduce_sum3A_47 : f32
    %reduce_sum3A_50 = vector.shape_cast %log3A : vector<32x128xf32> to vector<1x32x128xf32>
    %reduce_sum3A_51 = arith.constant dense<0.000000e+00> : vector<1xf32>
    %reduce_sum3A_52 = vector.multi_reduction <add>, %reduce_sum3A_50, %reduce_sum3A_51 [1, 2] : vector<1x32x128xf32> to vector<1xf32>
    %reduce_sum3A_53 = vector.shape_cast %reduce_sum3A_52 : vector<1xf32> to vector<1x1x1xf32>
    %reduce_sum3A_54 = vector.extract %reduce_sum3A_53[0, 0, 0] : f32 from vector<1x1x1xf32>
    %mul3A_55 = arith.constant 1.000000e+00 : f32
    %mul3A_56 = arith.mulf %mul3A_55, %reduce_sum3A_54 : f32
    %sub3A_57 = arith.subf %mul3A_49, %mul3A_56 : f32
    %mul3A_58 = arith.constant 2.44140625E-4 : f32
    %mul3A_59 = arith.mulf %sub3A_57, %mul3A_58 : f32
    %broadcast_in_dim3A_60 = vector.broadcast %mul3A_59 : f32 to vector<1x1xf32>
    %swap3A = arith.constant 0 : index
    %swap3A_61 = arith.constant 0 : index
    %swap3A_62 = vector.load %arg5[%swap3A, %swap3A_61] : memref<1x1xf32, #tpu.memory_space<vmem>>, vector<1x1xf32>
    tpu.vector_store %arg5[%swap3A, %swap3A_61], %broadcast_in_dim3A_60 {strides = array<i32>} : memref<1x1xf32, #tpu.memory_space<vmem>>, vector<1x1xf32>,
    return
  }
}

</mosaic_0001>

<sc_bundles>
// kernel: kernel.5.cloned.1.call-start
scs
__scs_entry_jumppad:
0x0: {  	(pc) =	sbr.rel $0x88, $3  }
0x1: {  	(tag) =	ssettag $0x0;
	lr =	simm.s32 $0x1  }
0x2: {  	[smem:$0x3F9D] =	sst lr;
	_ =	strace $0xD0000000  }
0x3: {  	_ = 	snop  }
0x4: {  	_ = 	snop  }
0x5: {  	_ = 	snop  }
0x6: {  	_ = 	snop  }
0x7: {  	_ = 	snop  }
__scs_overlays_trampoline_lowered:
0x8: {  	[smem:$0x3FAC] =	sst s0  }
0x9: {  	[smem:$0x3FAD] =	sst s1  }
0xa: {  	[smem:$0x3FAE] =	sst s2  }
0xb: {  	[smem:$0x3FAF] =	sst s3  }
0xc: {  	[smem:$0x3FB0] =	sst s4  }
0xd: {  	[smem:$0x3FB1] =	sst s5  }
0xe: {  	[smem:$0x3FB2] =	sst s6  }
0xf: {  	[smem:$0x3FB3] =	sst s7  }
0x10: {  	[smem:$0x3FB4] =	sst s8  }
0x11: {  	[smem:$0x3FB5] =	sst s9;
	s0 =	simm.s32 @!p0 $0x0  }
0x12: {  	s1 =	sld [smem:$0x3F9B];
	s0 =	simm.s32 @p0 $0x1  }
0x13: {  	[smem:$0x3FB6] =	sst s0;
	s0 =	simm.s32 @!p1 $0x0  }
0x14: {  	s2 =	sld [smem:$0x3F9A];
	s0 =	simm.s32 @p1 $0x1  }
0x15: {  	[smem:$0x3FB7] =	sst s0;
	s0 =	simm.s32 @!p2 $0x0  }
0x16: {  	s3 =	sld [smem:$0x3FDB];
	s0 =	simm.s32 @p2 $0x1  }
0x17: {  	s4 =	simm.s32 $0x1BF5;
	[smem:$0x3FB9] =	sst s0  }
0x18: {  	s0 =	sld [smem:$0x3F9C];
	_ =	swait.ge [sflag:s4], $0x0  }
0x19: {  	s7 =	sld [smem:$0x3F9D]  }
0x1a: {  	s8 =	sadd.s32 $0xFFFFE003, lr  }
0x1b: {  	s9 =	sadd.s32 $0xFFFFFEF7, lr;
	s5 =	simm.s32 $0xFFFFFFFF;
	p2 =	slt.u32 s8, $0xFFFFF086  }
0x1c: {  	p1 =	slt.u32 s9, $0xF7A;
	s5 =	simm.s32 @!p2 $0x0  }
0x1d: {  	s5 =	simm.s32 @p1 $0x1;
	p0 =	seq.s32 s7, s2  }
0x1e: {  	s7 =	smul.u32 @!p0 $0xF7A, s2;
	p2 =	seq.s32 @!p0 s5, $0x0  }
0x1f: {  	s9 =	smul.u32 $0xF7A, s1;
	s8 =	simm.s32 @!p0 $0x1BF5;
	p2 =	por !p2, p0  }
0x20: {  	[sflag:s8] =	ssyncset.s32 @!p0 $0xFFFFF086;
	s6 =	sadd.s32 @!p0 s3, s7;
	s7 =	simm.s32 @!p0 $0x108  }
0x21: {  	s3 =	sadd.s32 s3, s9;
	s6 =	sadd.s32 @!p0 $0x88, s6;
	s7 =	simm.s32 @p2 $0x1082  }
0x22: {  	[simem:s7], [sflag:s8] =	dma.local @!p0 [hbm:s6], $0xF7A  }
0x23: {  	s9 =	sor.u32 $0xD0000000, s2;
	s6 =	simm.s32 $0x108;
	_ =	swait.ge @!p0 [sflag:s8], $0x0  }
0x24: {  	s3 =	sadd.s32 $0x88, s3;
	s6 =	simm.s32 @!p1 $0x1082;
	[sflag:s4] =	ssyncset.s32 $0xFFFFF086  }
0x25: {  	[simem:s6], [sflag:s4] =	dma.local [hbm:s3], $0xF7A  }
0x26: {  	[smem:$0x3F9D] =	sst s1;
	(tag) =	ssettag s2;
	_ =	strace s9  }
0x27: {  	s1 =	sld [smem:$0x3FAD]  }
0x28: {  	s2 =	sld [smem:$0x3FAE]  }
0x29: {  	s4 =	sld [smem:$0x3FB0]  }
0x2a: {  	p0 =	seq.s32 s5, $0x0;
	s5 =	sld [smem:$0x3FB1]  }
0x2b: {  	s6 =	sld [smem:$0x3FB2]  }
0x2c: {  	s7 =	sld [smem:$0x3FB3]  }
0x2d: {  	s3 =	simm.s32 $0x108;
	s8 =	sld [smem:$0x3FB4]  }
0x2e: {  	s3 =	simm.s32 @!p0 $0x1082;
	s9 =	sld [smem:$0x3FB5]  }
0x2f: {  	lr =	sadd.s32 s0, s3;
	s0 =	sld [smem:$0x3FAC]  }
0x30: {  	s3 =	sld [smem:$0x3FAF]  }
0x31: {  	[smem:$0x3FB8] =	sst s10  }
0x32: {  	s10 =	sld [smem:$0x3FB6];
	_ =	sdelay $0x3  }
0x33: {  	p0 =	seq.s32 s10, $0x1;
	s10 =	sld [smem:$0x3FB8];
	_ =	sdelay $0x3  }
0x34: {  	[smem:$0x3FB8] =	sst s10  }
0x35: {  	s10 =	sld [smem:$0x3FB7];
	_ =	sdelay $0x3  }
0x36: {  	p1 =	seq.s32 s10, $0x1;
	s10 =	sld [smem:$0x3FB8];
	_ =	sdelay $0x3  }
0x37: {  	[smem:$0x3FB8] =	sst s10  }
0x38: {  	s10 =	sld [smem:$0x3FB9]  }
0x39: {  	_ = 	snop;
	(pc) =	sbr.ind lr, $3  }
0x3a: {  	_ = 	snop  }
0x3b: {  	_ = 	snop  }
0x3c: {  	p2 =	seq.s32 s10, $0x1;
	s10 =	sld [smem:$0x3FB8]  }
0x3d: {  	_ =	shalt  }
0x3e: {  	_ =	shalt  }
0x3f: {  	_ =	shalt  }
0x40: {  	_ =	shalt  }
0x41: {  	_ =	shalt  }
0x42: {  	_ =	shalt  }
0x43: {  	_ =	shalt  }
0x44: {  	_ =	shalt  }
0x45: {  	_ =	shalt  }
0x46: {  	_ =	shalt  }
0x47: {  	_ =	shalt  }
0x48: {  	_ =	shalt  }
0x49: {  	_ =	shalt  }
0x4a: {  	_ =	shalt  }
0x4b: {  	_ =	shalt  }
0x4c: {  	_ =	shalt  }
0x4d: {  	_ =	shalt  }
0x4e: {  	_ =	shalt  }
0x4f: {  	_ =	shalt  }
0x50: {  	_ =	shalt  }
0x51: {  	_ =	shalt  }
0x52: {  	_ =	shalt  }
0x53: {  	_ =	shalt  }
0x54: {  	_ =	shalt  }
0x55: {  	_ =	shalt  }
0x56: {  	_ =	shalt  }
0x57: {  	_ =	shalt  }
0x58: {  	_ =	shalt  }
0x59: {  	_ =	shalt  }
0x5a: {  	_ =	shalt  }
0x5b: {  	_ =	shalt  }
0x5c: {  	_ =	shalt  }
0x5d: {  	_ =	shalt  }
0x5e: {  	_ =	shalt  }
0x5f: {  	_ =	shalt  }
0x60: {  	_ =	shalt  }
0x61: {  	_ =	shalt  }
0x62: {  	_ =	shalt  }
0x63: {  	_ =	shalt  }
0x64: {  	_ =	shalt  }
0x65: {  	_ =	shalt  }
0x66: {  	_ =	shalt  }
0x67: {  	_ =	shalt  }
0x68: {  	_ =	shalt  }
0x69: {  	_ =	shalt  }
0x6a: {  	_ =	shalt  }
0x6b: {  	_ =	shalt  }
0x6c: {  	_ =	shalt  }
0x6d: {  	_ =	shalt  }
0x6e: {  	_ =	shalt  }
0x6f: {  	_ =	shalt  }
0x70: {  	_ =	shalt  }
0x71: {  	_ =	shalt  }
0x72: {  	_ =	shalt  }
0x73: {  	_ =	shalt  }
0x74: {  	_ =	shalt  }
0x75: {  	_ =	shalt  }
0x76: {  	_ =	shalt  }
0x77: {  	_ =	shalt  }
0x78: {  	_ =	shalt  }
0x79: {  	_ =	shalt  }
0x7a: {  	_ =	shalt  }
0x7b: {  	_ =	shalt  }
0x7c: {  	_ =	shalt  }
0x7d: {  	_ =	shalt  }
0x7e: {  	_ =	shalt  }
0x7f: {  	_ =	shalt  }
0x80: {  	_ =	shalt  }
0x81: {  	_ =	shalt  }
0x82: {  	_ =	shalt  }
0x83: {  	_ =	shalt  }
0x84: {  	_ =	shalt  }
0x85: {  	_ =	shalt  }
0x86: {  	_ =	shalt  }
0x87: {  	_ =	shalt  }
.Lfunc_end0:
.L_simem_size_0:
called_computation_lowered:
.L_overlay_start_0:
0x88: {  	s2 =	sld [smem:$0x3FD9]  }
0x89: {  	s3 =	sld [smem:$0x3FFE];
	_ =	sdelay $0x1  }
0x8a: {  	s1 =	srdreg.scid  }
0x8b: {  	s0 =	sand.u32 $0x1, s1  }
0x8c: {  	s17 =	sshll.u32 s0, $0xA;
	s2 =	sadd.s32 s3, s2  }
0x8d: {  	s2 =	sadd.s32 s2, s17  }
0x8e: {  	[smem:$0x3FC4] =	sst s2  }
0x8f: {  	_ = 	snop  }
0x90: {  	s2 =	sld [smem:$0x3FD0];
	(tm) =	ssettm $0x1  }
0x91: {  	s18 =	sld [smem:$0x3FFB];
	_ =	sdelay $0x3  }
0x92: {  	_ =	strace s18  }
0x93: {  	s3 =	sld [smem:$0x3FFC];
	_ =	sdelay $0x3  }
0x94: {  	_ =	strace s3  }
0x95: {  	s3 =	sld [smem:$0x3FFD];
	_ =	sdelay $0x3  }
0x96: {  	_ =	strace s3  }
0x97: {  	_ =	strace $0x8FFFFFFF  }
0x98: {  	s19 =	sld [smem:$0x3FDB];
	_ =	sdelay $0x1  }
0x99: {  	s4 =	simm.s32 $_scs_section_size  }
0x9a: {  	s5 =	simm.s32 $_size__tile_overlayer_lowered;
	s6 =	simm.s32 $_tile_overlayer_lowered  }
0x9b: {  	s22 =	simm.s32 $0x1BFF;
	s21 =	sshll.u32 s6, $0x1;
	s3 =	sadd.s32 s4, s19  }
0x9c: {  	s7 =	simm.s32 $0x0;
	s20 =	sshll.u32 s5, $0x1;
	s5 =	sadd.s32 s21, s3  }
0x9d: {  	[timem:s7], [sflag:s22] =	dma.local [hbm:s5], s20  }
0x9e: {  	_ =	swait.ge [sflag:s22], s20  }
0x9f: {  	s4 =	ssub.s32 $0x0, s20;
	[sflag:s22] =	ssyncset.done $0x0  }
0xa0: {  	[sflag:s22] =	ssyncadd.s32 s4;
	_ =	sdelay $0x1  }
0xa1: {  	s23 =	simm.s32 $0x1B8B  }
0xa2: {  	_ =	swait.ge [sflag:s23], $0x1  }
0xa3: {  	[sflag:s23] =	ssyncset.done $0x0  }
0xa4: {  	s25 =	simm.s32 $0x1B8E;
	s24 =	sld [smem:$0x3FFE];
	[sflag:s23] =	ssyncadd.s32 $0xFFFFFFFF  }
0xa5: {  	s26 =	simm.s32 $execute0_lowered;
	[smem:$0x3FD2] =	sst s25  }
0xa6: {  	s5 =	sshll.u32 s26, $0x1;
	_ =	strace $0x80000046;
	[dreg:$0x1] =	wrdreg $0xFFFFFFFF  }
0xa7: {  	s28 =	simm.s32 $_size_execute0_lowered;
	s3 =	sadd.s32 s3, s5;
	[dreg:$0x0] =	wrdreg $0x0  }
0xa8: {  	s5 =	sshll.u32 s28, $0x1;
	[dreg:$0x2] =	wrdreg s3  }
0xa9: {  	[dreg:$0x3] =	wrdreg s5  }
0xaa: {  	[dreg:$0x4] =	wrdreg $0xC0  }
0xab: {  	_ =	task [dreg:s7], $0x5FFFF  }
0xac: {  	[dreg:$0x1] =	wrdreg $0xFFFFFFFF  }
0xad: {  	[dreg:$0x0] =	wrdreg $0x60  }
0xae: {  	[dreg:$0x2] =	wrdreg s24  }
0xaf: {  	[dreg:$0x3] =	wrdreg s2  }
0xb0: {  	[dreg:$0x4] =	wrdreg $0x3A800  }
0xb1: {  	[dreg:$0x5] =	wrdreg $0x9  }
0xb2: {  	_ =	task.clear_ibuf [dreg:s7], $0x6FFFF;
	_ =	strace $0x90000046  }
0xb3: {  	s29 =	simm.s32 $0x9;
	_ =	strace $0x80000048  }
0xb4: {  	_ =	swait.ge [sflag:s29], $0x1  }
0xb5: {  	[sflag:s29] =	ssyncadd.s32 $0xFFFFFFFF  }
0xb6: {  	_ =	strace $0x90000048  }
0xb7: {  	_ =	sfence  }
0xb8: {  	s30 =	sld [smem:$0x0];
	_ =	sdelay $0x2  }
0xb9: {  	s31 =	sshll.u32 s1, $0xD;
	s1 =	sshrl.u32 s1, $0x2  }
0xba: {  	s3 =	sand.u32 $0x4000, s31;
	s1 =	sadd.s32 s1, s30  }
0xbb: {  	s0 =	sor.u32 s3, s0;
	s1 =	sshll.u32 s1, $0x11  }
0xbc: {  	s0 =	sor.u32 s1, s0  }
0xbd: {  	s0 =	sadd.s32 $0x8F2B, s0  }
0xbe: {  	[sflag:s0] =	ssyncadd.remote.s32 $0x1  }
0xbf: {  	_ =	sfence.sel $0xFFFF  }
0xc0: {  	[dreg:$0x0] =	wrdreg $0xFFFFFFFF;
	(pc) =	sbr.abs _section_cstart, $3  }
0xc1: {  	[dreg:$0x1] =	wrdreg $0xFFFFFFFF  }
0xc2: {  	_ =	task.clear_ibuf [dreg:s7], $0x2FFFF;
	_ =	strace $0x9FFFFFFF  }
0xc3: {  	(tm) =	ssettm $0x7FFFFFFF  }
tec
execute0_lowered:
.L_overlay_start_1:
0x0: {  	(tag) =	ssettag $0x1  }
0x1: {  	s1 =	srdreg.scid  }
0x2: {  	s1 =	sand.u32 $0x1, s1  }
0x3: {  	p0 =	seq.s32 s1, $0x1  }
.Ltmp0:
0x4: {  	s3 =	rddreg [dreg:$0x0];
	(pc) =	sbr.rel @p0 .LBB2_2-.Ltmp0, $4  }
0x5: {  	s8 =	rddreg [dreg:$0x1]  }
0x6: {  	s6 =	rddreg [dreg:$0x2];
	s2 =	simm.s32 $0x0  }
0x7: {  	[smem:$0x7FF] =	sst s2  }
0x8: {  	s0 =	rddreg [dreg:$0x3];
	_ =	strace $0x80000047;
	s1 =	stileid.u32  }
0x9: {  	s4 =	sadd.s32 $0x400, s3  }
0xa: {  	[tilespmem:s2], [sflag:$0x1] =	stream.linear.gather [hbm4b:s4+s2], $0x180, $0x38;
	[tilespmem:$0x6960] =	vst v63  }
0xb: {  	s4 =	simm.s32 $0x1  }
0xc: {  	_ =	swait.ge [sflag:s4], $0x180  }
0xd: {  	s5 =	sshll.u32 s1, $0x5;
	[sflag:s4] =	ssyncset.done $0x0  }
0xe: {  	s9 =	simm.s32 $0x200;
	s7 =	sadd.s32 s3, s5;
	[sflag:s4] =	ssyncadd.s32 $0xFFFFFE80  }
0xf: {  	[tilespmem:s9], [sflag:$0x1] =	stream.linear.gather [hbm4b:s7+s2], $0x100, $0x38;
	[tilespmem:$0x6960] =	vst v63  }
0x10: {  	_ =	swait.ge [sflag:s4], $0x100  }
0x11: {  	s14 =	sadd.s32 $0x200, s3;
	[sflag:s4] =	ssyncset.done $0x0  }
0x12: {  	s15 =	simm.s32 $0x300;
	s7 =	sadd.s32 s14, s5;
	[sflag:s4] =	ssyncadd.s32 $0xFFFFFF00  }
0x13: {  	[tilespmem:s15], [sflag:$0x1] =	stream.linear.gather [hbm4b:s7+s2], $0x100, $0x38;
	[tilespmem:$0x6960] =	vst v63  }
0x14: {  	_ =	swait.ge [sflag:s4], $0x100  }
0x15: {  	[sflag:s4] =	ssyncset.done $0x0  }
0x16: {  	s16 =	simm.s32 $0x700;
	[sflag:s4] =	ssyncadd.s32 $0xFFFFFF00  }
0x17: {  	[tilespmem:s16], [sflag:$0x1] =	stream.linear.gather [hbm4b:s8+s2], $0x80, $0x38;
	[tilespmem:$0x6960] =	vst v63  }
0x18: {  	_ =	swait.ge [sflag:s4], $0x80  }
0x19: {  	[sflag:s4] =	ssyncset.done $0x0  }
0x1a: {  	[sflag:s4] =	ssyncadd.s32 $0xFFFFFF80  }
0x1b: {  	v1 =	vld [tilespmem:$0x0]  }
0x1c: {  	v2 =	vld [tilespmem:$0x80]  }
0x1d: {  	v3 =	vld [tilespmem:$0x100]  }
0x1e: {  	v4 =	vld [tilespmem:$0x200]  }
0x1f: {  	v6 =	vld [tilespmem:$0x300];
	_ =	sdelay $0x2  }
0x20: {  	v0 =	vcvt.s32.f32 v1  }
0x21: {  	v11 =	vld [tilespmem:$0x210];
	v5 =	vcvt.s32.f32 v2;
	v4 =	vmul.u32 $0x7A69, v4  }
0x22: {  	v51 =	vld [tilespmem:$0x230];
	v8 =	vcvt.s32.f32 v3;
	v6 =	vmul.u32 $0x8BB9, v6;
	v0 =	vmul.f32 $1.562500070e-05, v0  }
0x23: {  	v5 =	vmul.f32 $1.562500070e-05, v5;
	v9 =	vcvt.s32.f32 v4  }
0x24: {  	v15 =	vcvt.s32.f32 v6;
	v0 =	vtrunc.f32 v0  }
0x25: {  	v5 =	vtrunc.f32 v5;
	v14 =	vmul.f32 $1.562500070e-05, v9  }
0x26: {  	v9 =	vmul.f32 $1.562500070e-05, v15;
	v0 =	vcvt.f32.s32 v0  }
0x27: {  	v27 =	vmul.u32 $0x7A69, v11;
	v53 =	vmul.u32 $0x7A69, v51;
	v5 =	vcvt.f32.s32 v5  }
0x28: {  	v12 =	vmul.f32 $1.562500070e-05, v8;
	v18 =	vtrunc.f32 v9;
	v7 =	vmul.u32 $0xFFFF0600, v0  }
0x29: {  	v29 =	vcvt.s32.f32 v27;
	v5 =	vmul.u32 $0xFFFF0600, v5;
	v9 =	vcvt.f32.s32 v18  }
0x2a: {  	v55 =	vcvt.s32.f32 v53;
	v0 =	vimm.s32 $0xFFFF0600;
	v18 =	vld [tilespmem:$0x330];
	v1 =	vadd.s32 v1, v7  }
0x2b: {  	v7 =	vtrunc.f32 v12;
	v2 =	vadd.s32 v2, v5;
	v22 =	vmul.u32 $0xFFFF0600, v9  }
0x2c: {  	v20 =	vld [tilespmem:$0x310];
	v13 =	vshra.s32 v1, $0x1F;
	v16 =	vcvt.f32.s32 v7;
	v17 =	vshra.s32 v2, $0x1F  }
0x2d: {  	v12 =	vld [tilespmem:$0x220];
	v8 =	vand.u32 $0xFA00, v13;
	v7 =	vand.u32 $0xFA00, v17;
	v6 =	vadd.s32 v6, v22  }
0x2e: {  	v1 =	vadd.s32 v1, v8;
	v8 =	vtrunc.f32 v14;
	v7 =	vadd.s32 v2, v7  }
0x2f: {  	v5 =	vmul.u32 $0xFFFF0600, v16;
	v26 =	vshra.s32 v6, $0x1F;
	v56 =	vmul.u32 $0x8BB9, v18  }
0x30: {  	vm0 =	vlt.s32 v1, $0xFA00;
	v8 =	vcvt.f32.s32 v8;
	vm8 =	vlt.s32 v7, $0xFA00  }
0x31: {  	v10 =	vsel vm0, $0x0, v0;
	v19 =	vsel vm8, $0x0, v0;
	v3 =	vadd.s32 v3, v5  }
0x32: {  	v5 =	vmul.u32 $0x8BB9, v20;
	v12 =	vmul.u32 $0x7A69, v12;
	v20 =	vmul.f32 $1.562500070e-05, v55  }
0x33: {  	v8 =	vmul.u32 $0xFFFF0600, v8;
	v2 =	vadd.s32 v1, v10;
	v21 =	vshra.s32 v3, $0x1F  }
0x34: {  	v1 =	vadd.s32 v7, v19;
	v7 =	vand.u32 $0xFA00, v26;
	v30 =	vcvt.s32.f32 v5  }
0x35: {  	v6 =	vadd.s32 v6, v7;
	v7 =	vmul.f32 $1.562500070e-05, v29;
	v42 =	vcvt.s32.f32 v12  }
0x36: {  	v23 =	vand.u32 $0xFA00, v21;
	v21 =	vcvt.s32.f32 v56;
	v20 =	vtrunc.f32 v20  }
0x37: {  	v4 =	vadd.s32 v4, v8;
	v3 =	vadd.s32 v3, v23;
	vm10 =	vlt.s32 v6, $0xFA00  }
0x38: {  	v60 =	vcvt.f32.s32 v20;
	v24 =	vshra.s32 v4, $0x1F;
	v31 =	vsel vm10, $0x0, v0  }
0x39: {  	v7 =	vtrunc.f32 v7;
	v21 =	vmul.f32 $1.562500070e-05, v21;
	v25 =	vand.u32 $0xFA00, v24  }
0x3a: {  	vm11 =	vlt.s32 v3, $0xFA00;
	v7 =	vcvt.f32.s32 v7;
	v4 =	vadd.s32 v4, v25  }
0x3b: {  	v32 =	vsel vm11, $0x0, v0;
	v24 =	vld [tilespmem:$0x340];
	v62 =	vtrunc.f32 v21;
	vm9 =	vlt.s32 v4, $0xFA00  }
0x3c: {  	v4 =	vadd.s32 v4, v6;
	v6 =	vmul.f32 $1.562500070e-05, v30;
	v7 =	vmul.u32 $0xFFFF0600, v7  }
0x3d: {  	v3 =	vadd.s32 v3, v32;
	v20 =	vcvt.f32.s32 v62;
	v28 =	vsel vm9, $0x0, v0  }
0x3e: {  	v4 =	vadd.s32 v28, v4;
	v6 =	vtrunc.f32 v6;
	v7 =	vadd.s32 v27, v7  }
0x3f: {  	v29 =	vmul.u32 $0xFFFF0600, v20;
	v4 =	vadd.s32 v31, v4;
	v6 =	vcvt.f32.s32 v6  }
0x40: {  	v36 =	vshra.s32 v7, $0x1F;
	v24 =	vmul.u32 $0x8BB9, v24;
	v10 =	vadd.s32 v2, v4  }
0x41: {  	v37 =	vld [tilespmem:$0x320];
	v34 =	vadd.s32 v1, v4;
	v11 =	vand.u32 $0xFA00, v36;
	v40 =	vadd.s32 v3, v4  }
0x42: {  	v28 =	vld [tilespmem:$0x240];
	vm12 =	vlt.s32 v10, $0xFA00;
	vm1 =	vlt.s32 v34, $0xFA00;
	v6 =	vmul.u32 $0xFFFF0600, v6  }
0x43: {  	v7 =	vadd.s32 v7, v11;
	vm2 =	vlt.s32 v40, $0xFA00;
	v33 =	vsel vm12, $0x0, v0  }
0x44: {  	v13 =	vsel vm1, $0x0, v0;
	vm15 =	vlt.s32 v7, $0xFA00;
	v45 =	vsel vm2, $0x0, v0  }
0x45: {  	v9 =	vadd.s32 v10, v33;
	v35 =	vadd.s32 v34, v13;
	v5 =	vadd.s32 v5, v6  }
0x46: {  	v41 =	vsel vm15, $0x0, v0;
	v6 =	vmul.u32 $0x8BB9, v37;
	v11 =	vadd.s32 v40, v45  }
0x47: {  	v26 =	vmul.u32 $0x7A69, v28;
	v34 =	vcvt.s32.f32 v24;
	vm13 =	vlt.s32 v9, $0xFA00  }
0x48: {  	vm14 =	vlt.s32 v35, $0xFA00;
	v38 =	vshra.s32 v5, $0x1F;
	v14 =	vadd.s32 $0xFA00, v35  }
0x49: {  	vm6 =	vlt.s32 v11, $0xFA00;
	v10 =	vsel vm13, $0x0, v0;
	v39 =	vand.u32 $0xFA00, v38  }
0x4a: {  	v44 =	vcvt.s32.f32 v6;
	v33 =	vcvt.s32.f32 v26;
	v5 =	vadd.s32 v5, v39  }
0x4b: {  	vm4 =	vlt.s32 v5, $0xFA00;
	v5 =	vadd.s32 v7, v5;
	v7 =	vmul.f32 $1.562500070e-05, v42  }
0x4c: {  	v15 =	vmul.f32 $1.562500070e-05, v44;
	v43 =	vsel vm4, $0x0, v0;
	v4 =	vadd.s32 v41, v5  }
0x4d: {  	v5 =	vadd.s32 v43, v4;
	v4 =	vsel vm14, v14, v35;
	v7 =	vtrunc.f32 v7  }
0x4e: {  	v48 =	vtrunc.f32 v15;
	v14 =	vsel vm6, $0x0, v0;
	v46 =	vadd.s32 v2, v5  }
0x4f: {  	v28 =	vld [tilespmem:$0x350];
	v7 =	vcvt.f32.s32 v7;
	v16 =	vadd.s32 v1, v5;
	v8 =	vcvt.f32.s32 v48  }
0x50: {  	v5 =	vadd.s32 v3, v5;
	v11 =	vadd.s32 v14, v11;
	vm5 =	vlt.s32 v46, $0xFA00  }
0x51: {  	vm8 =	vlt.s32 v16, $0xFA00;
	vm10 =	vlt.s32 v5, $0xFA00;
	v47 =	vsel vm5, $0x0, v0  }
0x52: {  	v7 =	vmul.u32 $0xFFFF0600, v7;
	v17 =	vsel vm8, $0x0, v0;
	v8 =	vmul.u32 $0xFFFF0600, v8  }
0x53: {  	v52 =	vsel vm10, $0x0, v0;
	v13 =	vadd.s32 v46, v47;
	v49 =	vadd.s32 v16, v17  }
0x54: {  	v47 =	vmul.u32 $0x8BB9, v28;
	vm7 =	vlt.s32 v13, $0xFA00;
	v7 =	vadd.s32 v12, v7  }
0x55: {  	vm9 =	vlt.s32 v49, $0xFA00;
	v6 =	vadd.s32 v6, v8;
	v57 =	vadd.s32 $0xFA00, v49  }
0x56: {  	v12 =	vmul.u32 $0xFFFF0600, v60;
	v50 =	vshra.s32 v7, $0x1F;
	v8 =	vshra.s32 v6, $0x1F  }
0x57: {  	v15 =	vsel vm7, $0x0, v0;
	v16 =	vand.u32 $0xFA00, v50;
	v8 =	vand.u32 $0xFA00, v8  }
0x58: {  	v7 =	vadd.s32 v7, v16;
	v6 =	vadd.s32 v6, v8;
	v16 =	vadd.s32 v5, v52  }
0x59: {  	v5 =	vsel vm9, v57, v49;
	v8 =	vadd.s32 v56, v29;
	vm11 =	vlt.s32 v7, $0xFA00  }
0x5a: {  	vm12 =	vlt.s32 v6, $0xFA00;
	v6 =	vadd.s32 v7, v6;
	vm13 =	vlt.s32 v16, $0xFA00  }
0x5b: {  	v7 =	vadd.s32 v53, v12;
	v12 =	vshra.s32 v8, $0x1F;
	v19 =	vsel vm11, $0x0, v0  }
0x5c: {  	v54 =	vsel vm12, $0x0, v0;
	v18 =	vsel vm13, $0x0, v0;
	v30 =	vshra.s32 v7, $0x1F  }
0x5d: {  	v12 =	vand.u32 $0xFA00, v12;
	v6 =	vadd.s32 v19, v6;
	v20 =	vand.u32 $0xFA00, v30  }
0x5e: {  	v8 =	vadd.s32 v8, v12;
	v12 =	vmul.f32 $1.562500070e-05, v33;
	v30 =	vcvt.s32.f32 v47  }
0x5f: {  	v6 =	vadd.s32 v54, v6;
	v7 =	vadd.s32 v7, v20;
	vm8 =	vlt.s32 v8, $0xFA00  }
0x60: {  	v58 =	vadd.s32 v2, v6;
	v22 =	vadd.s32 v1, v6;
	v25 =	vadd.s32 v3, v6  }
0x61: {  	vm7 =	vlt.s32 v7, $0xFA00;
	v7 =	vadd.s32 v7, v8;
	v8 =	vmul.f32 $1.562500070e-05, v34  }
0x62: {  	v35 =	vsel vm8, $0x0, v0;
	v12 =	vtrunc.f32 v12;
	v50 =	vmul.f32 $1.562500070e-05, v30  }
0x63: {  	vm14 =	vlt.s32 v58, $0xFA00;
	vm15 =	vlt.s32 v22, $0xFA00;
	vm6 =	vlt.s32 v25, $0xFA00  }
0x64: {  	v32 =	vsel vm7, $0x0, v0;
	v12 =	vcvt.f32.s32 v12;
	v59 =	vsel vm14, $0x0, v0  }
0x65: {  	v61 =	vsel vm15, $0x0, v0;
	v31 =	vsel vm6, $0x0, v0;
	v7 =	vadd.s32 v32, v7  }
0x66: {  	v8 =	vtrunc.f32 v8;
	v28 =	vtrunc.f32 v50;
	v17 =	vadd.s32 v58, v59  }
0x67: {  	v63 =	vadd.s32 v22, v61;
	v20 =	vadd.s32 v25, v31;
	v7 =	vadd.s32 v35, v7  }
0x68: {  	v8 =	vcvt.f32.s32 v8;
	v12 =	vmul.u32 $0xFFFF0600, v12;
	v53 =	vcvt.f32.s32 v28  }
0x69: {  	v39 =	vld [tilespmem:$0x250];
	vm4 =	vlt.s32 v17, $0xFA00;
	vm5 =	vlt.s32 v63, $0xFA00;
	v23 =	vadd.s32 $0xFA00, v63  }
0x6a: {  	vm9 =	vlt.s32 v20, $0xFA00;
	v36 =	vadd.s32 v2, v7;
	v38 =	vadd.s32 v1, v7  }
0x6b: {  	v7 =	vadd.s32 v3, v7;
	v19 =	vsel vm4, $0x0, v0;
	v6 =	vsel vm5, v23, v63  }
0x6c: {  	v32 =	vld [tilespmem:$0x260];
	vm10 =	vlt.s32 v36, $0xFA00;
	v22 =	vsel vm9, $0x0, v0;
	vm12 =	vlt.s32 v38, $0xFA00  }
0x6d: {  	v8 =	vmul.u32 $0xFFFF0600, v8;
	v12 =	vadd.s32 v26, v12;
	vm13 =	vlt.s32 v7, $0xFA00  }
0x6e: {  	v26 =	vmul.u32 $0x7A69, v39;
	v37 =	vsel vm10, $0x0, v0;
	v27 =	vsel vm12, $0x0, v0  }
0x6f: {  	v40 =	vshra.s32 v12, $0x1F;
	v44 =	vsel vm13, $0x0, v0;
	v21 =	vadd.s32 v36, v37  }
0x70: {  	v25 =	vadd.s32 v38, v27;
	v8 =	vadd.s32 v24, v8;
	v41 =	vand.u32 $0xFA00, v40  }
0x71: {  	v46 =	vcvt.s32.f32 v26;
	v27 =	vadd.s32 v7, v44;
	v57 =	vmul.u32 $0x7A69, v32  }
0x72: {  	vm11 =	vlt.s32 v21, $0xFA00;
	v42 =	vshra.s32 v8, $0x1F;
	v12 =	vadd.s32 v12, v41  }
0x73: {  	vm4 =	vlt.s32 v25, $0xFA00;
	v48 =	vadd.s32 $0xFA00, v25;
	vm5 =	vlt.s32 v27, $0xFA00  }
0x74: {  	v23 =	vsel vm11, $0x0, v0;
	v43 =	vand.u32 $0xFA00, v42;
	vm14 =	vlt.s32 v12, $0xFA00  }
0x75: {  	v7 =	vsel vm4, v48, v25;
	v25 =	vmul.u32 $0xFFFF0600, v53;
	v8 =	vadd.s32 v8, v43  }
0x76: {  	v32 =	vcvt.s32.f32 v57;
	v45 =	vsel vm14, $0x0, v0;
	vm15 =	vlt.s32 v8, $0xFA00  }
0x77: {  	v8 =	vadd.s32 v12, v8;
	v12 =	vmul.f32 $1.562500070e-05, v46;
	v24 =	vadd.s32 v47, v25  }
0x78: {  	v32 =	vmul.f32 $1.562500070e-05, v32;
	v29 =	vsel vm15, $0x0, v0;
	v8 =	vadd.s32 v45, v8  }
0x79: {  	v28 =	vsel vm5, $0x0, v0;
	v25 =	vshra.s32 v24, $0x1F;
	v29 =	vadd.s32 v29, v8  }
0x7a: {  	v12 =	vtrunc.f32 v12;
	v25 =	vand.u32 $0xFA00, v25;
	v62 =	vtrunc.f32 v32  }
0x7b: {  	v8 =	vadd.s32 v2, v29;
	v49 =	vadd.s32 v1, v29;
	v12 =	vcvt.f32.s32 v12  }
0x7c: {  	v29 =	vadd.s32 v3, v29;
	v24 =	vadd.s32 v24, v25;
	v35 =	vcvt.f32.s32 v62  }
0x7d: {  	vm6 =	vlt.s32 v8, $0xFA00;
	vm7 =	vlt.s32 v49, $0xFA00;
	vm10 =	vlt.s32 v29, $0xFA00  }
0x7e: {  	v42 =	vld [tilespmem:$0x270];
	vm12 =	vlt.s32 v24, $0xFA00;
	v51 =	vsel vm6, $0x0, v0;
	v12 =	vmul.u32 $0xFFFF0600, v12  }
0x7f: {  	v55 =	vld [tilespmem:$0x360];
	v52 =	vsel vm7, $0x0, v0;
	v33 =	vsel vm10, $0x0, v0;
	v58 =	vsel vm12, $0x0, v0  }
0x80: {  	v30 =	vadd.s32 v8, v51;
	v8 =	vadd.s32 v49, v52;
	v12 =	vadd.s32 v26, v12  }
0x81: {  	vm9 =	vlt.s32 v8, $0xFA00;
	v31 =	vadd.s32 $0xFA00, v8;
	v54 =	vshra.s32 v12, $0x1F  }
0x82: {  	v29 =	vadd.s32 v29, v33;
	v8 =	vsel vm9, v31, v8;
	v31 =	vand.u32 $0xFA00, v54  }
0x83: {  	v49 =	vmul.u32 $0x7A69, v42;
	vm8 =	vlt.s32 v30, $0xFA00;
	v12 =	vadd.s32 v12, v31  }
0x84: {  	vm13 =	vlt.s32 v29, $0xFA00;
	v31 =	vmul.u32 $0x8BB9, v55;
	vm11 =	vlt.s32 v12, $0xFA00  }
0x85: {  	v26 =	vsel vm8, $0x0, v0;
	v12 =	vadd.s32 v12, v24;
	v56 =	vsel vm11, $0x0, v0  }
0x86: {  	v46 =	vld [tilespmem:$0x370];
	v33 =	vsel vm13, $0x0, v0;
	v34 =	vcvt.s32.f32 v31;
	v12 =	vadd.s32 v56, v12  }
0x87: {  	v52 =	vcvt.s32.f32 v49;
	v25 =	vadd.s32 v58, v12;
	v12 =	vadd.s32 v9, v10  }
0x88: {  	v10 =	vadd.s32 v13, v15;
	v63 =	vmul.f32 $1.562500070e-05, v34;
	v9 =	vmul.u32 $0xFFFF0600, v35  }
0x89: {  	v15 =	vadd.s32 v18, v16;
	v13 =	vadd.s32 v17, v19;
	v16 =	vadd.s32 v21, v23  }
0x8a: {  	v17 =	vadd.s32 v30, v26;
	v59 =	vadd.s32 v2, v25;
	v61 =	vadd.s32 v1, v25  }
0x8b: {  	v43 =	vadd.s32 v3, v25;
	v25 =	vmul.u32 $0x8BB9, v46;
	v15 =	vadd.s32 $0x1F400, v15  }
0x8c: {  	v62 =	vld [tilespmem:$0x280];
	vm14 =	vlt.s32 v59, $0xFA00;
	vm15 =	vlt.s32 v61, $0xFA00;
	v37 =	vtrunc.f32 v63  }
0x8d: {  	v24 =	vadd.s32 v57, v9;
	vm6 =	vlt.s32 v43, $0xFA00;
	v60 =	vsel vm14, $0x0, v0  }
0x8e: {  	v36 =	vsel vm15, $0x0, v0;
	v38 =	vcvt.f32.s32 v37;
	v41 =	vshra.s32 v24, $0x1F  }
0x8f: {  	v47 =	vsel vm6, $0x0, v0;
	v34 =	vadd.s32 v59, v60;
	v14 =	vadd.s32 v61, v36  }
0x90: {  	v54 =	vcvt.s32.f32 v25;
	vm4 =	vlt.s32 v34, $0xFA00;
	vm5 =	vlt.s32 v14, $0xFA00  }
0x91: {  	v39 =	vadd.s32 $0xFA00, v14;
	v40 =	vmul.u32 $0xFFFF0600, v38;
	v38 =	vmul.u32 $0x7A69, v62  }
0x92: {  	v18 =	vsel vm4, $0x0, v0;
	v9 =	vsel vm5, v39, v14;
	v14 =	vand.u32 $0xFA00, v41  }
0x93: {  	v44 =	vadd.s32 v31, v40;
	v14 =	vadd.s32 v24, v14;
	v31 =	vadd.s32 v43, v47  }
0x94: {  	v26 =	vcvt.s32.f32 v38;
	v45 =	vshra.s32 v44, $0x1F;
	vm7 =	vlt.s32 v14, $0xFA00  }
0x95: {  	vm9 =	vlt.s32 v31, $0xFA00;
	v24 =	vand.u32 $0xFA00, v45;
	v48 =	vsel vm7, $0x0, v0  }
0x96: {  	v35 =	vsel vm9, $0x0, v0;
	v43 =	vmul.f32 $1.562500070e-05, v26;
	v19 =	vadd.s32 v44, v24  }
0x97: {  	v24 =	vadd.s32 v33, v29;
	v26 =	vadd.s32 v35, v31;
	vm8 =	vlt.s32 v19, $0xFA00  }
0x98: {  	v14 =	vadd.s32 v14, v19;
	v19 =	vadd.s32 v22, v20;
	v22 =	vadd.s32 v28, v27  }
0x99: {  	v20 =	vmul.f32 $1.562500070e-05, v54;
	v47 =	vtrunc.f32 v43;
	v50 =	vsel vm8, $0x0, v0  }
0x9a: {  	v33 =	vld [tilespmem:$0x380];
	v14 =	vadd.s32 v48, v14;
	v31 =	vcvt.f32.s32 v47;
	v19 =	vadd.s32 $0x1F400, v19  }
0x9b: {  	v22 =	vadd.s32 $0x1F400, v22;
	v51 =	vadd.s32 v50, v14;
	v14 =	vmul.f32 $1.562500070e-05, v52  }
0x9c: {  	v20 =	vtrunc.f32 v20;
	v53 =	vadd.s32 v2, v51;
	v56 =	vadd.s32 v1, v51  }
0x9d: {  	v20 =	vcvt.f32.s32 v20;
	v63 =	vadd.s32 v3, v51;
	v31 =	vmul.u32 $0xFFFF0600, v31  }
0x9e: {  	vm10 =	vlt.s32 v53, $0xFA00;
	v14 =	vtrunc.f32 v14;
	vm11 =	vlt.s32 v56, $0xFA00  }
0x9f: {  	vm14 =	vlt.s32 v63, $0xFA00;
	v40 =	vmul.u32 $0x8BB9, v33;
	v55 =	vsel vm10, $0x0, v0  }
0xa0: {  	v14 =	vcvt.f32.s32 v14;
	v57 =	vsel vm11, $0x0, v0;
	v20 =	vmul.u32 $0xFFFF0600, v20  }
0xa1: {  	v36 =	vsel vm14, $0x0, v0;
	v31 =	vadd.s32 v38, v31;
	v21 =	vadd.s32 v53, v55  }
0xa2: {  	v51 =	vld [tilespmem:$0x290];
	v23 =	vadd.s32 v56, v57;
	v29 =	vadd.s32 v63, v36;
	v44 =	vcvt.s32.f32 v40  }
0xa3: {  	v55 =	vshra.s32 v31, $0x1F;
	vm12 =	vlt.s32 v21, $0xFA00;
	v14 =	vmul.u32 $0xFFFF0600, v14  }
0xa4: {  	vm13 =	vlt.s32 v23, $0xFA00;
	v59 =	vadd.s32 $0xFA00, v23;
	v20 =	vadd.s32 v25, v20  }
0xa5: {  	vm5 =	vlt.s32 v29, $0xFA00;
	v58 =	vsel vm12, $0x0, v0;
	v25 =	vshra.s32 v20, $0x1F  }
0xa6: {  	v41 =	vsel vm5, $0x0, v0;
	v48 =	vmul.f32 $1.562500070e-05, v44;
	v60 =	vadd.s32 v49, v14  }
0xa7: {  	v57 =	vmul.u32 $0x7A69, v51;
	v14 =	vsel vm13, v59, v23;
	v61 =	vshra.s32 v60, $0x1F  }
0xa8: {  	v25 =	vand.u32 $0xFA00, v25;
	v33 =	vtrunc.f32 v48;
	v23 =	vand.u32 $0xFA00, v61  }
0xa9: {  	v53 =	vld [tilespmem:$0x390];
	v20 =	vadd.s32 v20, v25;
	v50 =	vcvt.f32.s32 v33;
	v23 =	vadd.s32 v60, v23  }
0xaa: {  	v28 =	vadd.s32 v41, v29;
	vm4 =	vlt.s32 v20, $0xFA00;
	vm15 =	vlt.s32 v23, $0xFA00  }
0xab: {  	v20 =	vadd.s32 v23, v20;
	v32 =	vmul.u32 $0xFFFF0600, v50;
	v37 =	vsel vm15, $0x0, v0  }
0xac: {  	v39 =	vsel vm4, $0x0, v0;
	v60 =	vcvt.s32.f32 v57;
	v20 =	vadd.s32 v37, v20  }
0xad: {  	v56 =	vadd.s32 v40, v32;
	v25 =	vadd.s32 v39, v20;
	v20 =	vadd.s32 v34, v18  }
0xae: {  	v18 =	vadd.s32 v21, v58;
	v30 =	vshra.s32 v56, $0x1F;
	v58 =	vmul.u32 $0x8BB9, v53  }
0xaf: {  	v42 =	vadd.s32 v2, v25;
	v46 =	vadd.s32 v1, v25;
	v25 =	vadd.s32 v3, v25  }
0xb0: {  	v30 =	vand.u32 $0xFA00, v30;
	vm6 =	vlt.s32 v42, $0xFA00;
	vm7 =	vlt.s32 v46, $0xFA00  }
0xb1: {  	v29 =	vadd.s32 v56, v30;
	v61 =	vcvt.s32.f32 v58;
	v30 =	vmul.f32 $1.562500070e-05, v60  }
0xb2: {  	vm12 =	vlt.s32 v25, $0xFA00;
	v45 =	vsel vm6, $0x0, v0;
	v49 =	vsel vm7, $0x0, v0  }
0xb3: {  	vm11 =	vlt.s32 v29, $0xFA00;
	v63 =	vsel vm12, $0x0, v0;
	v21 =	vadd.s32 v42, v45  }
0xb4: {  	v47 =	vld [tilespmem:$0x3A0];
	v27 =	vadd.s32 v46, v49;
	v62 =	vsel vm11, $0x0, v0;
	v30 =	vtrunc.f32 v30  }
0xb5: {  	v25 =	vadd.s32 v25, v63;
	vm8 =	vlt.s32 v21, $0xFA00;
	vm9 =	vlt.s32 v27, $0xFA00  }
0xb6: {  	v30 =	vcvt.f32.s32 v30;
	vm14 =	vlt.s32 v25, $0xFA00;
	v52 =	vsel vm8, $0x0, v0  }
0xb7: {  	v54 =	vadd.s32 $0xFA00, v27;
	v38 =	vsel vm14, $0x0, v0;
	v23 =	vadd.s32 v21, v52  }
0xb8: {  	v21 =	vsel vm9, v54, v27;
	v27 =	vand.u32 $0xFA00, v55;
	v37 =	vmul.u32 $0xFFFF0600, v30  }
0xb9: {  	v30 =	vadd.s32 v38, v25;
	v52 =	vmul.u32 $0x8BB9, v47;
	v27 =	vadd.s32 v31, v27  }
0xba: {  	vm10 =	vlt.s32 v27, $0xFA00;
	v27 =	vadd.s32 v27, v29;
	v29 =	vmul.f32 $1.562500070e-05, v61  }
0xbb: {  	[tilespmem:$0x510] =	vst v5;
	v5 =	vadd.s32 $0x1F400, v30;
	v31 =	vadd.s32 v57, v37;
	v59 =	vsel vm10, $0x0, v0  }
0xbc: {  	v56 =	vcvt.s32.f32 v52;
	v27 =	vadd.s32 v59, v27;
	v29 =	vtrunc.f32 v29  }
0xbd: {  	v40 =	vshra.s32 v31, $0x1F;
	v27 =	vadd.s32 v62, v27;
	v29 =	vcvt.f32.s32 v29  }
0xbe: {  	v34 =	vadd.s32 v2, v27;
	v41 =	vadd.s32 v1, v27;
	v37 =	vadd.s32 v3, v27  }
0xbf: {  	vm13 =	vlt.s32 v34, $0xFA00;
	v29 =	vmul.u32 $0xFFFF0600, v29;
	vm4 =	vlt.s32 v41, $0xFA00  }
0xc0: {  	vm8 =	vlt.s32 v37, $0xFA00;
	v36 =	vsel vm13, $0x0, v0;
	v44 =	vsel vm4, $0x0, v0  }
0xc1: {  	v45 =	vld [tilespmem:$0x2A0];
	v50 =	vsel vm8, $0x0, v0;
	v33 =	vadd.s32 v34, v36;
	v29 =	vadd.s32 v58, v29  }
0xc2: {  	v32 =	vadd.s32 v41, v44;
	v41 =	vld [tilespmem:$0x2B0];
	vm15 =	vlt.s32 v33, $0xFA00;
	v42 =	vshra.s32 v29, $0x1F  }
0xc3: {  	v58 =	vld [tilespmem:$0x3B0];
	vm7 =	vlt.s32 v32, $0xFA00;
	v48 =	vadd.s32 $0xFA00, v32;
	v39 =	vsel vm15, $0x0, v0  }
0xc4: {  	v43 =	vand.u32 $0xFA00, v42;
	v27 =	vsel vm7, v48, v32;
	v25 =	vadd.s32 v33, v39  }
0xc5: {  	v33 =	vand.u32 $0xFA00, v40;
	v29 =	vadd.s32 v29, v43;
	v40 =	vmul.f32 $1.562500070e-05, v56  }
0xc6: {  	v31 =	vadd.s32 v31, v33;
	vm6 =	vlt.s32 v29, $0xFA00;
	v33 =	vmul.u32 $0x7A69, v45  }
0xc7: {  	vm5 =	vlt.s32 v31, $0xFA00;
	v36 =	vsel vm6, $0x0, v0;
	v29 =	vadd.s32 v31, v29  }
0xc8: {  	v61 =	vmul.u32 $0x7A69, v41;
	v63 =	vmul.u32 $0x8BB9, v58;
	v46 =	vsel vm5, $0x0, v0  }
0xc9: {  	v59 =	vtrunc.f32 v40;
	v54 =	vcvt.s32.f32 v33;
	v29 =	vadd.s32 v46, v29  }
0xca: {  	v45 =	vcvt.s32.f32 v61;
	v43 =	vcvt.s32.f32 v63;
	v49 =	vadd.s32 v36, v29  }
0xcb: {  	v29 =	vadd.s32 v37, v50;
	v36 =	vmul.f32 $1.562500070e-05, v54;
	v51 =	vadd.s32 v2, v49  }
0xcc: {  	vm10 =	vlt.s32 v29, $0xFA00;
	v38 =	vadd.s32 v1, v49;
	v31 =	vadd.s32 v3, v49  }
0xcd: {  	v47 =	vmul.f32 $1.562500070e-05, v43;
	vm9 =	vlt.s32 v51, $0xFA00;
	v55 =	vsel vm10, $0x0, v0  }
0xce: {  	vm12 =	vlt.s32 v38, $0xFA00;
	v36 =	vtrunc.f32 v36;
	vm14 =	vlt.s32 v31, $0xFA00  }
0xcf: {  	v53 =	vsel vm9, $0x0, v0;
	v35 =	vadd.s32 v55, v29;
	v57 =	vsel vm12, $0x0, v0  }
0xd0: {  	v36 =	vcvt.f32.s32 v36;
	v62 =	vsel vm14, $0x0, v0;
	v32 =	vadd.s32 v51, v53  }
0xd1: {  	v29 =	vadd.s32 v38, v57;
	v38 =	vcvt.f32.s32 v59;
	v41 =	vadd.s32 v31, v62  }
0xd2: {  	vm11 =	vlt.s32 v32, $0xFA00;
	vm13 =	vlt.s32 v29, $0xFA00;
	v36 =	vmul.u32 $0xFFFF0600, v36  }
0xd3: {  	v60 =	vadd.s32 $0xFA00, v29;
	vm5 =	vlt.s32 v41, $0xFA00;
	v38 =	vmul.u32 $0xFFFF0600, v38  }
0xd4: {  	v39 =	vsel vm11, $0x0, v0;
	v29 =	vsel vm13, v60, v29;
	v33 =	vadd.s32 v33, v36  }
0xd5: {  	v44 =	vshra.s32 v33, $0x1F;
	v34 =	vadd.s32 v52, v38;
	v38 =	vmul.f32 $1.562500070e-05, v45  }
0xd6: {  	v32 =	vadd.s32 v32, v39;
	v37 =	vand.u32 $0xFA00, v44;
	v42 =	vshra.s32 v34, $0x1F  }
0xd7: {  	v44 =	vld [tilespmem:$0x3C0];
	v33 =	vadd.s32 v33, v37;
	v46 =	vand.u32 $0xFA00, v42;
	v38 =	vtrunc.f32 v38  }
0xd8: {  	v37 =	vtrunc.f32 v47;
	vm15 =	vlt.s32 v33, $0xFA00;
	v34 =	vadd.s32 v34, v46  }
0xd9: {  	v49 =	vcvt.f32.s32 v38;
	v37 =	vcvt.f32.s32 v37;
	vm4 =	vlt.s32 v34, $0xFA00  }
0xda: {  	v48 =	vsel vm15, $0x0, v0;
	v33 =	vadd.s32 v33, v34;
	v50 =	vsel vm4, $0x0, v0  }
0xdb: {  	v33 =	vadd.s32 v48, v33;
	v52 =	vmul.u32 $0xFFFF0600, v49;
	v37 =	vmul.u32 $0xFFFF0600, v37  }
0xdc: {  	v38 =	vsel vm5, $0x0, v0;
	v51 =	vadd.s32 v50, v33;
	v44 =	vmul.u32 $0x8BB9, v44  }
0xdd: {  	v53 =	vadd.s32 v2, v51;
	v33 =	vadd.s32 v61, v52;
	v36 =	vadd.s32 v63, v37  }
0xde: {  	v61 =	vadd.s32 v1, v51;
	v31 =	vadd.s32 v3, v51;
	v37 =	vadd.s32 v38, v41  }
0xdf: {  	vm6 =	vlt.s32 v53, $0xFA00;
	v55 =	vshra.s32 v33, $0x1F;
	v57 =	vshra.s32 v36, $0x1F  }
0xe0: {  	vm10 =	vlt.s32 v61, $0xFA00;
	vm11 =	vlt.s32 v31, $0xFA00;
	v54 =	vsel vm6, $0x0, v0  }
0xe1: {  	v63 =	vld [tilespmem:$0x2C0];
	v56 =	vand.u32 $0xFA00, v55;
	v58 =	vand.u32 $0xFA00, v57;
	v48 =	vsel vm10, $0x0, v0  }
0xe2: {  	v50 =	vsel vm11, $0x0, v0;
	v34 =	vadd.s32 v53, v54;
	v33 =	vadd.s32 v33, v56  }
0xe3: {  	v47 =	vld [tilespmem:$0x2D0];
	v36 =	vadd.s32 v36, v58;
	v58 =	vcvt.s32.f32 v44;
	vm7 =	vlt.s32 v34, $0xFA00  }
0xe4: {  	vm8 =	vlt.s32 v33, $0xFA00;
	vm9 =	vlt.s32 v36, $0xFA00;
	v33 =	vadd.s32 v33, v36  }
0xe5: {  	v36 =	vadd.s32 v31, v50;
	v59 =	vsel vm7, $0x0, v0;
	v60 =	vsel vm8, $0x0, v0  }
0xe6: {  	v56 =	vld [tilespmem:$0x3D0];
	v62 =	vsel vm9, $0x0, v0;
	v46 =	vmul.u32 $0x7A69, v63;
	vm14 =	vlt.s32 v36, $0xFA00  }
0xe7: {  	v33 =	vadd.s32 v60, v33;
	v52 =	vsel vm14, $0x0, v0;
	v34 =	vadd.s32 v34, v59  }
0xe8: {  	v59 =	vmul.u32 $0x7A69, v47;
	v42 =	vadd.s32 v62, v33;
	v33 =	vadd.s32 v61, v48  }
0xe9: {  	v53 =	vcvt.s32.f32 v46;
	v38 =	vadd.s32 v52, v36;
	v49 =	vadd.s32 v2, v42  }
0xea: {  	vm13 =	vlt.s32 v33, $0xFA00;
	v45 =	vadd.s32 $0xFA00, v33;
	v54 =	vadd.s32 v1, v42  }
0xeb: {  	v42 =	vadd.s32 v3, v42;
	v36 =	vmul.u32 $0x8BB9, v56;
	v61 =	vcvt.s32.f32 v59  }
0xec: {  	vm12 =	vlt.s32 v49, $0xFA00;
	v31 =	vsel vm13, v45, v33;
	vm4 =	vlt.s32 v54, $0xFA00  }
0xed: {  	v43 =	vmul.f32 $1.562500070e-05, v53;
	vm6 =	vlt.s32 v42, $0xFA00;
	v51 =	vsel vm12, $0x0, v0  }
0xee: {  	v55 =	vsel vm4, $0x0, v0;
	v60 =	vsel vm6, $0x0, v0;
	v48 =	vcvt.s32.f32 v36  }
0xef: {  	v39 =	vadd.s32 v49, v51;
	v57 =	vtrunc.f32 v43;
	v43 =	vmul.f32 $1.562500070e-05, v58  }
0xf0: {  	v33 =	vadd.s32 v54, v55;
	v42 =	vadd.s32 v42, v60;
	v40 =	vcvt.f32.s32 v57  }
0xf1: {  	vm15 =	vlt.s32 v39, $0xFA00;
	vm5 =	vlt.s32 v33, $0xFA00;
	v43 =	vtrunc.f32 v43  }
0xf2: {  	v45 =	vadd.s32 $0xFA00, v33;
	v40 =	vmul.u32 $0xFFFF0600, v40;
	v43 =	vcvt.f32.s32 v43  }
0xf3: {  	vm7 =	vlt.s32 v42, $0xFA00;
	v63 =	vmul.f32 $1.562500070e-05, v48;
	v41 =	vsel vm15, $0x0, v0  }
0xf4: {  	v40 =	vadd.s32 v46, v40;
	v43 =	vmul.u32 $0xFFFF0600, v43;
	v46 =	vmul.f32 $1.562500070e-05, v61  }
0xf5: {  	v33 =	vsel vm5, v45, v33;
	v48 =	vsel vm7, $0x0, v0;
	v62 =	vshra.s32 v40, $0x1F  }
0xf6: {  	v47 =	vand.u32 $0xFA00, v62;
	v43 =	vadd.s32 v44, v43;
	v49 =	vtrunc.f32 v46  }
0xf7: {  	v40 =	vadd.s32 v40, v47;
	v50 =	vshra.s32 v43, $0x1F;
	v44 =	vcvt.f32.s32 v49  }
0xf8: {  	v47 =	vtrunc.f32 v63;
	vm8 =	vlt.s32 v40, $0xFA00;
	v46 =	vand.u32 $0xFA00, v50  }
0xf9: {  	v47 =	vcvt.f32.s32 v47;
	v43 =	vadd.s32 v43, v46;
	v51 =	vsel vm8, $0x0, v0  }
0xfa: {  	v44 =	vmul.u32 $0xFFFF0600, v44;
	vm9 =	vlt.s32 v43, $0xFA00;
	v40 =	vadd.s32 v40, v43  }
0xfb: {  	v52 =	vmul.u32 $0xFFFF0600, v47;
	v40 =	vadd.s32 v51, v40;
	v53 =	vsel vm9, $0x0, v0  }
0xfc: {  	v44 =	vadd.s32 v59, v44;
	v51 =	vadd.s32 $0x1F400, v11;
	v40 =	vadd.s32 v53, v40  }
0xfd: {  	v45 =	vshra.s32 v44, $0x1F;
	v36 =	vadd.s32 v36, v52;
	v53 =	vadd.s32 $0x1F400, v24  }
0xfe: {  	v50 =	vld [tilespmem:$0x2E0];
	v24 =	vadd.s32 $0x1F400, v26;
	v26 =	vadd.s32 $0x1F400, v28;
	v28 =	vadd.s32 $0x1F400, v35  }
0xff: {  	v54 =	vadd.s32 v2, v40;
	v45 =	vand.u32 $0xFA00, v45;
	v55 =	vshra.s32 v36, $0x1F  }
0x100: {  	v60 =	vadd.s32 v1, v40;
	vm10 =	vlt.s32 v54, $0xFA00;
	v44 =	vadd.s32 v44, v45  }
0x101: {  	v52 =	vld [tilespmem:$0x3E0];
	v56 =	vand.u32 $0xFA00, v55;
	vm14 =	vlt.s32 v60, $0xFA00;
	v57 =	vsel vm10, $0x0, v0  }
0x102: {  	vm11 =	vlt.s32 v44, $0xFA00;
	v36 =	vadd.s32 v36, v56;
	v63 =	vsel vm14, $0x0, v0  }
0x103: {  	v56 =	vmul.u32 $0x7A69, v50;
	v58 =	vsel vm11, $0x0, v0;
	vm12 =	vlt.s32 v36, $0xFA00  }
0x104: {  	v36 =	vadd.s32 v44, v36;
	v43 =	vadd.s32 v54, v57;
	v54 =	vadd.s32 v3, v40  }
0x105: {  	v59 =	vsel vm12, $0x0, v0;
	v36 =	vadd.s32 v58, v36;
	vm13 =	vlt.s32 v43, $0xFA00  }
0x106: {  	v47 =	vld [tilespmem:$0x3F0];
	vm6 =	vlt.s32 v54, $0xFA00;
	v58 =	vmul.u32 $0x8BB9, v52;
	v44 =	vadd.s32 v59, v36  }
0x107: {  	[tilespmem:$0x500] =	vst v4;
	v61 =	vsel vm13, $0x0, v0;
	v36 =	vadd.s32 v39, v41;
	v41 =	vadd.s32 v48, v42  }
0x108: {  	[tilespmem:$0x520] =	vst v6;
	v39 =	vadd.s32 v60, v63;
	v57 =	vsel vm6, $0x0, v0;
	v62 =	vadd.s32 v1, v44  }
0x109: {  	[tilespmem:$0x530] =	vst v7;
	vm4 =	vlt.s32 v39, $0xFA00;
	v45 =	vadd.s32 $0xFA00, v39;
	v11 =	vadd.s32 v43, v61  }
0x10a: {  	[tilespmem:$0x540] =	vst v8;
	v55 =	vadd.s32 v2, v44;
	v59 =	vadd.s32 v54, v57;
	v61 =	vcvt.s32.f32 v56  }
0x10b: {  	[tilespmem:$0x400] =	vst v12;
	v50 =	vadd.s32 v3, v44;
	v54 =	vmul.u32 $0x8BB9, v47;
	vm15 =	vlt.s32 v62, $0xFA00  }
0x10c: {  	[tilespmem:$0x410] =	vst v10;
	v12 =	vsel vm4, v45, v39;
	vm7 =	vlt.s32 v55, $0xFA00;
	vm8 =	vlt.s32 v59, $0xFA00  }
0x10d: {  	[tilespmem:$0x420] =	vst v13;
	v45 =	vadd.s32 $0x1F400, v37;
	vm10 =	vlt.s32 v50, $0xFA00;
	v48 =	vsel vm15, $0x0, v0  }
0x10e: {  	[tilespmem:$0x430] =	vst v16;
	v60 =	vsel vm7, $0x0, v0;
	v63 =	vsel vm8, $0x0, v0;
	v40 =	vmul.f32 $1.562500070e-05, v61  }
0x10f: {  	[tilespmem:$0x440] =	vst v17;
	v52 =	vsel vm10, $0x0, v0;
	v42 =	vadd.s32 v62, v48;
	v62 =	vcvt.s32.f32 v58  }
0x110: {  	[tilespmem:$0x610] =	vst v15;
	v43 =	vld [tilespmem:$0x2F0];
	v13 =	vadd.s32 v55, v60;
	v6 =	vadd.s32 v63, v59;
	vm5 =	vlt.s32 v42, $0xFA00  }
0x111: {  	[tilespmem:$0x550] =	vst v9;
	v49 =	vadd.s32 $0xFA00, v42;
	vm9 =	vlt.s32 v13, $0xFA00;
	v15 =	vmul.f32 $1.562500070e-05, v62  }
0x112: {  	[tilespmem:$0x620] =	vst v19;
	v46 =	vtrunc.f32 v40;
	v4 =	vsel vm5, v49, v42;
	v42 =	vsel vm9, $0x0, v0  }
0x113: {  	[tilespmem:$0x630] =	vst v22;
	v7 =	vadd.s32 v13, v42;
	v13 =	vcvt.f32.s32 v46;
	v15 =	vtrunc.f32 v15  }
0x114: {  	[tilespmem:$0x640] =	vst v53;
	v48 =	vadd.s32 $0x1F400, v38;
	v53 =	vadd.s32 v50, v52;
	v15 =	vcvt.f32.s32 v15  }
0x115: {  	[tilespmem:$0x600] =	vst v51;
	v59 =	vcvt.s32.f32 v54;
	v16 =	vmul.u32 $0x7A69, v43;
	v51 =	vmul.u32 $0xFFFF0600, v13  }
0x116: {  	[tilespmem:$0x560] =	vst v14;
	v6 =	vadd.s32 $0x1F400, v6;
	vm13 =	vlt.s32 v53, $0xFA00;
	v15 =	vmul.u32 $0xFFFF0600, v15  }
0x117: {  	[tilespmem:$0x450] =	vst v20;
	v62 =	vmul.f32 $1.562500070e-05, v59;
	v10 =	vadd.s32 v56, v51;
	v56 =	vcvt.s32.f32 v16  }
0x118: {  	[tilespmem:$0x660] =	vst v26;
	v26 =	vsel vm13, $0x0, v0;
	v55 =	vshra.s32 v10, $0x1F;
	v15 =	vadd.s32 v58, v15  }
0x119: {  	[tilespmem:$0x460] =	vst v18;
	v57 =	vand.u32 $0xFA00, v55;
	v61 =	vmul.f32 $1.562500070e-05, v56;
	v58 =	vshra.s32 v15, $0x1F  }
0x11a: {  	[tilespmem:$0x470] =	vst v23;
	v9 =	vadd.s32 v26, v53;
	v10 =	vadd.s32 v10, v57;
	v60 =	vand.u32 $0xFA00, v58  }
0x11b: {  	[tilespmem:$0x570] =	vst v21;
	vm11 =	vlt.s32 v10, $0xFA00;
	v18 =	vtrunc.f32 v61;
	v14 =	vadd.s32 v15, v60  }
0x11c: {  	[tilespmem:$0x670] =	vst v5;
	v63 =	vsel vm11, $0x0, v0;
	v23 =	vcvt.f32.s32 v18;
	v15 =	vtrunc.f32 v62  }
0x11d: {  	[tilespmem:$0x480] =	vst v25;
	vm12 =	vlt.s32 v14, $0xFA00;
	v10 =	vadd.s32 v10, v14;
	v15 =	vcvt.f32.s32 v15  }
0x11e: {  	[tilespmem:$0x650] =	vst v24;
	v24 =	vsel vm12, $0x0, v0;
	v10 =	vadd.s32 v63, v10;
	v25 =	vmul.u32 $0xFFFF0600, v23  }
0x11f: {  	[tilespmem:$0x580] =	vst v27;
	v49 =	vadd.s32 $0x1F400, v41;
	v43 =	vadd.s32 $0x1F400, v9;
	v5 =	vadd.s32 v24, v10  }
0x120: {  	[tilespmem:$0x590] =	vst v29;
	v15 =	vmul.u32 $0xFFFF0600, v15;
	v27 =	vadd.s32 v2, v5;
	v10 =	vadd.s32 v16, v25  }
0x121: {  	[tilespmem:$0x490] =	vst v32;
	v40 =	vadd.s32 v1, v5;
	v5 =	vadd.s32 v3, v5;
	vm14 =	vlt.s32 v27, $0xFA00  }
0x122: {  	[tilespmem:$0x4A0] =	vst v34;
	v16 =	vshra.s32 v10, $0x1F;
	v13 =	vadd.s32 v54, v15;
	vm6 =	vlt.s32 v40, $0xFA00  }
0x123: {  	[tilespmem:$0x5A0] =	vst v31;
	vm7 =	vlt.s32 v5, $0xFA00;
	v30 =	vsel vm14, $0x0, v0;
	v32 =	vand.u32 $0xFA00, v16  }
0x124: {  	[tilespmem:$0x5B0] =	vst v33;
	v35 =	vshra.s32 v13, $0x1F;
	v42 =	vsel vm6, $0x0, v0;
	v44 =	vsel vm7, $0x0, v0  }
0x125: {  	[tilespmem:$0x680] =	vst v28;
	v14 =	vadd.s32 v27, v30;
	v10 =	vadd.s32 v10, v32;
	v37 =	vand.u32 $0xFA00, v35  }
0x126: {  	[tilespmem:$0x4B0] =	vst v36;
	v5 =	vadd.s32 v5, v44;
	vm15 =	vlt.s32 v14, $0xFA00;
	vm4 =	vlt.s32 v10, $0xFA00  }
0x127: {  	[tilespmem:$0x4C0] =	vst v11;
	v13 =	vadd.s32 v13, v37;
	vm10 =	vlt.s32 v5, $0xFA00;
	v38 =	vsel vm15, $0x0, v0  }
0x128: {  	[tilespmem:$0x690] =	vst v45;
	v39 =	vsel vm4, $0x0, v0;
	vm5 =	vlt.s32 v13, $0xFA00;
	v10 =	vadd.s32 v10, v13  }
0x129: {  	[tilespmem:$0x6B0] =	vst v49;
	v13 =	vadd.s32 v40, v42;
	v49 =	vsel vm10, $0x0, v0;
	v41 =	vsel vm5, $0x0, v0  }
0x12a: {  	[tilespmem:$0x5C0] =	vst v12;
	v10 =	vadd.s32 v39, v10;
	v45 =	vadd.s32 v14, v38;
	vm9 =	vlt.s32 v13, $0xFA00  }
0x12b: {  	[tilespmem:$0x6A0] =	vst v48;
	v47 =	vadd.s32 $0xFA00, v13;
	v5 =	vadd.s32 v49, v5;
	v10 =	vadd.s32 v41, v10  }
0x12c: {  	[tilespmem:$0x6C0] =	vst v6;
	v48 =	vsel vm9, v47, v13;
	v5 =	vadd.s32 $0x1F400, v5;
	v2 =	vadd.s32 v2, v10  }
0x12d: {  	[tilespmem:$0x5D0] =	vst v4;
	v3 =	vadd.s32 v3, v10;
	v1 =	vadd.s32 v1, v10;
	vm8 =	vlt.s32 v2, $0xFA00  }
0x12e: {  	[tilespmem:$0x4D0] =	vst v7;
	vm12 =	vlt.s32 v3, $0xFA00;
	vm13 =	vlt.s32 v1, $0xFA00;
	v46 =	vsel vm8, $0x0, v0  }
0x12f: {  	[tilespmem:$0x6D0] =	vst v43;
	v51 =	vsel vm12, $0x0, v0;
	v52 =	vsel vm13, $0x0, v0;
	v2 =	vadd.s32 v2, v46  }
0x130: {  	[tilespmem:$0x4E0] =	vst v45;
	v3 =	vadd.s32 v3, v51;
	v1 =	vadd.s32 v1, v52;
	vm11 =	vlt.s32 v2, $0xFA00  }
0x131: {  	[tilespmem:$0x5E0] =	vst v48;
	vm14 =	vlt.s32 v3, $0xFA00;
	vm15 =	vlt.s32 v1, $0xFA00;
	v53 =	vadd.s32 $0xFA00, v1  }
0x132: {  	s17 =	smul.u32 $0x2EE0, s1;
	[tilespmem:$0x6E0] =	vst v5;
	v50 =	vsel vm11, $0x0, v0;
	v0 =	vsel vm14, $0x0, v0;
	v1 =	vsel vm15, v53, v1  }
0x133: {  	v2 =	vadd.s32 v2, v50;
	v0 =	vadd.s32 v0, v3;
	[tilespmem:$0x5F0] =	vst v1  }
0x134: {  	s18 =	sadd.s32 $0x600, s3;
	s10 =	sshrl.u32 s17, $0x3;
	[tilespmem:$0x4F0] =	vst v2;
	v0 =	vadd.s32 $0x1F400, v0  }
0x135: {  	s19 =	simm.s32 $0xB80;
	s9 =	sadd.s32 s18, s10;
	[tilespmem:$0x6F0] =	vst v0  }
0x136: {  	[tilespmem:s19], [sflag:$0x1] =	stream.linear.gather [hbm4b:s9+s2], $0x2EE0, $0x38;
	[tilespmem:$0x6960] =	vst v63  }
0x137: {  	_ =	swait.ge [sflag:s4], $0x2EE0  }
0x138: {  	[sflag:s4] =	ssyncset.done $0x0  }
0x139: {  	s8 =	sadd.s32 s17, s6;
	[sflag:s4] =	ssyncadd.s32 $0xFFFFD120  }
0x13a: {  	[spmem:s8] =	stream.linear.scatter [tilespmem:s19], [sflag:$0x1], $0x2EE0, $0x38;
	[tilespmem:$0x6960] =	vst v63  }
0x13b: {  	_ =	swait.ge [sflag:s4], $0x2EE0  }
0x13c: {  	[sflag:s4] =	ssyncset.done $0x0  }
0x13d: {  	[sflag:s4] =	ssyncadd.s32 $0xFFFFD120  }
0x13e: {  	s20 =	simm.s32 $0x80;
	s21 =	simm.s32 $0x400;
	[bflag:$0x0] =	sbarrier.arrive $0xFFFF  }
0x13f: {  	[spmem:s6] =	stream.indirect.scatter.add.f32 [tilespmem:s16], [sflag:$0x1], $0x1, s21, s20, $0xb8;
	[tilespmem:$0x6960] =	vst v63  }
0x140: {  	_ =	swait.ge [sflag:s4], $0x80  }
0x141: {  	[sflag:s4] =	ssyncset.done $0x0  }
0x142: {  	s22 =	simm.s32 $0x480;
	[sflag:s4] =	ssyncadd.s32 $0xFFFFFF80  }
0x143: {  	[spmem:s6] =	stream.indirect.scatter.add.f32 [tilespmem:s16], [sflag:$0x1], $0x1, s22, s20, $0xb8;
	[tilespmem:$0x6960] =	vst v63  }
0x144: {  	_ =	swait.ge [sflag:s4], $0x80  }
0x145: {  	[sflag:s4] =	ssyncset.done $0x0  }
0x146: {  	s11 =	simm.s32 $0x500;
	[sflag:s4] =	ssyncadd.s32 $0xFFFFFF80  }
0x147: {  	[spmem:s6] =	stream.indirect.scatter.add.f32 [tilespmem:s16], [sflag:$0x1], $0x1, s11, s20, $0xb8;
	[tilespmem:$0x6960] =	vst v63  }
0x148: {  	_ =	swait.ge [sflag:s4], $0x80  }
0x149: {  	[sflag:s4] =	ssyncset.done $0x0  }
0x14a: {  	s12 =	simm.s32 $0x580;
	[sflag:s4] =	ssyncadd.s32 $0xFFFFFF80  }
0x14b: {  	[spmem:s6] =	stream.indirect.scatter.add.f32 [tilespmem:s16], [sflag:$0x1], $0x1, s12, s20, $0xb8;
	[tilespmem:$0x6960] =	vst v63  }
0x14c: {  	_ =	swait.ge [sflag:s4], $0x80  }
0x14d: {  	[sflag:s4] =	ssyncset.done $0x0  }
0x14e: {  	s13 =	simm.s32 $0x600;
	[sflag:s4] =	ssyncadd.s32 $0xFFFFFF80  }
0x14f: {  	[spmem:s6] =	stream.indirect.scatter.add.f32 [tilespmem:s16], [sflag:$0x1], $0x1, s13, s20, $0xb8;
	[tilespmem:$0x6960] =	vst v63  }
0x150: {  	_ =	swait.ge [sflag:s4], $0x80  }
0x151: {  	[sflag:s4] =	ssyncset.done $0x0  }
0x152: {  	s14 =	simm.s32 $0x680;
	[sflag:s4] =	ssyncadd.s32 $0xFFFFFF80  }
0x153: {  	[spmem:s6] =	stream.indirect.scatter.add.f32 [tilespmem:s16], [sflag:$0x1], $0x1, s14, s20, $0xb8;
	[tilespmem:$0x6960] =	vst v63  }
0x154: {  	_ =	swait.ge [sflag:s4], $0x80  }
0x155: {  	[sflag:s4] =	ssyncset.done $0x0  }
0x156: {  	[sflag:s4] =	ssyncadd.s32 $0xFFFFFF80  }
0x157: {  	s23 =	simm.s32 $0x780;
	[bflag:$0x0] =	sbarrier.arrive $0xFFFF  }
0x158: {  	[tilespmem:s23], [sflag:$0x1] =	stream.indirect.gather [spmem:s6], $0x1, s21, s20, $0xb8;
	[tilespmem:$0x6960] =	vst v63  }
0x159: {  	_ =	swait.ge [sflag:s4], $0x80  }
0x15a: {  	[sflag:s4] =	ssyncset.done $0x0  }
0x15b: {  	s24 =	simm.s32 $0x800;
	[sflag:s4] =	ssyncadd.s32 $0xFFFFFF80  }
0x15c: {  	[tilespmem:s24], [sflag:$0x1] =	stream.indirect.gather [spmem:s6], $0x1, s22, s20, $0xb8;
	[tilespmem:$0x6960] =	vst v63  }
0x15d: {  	_ =	swait.ge [sflag:s4], $0x80  }
0x15e: {  	[sflag:s4] =	ssyncset.done $0x0  }
0x15f: {  	s25 =	simm.s32 $0x880;
	[sflag:s4] =	ssyncadd.s32 $0xFFFFFF80  }
0x160: {  	[tilespmem:s25], [sflag:$0x1] =	stream.indirect.gather [spmem:s6], $0x1, s11, s20, $0xb8;
	[tilespmem:$0x6960] =	vst v63  }
0x161: {  	_ =	swait.ge [sflag:s4], $0x80  }
0x162: {  	[sflag:s4] =	ssyncset.done $0x0  }
0x163: {  	s26 =	simm.s32 $0x900;
	[sflag:s4] =	ssyncadd.s32 $0xFFFFFF80  }
0x164: {  	[tilespmem:s26], [sflag:$0x1] =	stream.indirect.gather [spmem:s6], $0x1, s12, s20, $0xb8;
	[tilespmem:$0x6960] =	vst v63  }
0x165: {  	_ =	swait.ge [sflag:s4], $0x80  }
0x166: {  	[sflag:s4] =	ssyncset.done $0x0  }
0x167: {  	s28 =	simm.s32 $0x980;
	[sflag:s4] =	ssyncadd.s32 $0xFFFFFF80  }
0x168: {  	[tilespmem:s28], [sflag:$0x1] =	stream.indirect.gather [spmem:s6], $0x1, s13, s20, $0xb8;
	[tilespmem:$0x6960] =	vst v63  }
0x169: {  	_ =	swait.ge [sflag:s4], $0x80  }
0x16a: {  	[sflag:s4] =	ssyncset.done $0x0  }
0x16b: {  	s29 =	simm.s32 $0xA00;
	[sflag:s4] =	ssyncadd.s32 $0xFFFFFF80  }
0x16c: {  	[tilespmem:s29], [sflag:$0x1] =	stream.indirect.gather [spmem:s6], $0x1, s14, s20, $0xb8;
	[tilespmem:$0x6960] =	vst v63  }
0x16d: {  	_ =	swait.ge [sflag:s4], $0x80  }
0x16e: {  	[sflag:s4] =	ssyncset.done $0x0  }
0x16f: {  	[sflag:s4] =	ssyncadd.s32 $0xFFFFFF80  }
0x170: {  	v0 =	vld [tilespmem:$0x780]  }
0x171: {  	v1 =	vld [tilespmem:$0x880]  }
0x172: {  	v2 =	vld [tilespmem:$0x980]  }
0x173: {  	v3 =	vld [tilespmem:$0x790]  }
0x174: {  	v54 =	vld [tilespmem:$0x890]  }
0x175: {  	v55 =	vld [tilespmem:$0x990]  }
0x176: {  	v56 =	vld [tilespmem:$0x7A0]  }
0x177: {  	v57 =	vld [tilespmem:$0x8A0]  }
0x178: {  	v58 =	vld [tilespmem:$0x9A0]  }
0x179: {  	v59 =	vld [tilespmem:$0x7B0]  }
0x17a: {  	v60 =	vld [tilespmem:$0x8B0]  }
0x17b: {  	v61 =	vld [tilespmem:$0x9B0]  }
0x17c: {  	v62 =	vld [tilespmem:$0x7C0]  }
0x17d: {  	v63 =	vld [tilespmem:$0x8C0]  }
0x17e: {  	v14 =	vld [tilespmem:$0x9C0]  }
0x17f: {  	v36 =	vld [tilespmem:$0x7D0]  }
0x180: {  	v37 =	vld [tilespmem:$0x8D0]  }
0x181: {  	v38 =	vld [tilespmem:$0x9D0]  }
0x182: {  	v39 =	vld [tilespmem:$0x7E0]  }
0x183: {  	v40 =	vld [tilespmem:$0x8E0]  }
0x184: {  	v41 =	vld [tilespmem:$0x9E0]  }
0x185: {  	v42 =	vld [tilespmem:$0x7F0]  }
0x186: {  	v43 =	vld [tilespmem:$0x8F0]  }
0x187: {  	v44 =	vld [tilespmem:$0x9F0]  }
0x188: {  	v45 =	vld [tilespmem:$0x800]  }
0x189: {  	v46 =	vld [tilespmem:$0x900]  }
0x18a: {  	v47 =	vld [tilespmem:$0xA00]  }
0x18b: {  	v48 =	vld [tilespmem:$0x810]  }
0x18c: {  	v49 =	vld [tilespmem:$0x910]  }
0x18d: {  	v50 =	vld [tilespmem:$0xA10]  }
0x18e: {  	v51 =	vld [tilespmem:$0x820]  }
0x18f: {  	v52 =	vld [tilespmem:$0x920]  }
0x190: {  	v53 =	vld [tilespmem:$0xA20]  }
0x191: {  	v33 =	vld [tilespmem:$0x830]  }
0x192: {  	v34 =	vld [tilespmem:$0x930]  }
0x193: {  	v35 =	vld [tilespmem:$0xA30]  }
0x194: {  	v0 =	vmin.f32 v0, v1;
	v1 =	vld [tilespmem:$0x840]  }
0x195: {  	v54 =	vmin.f32 v3, v54;
	v3 =	vld [tilespmem:$0x940];
	v0 =	vmin.f32 v0, v2  }
0x196: {  	v56 =	vmin.f32 v56, v57;
	v57 =	vld [tilespmem:$0xA40];
	v55 =	vmin.f32 v54, v55;
	[tilespmem:$0xA80] =	vst v0  }
0x197: {  	v59 =	vmin.f32 v59, v60;
	v60 =	vld [tilespmem:$0x850];
	v58 =	vmin.f32 v56, v58;
	[tilespmem:$0xA90] =	vst v55  }
0x198: {  	v62 =	vmin.f32 v62, v63;
	v63 =	vld [tilespmem:$0x950];
	v61 =	vmin.f32 v59, v61;
	[tilespmem:$0xAA0] =	vst v58  }
0x199: {  	v36 =	vmin.f32 v36, v37;
	v37 =	vld [tilespmem:$0xA50];
	v14 =	vmin.f32 v62, v14;
	[tilespmem:$0xAB0] =	vst v61  }
0x19a: {  	v39 =	vmin.f32 v39, v40;
	v40 =	vld [tilespmem:$0x860];
	v38 =	vmin.f32 v36, v38;
	[tilespmem:$0xAC0] =	vst v14  }
0x19b: {  	v42 =	vmin.f32 v42, v43;
	v43 =	vld [tilespmem:$0x960];
	v41 =	vmin.f32 v39, v41;
	[tilespmem:$0xAD0] =	vst v38  }
0x19c: {  	v45 =	vmin.f32 v45, v46;
	v46 =	vld [tilespmem:$0xA60];
	v44 =	vmin.f32 v42, v44;
	[tilespmem:$0xAE0] =	vst v41  }
0x19d: {  	v48 =	vmin.f32 v48, v49;
	v49 =	vld [tilespmem:$0x870];
	v47 =	vmin.f32 v45, v47;
	[tilespmem:$0xAF0] =	vst v44  }
0x19e: {  	v51 =	vmin.f32 v51, v52;
	v52 =	vld [tilespmem:$0x970];
	v50 =	vmin.f32 v48, v50;
	[tilespmem:$0xB00] =	vst v47  }
0x19f: {  	v53 =	vmin.f32 v51, v53;
	v54 =	vmin.f32 v33, v34;
	[tilespmem:$0xB10] =	vst v50;
	v55 =	vld [tilespmem:$0xA70]  }
0x1a0: {  	[tilespmem:$0xB20] =	vst v53;
	v56 =	vmin.f32 v54, v35;
	v1 =	vmin.f32 v1, v3  }
0x1a1: {  	[tilespmem:$0xB30] =	vst v56;
	v58 =	vmin.f32 v60, v63;
	v57 =	vmin.f32 v1, v57  }
0x1a2: {  	v60 =	vmin.f32 v40, v43;
	v59 =	vmin.f32 v58, v37;
	[tilespmem:$0xB40] =	vst v57  }
0x1a3: {  	v62 =	vmin.f32 v49, v52;
	v61 =	vmin.f32 v60, v46;
	[tilespmem:$0xB50] =	vst v59  }
0x1a4: {  	s30 =	sadd.s32 $0x6400, s3;
	[tilespmem:$0xB60] =	vst v61;
	v63 =	vmin.f32 v62, v55  }
0x1a5: {  	s31 =	simm.s32 $0xA80;
	s3 =	sadd.s32 s30, s5;
	[tilespmem:$0xB70] =	vst v63  }
0x1a6: {  	[hbm4b:s3+s2] =	stream.linear.scatter [tilespmem:s31], [sflag:$0x1], $0x100, $0x38;
	[tilespmem:$0x6960] =	vst v63  }
0x1a7: {  	_ =	swait.ge [sflag:s4], $0x100  }
0x1a8: {  	[sflag:s4] =	ssyncset.done $0x0  }
0x1a9: {  	[sflag:s4] =	ssyncadd.s32 $0xFFFFFF00  }
.LBB2_2:
0x1aa: {  	_ =	sfence.sel $0x180000  }
0x1ab: {  	[bflag:$0x0] =	sbarrier.arrive $0xFFFF  }
0x1ac: {  	p0 =	sne.s32 s1, $0x0;
	_ =	strace $0x90000047  }
0x1ad: {  	s0 =	sadd.s32 @!p0 $0x100000, s0;
	[bflag:$0x2] =	sbarrier.arrive $0xFFFF  }
0x1ae: {  	[sflag:s0] =	ssyncadd.tile.s32 @!p0 $0x1;
	_ =	shalt  }
.Lfunc_end2:
_tile_overlayer_lowered:
.L_overlay_start_2:
0x1af: {  	(tag) =	ssettag $0x2  }
0x1b0: {  	s0 =	rddreg [dreg:$0x0];
	s2 =	stileid.u32  }
0x1b1: {  	s1 =	rddreg [dreg:$0x1];
	p0 =	sne.s32 s2, $0x0  }
0x1b2: {  	s3 =	rddreg [dreg:$0x2];
	[bflag:$0x3] =	sbarrier.arrive $0xFFFF;
	s2 =	simm.s32 @!p0 $0x1C01  }
0x1b3: {  	[timem:s3], [sflag:s2] =	dma.local @!p0 [hbm:s0], s1  }
0x1b4: {  	s0 =	simm.s32 @!p0 $0x1  }
0x1b5: {  	_ =	swait.ge @!p0 [sflag:s0], s1  }
0x1b6: {  	s1 =	ssub.s32 @!p0 $0x0, s1;
	[sflag:s0] =	ssyncset.done @!p0 $0x0  }
0x1b7: {  	[sflag:s0] =	ssyncadd.s32 @!p0 s1  }
0x1b8: {  	[bflag:$0x3] =	sbarrier.arrive $0xFFFF  }
0x1b9: {  	_ =	shalt  }

</sc_bundles>
